<compile_context>
chip_gen: v7x
topology: tpu7x:2x2x1
jax: 0.10.2.dev20260603
libtpu: 0.0.44.dev20260713+nightly
codegen_flags: <defaults>
</compile_context>

<pallas_src>
import dataclasses
import functools

import numpy as np
import jax
import jax.numpy as jnp
from jax import lax
from jax.experimental import pallas as pl
from jax.experimental.pallas import tpu as pltpu
from jax.experimental.pallas import tpu_sc as plsc

B, N, T = 1, 256, 4
NCAM, L, QD, C = 6, 3, 256, 256
NLP = 8
P = 9 + NLP
LP_RANGE, TW_DECAY = 3.0, 0.5

HW_SHAPES = ((64, 64), (32, 32), (16, 16))
LVL_ROWS = tuple(NCAM * h * w for (h, w) in HW_SHAPES)
LVL_OFF = (0, LVL_ROWS[0], LVL_ROWS[0] + LVL_ROWS[1])
TOTAL_ROWS = sum(LVL_ROWS)

K = 4 * L * NCAM * P
K_PAD = 1280
WIN = 64
NWIN = K_PAD // WIN

NWORKER = 32
QPW = N // NWORKER



def _prep_body(trajs_ref, cq_ref, pq_ref, calib_ref, ego_ref, wlp_ref,
               blp_ref, wfw_ref, bfw_ref, up_ref,
               u_out, v_out, idx_out, wts_out, tw_out):
    q = cq_ref[0] + pq_ref[0]
    qb = q.astype(jnp.bfloat16)
    off = jnp.tanh(
        jnp.dot(qb, wlp_ref[...].astype(jnp.bfloat16),
                preferred_element_type=jnp.float32)
        + blp_ref[0]) * LP_RANGE
    fw = jax.nn.sigmoid(
        jnp.dot(qb, wfw_ref[...].astype(jnp.bfloat16),
                preferred_element_type=jnp.float32)
        + bfw_ref[0])

    trajs = trajs_ref[0]
    cx, cy, cz = trajs[:, 0:1], trajs[:, 1:2], trajs[:, 2:3]
    dx = jnp.abs(trajs[:, 3:4])
    dy = jnp.abs(trajs[:, 4:5])
    dz = jnp.abs(trajs[:, 5:6])
    cyr, syr = trajs[:, 6:7], trajs[:, 7:8]

    kx = jnp.concatenate(
        [jnp.broadcast_to(up_ref[0:1, :], (N, 9)), off[:, 0:NLP]], axis=1)
    ky = jnp.concatenate(
        [jnp.broadcast_to(up_ref[1:2, :], (N, 9)), off[:, NLP:2 * NLP]],
        axis=1)
    kz = jnp.concatenate(
        [jnp.broadcast_to(up_ref[2:3, :], (N, 9)), off[:, 2 * NLP:3 * NLP]],
        axis=1)

    px, py, pz = kx * dx, ky * dy, kz * dz
    wx = cyr * px - syr * py + cx
    wy = syr * px + cyr * py + cy
    wz = pz + cz

    us, vs = [], []
    for c in range(NCAM):
        fxc = calib_ref[0, c, 0]
        fyc = calib_ref[0, c, 1]
        cxc = calib_ref[0, c, 2]
        cyc = calib_ref[0, c, 3]
        tx = calib_ref[0, c, 4]
        ty = calib_ref[0, c, 5]
        tz = calib_ref[0, c, 6]
        def bf(x):
            return x.astype(jnp.bfloat16).astype(jnp.float32)
        relx, rely, relz = bf(wx - tx), bf(wy - ty), bf(wz - tz)
        r = [bf(calib_ref[0, c, 7 + i]) for i in range(9)]
        camx = r[0] * relx + r[1] * rely + r[2] * relz
        camy = r[3] * relx + r[4] * rely + r[5] * relz
        camz = r[6] * relx + r[7] * rely + r[8] * relz
        safe_z = jnp.where(jnp.abs(camz) > 1e-3, camz, 1e-3)
        u = jax.nn.sigmoid(fxc * camx / safe_z + cxc)
        v = jax.nn.sigmoid(fyc * camy / safe_z + cyc)
        behind = camz <= 1e-3
        u = jnp.where(behind, -1.0, u)
        v = jnp.where(behind, -1.0, v)
        us.append(u)
        vs.append(v)
        u_out[c] = u
        v_out[c] = v

    idx_parts, wt_parts = [], []
    for lvl in range(L):
        hl, wl = HW_SHAPES[lvl]
        for c in range(NCAM):
            u, v = us[c], vs[c]
            valid = u >= 0.0
            wnp = fw[:, lvl * NCAM * P + c * P: lvl * NCAM * P + (c + 1) * P]
            gx = u * (wl - 1.0)
            gy = v * (hl - 1.0)
            x0 = jnp.floor(gx)
            y0 = jnp.floor(gy)
            x1, y1 = x0 + 1.0, y0 + 1.0
            wx1 = gx - x0
            wx0 = 1.0 - wx1
            wy1 = gy - y0
            wy0 = 1.0 - wy1
            base = LVL_OFF[lvl] + c * hl * wl
            for (xi, yi, wxi, wyi) in ((x0, y0, wx0, wy0),
                                       (x1, y0, wx1, wy0),
                                       (x0, y1, wx0, wy1),
                                       (x1, y1, wx1, wy1)):
                inb = ((xi >= 0.0) & (xi <= wl - 1.0)
                       & (yi >= 0.0) & (yi <= hl - 1.0))
                xc = jnp.clip(xi, 0.0, wl - 1.0).astype(jnp.int32)
                yc = jnp.clip(yi, 0.0, hl - 1.0).astype(jnp.int32)
                idx_parts.append(base + yc * wl + xc)
                wt_parts.append(
                    jnp.where(inb & valid, wnp * (wxi * wyi), 0.0))
    idx_parts.append(jnp.zeros((N, K_PAD - K), jnp.int32))
    wt_parts.append(jnp.zeros((N, K_PAD - K), jnp.float32))
    idx_out[...] = jnp.concatenate(idx_parts, axis=1)
    wts_out[...] = jnp.concatenate(wt_parts, axis=1)

    t_last = ego_ref[0, T - 1, 0]
    tw_cols = []
    for t in range(T):
        td = ego_ref[0, t, 0] - t_last
        tw_cols.append(jnp.full((1, 1), jnp.exp(-(td * td) / TW_DECAY * 3.0),
                                jnp.float32))
    tw_out[...] = jnp.concatenate(tw_cols, axis=1)


def _prep(trajs, cq, pq, calib, ego, wlp, blp, wfw, bfw, up):
    smem = pl.BlockSpec(memory_space=pltpu.SMEM)
    return pl.pallas_call(
        _prep_body,
        out_shape=(
            jax.ShapeDtypeStruct((NCAM, N, P), jnp.float32),
            jax.ShapeDtypeStruct((NCAM, N, P), jnp.float32),
            jax.ShapeDtypeStruct((N, K_PAD), jnp.int32),
            jax.ShapeDtypeStruct((N, K_PAD), jnp.float32),
            jax.ShapeDtypeStruct((1, T), jnp.float32),
        ),
        in_specs=[
            pl.BlockSpec(trajs.shape, lambda: (0, 0, 0)),
            pl.BlockSpec(cq.shape, lambda: (0, 0, 0)),
            pl.BlockSpec(pq.shape, lambda: (0, 0, 0)),
            smem,
            smem,
            pl.BlockSpec(wlp.shape, lambda: (0, 0)),
            pl.BlockSpec(blp.shape, lambda: (0, 0)),
            pl.BlockSpec(wfw.shape, lambda: (0, 0)),
            pl.BlockSpec(bfw.shape, lambda: (0, 0)),
            pl.BlockSpec(up.shape, lambda: (0, 0)),
        ],
    )(trajs, cq, pq, calib, ego, wlp, blp, wfw, bfw, up)



def _treduce_body(tw_ref, f_ref, o_ref):
    acc = f_ref[0, 0] * tw_ref[0, 0]
    for t in range(1, T):
        acc = acc + f_ref[0, t] * tw_ref[0, t]
    acc = acc.reshape(C, -1)
    o_ref[...] = acc.T


def _treduce(feat, tw, lvl):
    hl, wl = HW_SHAPES[lvl]
    hchunk = 16
    splits = hl // hchunk
    block_rows = hchunk * wl
    return pl.pallas_call(
        _treduce_body,
        grid=(NCAM, splits),
        out_shape=jax.ShapeDtypeStruct((NCAM * hl * wl, C), jnp.float32),
        in_specs=[
            pl.BlockSpec(memory_space=pltpu.SMEM),
            pl.BlockSpec((1, T, C, hchunk, wl),
                         lambda c, s: (c, 0, 0, s, 0)),
        ],
        out_specs=pl.BlockSpec((block_rows, C), lambda c, s: (c * splits + s, 0)),
    )(tw, feat)



def _agg_body(idx_hbm, wts_hbm, table_hbm, cq_hbm, out_hbm,
              idxv, wtsv, accv, ga, gb, sema, semb):
    wid = lax.axis_index("s") * 2 + lax.axis_index("c")
    base_q = wid * QPW

    pltpu.sync_copy(idx_hbm.at[pl.ds(base_q * NWIN, QPW * NWIN)], idxv)
    pltpu.sync_copy(wts_hbm.at[pl.ds(base_q, QPW)], wtsv)
    pltpu.sync_copy(cq_hbm.at[pl.ds(base_q, QPW)], accv)

    nchunk = C // 16
    total = QPW * NWIN

    def accum_window(gbuf, g):
        j = g // NWIN
        w = g - j * NWIN
        jsplat = jnp.zeros((16,), jnp.int32) + j
        acc0 = tuple(accv[j, pl.ds(cc * 16, 16)] for cc in range(nchunk))

        def rbody(r, accs):
            ksplat = jnp.zeros((16,), jnp.int32) + (w * WIN + r)
            wsplat = plsc.load_gather(wtsv, [jsplat, ksplat])
            return tuple(accs[cc] + gbuf[r, pl.ds(cc * 16, 16)] * wsplat
                         for cc in range(nchunk))

        accs = lax.fori_loop(0, WIN, rbody, acc0)
        for cc in range(nchunk):
            accv[j, pl.ds(cc * 16, 16)] = accs[cc]

    pltpu.async_copy(table_hbm.at[idxv.at[0]], ga, sema)

    @pl.loop(0, total, step=2)
    def _g(g):
        pltpu.async_copy(table_hbm.at[idxv.at[g + 1]], gb, semb)
        pltpu.make_async_copy(table_hbm.at[idxv.at[0]], ga, sema).wait()
        accum_window(ga, g)

        @pl.when(g + 2 < total)
        def _():
            pltpu.async_copy(table_hbm.at[idxv.at[g + 2]], ga, sema)

        pltpu.make_async_copy(table_hbm.at[idxv.at[0]], gb, semb).wait()
        accum_window(gb, g + 1)

    pltpu.sync_copy(accv, out_hbm.at[pl.ds(base_q, QPW)])


def _agg(idx, wts, table, cq2d):
    mesh = plsc.VectorSubcoreMesh(core_axis_name="c", subcore_axis_name="s")
    cp = pltpu.CompilerParams()
    if "needs_layout_passes" in pltpu.CompilerParams.__dataclass_fields__:
        cp = dataclasses.replace(cp, needs_layout_passes=False)
    kern = functools.partial(
        pl.kernel,
        mesh=mesh,
        compiler_params=cp,
        out_type=jax.ShapeDtypeStruct((N, C), jnp.float32),
        scratch_types=[
            pltpu.VMEM((QPW * NWIN, WIN), jnp.int32),
            pltpu.VMEM((QPW, K_PAD), jnp.float32),
            pltpu.VMEM((QPW, C), jnp.float32),
            pltpu.VMEM((WIN, C), jnp.float32),
            pltpu.VMEM((WIN, C), jnp.float32),
            pltpu.SemaphoreType.DMA,
            pltpu.SemaphoreType.DMA,
        ],
    )(_agg_body)
    return kern(idx.reshape(N * NWIN, WIN), wts, table, cq2d)



@jax.jit
def kernel(trajs, content_queries, calibrations, ego_states, pos_queries,
           feat_l0, feat_l1, feat_l2, W_lp, b_lp, W_fw, b_fw, unit_points):
    wfw = W_fw.reshape(QD, NCAM, P, L).transpose(0, 3, 1, 2).reshape(QD, -1)
    bfw = b_fw.reshape(NCAM, P, L).transpose(2, 0, 1).reshape(1, -1)

    u, v, idx, wts, tw = _prep(
        trajs, content_queries, pos_queries, calibrations, ego_states,
        W_lp, b_lp.reshape(1, -1), wfw, bfw, unit_points)

    tables = [_treduce(f, tw, lvl)
              for lvl, f in enumerate((feat_l0, feat_l1, feat_l2))]
    table = jnp.concatenate(tables, axis=0)

    agg = _agg(idx, wts, table, content_queries.reshape(N, C))

    pix = jnp.stack([u, v], axis=-1)
    pix = pix.transpose(1, 0, 2, 3)
    pix_t = jnp.broadcast_to(pix[None], (B * T, N, NCAM, P, 2))
    new_q = agg.reshape(B, N, C)
    return pix_t, new_q

# --- scband reference (transcript-rebuilt; emitter-appended) ---
"""Pipeline reference for scband-multiview-temporal-spatial-feature-aggregator-867583394043 (READ-ONLY COPY).

The authoritative reference and input builder live on the scoring server;
editing this copy changes nothing except your own understanding.
"""

import jax, jax.numpy as jnp
import numpy as np

B, N, T = 1, 256, 4
NCAM, L, QD, C = 6, 3, 256, 256
NLP = 8
P = 9 + NLP
TRAJ_DIM, CAM_DIM, EGO_DIM = 11, 18, 10
LP_RANGE, TW_DECAY = 3.0, 0.5


def _unit_points():
    corners = np.array([[x, y, z] for x in (-0.5, 0.5) for y in (-0.5, 0.5) for z in (-0.5, 0.5)], dtype=np.float32).T
    return np.concatenate([corners, np.zeros((3, 1), np.float32)], axis=1)  # [3,9]


def setup_inputs(seed: int = 0):
    key = jax.random.key(seed)
    ks = jax.random.split(key, 12)
    return {
        'trajs': jax.random.normal(ks[0], (B, N, TRAJ_DIM), jnp.float32),
        'content_queries': jax.random.normal(ks[1], (B, N, QD), jnp.float32) * 0.1,
        'calibrations': jax.random.normal(ks[2], (B, NCAM, CAM_DIM), jnp.float32),
        'ego_states': jax.random.normal(ks[3], (B, T, EGO_DIM), jnp.float32),
        'pos_queries': jax.random.normal(ks[4], (B, N, QD), jnp.float32) * 0.1,
        'feat_l0': jax.random.normal(ks[5], (NCAM, B * T, C, 64, 64), jnp.float32),
        'feat_l1': jax.random.normal(ks[6], (NCAM, B * T, C, 32, 32), jnp.float32),
        'feat_l2': jax.random.normal(ks[7], (NCAM, B * T, C, 16, 16), jnp.float32),
        'W_lp': jax.random.normal(ks[8], (QD, NLP * 3), jnp.float32) / np.sqrt(QD),
        'b_lp': jnp.zeros((NLP * 3,), jnp.float32),
        'W_fw': jax.random.normal(ks[9], (QD, P * NCAM * L), jnp.float32) / np.sqrt(QD),
        'b_fw': jnp.zeros((P * NCAM * L,), jnp.float32),
        'unit_points': jnp.asarray(_unit_points()),
    }


def _project(trajs, calibrations, kpts_all):
    # kpts_all: [B,N,3,P] box-local keypoints -> normalized pixel coords [B,N,NCAM,P,2]
    center = trajs[..., 0:3]
    dims = jnp.abs(trajs[..., 3:6])
    cy_r, sy_r = trajs[..., 6], trajs[..., 7]
    pts = kpts_all * dims[..., None]
    x, y, z = pts[:, :, 0], pts[:, :, 1], pts[:, :, 2]
    xr = cy_r[..., None] * x - sy_r[..., None] * y
    yr = sy_r[..., None] * x + cy_r[..., None] * y
    world = jnp.stack([xr, yr, z], axis=2) + center[..., None]  # [B,N,3,P]
    fx = calibrations[..., 0]
    fy = calibrations[..., 1]
    cx_ = calibrations[..., 2]
    cy_ = calibrations[..., 3]
    t = calibrations[..., 4:7]
    R = calibrations[..., 7:16].reshape(calibrations.shape[0], calibrations.shape[1], 3, 3)
    rel = world[:, None] - t[:, :, None, :, None]  # [B,NCAM,N,3,P]
    cam = jnp.einsum('bcij,bcnjp->bcnip', R, rel)  # [B,NCAM,N,3,P]
    zc = cam[:, :, :, 2]
    safe_z = jnp.where(jnp.abs(zc) > 1e-3, zc, 1e-3)
    u = fx[:, :, None, None] * cam[:, :, :, 0] / safe_z + cx_[:, :, None, None]
    v = fy[:, :, None, None] * cam[:, :, :, 1] / safe_z + cy_[:, :, None, None]
    u = jax.nn.sigmoid(u)
    v = jax.nn.sigmoid(v)
    behind = zc <= 1e-3
    u = jnp.where(behind, -1.0, u)
    v = jnp.where(behind, -1.0, v)
    pix = jnp.stack([u, v], axis=-1)  # [B,NCAM,N,P,2]
    return jnp.transpose(pix, (0, 2, 1, 3, 4))  # [B,N,NCAM,P,2]


def _grid_sample(feat, grid):
    # feat [BT,C,H,W], grid [BT,N,P,2] in [-1,1]; bilinear, zeros padding, align_corners=True
    BT, Cc, H, W = feat.shape
    gx = (grid[..., 0] + 1.0) * 0.5 * (W - 1)
    gy = (grid[..., 1] + 1.0) * 0.5 * (H - 1)
    x0 = jnp.floor(gx)
    y0 = jnp.floor(gy)
    x1 = x0 + 1.0
    y1 = y0 + 1.0
    wx1 = gx - x0
    wx0 = 1.0 - wx1
    wy1 = gy - y0
    wy0 = 1.0 - wy1
    b = jnp.arange(BT)[:, None, None]

    def gather(xi, yi):
        inb = (xi >= 0) & (xi <= W - 1) & (yi >= 0) & (yi <= H - 1)
        xc = jnp.clip(xi, 0, W - 1).astype(jnp.int32)
        yc = jnp.clip(yi, 0, H - 1).astype(jnp.int32)
        v = feat[b, :, yc, xc]  # [BT,N,P,C]
        return v * inb[..., None].astype(feat.dtype)

    out = (gather(x0, y0) * (wx0 * wy0)[..., None]
           + gather(x1, y0) * (wx1 * wy0)[..., None]
           + gather(x0, y1) * (wx0 * wy1)[..., None]
           + gather(x1, y1) * (wx1 * wy1)[..., None])
    return out  # [BT,N,P,C]


def reference(trajs, content_queries, calibrations, ego_states, pos_queries,
              feat_l0, feat_l1, feat_l2, W_lp, b_lp, W_fw, b_fw, unit_points):
    q = content_queries + pos_queries
    # learnable points
    off = jnp.tanh(q @ W_lp + b_lp) * LP_RANGE
    off = off.reshape(B, N, 3, NLP)
    up = jnp.broadcast_to(unit_points[None, None], (B, N, 3, 9))
    kpts_all = jnp.concatenate([up, off], axis=3)  # [B,N,3,P]
    pix = _project(trajs, calibrations, kpts_all)  # [B,N,NCAM,P,2]
    pix_t = jnp.broadcast_to(pix[:, None], (B, T, N, NCAM, P, 2)).reshape(B * T, N, NCAM, P, 2)
    invalid = pix_t[..., 0] < 0.0
    # per-keypoint feature weights with temporal decay (no_grad in torch)
    w = jax.nn.sigmoid(q @ W_fw + b_fw).reshape(B, N, NCAM, P, L)
    td = ego_states[..., 0] - ego_states[:, -1:, 0]
    tw = jax.lax.stop_gradient(jnp.exp(-jnp.square(td) / TW_DECAY * 3.0))  # [B,T]
    w = w[:, None] * tw[:, :, None, None, None, None]
    w = w.reshape(B * T, N, NCAM, P, L)
    w = jnp.where(invalid[..., None], 0.0, w)
    # dropout: eval mode -> identity
    feats = [feat_l0, feat_l1, feat_l2]
    acc = jnp.zeros((B * T, N, C), jnp.float32)
    for ic in range(NCAM):
        grid = pix_t[:, :, ic] * 2.0 - 1.0  # [BT,N,P,2]
        for lvl in range(L):
            sampled = _grid_sample(feats[lvl][ic], grid)  # [BT,N,P,C]
            acc = acc + jnp.sum(sampled * w[:, :, ic, :, lvl][..., None], axis=2)
    agg = acc.reshape(B, T, N, C).sum(axis=1)  # temporal aggregation
    new_q = content_queries + agg
    return pix_t, new_q

if __name__ == "__main__":
    import jax
    _d = setup_inputs()
    print(jax.jit(kernel)(*tuple(_d.values())))

</pallas_src>

<mosaic_0001>
#map = affine_map<(d0, d1) -> (0, 0)>
module attributes {stable_mosaic.version = 14 : i64} {
  func.func @_agg_body(%arg0: i32, %arg1: i32, %arg2: memref<5120x64xi32, #tpu.memory_space<hbm>>, %arg3: memref<256x1280xf32, #tpu.memory_space<hbm>>, %arg4: memref<32256x256xf32, #tpu.memory_space<hbm>>, %arg5: memref<256x256xf32, #tpu.memory_space<hbm>>, %arg6: memref<256x256xf32, #tpu.memory_space<hbm>>, %arg7: memref<160x64xi32, #tpu.memory_space<vmem>>, %arg8: memref<8x1280xf32, #tpu.memory_space<vmem>>, %arg9: memref<8x256xf32, #tpu.memory_space<vmem>>, %arg10: memref<64x256xf32, #tpu.memory_space<vmem>>, %arg11: memref<64x256xf32, #tpu.memory_space<vmem>>, %arg12: memref<!tpu.dma_semaphore, #tpu.memory_space<semaphore_mem>>, %arg13: memref<!tpu.dma_semaphore, #tpu.memory_space<semaphore_mem>>) attributes {dimension_semantics = [#tpu.dimension_semantics<core_parallel>, #tpu.dimension_semantics<subcore_parallel>], iteration_bounds = array<i64: 2, 16>, scalar_prefetch = 0 : i64, scratch_operands = 7 : i64, tpu.core_type = #tpu.core_type<sc_vector_subcore>, window_params = [{transform_indices = #map}, {transform_indices = #map}, {transform_indices = #map}, {transform_indices = #map}, {transform_indices = #map}]} {
    %mul3A = arith.constant 2 : i32
    %mul3A_0 = arith.muli %arg1, %mul3A : i32
    %add3A = arith.addi %mul3A_0, %arg0 : i32
    %mul3A_1 = arith.constant 8 : i32
    %mul3A_2 = arith.muli %add3A, %mul3A_1 : i32
    %mul3A_3 = arith.constant 20 : i32
    %mul3A_4 = arith.muli %mul3A_2, %mul3A_3 : i32
    "tpu.region"() ({
      %run_scoped3A = tpu.sem_alloc : memref<!tpu.dma_semaphore, #tpu.memory_space<semaphore_mem>>
      %dma_start3A_15 = arith.constant 0 : i32
      %dma_start3A_16 = tpu.memref_slice %arg2[%mul3A_4, %dma_start3A_15] : memref<5120x64xi32, #tpu.memory_space<hbm>> -> memref<160x64xi32, #tpu.memory_space<hbm>>
      %dma_start3A_17 = arith.constant 0 : i32
      %dma_start3A_18 = tpu.memref_slice %arg2[%mul3A_4, %dma_start3A_17] : memref<5120x64xi32, #tpu.memory_space<hbm>> -> memref<160x64xi32, #tpu.memory_space<hbm>>
      tpu.enqueue_dma source(%dma_start3A_18 : memref<160x64xi32, #tpu.memory_space<hbm>>) target(%arg7 : memref<160x64xi32, #tpu.memory_space<vmem>>) target_semaphore(%run_scoped3A : memref<!tpu.dma_semaphore, #tpu.memory_space<semaphore_mem>>)
      %dma_wait3A = arith.constant 0 : i32
      %dma_wait3A_19 = tpu.memref_slice %arg2[%mul3A_4, %dma_wait3A] : memref<5120x64xi32, #tpu.memory_space<hbm>> -> memref<160x64xi32, #tpu.memory_space<hbm>>
      %dma_wait3A_20 = arith.constant 0 : i32
      %dma_wait3A_21 = tpu.memref_slice %arg2[%mul3A_4, %dma_wait3A_20] : memref<5120x64xi32, #tpu.memory_space<hbm>> -> memref<160x64xi32, #tpu.memory_space<hbm>>
      tpu.wait_dma2 semaphore(%run_scoped3A : memref<!tpu.dma_semaphore, #tpu.memory_space<semaphore_mem>>) src(%dma_wait3A_21 : memref<160x64xi32, #tpu.memory_space<hbm>>) dst(%arg7 : memref<160x64xi32, #tpu.memory_space<vmem>>)
      tpu.yield
    }) : () -> ()
    "tpu.region"() ({
      %run_scoped3A = tpu.sem_alloc : memref<!tpu.dma_semaphore, #tpu.memory_space<semaphore_mem>>
      %dma_start3A_15 = arith.constant 0 : i32
      %dma_start3A_16 = tpu.memref_slice %arg3[%mul3A_2, %dma_start3A_15] : memref<256x1280xf32, #tpu.memory_space<hbm>> -> memref<8x1280xf32, #tpu.memory_space<hbm>>
      %dma_start3A_17 = arith.constant 0 : i32
      %dma_start3A_18 = tpu.memref_slice %arg3[%mul3A_2, %dma_start3A_17] : memref<256x1280xf32, #tpu.memory_space<hbm>> -> memref<8x1280xf32, #tpu.memory_space<hbm>>
      tpu.enqueue_dma source(%dma_start3A_18 : memref<8x1280xf32, #tpu.memory_space<hbm>>) target(%arg8 : memref<8x1280xf32, #tpu.memory_space<vmem>>) target_semaphore(%run_scoped3A : memref<!tpu.dma_semaphore, #tpu.memory_space<semaphore_mem>>)
      %dma_wait3A = arith.constant 0 : i32
      %dma_wait3A_19 = tpu.memref_slice %arg3[%mul3A_2, %dma_wait3A] : memref<256x1280xf32, #tpu.memory_space<hbm>> -> memref<8x1280xf32, #tpu.memory_space<hbm>>
      %dma_wait3A_20 = arith.constant 0 : i32
      %dma_wait3A_21 = tpu.memref_slice %arg3[%mul3A_2, %dma_wait3A_20] : memref<256x1280xf32, #tpu.memory_space<hbm>> -> memref<8x1280xf32, #tpu.memory_space<hbm>>
      tpu.wait_dma2 semaphore(%run_scoped3A : memref<!tpu.dma_semaphore, #tpu.memory_space<semaphore_mem>>) src(%dma_wait3A_21 : memref<8x1280xf32, #tpu.memory_space<hbm>>) dst(%arg8 : memref<8x1280xf32, #tpu.memory_space<vmem>>)
      tpu.yield
    }) : () -> ()
    "tpu.region"() ({
      %run_scoped3A = tpu.sem_alloc : memref<!tpu.dma_semaphore, #tpu.memory_space<semaphore_mem>>
      %dma_start3A_15 = arith.constant 0 : i32
      %dma_start3A_16 = tpu.memref_slice %arg5[%mul3A_2, %dma_start3A_15] : memref<256x256xf32, #tpu.memory_space<hbm>> -> memref<8x256xf32, #tpu.memory_space<hbm>>
      %dma_start3A_17 = arith.constant 0 : i32
      %dma_start3A_18 = tpu.memref_slice %arg5[%mul3A_2, %dma_start3A_17] : memref<256x256xf32, #tpu.memory_space<hbm>> -> memref<8x256xf32, #tpu.memory_space<hbm>>
      tpu.enqueue_dma source(%dma_start3A_18 : memref<8x256xf32, #tpu.memory_space<hbm>>) target(%arg9 : memref<8x256xf32, #tpu.memory_space<vmem>>) target_semaphore(%run_scoped3A : memref<!tpu.dma_semaphore, #tpu.memory_space<semaphore_mem>>)
      %dma_wait3A = arith.constant 0 : i32
      %dma_wait3A_19 = tpu.memref_slice %arg5[%mul3A_2, %dma_wait3A] : memref<256x256xf32, #tpu.memory_space<hbm>> -> memref<8x256xf32, #tpu.memory_space<hbm>>
      %dma_wait3A_20 = arith.constant 0 : i32
      %dma_wait3A_21 = tpu.memref_slice %arg5[%mul3A_2, %dma_wait3A_20] : memref<256x256xf32, #tpu.memory_space<hbm>> -> memref<8x256xf32, #tpu.memory_space<hbm>>
      tpu.wait_dma2 semaphore(%run_scoped3A : memref<!tpu.dma_semaphore, #tpu.memory_space<semaphore_mem>>) src(%dma_wait3A_21 : memref<8x256xf32, #tpu.memory_space<hbm>>) dst(%arg9 : memref<8x256xf32, #tpu.memory_space<vmem>>)
      tpu.yield
    }) : () -> ()
    %dma_start3A = arith.constant 0 : i32
    %dma_start3A_5 = arith.constant 0 : i32
    %dma_start3A_6 = tpu.memref_slice %arg7[%dma_start3A, %dma_start3A_5] : memref<160x64xi32, #tpu.memory_space<vmem>> -> memref<1x64xi32, #tpu.memory_space<vmem>>
    %dma_start3A_7 = tpu.memref_squeeze %dma_start3A_6 : memref<1x64xi32, #tpu.memory_space<vmem>> -> memref<64xi32, #tpu.memory_space<vmem>>
    %dma_start3A_8 = arith.constant 0 : i32
    %dma_start3A_9 = arith.constant 0 : i32
    %dma_start3A_10 = tpu.memref_slice %arg4[%dma_start3A_8, %dma_start3A_9] : memref<32256x256xf32, #tpu.memory_space<hbm>> -> memref<32256x256xf32, #tpu.memory_space<hbm>>
    tpu.enqueue_indirect_dma source(%dma_start3A_10 : memref<32256x256xf32, #tpu.memory_space<hbm>>) target(%arg10 : memref<64x256xf32, #tpu.memory_space<vmem>>) offsets(%dma_start3A_7 : memref<64xi32, #tpu.memory_space<vmem>>) semaphore(%arg12 : memref<!tpu.dma_semaphore, #tpu.memory_space<semaphore_mem>>)
    %scan3A = arith.constant 0 : i32
    %scan3A_11 = arith.constant 80 : i32
    %scan3A_12 = arith.addi %scan3A, %scan3A_11 : i32
    %scan3A_13 = arith.constant 1 : i32
    scf.for %scan3A_15 = %scan3A to %scan3A_12 step %scan3A_13  : i32 {
      %mul3A_16 = arith.constant 2 : i32
      %mul3A_17 = arith.muli %scan3A_15, %mul3A_16 : i32
      %add3A_18 = arith.constant 0 : i32
      %add3A_19 = arith.addi %add3A_18, %mul3A_17 : i32
      %add3A_20 = arith.constant 1 : i32
      %add3A_21 = arith.addi %add3A_19, %add3A_20 : i32
      %dma_start3A_22 = arith.constant 0 : i32
      %dma_start3A_23 = tpu.memref_slice %arg7[%add3A_21, %dma_start3A_22] : memref<160x64xi32, #tpu.memory_space<vmem>> -> memref<1x64xi32, #tpu.memory_space<vmem>>
      %dma_start3A_24 = tpu.memref_squeeze %dma_start3A_23 : memref<1x64xi32, #tpu.memory_space<vmem>> -> memref<64xi32, #tpu.memory_space<vmem>>
      %dma_start3A_25 = arith.constant 0 : i32
      %dma_start3A_26 = arith.constant 0 : i32
      %dma_start3A_27 = tpu.memref_slice %arg4[%dma_start3A_25, %dma_start3A_26] : memref<32256x256xf32, #tpu.memory_space<hbm>> -> memref<32256x256xf32, #tpu.memory_space<hbm>>
      tpu.enqueue_indirect_dma source(%dma_start3A_27 : memref<32256x256xf32, #tpu.memory_space<hbm>>) target(%arg11 : memref<64x256xf32, #tpu.memory_space<vmem>>) offsets(%dma_start3A_24 : memref<64xi32, #tpu.memory_space<vmem>>) semaphore(%arg13 : memref<!tpu.dma_semaphore, #tpu.memory_space<semaphore_mem>>)
      %dma_wait3A = arith.constant 0 : i32
      %dma_wait3A_28 = arith.constant 0 : i32
      %dma_wait3A_29 = tpu.memref_slice %arg7[%dma_wait3A, %dma_wait3A_28] : memref<160x64xi32, #tpu.memory_space<vmem>> -> memref<1x64xi32, #tpu.memory_space<vmem>>
      %dma_wait3A_30 = tpu.memref_squeeze %dma_wait3A_29 : memref<1x64xi32, #tpu.memory_space<vmem>> -> memref<64xi32, #tpu.memory_space<vmem>>
      %dma_wait3A_31 = arith.constant 0 : i32
      %dma_wait3A_32 = arith.constant 0 : i32
      %dma_wait3A_33 = tpu.memref_slice %arg4[%dma_wait3A_31, %dma_wait3A_32] : memref<32256x256xf32, #tpu.memory_space<hbm>> -> memref<32256x256xf32, #tpu.memory_space<hbm>>
      tpu.wait_indirect_dma semaphore(%arg12 : memref<!tpu.dma_semaphore, #tpu.memory_space<semaphore_mem>>) src(%dma_wait3A_33 : memref<32256x256xf32, #tpu.memory_space<hbm>>) dst(%arg10 : memref<64x256xf32, #tpu.memory_space<vmem>>)
      %jit3A = arith.constant 20 : i32
      %div3A = arith.divsi %add3A_19, %jit3A : i32
      %sign3A = arith.constant 0 : i32
      %sign3A_34 = arith.cmpi sgt, %add3A_19, %sign3A : i32
      %sign3A_35 = arith.extui %sign3A_34 : i1 to i32
      %sign3A_36 = arith.constant 0 : i32
      %sign3A_37 = arith.cmpi slt, %add3A_19, %sign3A_36 : i32
      %sign3A_38 = arith.extui %sign3A_37 : i1 to i32
      %sign3A_39 = arith.subi %sign3A_35, %sign3A_38 : i32
      %sign3A_40 = arith.constant 0 : i32
      %sign3A_41 = arith.cmpi sgt, %jit3A, %sign3A_40 : i32
      %sign3A_42 = arith.extui %sign3A_41 : i1 to i32
      %sign3A_43 = arith.constant 0 : i32
      %sign3A_44 = arith.cmpi slt, %jit3A, %sign3A_43 : i32
      %sign3A_45 = arith.extui %sign3A_44 : i1 to i32
      %sign3A_46 = arith.subi %sign3A_42, %sign3A_45 : i32
      %ne3A = arith.cmpi ne, %sign3A_39, %sign3A_46 : i32
      %rem3A = arith.remsi %add3A_19, %jit3A : i32
      %ne3A_47 = arith.constant 0 : i32
      %ne3A_48 = arith.cmpi ne, %rem3A, %ne3A_47 : i32
      %and3A = arith.andi %ne3A, %ne3A_48 : i1
      %sub3A = arith.constant 1 : i32
      %sub3A_49 = arith.subi %div3A, %sub3A : i32
      %select_n3A = arith.select %and3A, %sub3A_49, %div3A : i32
      %mul3A_50 = arith.constant 20 : i32
      %mul3A_51 = arith.muli %select_n3A, %mul3A_50 : i32
      %sub3A_52 = arith.subi %add3A_19, %mul3A_51 : i32
      %broadcast_in_dim3A = arith.constant 0 : i32
      %broadcast_in_dim3A_53 = vector.broadcast %broadcast_in_dim3A : i32 to vector<16xi32>
      %add3A_54 = vector.broadcast %select_n3A : i32 to vector<16xi32>
      %add3A_55 = arith.addi %broadcast_in_dim3A_53, %add3A_54 : vector<16xi32>
      %get3A = arith.index_cast %select_n3A : i32 to index
      %get3A_56 = arith.constant 0 : index
      %get3A_57 = tpu.vector_load %arg9[%get3A, %get3A_56] {strides = array<i32>} : memref<8x256xf32, #tpu.memory_space<vmem>>, vector<16xf32>,
      %get3A_58 = arith.index_cast %select_n3A : i32 to index
      %get3A_59 = arith.constant 16 : index
      %get3A_60 = tpu.vector_load %arg9[%get3A_58, %get3A_59] {strides = array<i32>} : memref<8x256xf32, #tpu.memory_space<vmem>>, vector<16xf32>,
      %get3A_61 = arith.index_cast %select_n3A : i32 to index
      %get3A_62 = arith.constant 32 : index
      %get3A_63 = tpu.vector_load %arg9[%get3A_61, %get3A_62] {strides = array<i32>} : memref<8x256xf32, #tpu.memory_space<vmem>>, vector<16xf32>,
      %get3A_64 = arith.index_cast %select_n3A : i32 to index
      %get3A_65 = arith.constant 48 : index
      %get3A_66 = tpu.vector_load %arg9[%get3A_64, %get3A_65] {strides = array<i32>} : memref<8x256xf32, #tpu.memory_space<vmem>>, vector<16xf32>,
      %get3A_67 = arith.index_cast %select_n3A : i32 to index
      %get3A_68 = arith.constant 64 : index
      %get3A_69 = tpu.vector_load %arg9[%get3A_67, %get3A_68] {strides = array<i32>} : memref<8x256xf32, #tpu.memory_space<vmem>>, vector<16xf32>,
      %get3A_70 = arith.index_cast %select_n3A : i32 to index
      %get3A_71 = arith.constant 80 : index
      %get3A_72 = tpu.vector_load %arg9[%get3A_70, %get3A_71] {strides = array<i32>} : memref<8x256xf32, #tpu.memory_space<vmem>>, vector<16xf32>,
      %get3A_73 = arith.index_cast %select_n3A : i32 to index
      %get3A_74 = arith.constant 96 : index
      %get3A_75 = tpu.vector_load %arg9[%get3A_73, %get3A_74] {strides = array<i32>} : memref<8x256xf32, #tpu.memory_space<vmem>>, vector<16xf32>,
      %get3A_76 = arith.index_cast %select_n3A : i32 to index
      %get3A_77 = arith.constant 112 : index
      %get3A_78 = tpu.vector_load %arg9[%get3A_76, %get3A_77] {strides = array<i32>} : memref<8x256xf32, #tpu.memory_space<vmem>>, vector<16xf32>,
      %get3A_79 = arith.index_cast %select_n3A : i32 to index
      %get3A_80 = arith.constant 128 : index
      %get3A_81 = tpu.vector_load %arg9[%get3A_79, %get3A_80] {strides = array<i32>} : memref<8x256xf32, #tpu.memory_space<vmem>>, vector<16xf32>,
      %get3A_82 = arith.index_cast %select_n3A : i32 to index
      %get3A_83 = arith.constant 144 : index
      %get3A_84 = tpu.vector_load %arg9[%get3A_82, %get3A_83] {strides = array<i32>} : memref<8x256xf32, #tpu.memory_space<vmem>>, vector<16xf32>,
      %get3A_85 = arith.index_cast %select_n3A : i32 to index
      %get3A_86 = arith.constant 160 : index
      %get3A_87 = tpu.vector_load %arg9[%get3A_85, %get3A_86] {strides = array<i32>} : memref<8x256xf32, #tpu.memory_space<vmem>>, vector<16xf32>,
      %get3A_88 = arith.index_cast %select_n3A : i32 to index
      %get3A_89 = arith.constant 176 : index
      %get3A_90 = tpu.vector_load %arg9[%get3A_88, %get3A_89] {strides = array<i32>} : memref<8x256xf32, #tpu.memory_space<vmem>>, vector<16xf32>,
      %get3A_91 = arith.index_cast %select_n3A : i32 to index
      %get3A_92 = arith.constant 192 : index
      %get3A_93 = tpu.vector_load %arg9[%get3A_91, %get3A_92] {strides = array<i32>} : memref<8x256xf32, #tpu.memory_space<vmem>>, vector<16xf32>,
      %get3A_94 = arith.index_cast %select_n3A : i32 to index
      %get3A_95 = arith.constant 208 : index
      %get3A_96 = tpu.vector_load %arg9[%get3A_94, %get3A_95] {strides = array<i32>} : memref<8x256xf32, #tpu.memory_space<vmem>>, vector<16xf32>,
      %get3A_97 = arith.index_cast %select_n3A : i32 to index
      %get3A_98 = arith.constant 224 : index
      %get3A_99 = tpu.vector_load %arg9[%get3A_97, %get3A_98] {strides = array<i32>} : memref<8x256xf32, #tpu.memory_space<vmem>>, vector<16xf32>,
      %get3A_100 = arith.index_cast %select_n3A : i32 to index
      %get3A_101 = arith.constant 240 : index
      %get3A_102 = tpu.vector_load %arg9[%get3A_100, %get3A_101] {strides = array<i32>} : memref<8x256xf32, #tpu.memory_space<vmem>>, vector<16xf32>,
      %scan3A_103 = arith.constant 0 : i32
      %scan3A_104 = arith.constant 64 : i32
      %scan3A_105 = arith.addi %scan3A_103, %scan3A_104 : i32
      %scan3A_106 = arith.constant 1 : i32
      %scan3A_107:16 = scf.for %scan3A_302 = %scan3A_103 to %scan3A_105 step %scan3A_106 iter_args(%scan3A_303 = %get3A_57, %scan3A_304 = %get3A_60, %scan3A_305 = %get3A_63, %scan3A_306 = %get3A_66, %scan3A_307 = %get3A_69, %scan3A_308 = %get3A_72, %scan3A_309 = %get3A_75, %scan3A_310 = %get3A_78, %scan3A_311 = %get3A_81, %scan3A_312 = %get3A_84, %scan3A_313 = %get3A_87, %scan3A_314 = %get3A_90, %scan3A_315 = %get3A_93, %scan3A_316 = %get3A_96, %scan3A_317 = %get3A_99, %scan3A_318 = %get3A_102) -> (vector<16xf32>, vector<16xf32>, vector<16xf32>, vector<16xf32>, vector<16xf32>, vector<16xf32>, vector<16xf32>, vector<16xf32>, vector<16xf32>, vector<16xf32>, vector<16xf32>, vector<16xf32>, vector<16xf32>, vector<16xf32>, vector<16xf32>, vector<16xf32>)  : i32 {
        %broadcast_in_dim3A_319 = arith.constant 0 : i32
        %broadcast_in_dim3A_320 = vector.broadcast %broadcast_in_dim3A_319 : i32 to vector<16xi32>
        %mul3A_321 = arith.constant 64 : i32
        %mul3A_322 = arith.muli %sub3A_52, %mul3A_321 : i32
        %add3A_323 = arith.addi %mul3A_322, %scan3A_302 : i32
        %add3A_324 = vector.broadcast %add3A_323 : i32 to vector<16xi32>
        %add3A_325 = arith.addi %broadcast_in_dim3A_320, %add3A_324 : vector<16xi32>
        %gather3A = tpu.vector_load_idx %arg8[%add3A_55, %add3A_325] : memref<8x1280xf32, #tpu.memory_space<vmem>>[vector<16xi32>, vector<16xi32>], vector<16xf32>,
        %get3A_326 = arith.index_cast %scan3A_302 : i32 to index
        %get3A_327 = arith.constant 0 : index
        %get3A_328 = tpu.vector_load %arg10[%get3A_326, %get3A_327] {strides = array<i32>} : memref<64x256xf32, #tpu.memory_space<vmem>>, vector<16xf32>,
        %mul3A_329 = arith.mulf %get3A_328, %gather3A : vector<16xf32>
        %add3A_330 = arith.addf %scan3A_303, %mul3A_329 : vector<16xf32>
        %get3A_331 = arith.index_cast %scan3A_302 : i32 to index
        %get3A_332 = arith.constant 16 : index
        %get3A_333 = tpu.vector_load %arg10[%get3A_331, %get3A_332] {strides = array<i32>} : memref<64x256xf32, #tpu.memory_space<vmem>>, vector<16xf32>,
        %mul3A_334 = arith.mulf %get3A_333, %gather3A : vector<16xf32>
        %add3A_335 = arith.addf %scan3A_304, %mul3A_334 : vector<16xf32>
        %get3A_336 = arith.index_cast %scan3A_302 : i32 to index
        %get3A_337 = arith.constant 32 : index
        %get3A_338 = tpu.vector_load %arg10[%get3A_336, %get3A_337] {strides = array<i32>} : memref<64x256xf32, #tpu.memory_space<vmem>>, vector<16xf32>,
        %mul3A_339 = arith.mulf %get3A_338, %gather3A : vector<16xf32>
        %add3A_340 = arith.addf %scan3A_305, %mul3A_339 : vector<16xf32>
        %get3A_341 = arith.index_cast %scan3A_302 : i32 to index
        %get3A_342 = arith.constant 48 : index
        %get3A_343 = tpu.vector_load %arg10[%get3A_341, %get3A_342] {strides = array<i32>} : memref<64x256xf32, #tpu.memory_space<vmem>>, vector<16xf32>,
        %mul3A_344 = arith.mulf %get3A_343, %gather3A : vector<16xf32>
        %add3A_345 = arith.addf %scan3A_306, %mul3A_344 : vector<16xf32>
        %get3A_346 = arith.index_cast %scan3A_302 : i32 to index
        %get3A_347 = arith.constant 64 : index
        %get3A_348 = tpu.vector_load %arg10[%get3A_346, %get3A_347] {strides = array<i32>} : memref<64x256xf32, #tpu.memory_space<vmem>>, vector<16xf32>,
        %mul3A_349 = arith.mulf %get3A_348, %gather3A : vector<16xf32>
        %add3A_350 = arith.addf %scan3A_307, %mul3A_349 : vector<16xf32>
        %get3A_351 = arith.index_cast %scan3A_302 : i32 to index
        %get3A_352 = arith.constant 80 : index
        %get3A_353 = tpu.vector_load %arg10[%get3A_351, %get3A_352] {strides = array<i32>} : memref<64x256xf32, #tpu.memory_space<vmem>>, vector<16xf32>,
        %mul3A_354 = arith.mulf %get3A_353, %gather3A : vector<16xf32>
        %add3A_355 = arith.addf %scan3A_308, %mul3A_354 : vector<16xf32>
        %get3A_356 = arith.index_cast %scan3A_302 : i32 to index
        %get3A_357 = arith.constant 96 : index
        %get3A_358 = tpu.vector_load %arg10[%get3A_356, %get3A_357] {strides = array<i32>} : memref<64x256xf32, #tpu.memory_space<vmem>>, vector<16xf32>,
        %mul3A_359 = arith.mulf %get3A_358, %gather3A : vector<16xf32>
        %add3A_360 = arith.addf %scan3A_309, %mul3A_359 : vector<16xf32>
        %get3A_361 = arith.index_cast %scan3A_302 : i32 to index
        %get3A_362 = arith.constant 112 : index
        %get3A_363 = tpu.vector_load %arg10[%get3A_361, %get3A_362] {strides = array<i32>} : memref<64x256xf32, #tpu.memory_space<vmem>>, vector<16xf32>,
        %mul3A_364 = arith.mulf %get3A_363, %gather3A : vector<16xf32>
        %add3A_365 = arith.addf %scan3A_310, %mul3A_364 : vector<16xf32>
        %get3A_366 = arith.index_cast %scan3A_302 : i32 to index
        %get3A_367 = arith.constant 128 : index
        %get3A_368 = tpu.vector_load %arg10[%get3A_366, %get3A_367] {strides = array<i32>} : memref<64x256xf32, #tpu.memory_space<vmem>>, vector<16xf32>,
        %mul3A_369 = arith.mulf %get3A_368, %gather3A : vector<16xf32>
        %add3A_370 = arith.addf %scan3A_311, %mul3A_369 : vector<16xf32>
        %get3A_371 = arith.index_cast %scan3A_302 : i32 to index
        %get3A_372 = arith.constant 144 : index
        %get3A_373 = tpu.vector_load %arg10[%get3A_371, %get3A_372] {strides = array<i32>} : memref<64x256xf32, #tpu.memory_space<vmem>>, vector<16xf32>,
        %mul3A_374 = arith.mulf %get3A_373, %gather3A : vector<16xf32>
        %add3A_375 = arith.addf %scan3A_312, %mul3A_374 : vector<16xf32>
        %get3A_376 = arith.index_cast %scan3A_302 : i32 to index
        %get3A_377 = arith.constant 160 : index
        %get3A_378 = tpu.vector_load %arg10[%get3A_376, %get3A_377] {strides = array<i32>} : memref<64x256xf32, #tpu.memory_space<vmem>>, vector<16xf32>,
        %mul3A_379 = arith.mulf %get3A_378, %gather3A : vector<16xf32>
        %add3A_380 = arith.addf %scan3A_313, %mul3A_379 : vector<16xf32>
        %get3A_381 = arith.index_cast %scan3A_302 : i32 to index
        %get3A_382 = arith.constant 176 : index
        %get3A_383 = tpu.vector_load %arg10[%get3A_381, %get3A_382] {strides = array<i32>} : memref<64x256xf32, #tpu.memory_space<vmem>>, vector<16xf32>,
        %mul3A_384 = arith.mulf %get3A_383, %gather3A : vector<16xf32>
        %add3A_385 = arith.addf %scan3A_314, %mul3A_384 : vector<16xf32>
        %get3A_386 = arith.index_cast %scan3A_302 : i32 to index
        %get3A_387 = arith.constant 192 : index
        %get3A_388 = tpu.vector_load %arg10[%get3A_386, %get3A_387] {strides = array<i32>} : memref<64x256xf32, #tpu.memory_space<vmem>>, vector<16xf32>,
        %mul3A_389 = arith.mulf %get3A_388, %gather3A : vector<16xf32>
        %add3A_390 = arith.addf %scan3A_315, %mul3A_389 : vector<16xf32>
        %get3A_391 = arith.index_cast %scan3A_302 : i32 to index
        %get3A_392 = arith.constant 208 : index
        %get3A_393 = tpu.vector_load %arg10[%get3A_391, %get3A_392] {strides = array<i32>} : memref<64x256xf32, #tpu.memory_space<vmem>>, vector<16xf32>,
        %mul3A_394 = arith.mulf %get3A_393, %gather3A : vector<16xf32>
        %add3A_395 = arith.addf %scan3A_316, %mul3A_394 : vector<16xf32>
        %get3A_396 = arith.index_cast %scan3A_302 : i32 to index
        %get3A_397 = arith.constant 224 : index
        %get3A_398 = tpu.vector_load %arg10[%get3A_396, %get3A_397] {strides = array<i32>} : memref<64x256xf32, #tpu.memory_space<vmem>>, vector<16xf32>,
        %mul3A_399 = arith.mulf %get3A_398, %gather3A : vector<16xf32>
        %add3A_400 = arith.addf %scan3A_317, %mul3A_399 : vector<16xf32>
        %get3A_401 = arith.index_cast %scan3A_302 : i32 to index
        %get3A_402 = arith.constant 240 : index
        %get3A_403 = tpu.vector_load %arg10[%get3A_401, %get3A_402] {strides = array<i32>} : memref<64x256xf32, #tpu.memory_space<vmem>>, vector<16xf32>,
        %mul3A_404 = arith.mulf %get3A_403, %gather3A : vector<16xf32>
        %add3A_405 = arith.addf %scan3A_318, %mul3A_404 : vector<16xf32>
        scf.yield %add3A_330, %add3A_335, %add3A_340, %add3A_345, %add3A_350, %add3A_355, %add3A_360, %add3A_365, %add3A_370, %add3A_375, %add3A_380, %add3A_385, %add3A_390, %add3A_395, %add3A_400, %add3A_405 : vector<16xf32>, vector<16xf32>, vector<16xf32>, vector<16xf32>, vector<16xf32>, vector<16xf32>, vector<16xf32>, vector<16xf32>, vector<16xf32>, vector<16xf32>, vector<16xf32>, vector<16xf32>, vector<16xf32>, vector<16xf32>, vector<16xf32>, vector<16xf32>
      }
      %scan3A_108 = arith.constant 64 : i32
      %swap3A = arith.index_cast %select_n3A : i32 to index
      %swap3A_109 = arith.constant 0 : index
      %swap3A_110 = tpu.vector_load %arg9[%swap3A, %swap3A_109] {strides = array<i32>} : memref<8x256xf32, #tpu.memory_space<vmem>>, vector<16xf32>,
      tpu.vector_store %arg9[%swap3A, %swap3A_109], %scan3A_107#0 {strides = array<i32>} : memref<8x256xf32, #tpu.memory_space<vmem>>, vector<16xf32>,
      %swap3A_111 = arith.index_cast %select_n3A : i32 to index
      %swap3A_112 = arith.constant 16 : index
      %swap3A_113 = tpu.vector_load %arg9[%swap3A_111, %swap3A_112] {strides = array<i32>} : memref<8x256xf32, #tpu.memory_space<vmem>>, vector<16xf32>,
      tpu.vector_store %arg9[%swap3A_111, %swap3A_112], %scan3A_107#1 {strides = array<i32>} : memref<8x256xf32, #tpu.memory_space<vmem>>, vector<16xf32>,
      %swap3A_114 = arith.index_cast %select_n3A : i32 to index
      %swap3A_115 = arith.constant 32 : index
      %swap3A_116 = tpu.vector_load %arg9[%swap3A_114, %swap3A_115] {strides = array<i32>} : memref<8x256xf32, #tpu.memory_space<vmem>>, vector<16xf32>,
      tpu.vector_store %arg9[%swap3A_114, %swap3A_115], %scan3A_107#2 {strides = array<i32>} : memref<8x256xf32, #tpu.memory_space<vmem>>, vector<16xf32>,
      %swap3A_117 = arith.index_cast %select_n3A : i32 to index
      %swap3A_118 = arith.constant 48 : index
      %swap3A_119 = tpu.vector_load %arg9[%swap3A_117, %swap3A_118] {strides = array<i32>} : memref<8x256xf32, #tpu.memory_space<vmem>>, vector<16xf32>,
      tpu.vector_store %arg9[%swap3A_117, %swap3A_118], %scan3A_107#3 {strides = array<i32>} : memref<8x256xf32, #tpu.memory_space<vmem>>, vector<16xf32>,
      %swap3A_120 = arith.index_cast %select_n3A : i32 to index
      %swap3A_121 = arith.constant 64 : index
      %swap3A_122 = tpu.vector_load %arg9[%swap3A_120, %swap3A_121] {strides = array<i32>} : memref<8x256xf32, #tpu.memory_space<vmem>>, vector<16xf32>,
      tpu.vector_store %arg9[%swap3A_120, %swap3A_121], %scan3A_107#4 {strides = array<i32>} : memref<8x256xf32, #tpu.memory_space<vmem>>, vector<16xf32>,
      %swap3A_123 = arith.index_cast %select_n3A : i32 to index
      %swap3A_124 = arith.constant 80 : index
      %swap3A_125 = tpu.vector_load %arg9[%swap3A_123, %swap3A_124] {strides = array<i32>} : memref<8x256xf32, #tpu.memory_space<vmem>>, vector<16xf32>,
      tpu.vector_store %arg9[%swap3A_123, %swap3A_124], %scan3A_107#5 {strides = array<i32>} : memref<8x256xf32, #tpu.memory_space<vmem>>, vector<16xf32>,
      %swap3A_126 = arith.index_cast %select_n3A : i32 to index
      %swap3A_127 = arith.constant 96 : index
      %swap3A_128 = tpu.vector_load %arg9[%swap3A_126, %swap3A_127] {strides = array<i32>} : memref<8x256xf32, #tpu.memory_space<vmem>>, vector<16xf32>,
      tpu.vector_store %arg9[%swap3A_126, %swap3A_127], %scan3A_107#6 {strides = array<i32>} : memref<8x256xf32, #tpu.memory_space<vmem>>, vector<16xf32>,
      %swap3A_129 = arith.index_cast %select_n3A : i32 to index
      %swap3A_130 = arith.constant 112 : index
      %swap3A_131 = tpu.vector_load %arg9[%swap3A_129, %swap3A_130] {strides = array<i32>} : memref<8x256xf32, #tpu.memory_space<vmem>>, vector<16xf32>,
      tpu.vector_store %arg9[%swap3A_129, %swap3A_130], %scan3A_107#7 {strides = array<i32>} : memref<8x256xf32, #tpu.memory_space<vmem>>, vector<16xf32>,
      %swap3A_132 = arith.index_cast %select_n3A : i32 to index
      %swap3A_133 = arith.constant 128 : index
      %swap3A_134 = tpu.vector_load %arg9[%swap3A_132, %swap3A_133] {strides = array<i32>} : memref<8x256xf32, #tpu.memory_space<vmem>>, vector<16xf32>,
      tpu.vector_store %arg9[%swap3A_132, %swap3A_133], %scan3A_107#8 {strides = array<i32>} : memref<8x256xf32, #tpu.memory_space<vmem>>, vector<16xf32>,
      %swap3A_135 = arith.index_cast %select_n3A : i32 to index
      %swap3A_136 = arith.constant 144 : index
      %swap3A_137 = tpu.vector_load %arg9[%swap3A_135, %swap3A_136] {strides = array<i32>} : memref<8x256xf32, #tpu.memory_space<vmem>>, vector<16xf32>,
      tpu.vector_store %arg9[%swap3A_135, %swap3A_136], %scan3A_107#9 {strides = array<i32>} : memref<8x256xf32, #tpu.memory_space<vmem>>, vector<16xf32>,
      %swap3A_138 = arith.index_cast %select_n3A : i32 to index
      %swap3A_139 = arith.constant 160 : index
      %swap3A_140 = tpu.vector_load %arg9[%swap3A_138, %swap3A_139] {strides = array<i32>} : memref<8x256xf32, #tpu.memory_space<vmem>>, vector<16xf32>,
      tpu.vector_store %arg9[%swap3A_138, %swap3A_139], %scan3A_107#10 {strides = array<i32>} : memref<8x256xf32, #tpu.memory_space<vmem>>, vector<16xf32>,
      %swap3A_141 = arith.index_cast %select_n3A : i32 to index
      %swap3A_142 = arith.constant 176 : index
      %swap3A_143 = tpu.vector_load %arg9[%swap3A_141, %swap3A_142] {strides = array<i32>} : memref<8x256xf32, #tpu.memory_space<vmem>>, vector<16xf32>,
      tpu.vector_store %arg9[%swap3A_141, %swap3A_142], %scan3A_107#11 {strides = array<i32>} : memref<8x256xf32, #tpu.memory_space<vmem>>, vector<16xf32>,
      %swap3A_144 = arith.index_cast %select_n3A : i32 to index
      %swap3A_145 = arith.constant 192 : index
      %swap3A_146 = tpu.vector_load %arg9[%swap3A_144, %swap3A_145] {strides = array<i32>} : memref<8x256xf32, #tpu.memory_space<vmem>>, vector<16xf32>,
      tpu.vector_store %arg9[%swap3A_144, %swap3A_145], %scan3A_107#12 {strides = array<i32>} : memref<8x256xf32, #tpu.memory_space<vmem>>, vector<16xf32>,
      %swap3A_147 = arith.index_cast %select_n3A : i32 to index
      %swap3A_148 = arith.constant 208 : index
      %swap3A_149 = tpu.vector_load %arg9[%swap3A_147, %swap3A_148] {strides = array<i32>} : memref<8x256xf32, #tpu.memory_space<vmem>>, vector<16xf32>,
      tpu.vector_store %arg9[%swap3A_147, %swap3A_148], %scan3A_107#13 {strides = array<i32>} : memref<8x256xf32, #tpu.memory_space<vmem>>, vector<16xf32>,
      %swap3A_150 = arith.index_cast %select_n3A : i32 to index
      %swap3A_151 = arith.constant 224 : index
      %swap3A_152 = tpu.vector_load %arg9[%swap3A_150, %swap3A_151] {strides = array<i32>} : memref<8x256xf32, #tpu.memory_space<vmem>>, vector<16xf32>,
      tpu.vector_store %arg9[%swap3A_150, %swap3A_151], %scan3A_107#14 {strides = array<i32>} : memref<8x256xf32, #tpu.memory_space<vmem>>, vector<16xf32>,
      %swap3A_153 = arith.index_cast %select_n3A : i32 to index
      %swap3A_154 = arith.constant 240 : index
      %swap3A_155 = tpu.vector_load %arg9[%swap3A_153, %swap3A_154] {strides = array<i32>} : memref<8x256xf32, #tpu.memory_space<vmem>>, vector<16xf32>,
      tpu.vector_store %arg9[%swap3A_153, %swap3A_154], %scan3A_107#15 {strides = array<i32>} : memref<8x256xf32, #tpu.memory_space<vmem>>, vector<16xf32>,
      %add3A_156 = arith.constant 2 : i32
      %add3A_157 = arith.addi %add3A_19, %add3A_156 : i32
      %lt3A = arith.constant 160 : i32
      %lt3A_158 = arith.cmpi slt, %add3A_157, %lt3A : i32
      %convert_element_type3A = arith.extui %lt3A_158 : i1 to i32
      %cond3A = arith.constant 0 : i32
      %cond3A_159 = arith.cmpi ne, %convert_element_type3A, %cond3A : i32
      scf.if %cond3A_159 {
        %add3A_302 = arith.constant 2 : i32
        %add3A_303 = arith.addi %add3A_19, %add3A_302 : i32
        %dma_start3A_304 = arith.constant 0 : i32
        %dma_start3A_305 = tpu.memref_slice %arg7[%add3A_303, %dma_start3A_304] : memref<160x64xi32, #tpu.memory_space<vmem>> -> memref<1x64xi32, #tpu.memory_space<vmem>>
        %dma_start3A_306 = tpu.memref_squeeze %dma_start3A_305 : memref<1x64xi32, #tpu.memory_space<vmem>> -> memref<64xi32, #tpu.memory_space<vmem>>
        %dma_start3A_307 = arith.constant 0 : i32
        %dma_start3A_308 = arith.constant 0 : i32
        %dma_start3A_309 = tpu.memref_slice %arg4[%dma_start3A_307, %dma_start3A_308] : memref<32256x256xf32, #tpu.memory_space<hbm>> -> memref<32256x256xf32, #tpu.memory_space<hbm>>
        tpu.enqueue_indirect_dma source(%dma_start3A_309 : memref<32256x256xf32, #tpu.memory_space<hbm>>) target(%arg10 : memref<64x256xf32, #tpu.memory_space<vmem>>) offsets(%dma_start3A_306 : memref<64xi32, #tpu.memory_space<vmem>>) semaphore(%arg12 : memref<!tpu.dma_semaphore, #tpu.memory_space<semaphore_mem>>)
      } else {
      }
      %dma_wait3A_160 = arith.constant 0 : i32
      %dma_wait3A_161 = arith.constant 0 : i32
      %dma_wait3A_162 = tpu.memref_slice %arg7[%dma_wait3A_160, %dma_wait3A_161] : memref<160x64xi32, #tpu.memory_space<vmem>> -> memref<1x64xi32, #tpu.memory_space<vmem>>
      %dma_wait3A_163 = tpu.memref_squeeze %dma_wait3A_162 : memref<1x64xi32, #tpu.memory_space<vmem>> -> memref<64xi32, #tpu.memory_space<vmem>>
      %dma_wait3A_164 = arith.constant 0 : i32
      %dma_wait3A_165 = arith.constant 0 : i32
      %dma_wait3A_166 = tpu.memref_slice %arg4[%dma_wait3A_164, %dma_wait3A_165] : memref<32256x256xf32, #tpu.memory_space<hbm>> -> memref<32256x256xf32, #tpu.memory_space<hbm>>
      tpu.wait_indirect_dma semaphore(%arg13 : memref<!tpu.dma_semaphore, #tpu.memory_space<semaphore_mem>>) src(%dma_wait3A_166 : memref<32256x256xf32, #tpu.memory_space<hbm>>) dst(%arg11 : memref<64x256xf32, #tpu.memory_space<vmem>>)
      %add3A_167 = arith.constant 1 : i32
      %add3A_168 = arith.addi %add3A_19, %add3A_167 : i32
      %jit3A_169 = arith.constant 20 : i32
      %div3A_170 = arith.divsi %add3A_168, %jit3A_169 : i32
      %sign3A_171 = arith.constant 0 : i32
      %sign3A_172 = arith.cmpi sgt, %add3A_168, %sign3A_171 : i32
      %sign3A_173 = arith.extui %sign3A_172 : i1 to i32
      %sign3A_174 = arith.constant 0 : i32
      %sign3A_175 = arith.cmpi slt, %add3A_168, %sign3A_174 : i32
      %sign3A_176 = arith.extui %sign3A_175 : i1 to i32
      %sign3A_177 = arith.subi %sign3A_173, %sign3A_176 : i32
      %sign3A_178 = arith.constant 0 : i32
      %sign3A_179 = arith.cmpi sgt, %jit3A_169, %sign3A_178 : i32
      %sign3A_180 = arith.extui %sign3A_179 : i1 to i32
      %sign3A_181 = arith.constant 0 : i32
      %sign3A_182 = arith.cmpi slt, %jit3A_169, %sign3A_181 : i32
      %sign3A_183 = arith.extui %sign3A_182 : i1 to i32
      %sign3A_184 = arith.subi %sign3A_180, %sign3A_183 : i32
      %ne3A_185 = arith.cmpi ne, %sign3A_177, %sign3A_184 : i32
      %rem3A_186 = arith.remsi %add3A_168, %jit3A_169 : i32
      %ne3A_187 = arith.constant 0 : i32
      %ne3A_188 = arith.cmpi ne, %rem3A_186, %ne3A_187 : i32
      %and3A_189 = arith.andi %ne3A_185, %ne3A_188 : i1
      %sub3A_190 = arith.constant 1 : i32
      %sub3A_191 = arith.subi %div3A_170, %sub3A_190 : i32
      %select_n3A_192 = arith.select %and3A_189, %sub3A_191, %div3A_170 : i32
      %mul3A_193 = arith.constant 20 : i32
      %mul3A_194 = arith.muli %select_n3A_192, %mul3A_193 : i32
      %sub3A_195 = arith.subi %add3A_168, %mul3A_194 : i32
      %broadcast_in_dim3A_196 = arith.constant 0 : i32
      %broadcast_in_dim3A_197 = vector.broadcast %broadcast_in_dim3A_196 : i32 to vector<16xi32>
      %add3A_198 = vector.broadcast %select_n3A_192 : i32 to vector<16xi32>
      %add3A_199 = arith.addi %broadcast_in_dim3A_197, %add3A_198 : vector<16xi32>
      %get3A_200 = arith.index_cast %select_n3A_192 : i32 to index
      %get3A_201 = arith.constant 0 : index
      %get3A_202 = tpu.vector_load %arg9[%get3A_200, %get3A_201] {strides = array<i32>} : memref<8x256xf32, #tpu.memory_space<vmem>>, vector<16xf32>,
      %get3A_203 = arith.index_cast %select_n3A_192 : i32 to index
      %get3A_204 = arith.constant 16 : index
      %get3A_205 = tpu.vector_load %arg9[%get3A_203, %get3A_204] {strides = array<i32>} : memref<8x256xf32, #tpu.memory_space<vmem>>, vector<16xf32>,
      %get3A_206 = arith.index_cast %select_n3A_192 : i32 to index
      %get3A_207 = arith.constant 32 : index
      %get3A_208 = tpu.vector_load %arg9[%get3A_206, %get3A_207] {strides = array<i32>} : memref<8x256xf32, #tpu.memory_space<vmem>>, vector<16xf32>,
      %get3A_209 = arith.index_cast %select_n3A_192 : i32 to index
      %get3A_210 = arith.constant 48 : index
      %get3A_211 = tpu.vector_load %arg9[%get3A_209, %get3A_210] {strides = array<i32>} : memref<8x256xf32, #tpu.memory_space<vmem>>, vector<16xf32>,
      %get3A_212 = arith.index_cast %select_n3A_192 : i32 to index
      %get3A_213 = arith.constant 64 : index
      %get3A_214 = tpu.vector_load %arg9[%get3A_212, %get3A_213] {strides = array<i32>} : memref<8x256xf32, #tpu.memory_space<vmem>>, vector<16xf32>,
      %get3A_215 = arith.index_cast %select_n3A_192 : i32 to index
      %get3A_216 = arith.constant 80 : index
      %get3A_217 = tpu.vector_load %arg9[%get3A_215, %get3A_216] {strides = array<i32>} : memref<8x256xf32, #tpu.memory_space<vmem>>, vector<16xf32>,
      %get3A_218 = arith.index_cast %select_n3A_192 : i32 to index
      %get3A_219 = arith.constant 96 : index
      %get3A_220 = tpu.vector_load %arg9[%get3A_218, %get3A_219] {strides = array<i32>} : memref<8x256xf32, #tpu.memory_space<vmem>>, vector<16xf32>,
      %get3A_221 = arith.index_cast %select_n3A_192 : i32 to index
      %get3A_222 = arith.constant 112 : index
      %get3A_223 = tpu.vector_load %arg9[%get3A_221, %get3A_222] {strides = array<i32>} : memref<8x256xf32, #tpu.memory_space<vmem>>, vector<16xf32>,
      %get3A_224 = arith.index_cast %select_n3A_192 : i32 to index
      %get3A_225 = arith.constant 128 : index
      %get3A_226 = tpu.vector_load %arg9[%get3A_224, %get3A_225] {strides = array<i32>} : memref<8x256xf32, #tpu.memory_space<vmem>>, vector<16xf32>,
      %get3A_227 = arith.index_cast %select_n3A_192 : i32 to index
      %get3A_228 = arith.constant 144 : index
      %get3A_229 = tpu.vector_load %arg9[%get3A_227, %get3A_228] {strides = array<i32>} : memref<8x256xf32, #tpu.memory_space<vmem>>, vector<16xf32>,
      %get3A_230 = arith.index_cast %select_n3A_192 : i32 to index
      %get3A_231 = arith.constant 160 : index
      %get3A_232 = tpu.vector_load %arg9[%get3A_230, %get3A_231] {strides = array<i32>} : memref<8x256xf32, #tpu.memory_space<vmem>>, vector<16xf32>,
      %get3A_233 = arith.index_cast %select_n3A_192 : i32 to index
      %get3A_234 = arith.constant 176 : index
      %get3A_235 = tpu.vector_load %arg9[%get3A_233, %get3A_234] {strides = array<i32>} : memref<8x256xf32, #tpu.memory_space<vmem>>, vector<16xf32>,
      %get3A_236 = arith.index_cast %select_n3A_192 : i32 to index
      %get3A_237 = arith.constant 192 : index
      %get3A_238 = tpu.vector_load %arg9[%get3A_236, %get3A_237] {strides = array<i32>} : memref<8x256xf32, #tpu.memory_space<vmem>>, vector<16xf32>,
      %get3A_239 = arith.index_cast %select_n3A_192 : i32 to index
      %get3A_240 = arith.constant 208 : index
      %get3A_241 = tpu.vector_load %arg9[%get3A_239, %get3A_240] {strides = array<i32>} : memref<8x256xf32, #tpu.memory_space<vmem>>, vector<16xf32>,
      %get3A_242 = arith.index_cast %select_n3A_192 : i32 to index
      %get3A_243 = arith.constant 224 : index
      %get3A_244 = tpu.vector_load %arg9[%get3A_242, %get3A_243] {strides = array<i32>} : memref<8x256xf32, #tpu.memory_space<vmem>>, vector<16xf32>,
      %get3A_245 = arith.index_cast %select_n3A_192 : i32 to index
      %get3A_246 = arith.constant 240 : index
      %get3A_247 = tpu.vector_load %arg9[%get3A_245, %get3A_246] {strides = array<i32>} : memref<8x256xf32, #tpu.memory_space<vmem>>, vector<16xf32>,
      %scan3A_248 = arith.constant 0 : i32
      %scan3A_249 = arith.constant 64 : i32
      %scan3A_250 = arith.addi %scan3A_248, %scan3A_249 : i32
      %scan3A_251 = arith.constant 1 : i32
      %scan3A_252:16 = scf.for %scan3A_302 = %scan3A_248 to %scan3A_250 step %scan3A_251 iter_args(%scan3A_303 = %get3A_202, %scan3A_304 = %get3A_205, %scan3A_305 = %get3A_208, %scan3A_306 = %get3A_211, %scan3A_307 = %get3A_214, %scan3A_308 = %get3A_217, %scan3A_309 = %get3A_220, %scan3A_310 = %get3A_223, %scan3A_311 = %get3A_226, %scan3A_312 = %get3A_229, %scan3A_313 = %get3A_232, %scan3A_314 = %get3A_235, %scan3A_315 = %get3A_238, %scan3A_316 = %get3A_241, %scan3A_317 = %get3A_244, %scan3A_318 = %get3A_247) -> (vector<16xf32>, vector<16xf32>, vector<16xf32>, vector<16xf32>, vector<16xf32>, vector<16xf32>, vector<16xf32>, vector<16xf32>, vector<16xf32>, vector<16xf32>, vector<16xf32>, vector<16xf32>, vector<16xf32>, vector<16xf32>, vector<16xf32>, vector<16xf32>)  : i32 {
        %broadcast_in_dim3A_319 = arith.constant 0 : i32
        %broadcast_in_dim3A_320 = vector.broadcast %broadcast_in_dim3A_319 : i32 to vector<16xi32>
        %mul3A_321 = arith.constant 64 : i32
        %mul3A_322 = arith.muli %sub3A_195, %mul3A_321 : i32
        %add3A_323 = arith.addi %mul3A_322, %scan3A_302 : i32
        %add3A_324 = vector.broadcast %add3A_323 : i32 to vector<16xi32>
        %add3A_325 = arith.addi %broadcast_in_dim3A_320, %add3A_324 : vector<16xi32>
        %gather3A = tpu.vector_load_idx %arg8[%add3A_199, %add3A_325] : memref<8x1280xf32, #tpu.memory_space<vmem>>[vector<16xi32>, vector<16xi32>], vector<16xf32>,
        %get3A_326 = arith.index_cast %scan3A_302 : i32 to index
        %get3A_327 = arith.constant 0 : index
        %get3A_328 = tpu.vector_load %arg11[%get3A_326, %get3A_327] {strides = array<i32>} : memref<64x256xf32, #tpu.memory_space<vmem>>, vector<16xf32>,
        %mul3A_329 = arith.mulf %get3A_328, %gather3A : vector<16xf32>
        %add3A_330 = arith.addf %scan3A_303, %mul3A_329 : vector<16xf32>
        %get3A_331 = arith.index_cast %scan3A_302 : i32 to index
        %get3A_332 = arith.constant 16 : index
        %get3A_333 = tpu.vector_load %arg11[%get3A_331, %get3A_332] {strides = array<i32>} : memref<64x256xf32, #tpu.memory_space<vmem>>, vector<16xf32>,
        %mul3A_334 = arith.mulf %get3A_333, %gather3A : vector<16xf32>
        %add3A_335 = arith.addf %scan3A_304, %mul3A_334 : vector<16xf32>
        %get3A_336 = arith.index_cast %scan3A_302 : i32 to index
        %get3A_337 = arith.constant 32 : index
        %get3A_338 = tpu.vector_load %arg11[%get3A_336, %get3A_337] {strides = array<i32>} : memref<64x256xf32, #tpu.memory_space<vmem>>, vector<16xf32>,
        %mul3A_339 = arith.mulf %get3A_338, %gather3A : vector<16xf32>
        %add3A_340 = arith.addf %scan3A_305, %mul3A_339 : vector<16xf32>
        %get3A_341 = arith.index_cast %scan3A_302 : i32 to index
        %get3A_342 = arith.constant 48 : index
        %get3A_343 = tpu.vector_load %arg11[%get3A_341, %get3A_342] {strides = array<i32>} : memref<64x256xf32, #tpu.memory_space<vmem>>, vector<16xf32>,
        %mul3A_344 = arith.mulf %get3A_343, %gather3A : vector<16xf32>
        %add3A_345 = arith.addf %scan3A_306, %mul3A_344 : vector<16xf32>
        %get3A_346 = arith.index_cast %scan3A_302 : i32 to index
        %get3A_347 = arith.constant 64 : index
        %get3A_348 = tpu.vector_load %arg11[%get3A_346, %get3A_347] {strides = array<i32>} : memref<64x256xf32, #tpu.memory_space<vmem>>, vector<16xf32>,
        %mul3A_349 = arith.mulf %get3A_348, %gather3A : vector<16xf32>
        %add3A_350 = arith.addf %scan3A_307, %mul3A_349 : vector<16xf32>
        %get3A_351 = arith.index_cast %scan3A_302 : i32 to index
        %get3A_352 = arith.constant 80 : index
        %get3A_353 = tpu.vector_load %arg11[%get3A_351, %get3A_352] {strides = array<i32>} : memref<64x256xf32, #tpu.memory_space<vmem>>, vector<16xf32>,
        %mul3A_354 = arith.mulf %get3A_353, %gather3A : vector<16xf32>
        %add3A_355 = arith.addf %scan3A_308, %mul3A_354 : vector<16xf32>
        %get3A_356 = arith.index_cast %scan3A_302 : i32 to index
        %get3A_357 = arith.constant 96 : index
        %get3A_358 = tpu.vector_load %arg11[%get3A_356, %get3A_357] {strides = array<i32>} : memref<64x256xf32, #tpu.memory_space<vmem>>, vector<16xf32>,
        %mul3A_359 = arith.mulf %get3A_358, %gather3A : vector<16xf32>
        %add3A_360 = arith.addf %scan3A_309, %mul3A_359 : vector<16xf32>
        %get3A_361 = arith.index_cast %scan3A_302 : i32 to index
        %get3A_362 = arith.constant 112 : index
        %get3A_363 = tpu.vector_load %arg11[%get3A_361, %get3A_362] {strides = array<i32>} : memref<64x256xf32, #tpu.memory_space<vmem>>, vector<16xf32>,
        %mul3A_364 = arith.mulf %get3A_363, %gather3A : vector<16xf32>
        %add3A_365 = arith.addf %scan3A_310, %mul3A_364 : vector<16xf32>
        %get3A_366 = arith.index_cast %scan3A_302 : i32 to index
        %get3A_367 = arith.constant 128 : index
        %get3A_368 = tpu.vector_load %arg11[%get3A_366, %get3A_367] {strides = array<i32>} : memref<64x256xf32, #tpu.memory_space<vmem>>, vector<16xf32>,
        %mul3A_369 = arith.mulf %get3A_368, %gather3A : vector<16xf32>
        %add3A_370 = arith.addf %scan3A_311, %mul3A_369 : vector<16xf32>
        %get3A_371 = arith.index_cast %scan3A_302 : i32 to index
        %get3A_372 = arith.constant 144 : index
        %get3A_373 = tpu.vector_load %arg11[%get3A_371, %get3A_372] {strides = array<i32>} : memref<64x256xf32, #tpu.memory_space<vmem>>, vector<16xf32>,
        %mul3A_374 = arith.mulf %get3A_373, %gather3A : vector<16xf32>
        %add3A_375 = arith.addf %scan3A_312, %mul3A_374 : vector<16xf32>
        %get3A_376 = arith.index_cast %scan3A_302 : i32 to index
        %get3A_377 = arith.constant 160 : index
        %get3A_378 = tpu.vector_load %arg11[%get3A_376, %get3A_377] {strides = array<i32>} : memref<64x256xf32, #tpu.memory_space<vmem>>, vector<16xf32>,
        %mul3A_379 = arith.mulf %get3A_378, %gather3A : vector<16xf32>
        %add3A_380 = arith.addf %scan3A_313, %mul3A_379 : vector<16xf32>
        %get3A_381 = arith.index_cast %scan3A_302 : i32 to index
        %get3A_382 = arith.constant 176 : index
        %get3A_383 = tpu.vector_load %arg11[%get3A_381, %get3A_382] {strides = array<i32>} : memref<64x256xf32, #tpu.memory_space<vmem>>, vector<16xf32>,
        %mul3A_384 = arith.mulf %get3A_383, %gather3A : vector<16xf32>
        %add3A_385 = arith.addf %scan3A_314, %mul3A_384 : vector<16xf32>
        %get3A_386 = arith.index_cast %scan3A_302 : i32 to index
        %get3A_387 = arith.constant 192 : index
        %get3A_388 = tpu.vector_load %arg11[%get3A_386, %get3A_387] {strides = array<i32>} : memref<64x256xf32, #tpu.memory_space<vmem>>, vector<16xf32>,
        %mul3A_389 = arith.mulf %get3A_388, %gather3A : vector<16xf32>
        %add3A_390 = arith.addf %scan3A_315, %mul3A_389 : vector<16xf32>
        %get3A_391 = arith.index_cast %scan3A_302 : i32 to index
        %get3A_392 = arith.constant 208 : index
        %get3A_393 = tpu.vector_load %arg11[%get3A_391, %get3A_392] {strides = array<i32>} : memref<64x256xf32, #tpu.memory_space<vmem>>, vector<16xf32>,
        %mul3A_394 = arith.mulf %get3A_393, %gather3A : vector<16xf32>
        %add3A_395 = arith.addf %scan3A_316, %mul3A_394 : vector<16xf32>
        %get3A_396 = arith.index_cast %scan3A_302 : i32 to index
        %get3A_397 = arith.constant 224 : index
        %get3A_398 = tpu.vector_load %arg11[%get3A_396, %get3A_397] {strides = array<i32>} : memref<64x256xf32, #tpu.memory_space<vmem>>, vector<16xf32>,
        %mul3A_399 = arith.mulf %get3A_398, %gather3A : vector<16xf32>
        %add3A_400 = arith.addf %scan3A_317, %mul3A_399 : vector<16xf32>
        %get3A_401 = arith.index_cast %scan3A_302 : i32 to index
        %get3A_402 = arith.constant 240 : index
        %get3A_403 = tpu.vector_load %arg11[%get3A_401, %get3A_402] {strides = array<i32>} : memref<64x256xf32, #tpu.memory_space<vmem>>, vector<16xf32>,
        %mul3A_404 = arith.mulf %get3A_403, %gather3A : vector<16xf32>
        %add3A_405 = arith.addf %scan3A_318, %mul3A_404 : vector<16xf32>
        scf.yield %add3A_330, %add3A_335, %add3A_340, %add3A_345, %add3A_350, %add3A_355, %add3A_360, %add3A_365, %add3A_370, %add3A_375, %add3A_380, %add3A_385, %add3A_390, %add3A_395, %add3A_400, %add3A_405 : vector<16xf32>, vector<16xf32>, vector<16xf32>, vector<16xf32>, vector<16xf32>, vector<16xf32>, vector<16xf32>, vector<16xf32>, vector<16xf32>, vector<16xf32>, vector<16xf32>, vector<16xf32>, vector<16xf32>, vector<16xf32>, vector<16xf32>, vector<16xf32>
      }
      %scan3A_253 = arith.constant 64 : i32
      %swap3A_254 = arith.index_cast %select_n3A_192 : i32 to index
      %swap3A_255 = arith.constant 0 : index
      %swap3A_256 = tpu.vector_load %arg9[%swap3A_254, %swap3A_255] {strides = array<i32>} : memref<8x256xf32, #tpu.memory_space<vmem>>, vector<16xf32>,
      tpu.vector_store %arg9[%swap3A_254, %swap3A_255], %scan3A_252#0 {strides = array<i32>} : memref<8x256xf32, #tpu.memory_space<vmem>>, vector<16xf32>,
      %swap3A_257 = arith.index_cast %select_n3A_192 : i32 to index
      %swap3A_258 = arith.constant 16 : index
      %swap3A_259 = tpu.vector_load %arg9[%swap3A_257, %swap3A_258] {strides = array<i32>} : memref<8x256xf32, #tpu.memory_space<vmem>>, vector<16xf32>,
      tpu.vector_store %arg9[%swap3A_257, %swap3A_258], %scan3A_252#1 {strides = array<i32>} : memref<8x256xf32, #tpu.memory_space<vmem>>, vector<16xf32>,
      %swap3A_260 = arith.index_cast %select_n3A_192 : i32 to index
      %swap3A_261 = arith.constant 32 : index
      %swap3A_262 = tpu.vector_load %arg9[%swap3A_260, %swap3A_261] {strides = array<i32>} : memref<8x256xf32, #tpu.memory_space<vmem>>, vector<16xf32>,
      tpu.vector_store %arg9[%swap3A_260, %swap3A_261], %scan3A_252#2 {strides = array<i32>} : memref<8x256xf32, #tpu.memory_space<vmem>>, vector<16xf32>,
      %swap3A_263 = arith.index_cast %select_n3A_192 : i32 to index
      %swap3A_264 = arith.constant 48 : index
      %swap3A_265 = tpu.vector_load %arg9[%swap3A_263, %swap3A_264] {strides = array<i32>} : memref<8x256xf32, #tpu.memory_space<vmem>>, vector<16xf32>,
      tpu.vector_store %arg9[%swap3A_263, %swap3A_264], %scan3A_252#3 {strides = array<i32>} : memref<8x256xf32, #tpu.memory_space<vmem>>, vector<16xf32>,
      %swap3A_266 = arith.index_cast %select_n3A_192 : i32 to index
      %swap3A_267 = arith.constant 64 : index
      %swap3A_268 = tpu.vector_load %arg9[%swap3A_266, %swap3A_267] {strides = array<i32>} : memref<8x256xf32, #tpu.memory_space<vmem>>, vector<16xf32>,
      tpu.vector_store %arg9[%swap3A_266, %swap3A_267], %scan3A_252#4 {strides = array<i32>} : memref<8x256xf32, #tpu.memory_space<vmem>>, vector<16xf32>,
      %swap3A_269 = arith.index_cast %select_n3A_192 : i32 to index
      %swap3A_270 = arith.constant 80 : index
      %swap3A_271 = tpu.vector_load %arg9[%swap3A_269, %swap3A_270] {strides = array<i32>} : memref<8x256xf32, #tpu.memory_space<vmem>>, vector<16xf32>,
      tpu.vector_store %arg9[%swap3A_269, %swap3A_270], %scan3A_252#5 {strides = array<i32>} : memref<8x256xf32, #tpu.memory_space<vmem>>, vector<16xf32>,
      %swap3A_272 = arith.index_cast %select_n3A_192 : i32 to index
      %swap3A_273 = arith.constant 96 : index
      %swap3A_274 = tpu.vector_load %arg9[%swap3A_272, %swap3A_273] {strides = array<i32>} : memref<8x256xf32, #tpu.memory_space<vmem>>, vector<16xf32>,
      tpu.vector_store %arg9[%swap3A_272, %swap3A_273], %scan3A_252#6 {strides = array<i32>} : memref<8x256xf32, #tpu.memory_space<vmem>>, vector<16xf32>,
      %swap3A_275 = arith.index_cast %select_n3A_192 : i32 to index
      %swap3A_276 = arith.constant 112 : index
      %swap3A_277 = tpu.vector_load %arg9[%swap3A_275, %swap3A_276] {strides = array<i32>} : memref<8x256xf32, #tpu.memory_space<vmem>>, vector<16xf32>,
      tpu.vector_store %arg9[%swap3A_275, %swap3A_276], %scan3A_252#7 {strides = array<i32>} : memref<8x256xf32, #tpu.memory_space<vmem>>, vector<16xf32>,
      %swap3A_278 = arith.index_cast %select_n3A_192 : i32 to index
      %swap3A_279 = arith.constant 128 : index
      %swap3A_280 = tpu.vector_load %arg9[%swap3A_278, %swap3A_279] {strides = array<i32>} : memref<8x256xf32, #tpu.memory_space<vmem>>, vector<16xf32>,
      tpu.vector_store %arg9[%swap3A_278, %swap3A_279], %scan3A_252#8 {strides = array<i32>} : memref<8x256xf32, #tpu.memory_space<vmem>>, vector<16xf32>,
      %swap3A_281 = arith.index_cast %select_n3A_192 : i32 to index
      %swap3A_282 = arith.constant 144 : index
      %swap3A_283 = tpu.vector_load %arg9[%swap3A_281, %swap3A_282] {strides = array<i32>} : memref<8x256xf32, #tpu.memory_space<vmem>>, vector<16xf32>,
      tpu.vector_store %arg9[%swap3A_281, %swap3A_282], %scan3A_252#9 {strides = array<i32>} : memref<8x256xf32, #tpu.memory_space<vmem>>, vector<16xf32>,
      %swap3A_284 = arith.index_cast %select_n3A_192 : i32 to index
      %swap3A_285 = arith.constant 160 : index
      %swap3A_286 = tpu.vector_load %arg9[%swap3A_284, %swap3A_285] {strides = array<i32>} : memref<8x256xf32, #tpu.memory_space<vmem>>, vector<16xf32>,
      tpu.vector_store %arg9[%swap3A_284, %swap3A_285], %scan3A_252#10 {strides = array<i32>} : memref<8x256xf32, #tpu.memory_space<vmem>>, vector<16xf32>,
      %swap3A_287 = arith.index_cast %select_n3A_192 : i32 to index
      %swap3A_288 = arith.constant 176 : index
      %swap3A_289 = tpu.vector_load %arg9[%swap3A_287, %swap3A_288] {strides = array<i32>} : memref<8x256xf32, #tpu.memory_space<vmem>>, vector<16xf32>,
      tpu.vector_store %arg9[%swap3A_287, %swap3A_288], %scan3A_252#11 {strides = array<i32>} : memref<8x256xf32, #tpu.memory_space<vmem>>, vector<16xf32>,
      %swap3A_290 = arith.index_cast %select_n3A_192 : i32 to index
      %swap3A_291 = arith.constant 192 : index
      %swap3A_292 = tpu.vector_load %arg9[%swap3A_290, %swap3A_291] {strides = array<i32>} : memref<8x256xf32, #tpu.memory_space<vmem>>, vector<16xf32>,
      tpu.vector_store %arg9[%swap3A_290, %swap3A_291], %scan3A_252#12 {strides = array<i32>} : memref<8x256xf32, #tpu.memory_space<vmem>>, vector<16xf32>,
      %swap3A_293 = arith.index_cast %select_n3A_192 : i32 to index
      %swap3A_294 = arith.constant 208 : index
      %swap3A_295 = tpu.vector_load %arg9[%swap3A_293, %swap3A_294] {strides = array<i32>} : memref<8x256xf32, #tpu.memory_space<vmem>>, vector<16xf32>,
      tpu.vector_store %arg9[%swap3A_293, %swap3A_294], %scan3A_252#13 {strides = array<i32>} : memref<8x256xf32, #tpu.memory_space<vmem>>, vector<16xf32>,
      %swap3A_296 = arith.index_cast %select_n3A_192 : i32 to index
      %swap3A_297 = arith.constant 224 : index
      %swap3A_298 = tpu.vector_load %arg9[%swap3A_296, %swap3A_297] {strides = array<i32>} : memref<8x256xf32, #tpu.memory_space<vmem>>, vector<16xf32>,
      tpu.vector_store %arg9[%swap3A_296, %swap3A_297], %scan3A_252#14 {strides = array<i32>} : memref<8x256xf32, #tpu.memory_space<vmem>>, vector<16xf32>,
      %swap3A_299 = arith.index_cast %select_n3A_192 : i32 to index
      %swap3A_300 = arith.constant 240 : index
      %swap3A_301 = tpu.vector_load %arg9[%swap3A_299, %swap3A_300] {strides = array<i32>} : memref<8x256xf32, #tpu.memory_space<vmem>>, vector<16xf32>,
      tpu.vector_store %arg9[%swap3A_299, %swap3A_300], %scan3A_252#15 {strides = array<i32>} : memref<8x256xf32, #tpu.memory_space<vmem>>, vector<16xf32>,
    }
    %scan3A_14 = arith.constant 80 : i32
    "tpu.region"() ({
      %run_scoped3A = tpu.sem_alloc : memref<!tpu.dma_semaphore, #tpu.memory_space<semaphore_mem>>
      %dma_start3A_15 = arith.constant 0 : i32
      %dma_start3A_16 = tpu.memref_slice %arg6[%mul3A_2, %dma_start3A_15] : memref<256x256xf32, #tpu.memory_space<hbm>> -> memref<8x256xf32, #tpu.memory_space<hbm>>
      %dma_start3A_17 = arith.constant 0 : i32
      %dma_start3A_18 = tpu.memref_slice %arg6[%mul3A_2, %dma_start3A_17] : memref<256x256xf32, #tpu.memory_space<hbm>> -> memref<8x256xf32, #tpu.memory_space<hbm>>
      tpu.enqueue_dma source(%arg9 : memref<8x256xf32, #tpu.memory_space<vmem>>) target(%dma_start3A_18 : memref<8x256xf32, #tpu.memory_space<hbm>>) target_semaphore(%run_scoped3A : memref<!tpu.dma_semaphore, #tpu.memory_space<semaphore_mem>>)
      %dma_wait3A = arith.constant 0 : i32
      %dma_wait3A_19 = tpu.memref_slice %arg6[%mul3A_2, %dma_wait3A] : memref<256x256xf32, #tpu.memory_space<hbm>> -> memref<8x256xf32, #tpu.memory_space<hbm>>
      %dma_wait3A_20 = arith.constant 0 : i32
      %dma_wait3A_21 = tpu.memref_slice %arg6[%mul3A_2, %dma_wait3A_20] : memref<256x256xf32, #tpu.memory_space<hbm>> -> memref<8x256xf32, #tpu.memory_space<hbm>>
      tpu.wait_dma2 semaphore(%run_scoped3A : memref<!tpu.dma_semaphore, #tpu.memory_space<semaphore_mem>>) src(%arg9 : memref<8x256xf32, #tpu.memory_space<vmem>>) dst(%dma_wait3A_21 : memref<8x256xf32, #tpu.memory_space<hbm>>)
      tpu.yield
    }) : () -> ()
    return
  }
}

module attributes {stable_mosaic.version = 14 : i64} {
  func.func @_treduce_body(%arg0: i32, %arg1: i32, %arg2: memref<1x4xf32, #tpu.memory_space<smem>>, %arg3: memref<1x4x256x16x64xf32, #tpu.memory_space<vmem>>, %arg4: memref<1024x256xf32, #tpu.memory_space<vmem>>) attributes {dimension_semantics = [#tpu.dimension_semantics<arbitrary>, #tpu.dimension_semantics<arbitrary>], iteration_bounds = array<i64: 6, 4>, scalar_prefetch = 0 : i64, scratch_operands = 0 : i64, tpu.core_type = #tpu.core_type<tc>, window_params = [{transform_indices = @transform_0, window_bounds = array<i64: 1, 4>}, {transform_indices = @transform_1, window_bounds = array<i64: 1, 4, 256, 16, 64>}, {transform_indices = @transform_2, window_bounds = array<i64: 1024, 256>}]} {
    %get3A = arith.constant 0 : index
    %get3A_0 = arith.constant 0 : index
    %get3A_1 = arith.constant 0 : index
    %get3A_2 = arith.constant 0 : index
    %get3A_3 = arith.constant 0 : index
    %get3A_4 = vector.load %arg3[%get3A, %get3A_0, %get3A_1, %get3A_2, %get3A_3] : memref<1x4x256x16x64xf32, #tpu.memory_space<vmem>>, vector<1x1x256x16x64xf32>
    %get3A_5 = vector.shape_cast %get3A_4 : vector<1x1x256x16x64xf32> to vector<256x16x64xf32>
    %get3A_6 = arith.constant 0 : index
    %get3A_7 = arith.constant 0 : index
    %get3A_8 = memref.load %arg2[%get3A_6, %get3A_7] : memref<1x4xf32, #tpu.memory_space<smem>>
    %mul3A = vector.broadcast %get3A_8 : f32 to vector<256x16x64xf32>
    %mul3A_9 = arith.mulf %get3A_5, %mul3A : vector<256x16x64xf32>
    %get3A_10 = arith.constant 0 : index
    %get3A_11 = arith.constant 1 : index
    %get3A_12 = arith.constant 0 : index
    %get3A_13 = arith.constant 0 : index
    %get3A_14 = arith.constant 0 : index
    %get3A_15 = vector.load %arg3[%get3A_10, %get3A_11, %get3A_12, %get3A_13, %get3A_14] : memref<1x4x256x16x64xf32, #tpu.memory_space<vmem>>, vector<1x1x256x16x64xf32>
    %get3A_16 = vector.shape_cast %get3A_15 : vector<1x1x256x16x64xf32> to vector<256x16x64xf32>
    %get3A_17 = arith.constant 0 : index
    %get3A_18 = arith.constant 1 : index
    %get3A_19 = memref.load %arg2[%get3A_17, %get3A_18] : memref<1x4xf32, #tpu.memory_space<smem>>
    %mul3A_20 = vector.broadcast %get3A_19 : f32 to vector<256x16x64xf32>
    %mul3A_21 = arith.mulf %get3A_16, %mul3A_20 : vector<256x16x64xf32>
    %add3A = arith.addf %mul3A_9, %mul3A_21 : vector<256x16x64xf32>
    %get3A_22 = arith.constant 0 : index
    %get3A_23 = arith.constant 2 : index
    %get3A_24 = arith.constant 0 : index
    %get3A_25 = arith.constant 0 : index
    %get3A_26 = arith.constant 0 : index
    %get3A_27 = vector.load %arg3[%get3A_22, %get3A_23, %get3A_24, %get3A_25, %get3A_26] : memref<1x4x256x16x64xf32, #tpu.memory_space<vmem>>, vector<1x1x256x16x64xf32>
    %get3A_28 = vector.shape_cast %get3A_27 : vector<1x1x256x16x64xf32> to vector<256x16x64xf32>
    %get3A_29 = arith.constant 0 : index
    %get3A_30 = arith.constant 2 : index
    %get3A_31 = memref.load %arg2[%get3A_29, %get3A_30] : memref<1x4xf32, #tpu.memory_space<smem>>
    %mul3A_32 = vector.broadcast %get3A_31 : f32 to vector<256x16x64xf32>
    %mul3A_33 = arith.mulf %get3A_28, %mul3A_32 : vector<256x16x64xf32>
    %add3A_34 = arith.addf %add3A, %mul3A_33 : vector<256x16x64xf32>
    %get3A_35 = arith.constant 0 : index
    %get3A_36 = arith.constant 3 : index
    %get3A_37 = arith.constant 0 : index
    %get3A_38 = arith.constant 0 : index
    %get3A_39 = arith.constant 0 : index
    %get3A_40 = vector.load %arg3[%get3A_35, %get3A_36, %get3A_37, %get3A_38, %get3A_39] : memref<1x4x256x16x64xf32, #tpu.memory_space<vmem>>, vector<1x1x256x16x64xf32>
    %get3A_41 = vector.shape_cast %get3A_40 : vector<1x1x256x16x64xf32> to vector<256x16x64xf32>
    %get3A_42 = arith.constant 0 : index
    %get3A_43 = arith.constant 3 : index
    %get3A_44 = memref.load %arg2[%get3A_42, %get3A_43] : memref<1x4xf32, #tpu.memory_space<smem>>
    %mul3A_45 = vector.broadcast %get3A_44 : f32 to vector<256x16x64xf32>
    %mul3A_46 = arith.mulf %get3A_41, %mul3A_45 : vector<256x16x64xf32>
    %add3A_47 = arith.addf %add3A_34, %mul3A_46 : vector<256x16x64xf32>
    %reshape3A = vector.shape_cast %add3A_47 : vector<256x16x64xf32> to vector<256x1024xf32>
    %transpose3A = tpu.transpose %reshape3A, [1, 0] : vector<256x1024xf32> -> vector<1024x256xf32>
    %swap3A = arith.constant 0 : index
    %swap3A_48 = arith.constant 0 : index
    %swap3A_49 = vector.load %arg4[%swap3A, %swap3A_48] : memref<1024x256xf32, #tpu.memory_space<vmem>>, vector<1024x256xf32>
    tpu.vector_store %arg4[%swap3A, %swap3A_48], %transpose3A {strides = array<i32>} : memref<1024x256xf32, #tpu.memory_space<vmem>>, vector<1024x256xf32>,
    return
  }
  func.func @transform_0(%arg0: i32, %arg1: i32) -> (i32, i32) {
    %c0_i32 = arith.constant 0 : i32
    %c0_i32_0 = arith.constant 0 : i32
    %c0_i32_1 = arith.constant 0 : i32
    return %c0_i32, %c0_i32_0 : i32, i32
  }
  func.func @transform_1(%arg0: i32, %arg1: i32) -> (i32, i32, i32, i32, i32) {
    %c0_i32 = arith.constant 0 : i32
    %c0_i32_0 = arith.constant 0 : i32
    %c0_i32_1 = arith.constant 0 : i32
    %c0_i32_2 = arith.constant 0 : i32
    return %arg0, %c0_i32, %c0_i32_0, %arg1, %c0_i32_1 : i32, i32, i32, i32, i32
  }
  func.func @transform_2(%arg0: i32, %arg1: i32) -> (i32, i32) {
    %mul3A = arith.constant 4 : i32
    %mul3A_0 = arith.muli %arg0, %mul3A : i32
    %add3A = arith.addi %mul3A_0, %arg1 : i32
    %c0_i32 = arith.constant 0 : i32
    %c0_i32_1 = arith.constant 0 : i32
    return %add3A, %c0_i32 : i32, i32
  }
}

module attributes {stable_mosaic.version = 14 : i64} {
  func.func @_prep_body(%arg0: memref<1x256x11xf32, #tpu.memory_space<vmem>>, %arg1: memref<1x256x256xf32, #tpu.memory_space<vmem>>, %arg2: memref<1x256x256xf32, #tpu.memory_space<vmem>>, %arg3: memref<1x6x18xf32, #tpu.memory_space<smem>>, %arg4: memref<1x4x10xf32, #tpu.memory_space<smem>>, %arg5: memref<256x24xf32, #tpu.memory_space<vmem>>, %arg6: memref<1x24xf32, #tpu.memory_space<vmem>>, %arg7: memref<256x306xf32, #tpu.memory_space<vmem>>, %arg8: memref<1x306xf32, #tpu.memory_space<vmem>>, %arg9: memref<3x9xf32, #tpu.memory_space<vmem>>, %arg10: memref<6x256x17xf32, #tpu.memory_space<vmem>>, %arg11: memref<6x256x17xf32, #tpu.memory_space<vmem>>, %arg12: memref<256x1280xi32, #tpu.memory_space<vmem>>, %arg13: memref<256x1280xf32, #tpu.memory_space<vmem>>, %arg14: memref<1x4xf32, #tpu.memory_space<vmem>>) attributes {dimension_semantics = [], scalar_prefetch = 0 : i64, scratch_operands = 0 : i64, tpu.core_type = #tpu.core_type<tc>} {
    %get3A = arith.constant 0 : index
    %get3A_0 = arith.constant 0 : index
    %get3A_1 = arith.constant 0 : index
    %get3A_2 = vector.load %arg1[%get3A, %get3A_0, %get3A_1] : memref<1x256x256xf32, #tpu.memory_space<vmem>>, vector<1x256x256xf32>
    %get3A_3 = vector.shape_cast %get3A_2 : vector<1x256x256xf32> to vector<256x256xf32>
    %get3A_4 = arith.constant 0 : index
    %get3A_5 = arith.constant 0 : index
    %get3A_6 = arith.constant 0 : index
    %get3A_7 = vector.load %arg2[%get3A_4, %get3A_5, %get3A_6] : memref<1x256x256xf32, #tpu.memory_space<vmem>>, vector<1x256x256xf32>
    %get3A_8 = vector.shape_cast %get3A_7 : vector<1x256x256xf32> to vector<256x256xf32>
    %add3A = arith.addf %get3A_3, %get3A_8 : vector<256x256xf32>
    %convert_element_type3A = arith.truncf %add3A : vector<256x256xf32> to vector<256x256xbf16>
    %get3A_9 = arith.constant 0 : index
    %get3A_10 = arith.constant 0 : index
    %get3A_11 = vector.load %arg5[%get3A_9, %get3A_10] : memref<256x24xf32, #tpu.memory_space<vmem>>, vector<256x24xf32>
    %convert_element_type3A_12 = arith.truncf %get3A_11 : vector<256x24xf32> to vector<256x24xbf16>
    %dot_general3A = arith.constant dense<0.000000e+00> : vector<256x24xf32>
    %dot_general3A_13 = tpu.matmul %convert_element_type3A, %convert_element_type3A_12, %dot_general3A {dimension_numbers = #tpu.dot_dimension_numbers<[1], [0], [0], [1], [0, 0, 1, 1], [], []>, transpose_lhs_hint = false} : vector<256x256xbf16>, vector<256x24xbf16>, vector<256x24xf32> -> vector<256x24xf32>
    %get3A_14 = arith.constant 0 : index
    %get3A_15 = arith.constant 0 : index
    %get3A_16 = vector.load %arg6[%get3A_14, %get3A_15] : memref<1x24xf32, #tpu.memory_space<vmem>>, vector<1x24xf32>
    %get3A_17 = vector.shape_cast %get3A_16 : vector<1x24xf32> to vector<24xf32>
    %broadcast_in_dim3A = vector.shape_cast %get3A_17 : vector<24xf32> to vector<1x24xf32>
    %add3A_18 = vector.broadcast %broadcast_in_dim3A : vector<1x24xf32> to vector<256x24xf32>
    %add3A_19 = arith.addf %dot_general3A_13, %add3A_18 : vector<256x24xf32>
    %tanh3A = math.tanh %add3A_19 : vector<256x24xf32>
    %mul3A = arith.constant 3.000000e+00 : f32
    %mul3A_20 = vector.broadcast %mul3A : f32 to vector<256x24xf32>
    %mul3A_21 = arith.mulf %tanh3A, %mul3A_20 : vector<256x24xf32>
    %get3A_22 = arith.constant 0 : index
    %get3A_23 = arith.constant 0 : index
    %get3A_24 = vector.load %arg7[%get3A_22, %get3A_23] : memref<256x306xf32, #tpu.memory_space<vmem>>, vector<256x306xf32>
    %convert_element_type3A_25 = arith.truncf %get3A_24 : vector<256x306xf32> to vector<256x306xbf16>
    %dot_general3A_26 = arith.constant dense<0.000000e+00> : vector<256x306xf32>
    %dot_general3A_27 = tpu.matmul %convert_element_type3A, %convert_element_type3A_25, %dot_general3A_26 {dimension_numbers = #tpu.dot_dimension_numbers<[1], [0], [0], [1], [0, 0, 1, 1], [], []>, transpose_lhs_hint = false} : vector<256x256xbf16>, vector<256x306xbf16>, vector<256x306xf32> -> vector<256x306xf32>
    %get3A_28 = arith.constant 0 : index
    %get3A_29 = arith.constant 0 : index
    %get3A_30 = vector.load %arg8[%get3A_28, %get3A_29] : memref<1x306xf32, #tpu.memory_space<vmem>>, vector<1x306xf32>
    %get3A_31 = vector.shape_cast %get3A_30 : vector<1x306xf32> to vector<306xf32>
    %broadcast_in_dim3A_32 = vector.shape_cast %get3A_31 : vector<306xf32> to vector<1x306xf32>
    %add3A_33 = vector.broadcast %broadcast_in_dim3A_32 : vector<1x306xf32> to vector<256x306xf32>
    %add3A_34 = arith.addf %dot_general3A_27, %add3A_33 : vector<256x306xf32>
    %logistic3A = arith.negf %add3A_34 : vector<256x306xf32>
    %logistic3A_35 = math.exp %logistic3A : vector<256x306xf32>
    %logistic3A_36 = arith.constant 1.000000e+00 : f32
    %logistic3A_37 = vector.broadcast %logistic3A_36 : f32 to vector<256x306xf32>
    %logistic3A_38 = arith.addf %logistic3A_37, %logistic3A_35 : vector<256x306xf32>
    %logistic3A_39 = arith.divf %logistic3A_37, %logistic3A_38 : vector<256x306xf32>
    %get3A_40 = arith.constant 0 : index
    %get3A_41 = arith.constant 0 : index
    %get3A_42 = arith.constant 0 : index
    %get3A_43 = vector.load %arg0[%get3A_40, %get3A_41, %get3A_42] : memref<1x256x11xf32, #tpu.memory_space<vmem>>, vector<1x256x11xf32>
    %get3A_44 = vector.shape_cast %get3A_43 : vector<1x256x11xf32> to vector<256x11xf32>
    %slice3A = vector.extract_strided_slice %get3A_44 {offsets = [0, 0], sizes = [256, 1], strides = [1, 1]} : vector<256x11xf32> to vector<256x1xf32>
    %slice3A_45 = vector.extract_strided_slice %get3A_44 {offsets = [0, 1], sizes = [256, 1], strides = [1, 1]} : vector<256x11xf32> to vector<256x1xf32>
    %slice3A_46 = vector.extract_strided_slice %get3A_44 {offsets = [0, 2], sizes = [256, 1], strides = [1, 1]} : vector<256x11xf32> to vector<256x1xf32>
    %slice3A_47 = vector.extract_strided_slice %get3A_44 {offsets = [0, 3], sizes = [256, 1], strides = [1, 1]} : vector<256x11xf32> to vector<256x1xf32>
    %abs3A = math.absf %slice3A_47 : vector<256x1xf32>
    %slice3A_48 = vector.extract_strided_slice %get3A_44 {offsets = [0, 4], sizes = [256, 1], strides = [1, 1]} : vector<256x11xf32> to vector<256x1xf32>
    %abs3A_49 = math.absf %slice3A_48 : vector<256x1xf32>
    %slice3A_50 = vector.extract_strided_slice %get3A_44 {offsets = [0, 5], sizes = [256, 1], strides = [1, 1]} : vector<256x11xf32> to vector<256x1xf32>
    %abs3A_51 = math.absf %slice3A_50 : vector<256x1xf32>
    %slice3A_52 = vector.extract_strided_slice %get3A_44 {offsets = [0, 6], sizes = [256, 1], strides = [1, 1]} : vector<256x11xf32> to vector<256x1xf32>
    %slice3A_53 = vector.extract_strided_slice %get3A_44 {offsets = [0, 7], sizes = [256, 1], strides = [1, 1]} : vector<256x11xf32> to vector<256x1xf32>
    %get3A_54 = arith.constant 0 : index
    %get3A_55 = arith.constant 0 : index
    %get3A_56 = vector.load %arg9[%get3A_54, %get3A_55] : memref<3x9xf32, #tpu.memory_space<vmem>>, vector<1x9xf32>
    %broadcast_in_dim3A_57 = vector.shape_cast %get3A_56 : vector<1x9xf32> to vector<1x9xf32>
    %broadcast_in_dim3A_58 = vector.broadcast %broadcast_in_dim3A_57 : vector<1x9xf32> to vector<256x9xf32>
    %slice3A_59 = vector.extract_strided_slice %mul3A_21 {offsets = [0, 0], sizes = [256, 8], strides = [1, 1]} : vector<256x24xf32> to vector<256x8xf32>
    %concatenate3A = tpu.concatenate %broadcast_in_dim3A_58, %slice3A_59 in 1 : vector<256x9xf32>, vector<256x8xf32> -> vector<256x17xf32>
    %get3A_60 = arith.constant 1 : index
    %get3A_61 = arith.constant 0 : index
    %get3A_62 = vector.load %arg9[%get3A_60, %get3A_61] : memref<3x9xf32, #tpu.memory_space<vmem>>, vector<1x9xf32>
    %broadcast_in_dim3A_63 = vector.shape_cast %get3A_62 : vector<1x9xf32> to vector<1x9xf32>
    %broadcast_in_dim3A_64 = vector.broadcast %broadcast_in_dim3A_63 : vector<1x9xf32> to vector<256x9xf32>
    %slice3A_65 = vector.extract_strided_slice %mul3A_21 {offsets = [0, 8], sizes = [256, 8], strides = [1, 1]} : vector<256x24xf32> to vector<256x8xf32>
    %concatenate3A_66 = tpu.concatenate %broadcast_in_dim3A_64, %slice3A_65 in 1 : vector<256x9xf32>, vector<256x8xf32> -> vector<256x17xf32>
    %get3A_67 = arith.constant 2 : index
    %get3A_68 = arith.constant 0 : index
    %get3A_69 = vector.load %arg9[%get3A_67, %get3A_68] : memref<3x9xf32, #tpu.memory_space<vmem>>, vector<1x9xf32>
    %broadcast_in_dim3A_70 = vector.shape_cast %get3A_69 : vector<1x9xf32> to vector<1x9xf32>
    %broadcast_in_dim3A_71 = vector.broadcast %broadcast_in_dim3A_70 : vector<1x9xf32> to vector<256x9xf32>
    %slice3A_72 = vector.extract_strided_slice %mul3A_21 {offsets = [0, 16], sizes = [256, 8], strides = [1, 1]} : vector<256x24xf32> to vector<256x8xf32>
    %concatenate3A_73 = tpu.concatenate %broadcast_in_dim3A_71, %slice3A_72 in 1 : vector<256x9xf32>, vector<256x8xf32> -> vector<256x17xf32>
    %mul3A_74 = vector.broadcast %abs3A : vector<256x1xf32> to vector<256x17xf32>
    %mul3A_75 = arith.mulf %concatenate3A, %mul3A_74 : vector<256x17xf32>
    %mul3A_76 = vector.broadcast %abs3A_49 : vector<256x1xf32> to vector<256x17xf32>
    %mul3A_77 = arith.mulf %concatenate3A_66, %mul3A_76 : vector<256x17xf32>
    %mul3A_78 = vector.broadcast %abs3A_51 : vector<256x1xf32> to vector<256x17xf32>
    %mul3A_79 = arith.mulf %concatenate3A_73, %mul3A_78 : vector<256x17xf32>
    %mul3A_80 = vector.broadcast %slice3A_52 : vector<256x1xf32> to vector<256x17xf32>
    %mul3A_81 = arith.mulf %mul3A_80, %mul3A_75 : vector<256x17xf32>
    %mul3A_82 = vector.broadcast %slice3A_53 : vector<256x1xf32> to vector<256x17xf32>
    %mul3A_83 = arith.mulf %mul3A_82, %mul3A_77 : vector<256x17xf32>
    %sub3A = arith.subf %mul3A_81, %mul3A_83 : vector<256x17xf32>
    %add3A_84 = vector.broadcast %slice3A : vector<256x1xf32> to vector<256x17xf32>
    %add3A_85 = arith.addf %sub3A, %add3A_84 : vector<256x17xf32>
    %mul3A_86 = vector.broadcast %slice3A_53 : vector<256x1xf32> to vector<256x17xf32>
    %mul3A_87 = arith.mulf %mul3A_86, %mul3A_75 : vector<256x17xf32>
    %mul3A_88 = vector.broadcast %slice3A_52 : vector<256x1xf32> to vector<256x17xf32>
    %mul3A_89 = arith.mulf %mul3A_88, %mul3A_77 : vector<256x17xf32>
    %add3A_90 = arith.addf %mul3A_87, %mul3A_89 : vector<256x17xf32>
    %add3A_91 = vector.broadcast %slice3A_45 : vector<256x1xf32> to vector<256x17xf32>
    %add3A_92 = arith.addf %add3A_90, %add3A_91 : vector<256x17xf32>
    %add3A_93 = vector.broadcast %slice3A_46 : vector<256x1xf32> to vector<256x17xf32>
    %add3A_94 = arith.addf %mul3A_79, %add3A_93 : vector<256x17xf32>
    %get3A_95 = arith.constant 0 : index
    %get3A_96 = arith.constant 0 : index
    %get3A_97 = arith.constant 0 : index
    %get3A_98 = memref.load %arg3[%get3A_95, %get3A_96, %get3A_97] : memref<1x6x18xf32, #tpu.memory_space<smem>>
    %get3A_99 = arith.constant 0 : index
    %get3A_100 = arith.constant 0 : index
    %get3A_101 = arith.constant 1 : index
    %get3A_102 = memref.load %arg3[%get3A_99, %get3A_100, %get3A_101] : memref<1x6x18xf32, #tpu.memory_space<smem>>
    %get3A_103 = arith.constant 0 : index
    %get3A_104 = arith.constant 0 : index
    %get3A_105 = arith.constant 2 : index
    %get3A_106 = memref.load %arg3[%get3A_103, %get3A_104, %get3A_105] : memref<1x6x18xf32, #tpu.memory_space<smem>>
    %get3A_107 = arith.constant 0 : index
    %get3A_108 = arith.constant 0 : index
    %get3A_109 = arith.constant 3 : index
    %get3A_110 = memref.load %arg3[%get3A_107, %get3A_108, %get3A_109] : memref<1x6x18xf32, #tpu.memory_space<smem>>
    %get3A_111 = arith.constant 0 : index
    %get3A_112 = arith.constant 0 : index
    %get3A_113 = arith.constant 4 : index
    %get3A_114 = memref.load %arg3[%get3A_111, %get3A_112, %get3A_113] : memref<1x6x18xf32, #tpu.memory_space<smem>>
    %get3A_115 = arith.constant 0 : index
    %get3A_116 = arith.constant 0 : index
    %get3A_117 = arith.constant 5 : index
    %get3A_118 = memref.load %arg3[%get3A_115, %get3A_116, %get3A_117] : memref<1x6x18xf32, #tpu.memory_space<smem>>
    %get3A_119 = arith.constant 0 : index
    %get3A_120 = arith.constant 0 : index
    %get3A_121 = arith.constant 6 : index
    %get3A_122 = memref.load %arg3[%get3A_119, %get3A_120, %get3A_121] : memref<1x6x18xf32, #tpu.memory_space<smem>>
    %sub3A_123 = vector.broadcast %get3A_114 : f32 to vector<256x17xf32>
    %sub3A_124 = arith.subf %add3A_85, %sub3A_123 : vector<256x17xf32>
    %convert_element_type3A_125 = arith.truncf %sub3A_124 : vector<256x17xf32> to vector<256x17xbf16>
    %convert_element_type3A_126 = arith.extf %convert_element_type3A_125 : vector<256x17xbf16> to vector<256x17xf32>
    %sub3A_127 = vector.broadcast %get3A_118 : f32 to vector<256x17xf32>
    %sub3A_128 = arith.subf %add3A_92, %sub3A_127 : vector<256x17xf32>
    %convert_element_type3A_129 = arith.truncf %sub3A_128 : vector<256x17xf32> to vector<256x17xbf16>
    %convert_element_type3A_130 = arith.extf %convert_element_type3A_129 : vector<256x17xbf16> to vector<256x17xf32>
    %sub3A_131 = vector.broadcast %get3A_122 : f32 to vector<256x17xf32>
    %sub3A_132 = arith.subf %add3A_94, %sub3A_131 : vector<256x17xf32>
    %convert_element_type3A_133 = arith.truncf %sub3A_132 : vector<256x17xf32> to vector<256x17xbf16>
    %convert_element_type3A_134 = arith.extf %convert_element_type3A_133 : vector<256x17xbf16> to vector<256x17xf32>
    %get3A_135 = arith.constant 0 : index
    %get3A_136 = arith.constant 0 : index
    %get3A_137 = arith.constant 7 : index
    %get3A_138 = memref.load %arg3[%get3A_135, %get3A_136, %get3A_137] : memref<1x6x18xf32, #tpu.memory_space<smem>>
    %convert_element_type3A_139 = arith.truncf %get3A_138 : f32 to bf16
    %convert_element_type3A_140 = arith.extf %convert_element_type3A_139 : bf16 to f32
    %get3A_141 = arith.constant 0 : index
    %get3A_142 = arith.constant 0 : index
    %get3A_143 = arith.constant 8 : index
    %get3A_144 = memref.load %arg3[%get3A_141, %get3A_142, %get3A_143] : memref<1x6x18xf32, #tpu.memory_space<smem>>
    %convert_element_type3A_145 = arith.truncf %get3A_144 : f32 to bf16
    %convert_element_type3A_146 = arith.extf %convert_element_type3A_145 : bf16 to f32
    %get3A_147 = arith.constant 0 : index
    %get3A_148 = arith.constant 0 : index
    %get3A_149 = arith.constant 9 : index
    %get3A_150 = memref.load %arg3[%get3A_147, %get3A_148, %get3A_149] : memref<1x6x18xf32, #tpu.memory_space<smem>>
    %convert_element_type3A_151 = arith.truncf %get3A_150 : f32 to bf16
    %convert_element_type3A_152 = arith.extf %convert_element_type3A_151 : bf16 to f32
    %get3A_153 = arith.constant 0 : index
    %get3A_154 = arith.constant 0 : index
    %get3A_155 = arith.constant 10 : index
    %get3A_156 = memref.load %arg3[%get3A_153, %get3A_154, %get3A_155] : memref<1x6x18xf32, #tpu.memory_space<smem>>
    %convert_element_type3A_157 = arith.truncf %get3A_156 : f32 to bf16
    %convert_element_type3A_158 = arith.extf %convert_element_type3A_157 : bf16 to f32
    %get3A_159 = arith.constant 0 : index
    %get3A_160 = arith.constant 0 : index
    %get3A_161 = arith.constant 11 : index
    %get3A_162 = memref.load %arg3[%get3A_159, %get3A_160, %get3A_161] : memref<1x6x18xf32, #tpu.memory_space<smem>>
    %convert_element_type3A_163 = arith.truncf %get3A_162 : f32 to bf16
    %convert_element_type3A_164 = arith.extf %convert_element_type3A_163 : bf16 to f32
    %get3A_165 = arith.constant 0 : index
    %get3A_166 = arith.constant 0 : index
    %get3A_167 = arith.constant 12 : index
    %get3A_168 = memref.load %arg3[%get3A_165, %get3A_166, %get3A_167] : memref<1x6x18xf32, #tpu.memory_space<smem>>
    %convert_element_type3A_169 = arith.truncf %get3A_168 : f32 to bf16
    %convert_element_type3A_170 = arith.extf %convert_element_type3A_169 : bf16 to f32
    %get3A_171 = arith.constant 0 : index
    %get3A_172 = arith.constant 0 : index
    %get3A_173 = arith.constant 13 : index
    %get3A_174 = memref.load %arg3[%get3A_171, %get3A_172, %get3A_173] : memref<1x6x18xf32, #tpu.memory_space<smem>>
    %convert_element_type3A_175 = arith.truncf %get3A_174 : f32 to bf16
    %convert_element_type3A_176 = arith.extf %convert_element_type3A_175 : bf16 to f32
    %get3A_177 = arith.constant 0 : index
    %get3A_178 = arith.constant 0 : index
    %get3A_179 = arith.constant 14 : index
    %get3A_180 = memref.load %arg3[%get3A_177, %get3A_178, %get3A_179] : memref<1x6x18xf32, #tpu.memory_space<smem>>
    %convert_element_type3A_181 = arith.truncf %get3A_180 : f32 to bf16
    %convert_element_type3A_182 = arith.extf %convert_element_type3A_181 : bf16 to f32
    %get3A_183 = arith.constant 0 : index
    %get3A_184 = arith.constant 0 : index
    %get3A_185 = arith.constant 15 : index
    %get3A_186 = memref.load %arg3[%get3A_183, %get3A_184, %get3A_185] : memref<1x6x18xf32, #tpu.memory_space<smem>>
    %convert_element_type3A_187 = arith.truncf %get3A_186 : f32 to bf16
    %convert_element_type3A_188 = arith.extf %convert_element_type3A_187 : bf16 to f32
    %mul3A_189 = vector.broadcast %convert_element_type3A_140 : f32 to vector<256x17xf32>
    %mul3A_190 = arith.mulf %mul3A_189, %convert_element_type3A_126 : vector<256x17xf32>
    %mul3A_191 = vector.broadcast %convert_element_type3A_146 : f32 to vector<256x17xf32>
    %mul3A_192 = arith.mulf %mul3A_191, %convert_element_type3A_130 : vector<256x17xf32>
    %add3A_193 = arith.addf %mul3A_190, %mul3A_192 : vector<256x17xf32>
    %mul3A_194 = vector.broadcast %convert_element_type3A_152 : f32 to vector<256x17xf32>
    %mul3A_195 = arith.mulf %mul3A_194, %convert_element_type3A_134 : vector<256x17xf32>
    %add3A_196 = arith.addf %add3A_193, %mul3A_195 : vector<256x17xf32>
    %mul3A_197 = vector.broadcast %convert_element_type3A_158 : f32 to vector<256x17xf32>
    %mul3A_198 = arith.mulf %mul3A_197, %convert_element_type3A_126 : vector<256x17xf32>
    %mul3A_199 = vector.broadcast %convert_element_type3A_164 : f32 to vector<256x17xf32>
    %mul3A_200 = arith.mulf %mul3A_199, %convert_element_type3A_130 : vector<256x17xf32>
    %add3A_201 = arith.addf %mul3A_198, %mul3A_200 : vector<256x17xf32>
    %mul3A_202 = vector.broadcast %convert_element_type3A_170 : f32 to vector<256x17xf32>
    %mul3A_203 = arith.mulf %mul3A_202, %convert_element_type3A_134 : vector<256x17xf32>
    %add3A_204 = arith.addf %add3A_201, %mul3A_203 : vector<256x17xf32>
    %mul3A_205 = vector.broadcast %convert_element_type3A_176 : f32 to vector<256x17xf32>
    %mul3A_206 = arith.mulf %mul3A_205, %convert_element_type3A_126 : vector<256x17xf32>
    %mul3A_207 = vector.broadcast %convert_element_type3A_182 : f32 to vector<256x17xf32>
    %mul3A_208 = arith.mulf %mul3A_207, %convert_element_type3A_130 : vector<256x17xf32>
    %add3A_209 = arith.addf %mul3A_206, %mul3A_208 : vector<256x17xf32>
    %mul3A_210 = vector.broadcast %convert_element_type3A_188 : f32 to vector<256x17xf32>
    %mul3A_211 = arith.mulf %mul3A_210, %convert_element_type3A_134 : vector<256x17xf32>
    %add3A_212 = arith.addf %add3A_209, %mul3A_211 : vector<256x17xf32>
    %abs3A_213 = math.absf %add3A_212 : vector<256x17xf32>
    %gt3A = arith.constant 1.000000e-03 : f32
    %gt3A_214 = vector.broadcast %gt3A : f32 to vector<256x17xf32>
    %gt3A_215 = arith.cmpf ogt, %abs3A_213, %gt3A_214 : vector<256x17xf32>
    %jit3A = arith.constant 1.000000e-03 : f32
    %broadcast_in_dim3A_216 = vector.broadcast %jit3A : f32 to vector<256x17xf32>
    %select_n3A = arith.select %gt3A_215, %add3A_212, %broadcast_in_dim3A_216 : vector<256x17xi1>, vector<256x17xf32>
    %mul3A_217 = vector.broadcast %get3A_98 : f32 to vector<256x17xf32>
    %mul3A_218 = arith.mulf %mul3A_217, %add3A_196 : vector<256x17xf32>
    %div3A = arith.divf %mul3A_218, %select_n3A : vector<256x17xf32>
    %add3A_219 = vector.broadcast %get3A_106 : f32 to vector<256x17xf32>
    %add3A_220 = arith.addf %div3A, %add3A_219 : vector<256x17xf32>
    %logistic3A_221 = arith.negf %add3A_220 : vector<256x17xf32>
    %logistic3A_222 = math.exp %logistic3A_221 : vector<256x17xf32>
    %logistic3A_223 = arith.constant 1.000000e+00 : f32
    %logistic3A_224 = vector.broadcast %logistic3A_223 : f32 to vector<256x17xf32>
    %logistic3A_225 = arith.addf %logistic3A_224, %logistic3A_222 : vector<256x17xf32>
    %logistic3A_226 = arith.divf %logistic3A_224, %logistic3A_225 : vector<256x17xf32>
    %mul3A_227 = vector.broadcast %get3A_102 : f32 to vector<256x17xf32>
    %mul3A_228 = arith.mulf %mul3A_227, %add3A_204 : vector<256x17xf32>
    %div3A_229 = arith.divf %mul3A_228, %select_n3A : vector<256x17xf32>
    %add3A_230 = vector.broadcast %get3A_110 : f32 to vector<256x17xf32>
    %add3A_231 = arith.addf %div3A_229, %add3A_230 : vector<256x17xf32>
    %logistic3A_232 = arith.negf %add3A_231 : vector<256x17xf32>
    %logistic3A_233 = math.exp %logistic3A_232 : vector<256x17xf32>
    %logistic3A_234 = arith.constant 1.000000e+00 : f32
    %logistic3A_235 = vector.broadcast %logistic3A_234 : f32 to vector<256x17xf32>
    %logistic3A_236 = arith.addf %logistic3A_235, %logistic3A_233 : vector<256x17xf32>
    %logistic3A_237 = arith.divf %logistic3A_235, %logistic3A_236 : vector<256x17xf32>
    %le3A = arith.constant 1.000000e-03 : f32
    %le3A_238 = vector.broadcast %le3A : f32 to vector<256x17xf32>
    %le3A_239 = arith.cmpf ole, %add3A_212, %le3A_238 : vector<256x17xf32>
    %jit3A_240 = arith.constant -1.000000e+00 : f32
    %broadcast_in_dim3A_241 = vector.broadcast %jit3A_240 : f32 to vector<256x17xf32>
    %select_n3A_242 = arith.select %le3A_239, %broadcast_in_dim3A_241, %logistic3A_226 : vector<256x17xi1>, vector<256x17xf32>
    %jit3A_243 = arith.constant -1.000000e+00 : f32
    %broadcast_in_dim3A_244 = vector.broadcast %jit3A_243 : f32 to vector<256x17xf32>
    %select_n3A_245 = arith.select %le3A_239, %broadcast_in_dim3A_244, %logistic3A_237 : vector<256x17xi1>, vector<256x17xf32>
    %swap3A = arith.constant 0 : index
    %swap3A_246 = arith.constant 0 : index
    %swap3A_247 = arith.constant 0 : index
    %swap3A_248 = vector.load %arg10[%swap3A, %swap3A_246, %swap3A_247] : memref<6x256x17xf32, #tpu.memory_space<vmem>>, vector<1x256x17xf32>
    %swap3A_249 = vector.shape_cast %swap3A_248 : vector<1x256x17xf32> to vector<256x17xf32>
    %swap3A_250 = vector.shape_cast %select_n3A_242 : vector<256x17xf32> to vector<1x256x17xf32>
    tpu.vector_store %arg10[%swap3A, %swap3A_246, %swap3A_247], %swap3A_250 {strides = array<i32>} : memref<6x256x17xf32, #tpu.memory_space<vmem>>, vector<1x256x17xf32>,
    %swap3A_251 = arith.constant 0 : index
    %swap3A_252 = arith.constant 0 : index
    %swap3A_253 = arith.constant 0 : index
    %swap3A_254 = vector.load %arg11[%swap3A_251, %swap3A_252, %swap3A_253] : memref<6x256x17xf32, #tpu.memory_space<vmem>>, vector<1x256x17xf32>
    %swap3A_255 = vector.shape_cast %swap3A_254 : vector<1x256x17xf32> to vector<256x17xf32>
    %swap3A_256 = vector.shape_cast %select_n3A_245 : vector<256x17xf32> to vector<1x256x17xf32>
    tpu.vector_store %arg11[%swap3A_251, %swap3A_252, %swap3A_253], %swap3A_256 {strides = array<i32>} : memref<6x256x17xf32, #tpu.memory_space<vmem>>, vector<1x256x17xf32>,
    %get3A_257 = arith.constant 0 : index
    %get3A_258 = arith.constant 1 : index
    %get3A_259 = arith.constant 0 : index
    %get3A_260 = memref.load %arg3[%get3A_257, %get3A_258, %get3A_259] : memref<1x6x18xf32, #tpu.memory_space<smem>>
    %get3A_261 = arith.constant 0 : index
    %get3A_262 = arith.constant 1 : index
    %get3A_263 = arith.constant 1 : index
    %get3A_264 = memref.load %arg3[%get3A_261, %get3A_262, %get3A_263] : memref<1x6x18xf32, #tpu.memory_space<smem>>
    %get3A_265 = arith.constant 0 : index
    %get3A_266 = arith.constant 1 : index
    %get3A_267 = arith.constant 2 : index
    %get3A_268 = memref.load %arg3[%get3A_265, %get3A_266, %get3A_267] : memref<1x6x18xf32, #tpu.memory_space<smem>>
    %get3A_269 = arith.constant 0 : index
    %get3A_270 = arith.constant 1 : index
    %get3A_271 = arith.constant 3 : index
    %get3A_272 = memref.load %arg3[%get3A_269, %get3A_270, %get3A_271] : memref<1x6x18xf32, #tpu.memory_space<smem>>
    %get3A_273 = arith.constant 0 : index
    %get3A_274 = arith.constant 1 : index
    %get3A_275 = arith.constant 4 : index
    %get3A_276 = memref.load %arg3[%get3A_273, %get3A_274, %get3A_275] : memref<1x6x18xf32, #tpu.memory_space<smem>>
    %get3A_277 = arith.constant 0 : index
    %get3A_278 = arith.constant 1 : index
    %get3A_279 = arith.constant 5 : index
    %get3A_280 = memref.load %arg3[%get3A_277, %get3A_278, %get3A_279] : memref<1x6x18xf32, #tpu.memory_space<smem>>
    %get3A_281 = arith.constant 0 : index
    %get3A_282 = arith.constant 1 : index
    %get3A_283 = arith.constant 6 : index
    %get3A_284 = memref.load %arg3[%get3A_281, %get3A_282, %get3A_283] : memref<1x6x18xf32, #tpu.memory_space<smem>>
    %sub3A_285 = vector.broadcast %get3A_276 : f32 to vector<256x17xf32>
    %sub3A_286 = arith.subf %add3A_85, %sub3A_285 : vector<256x17xf32>
    %convert_element_type3A_287 = arith.truncf %sub3A_286 : vector<256x17xf32> to vector<256x17xbf16>
    %convert_element_type3A_288 = arith.extf %convert_element_type3A_287 : vector<256x17xbf16> to vector<256x17xf32>
    %sub3A_289 = vector.broadcast %get3A_280 : f32 to vector<256x17xf32>
    %sub3A_290 = arith.subf %add3A_92, %sub3A_289 : vector<256x17xf32>
    %convert_element_type3A_291 = arith.truncf %sub3A_290 : vector<256x17xf32> to vector<256x17xbf16>
    %convert_element_type3A_292 = arith.extf %convert_element_type3A_291 : vector<256x17xbf16> to vector<256x17xf32>
    %sub3A_293 = vector.broadcast %get3A_284 : f32 to vector<256x17xf32>
    %sub3A_294 = arith.subf %add3A_94, %sub3A_293 : vector<256x17xf32>
    %convert_element_type3A_295 = arith.truncf %sub3A_294 : vector<256x17xf32> to vector<256x17xbf16>
    %convert_element_type3A_296 = arith.extf %convert_element_type3A_295 : vector<256x17xbf16> to vector<256x17xf32>
    %get3A_297 = arith.constant 0 : index
    %get3A_298 = arith.constant 1 : index
    %get3A_299 = arith.constant 7 : index
    %get3A_300 = memref.load %arg3[%get3A_297, %get3A_298, %get3A_299] : memref<1x6x18xf32, #tpu.memory_space<smem>>
    %convert_element_type3A_301 = arith.truncf %get3A_300 : f32 to bf16
    %convert_element_type3A_302 = arith.extf %convert_element_type3A_301 : bf16 to f32
    %get3A_303 = arith.constant 0 : index
    %get3A_304 = arith.constant 1 : index
    %get3A_305 = arith.constant 8 : index
    %get3A_306 = memref.load %arg3[%get3A_303, %get3A_304, %get3A_305] : memref<1x6x18xf32, #tpu.memory_space<smem>>
    %convert_element_type3A_307 = arith.truncf %get3A_306 : f32 to bf16
    %convert_element_type3A_308 = arith.extf %convert_element_type3A_307 : bf16 to f32
    %get3A_309 = arith.constant 0 : index
    %get3A_310 = arith.constant 1 : index
    %get3A_311 = arith.constant 9 : index
    %get3A_312 = memref.load %arg3[%get3A_309, %get3A_310, %get3A_311] : memref<1x6x18xf32, #tpu.memory_space<smem>>
    %convert_element_type3A_313 = arith.truncf %get3A_312 : f32 to bf16
    %convert_element_type3A_314 = arith.extf %convert_element_type3A_313 : bf16 to f32
    %get3A_315 = arith.constant 0 : index
    %get3A_316 = arith.constant 1 : index
    %get3A_317 = arith.constant 10 : index
    %get3A_318 = memref.load %arg3[%get3A_315, %get3A_316, %get3A_317] : memref<1x6x18xf32, #tpu.memory_space<smem>>
    %convert_element_type3A_319 = arith.truncf %get3A_318 : f32 to bf16
    %convert_element_type3A_320 = arith.extf %convert_element_type3A_319 : bf16 to f32
    %get3A_321 = arith.constant 0 : index
    %get3A_322 = arith.constant 1 : index
    %get3A_323 = arith.constant 11 : index
    %get3A_324 = memref.load %arg3[%get3A_321, %get3A_322, %get3A_323] : memref<1x6x18xf32, #tpu.memory_space<smem>>
    %convert_element_type3A_325 = arith.truncf %get3A_324 : f32 to bf16
    %convert_element_type3A_326 = arith.extf %convert_element_type3A_325 : bf16 to f32
    %get3A_327 = arith.constant 0 : index
    %get3A_328 = arith.constant 1 : index
    %get3A_329 = arith.constant 12 : index
    %get3A_330 = memref.load %arg3[%get3A_327, %get3A_328, %get3A_329] : memref<1x6x18xf32, #tpu.memory_space<smem>>
    %convert_element_type3A_331 = arith.truncf %get3A_330 : f32 to bf16
    %convert_element_type3A_332 = arith.extf %convert_element_type3A_331 : bf16 to f32
    %get3A_333 = arith.constant 0 : index
    %get3A_334 = arith.constant 1 : index
    %get3A_335 = arith.constant 13 : index
    %get3A_336 = memref.load %arg3[%get3A_333, %get3A_334, %get3A_335] : memref<1x6x18xf32, #tpu.memory_space<smem>>
    %convert_element_type3A_337 = arith.truncf %get3A_336 : f32 to bf16
    %convert_element_type3A_338 = arith.extf %convert_element_type3A_337 : bf16 to f32
    %get3A_339 = arith.constant 0 : index
    %get3A_340 = arith.constant 1 : index
    %get3A_341 = arith.constant 14 : index
    %get3A_342 = memref.load %arg3[%get3A_339, %get3A_340, %get3A_341] : memref<1x6x18xf32, #tpu.memory_space<smem>>
    %convert_element_type3A_343 = arith.truncf %get3A_342 : f32 to bf16
    %convert_element_type3A_344 = arith.extf %convert_element_type3A_343 : bf16 to f32
    %get3A_345 = arith.constant 0 : index
    %get3A_346 = arith.constant 1 : index
    %get3A_347 = arith.constant 15 : index
    %get3A_348 = memref.load %arg3[%get3A_345, %get3A_346, %get3A_347] : memref<1x6x18xf32, #tpu.memory_space<smem>>
    %convert_element_type3A_349 = arith.truncf %get3A_348 : f32 to bf16
    %convert_element_type3A_350 = arith.extf %convert_element_type3A_349 : bf16 to f32
    %mul3A_351 = vector.broadcast %convert_element_type3A_302 : f32 to vector<256x17xf32>
    %mul3A_352 = arith.mulf %mul3A_351, %convert_element_type3A_288 : vector<256x17xf32>
    %mul3A_353 = vector.broadcast %convert_element_type3A_308 : f32 to vector<256x17xf32>
    %mul3A_354 = arith.mulf %mul3A_353, %convert_element_type3A_292 : vector<256x17xf32>
    %add3A_355 = arith.addf %mul3A_352, %mul3A_354 : vector<256x17xf32>
    %mul3A_356 = vector.broadcast %convert_element_type3A_314 : f32 to vector<256x17xf32>
    %mul3A_357 = arith.mulf %mul3A_356, %convert_element_type3A_296 : vector<256x17xf32>
    %add3A_358 = arith.addf %add3A_355, %mul3A_357 : vector<256x17xf32>
    %mul3A_359 = vector.broadcast %convert_element_type3A_320 : f32 to vector<256x17xf32>
    %mul3A_360 = arith.mulf %mul3A_359, %convert_element_type3A_288 : vector<256x17xf32>
    %mul3A_361 = vector.broadcast %convert_element_type3A_326 : f32 to vector<256x17xf32>
    %mul3A_362 = arith.mulf %mul3A_361, %convert_element_type3A_292 : vector<256x17xf32>
    %add3A_363 = arith.addf %mul3A_360, %mul3A_362 : vector<256x17xf32>
    %mul3A_364 = vector.broadcast %convert_element_type3A_332 : f32 to vector<256x17xf32>
    %mul3A_365 = arith.mulf %mul3A_364, %convert_element_type3A_296 : vector<256x17xf32>
    %add3A_366 = arith.addf %add3A_363, %mul3A_365 : vector<256x17xf32>
    %mul3A_367 = vector.broadcast %convert_element_type3A_338 : f32 to vector<256x17xf32>
    %mul3A_368 = arith.mulf %mul3A_367, %convert_element_type3A_288 : vector<256x17xf32>
    %mul3A_369 = vector.broadcast %convert_element_type3A_344 : f32 to vector<256x17xf32>
    %mul3A_370 = arith.mulf %mul3A_369, %convert_element_type3A_292 : vector<256x17xf32>
    %add3A_371 = arith.addf %mul3A_368, %mul3A_370 : vector<256x17xf32>
    %mul3A_372 = vector.broadcast %convert_element_type3A_350 : f32 to vector<256x17xf32>
    %mul3A_373 = arith.mulf %mul3A_372, %convert_element_type3A_296 : vector<256x17xf32>
    %add3A_374 = arith.addf %add3A_371, %mul3A_373 : vector<256x17xf32>
    %abs3A_375 = math.absf %add3A_374 : vector<256x17xf32>
    %gt3A_376 = arith.constant 1.000000e-03 : f32
    %gt3A_377 = vector.broadcast %gt3A_376 : f32 to vector<256x17xf32>
    %gt3A_378 = arith.cmpf ogt, %abs3A_375, %gt3A_377 : vector<256x17xf32>
    %jit3A_379 = arith.constant 1.000000e-03 : f32
    %broadcast_in_dim3A_380 = vector.broadcast %jit3A_379 : f32 to vector<256x17xf32>
    %select_n3A_381 = arith.select %gt3A_378, %add3A_374, %broadcast_in_dim3A_380 : vector<256x17xi1>, vector<256x17xf32>
    %mul3A_382 = vector.broadcast %get3A_260 : f32 to vector<256x17xf32>
    %mul3A_383 = arith.mulf %mul3A_382, %add3A_358 : vector<256x17xf32>
    %div3A_384 = arith.divf %mul3A_383, %select_n3A_381 : vector<256x17xf32>
    %add3A_385 = vector.broadcast %get3A_268 : f32 to vector<256x17xf32>
    %add3A_386 = arith.addf %div3A_384, %add3A_385 : vector<256x17xf32>
    %logistic3A_387 = arith.negf %add3A_386 : vector<256x17xf32>
    %logistic3A_388 = math.exp %logistic3A_387 : vector<256x17xf32>
    %logistic3A_389 = arith.constant 1.000000e+00 : f32
    %logistic3A_390 = vector.broadcast %logistic3A_389 : f32 to vector<256x17xf32>
    %logistic3A_391 = arith.addf %logistic3A_390, %logistic3A_388 : vector<256x17xf32>
    %logistic3A_392 = arith.divf %logistic3A_390, %logistic3A_391 : vector<256x17xf32>
    %mul3A_393 = vector.broadcast %get3A_264 : f32 to vector<256x17xf32>
    %mul3A_394 = arith.mulf %mul3A_393, %add3A_366 : vector<256x17xf32>
    %div3A_395 = arith.divf %mul3A_394, %select_n3A_381 : vector<256x17xf32>
    %add3A_396 = vector.broadcast %get3A_272 : f32 to vector<256x17xf32>
    %add3A_397 = arith.addf %div3A_395, %add3A_396 : vector<256x17xf32>
    %logistic3A_398 = arith.negf %add3A_397 : vector<256x17xf32>
    %logistic3A_399 = math.exp %logistic3A_398 : vector<256x17xf32>
    %logistic3A_400 = arith.constant 1.000000e+00 : f32
    %logistic3A_401 = vector.broadcast %logistic3A_400 : f32 to vector<256x17xf32>
    %logistic3A_402 = arith.addf %logistic3A_401, %logistic3A_399 : vector<256x17xf32>
    %logistic3A_403 = arith.divf %logistic3A_401, %logistic3A_402 : vector<256x17xf32>
    %le3A_404 = arith.constant 1.000000e-03 : f32
    %le3A_405 = vector.broadcast %le3A_404 : f32 to vector<256x17xf32>
    %le3A_406 = arith.cmpf ole, %add3A_374, %le3A_405 : vector<256x17xf32>
    %jit3A_407 = arith.constant -1.000000e+00 : f32
    %broadcast_in_dim3A_408 = vector.broadcast %jit3A_407 : f32 to vector<256x17xf32>
    %select_n3A_409 = arith.select %le3A_406, %broadcast_in_dim3A_408, %logistic3A_392 : vector<256x17xi1>, vector<256x17xf32>
    %jit3A_410 = arith.constant -1.000000e+00 : f32
    %broadcast_in_dim3A_411 = vector.broadcast %jit3A_410 : f32 to vector<256x17xf32>
    %select_n3A_412 = arith.select %le3A_406, %broadcast_in_dim3A_411, %logistic3A_403 : vector<256x17xi1>, vector<256x17xf32>
    %swap3A_413 = arith.constant 1 : index
    %swap3A_414 = arith.constant 0 : index
    %swap3A_415 = arith.constant 0 : index
    %swap3A_416 = vector.load %arg10[%swap3A_413, %swap3A_414, %swap3A_415] : memref<6x256x17xf32, #tpu.memory_space<vmem>>, vector<1x256x17xf32>
    %swap3A_417 = vector.shape_cast %swap3A_416 : vector<1x256x17xf32> to vector<256x17xf32>
    %swap3A_418 = vector.shape_cast %select_n3A_409 : vector<256x17xf32> to vector<1x256x17xf32>
    tpu.vector_store %arg10[%swap3A_413, %swap3A_414, %swap3A_415], %swap3A_418 {strides = array<i32>} : memref<6x256x17xf32, #tpu.memory_space<vmem>>, vector<1x256x17xf32>,
    %swap3A_419 = arith.constant 1 : index
    %swap3A_420 = arith.constant 0 : index
    %swap3A_421 = arith.constant 0 : index
    %swap3A_422 = vector.load %arg11[%swap3A_419, %swap3A_420, %swap3A_421] : memref<6x256x17xf32, #tpu.memory_space<vmem>>, vector<1x256x17xf32>
    %swap3A_423 = vector.shape_cast %swap3A_422 : vector<1x256x17xf32> to vector<256x17xf32>
    %swap3A_424 = vector.shape_cast %select_n3A_412 : vector<256x17xf32> to vector<1x256x17xf32>
    tpu.vector_store %arg11[%swap3A_419, %swap3A_420, %swap3A_421], %swap3A_424 {strides = array<i32>} : memref<6x256x17xf32, #tpu.memory_space<vmem>>, vector<1x256x17xf32>,
    %get3A_425 = arith.constant 0 : index
    %get3A_426 = arith.constant 2 : index
    %get3A_427 = arith.constant 0 : index
    %get3A_428 = memref.load %arg3[%get3A_425, %get3A_426, %get3A_427] : memref<1x6x18xf32, #tpu.memory_space<smem>>
    %get3A_429 = arith.constant 0 : index
    %get3A_430 = arith.constant 2 : index
    %get3A_431 = arith.constant 1 : index
    %get3A_432 = memref.load %arg3[%get3A_429, %get3A_430, %get3A_431] : memref<1x6x18xf32, #tpu.memory_space<smem>>
    %get3A_433 = arith.constant 0 : index
    %get3A_434 = arith.constant 2 : index
    %get3A_435 = arith.constant 2 : index
    %get3A_436 = memref.load %arg3[%get3A_433, %get3A_434, %get3A_435] : memref<1x6x18xf32, #tpu.memory_space<smem>>
    %get3A_437 = arith.constant 0 : index
    %get3A_438 = arith.constant 2 : index
    %get3A_439 = arith.constant 3 : index
    %get3A_440 = memref.load %arg3[%get3A_437, %get3A_438, %get3A_439] : memref<1x6x18xf32, #tpu.memory_space<smem>>
    %get3A_441 = arith.constant 0 : index
    %get3A_442 = arith.constant 2 : index
    %get3A_443 = arith.constant 4 : index
    %get3A_444 = memref.load %arg3[%get3A_441, %get3A_442, %get3A_443] : memref<1x6x18xf32, #tpu.memory_space<smem>>
    %get3A_445 = arith.constant 0 : index
    %get3A_446 = arith.constant 2 : index
    %get3A_447 = arith.constant 5 : index
    %get3A_448 = memref.load %arg3[%get3A_445, %get3A_446, %get3A_447] : memref<1x6x18xf32, #tpu.memory_space<smem>>
    %get3A_449 = arith.constant 0 : index
    %get3A_450 = arith.constant 2 : index
    %get3A_451 = arith.constant 6 : index
    %get3A_452 = memref.load %arg3[%get3A_449, %get3A_450, %get3A_451] : memref<1x6x18xf32, #tpu.memory_space<smem>>
    %sub3A_453 = vector.broadcast %get3A_444 : f32 to vector<256x17xf32>
    %sub3A_454 = arith.subf %add3A_85, %sub3A_453 : vector<256x17xf32>
    %convert_element_type3A_455 = arith.truncf %sub3A_454 : vector<256x17xf32> to vector<256x17xbf16>
    %convert_element_type3A_456 = arith.extf %convert_element_type3A_455 : vector<256x17xbf16> to vector<256x17xf32>
    %sub3A_457 = vector.broadcast %get3A_448 : f32 to vector<256x17xf32>
    %sub3A_458 = arith.subf %add3A_92, %sub3A_457 : vector<256x17xf32>
    %convert_element_type3A_459 = arith.truncf %sub3A_458 : vector<256x17xf32> to vector<256x17xbf16>
    %convert_element_type3A_460 = arith.extf %convert_element_type3A_459 : vector<256x17xbf16> to vector<256x17xf32>
    %sub3A_461 = vector.broadcast %get3A_452 : f32 to vector<256x17xf32>
    %sub3A_462 = arith.subf %add3A_94, %sub3A_461 : vector<256x17xf32>
    %convert_element_type3A_463 = arith.truncf %sub3A_462 : vector<256x17xf32> to vector<256x17xbf16>
    %convert_element_type3A_464 = arith.extf %convert_element_type3A_463 : vector<256x17xbf16> to vector<256x17xf32>
    %get3A_465 = arith.constant 0 : index
    %get3A_466 = arith.constant 2 : index
    %get3A_467 = arith.constant 7 : index
    %get3A_468 = memref.load %arg3[%get3A_465, %get3A_466, %get3A_467] : memref<1x6x18xf32, #tpu.memory_space<smem>>
    %convert_element_type3A_469 = arith.truncf %get3A_468 : f32 to bf16
    %convert_element_type3A_470 = arith.extf %convert_element_type3A_469 : bf16 to f32
    %get3A_471 = arith.constant 0 : index
    %get3A_472 = arith.constant 2 : index
    %get3A_473 = arith.constant 8 : index
    %get3A_474 = memref.load %arg3[%get3A_471, %get3A_472, %get3A_473] : memref<1x6x18xf32, #tpu.memory_space<smem>>
    %convert_element_type3A_475 = arith.truncf %get3A_474 : f32 to bf16
    %convert_element_type3A_476 = arith.extf %convert_element_type3A_475 : bf16 to f32
    %get3A_477 = arith.constant 0 : index
    %get3A_478 = arith.constant 2 : index
    %get3A_479 = arith.constant 9 : index
    %get3A_480 = memref.load %arg3[%get3A_477, %get3A_478, %get3A_479] : memref<1x6x18xf32, #tpu.memory_space<smem>>
    %convert_element_type3A_481 = arith.truncf %get3A_480 : f32 to bf16
    %convert_element_type3A_482 = arith.extf %convert_element_type3A_481 : bf16 to f32
    %get3A_483 = arith.constant 0 : index
    %get3A_484 = arith.constant 2 : index
    %get3A_485 = arith.constant 10 : index
    %get3A_486 = memref.load %arg3[%get3A_483, %get3A_484, %get3A_485] : memref<1x6x18xf32, #tpu.memory_space<smem>>
    %convert_element_type3A_487 = arith.truncf %get3A_486 : f32 to bf16
    %convert_element_type3A_488 = arith.extf %convert_element_type3A_487 : bf16 to f32
    %get3A_489 = arith.constant 0 : index
    %get3A_490 = arith.constant 2 : index
    %get3A_491 = arith.constant 11 : index
    %get3A_492 = memref.load %arg3[%get3A_489, %get3A_490, %get3A_491] : memref<1x6x18xf32, #tpu.memory_space<smem>>
    %convert_element_type3A_493 = arith.truncf %get3A_492 : f32 to bf16
    %convert_element_type3A_494 = arith.extf %convert_element_type3A_493 : bf16 to f32
    %get3A_495 = arith.constant 0 : index
    %get3A_496 = arith.constant 2 : index
    %get3A_497 = arith.constant 12 : index
    %get3A_498 = memref.load %arg3[%get3A_495, %get3A_496, %get3A_497] : memref<1x6x18xf32, #tpu.memory_space<smem>>
    %convert_element_type3A_499 = arith.truncf %get3A_498 : f32 to bf16
    %convert_element_type3A_500 = arith.extf %convert_element_type3A_499 : bf16 to f32
    %get3A_501 = arith.constant 0 : index
    %get3A_502 = arith.constant 2 : index
    %get3A_503 = arith.constant 13 : index
    %get3A_504 = memref.load %arg3[%get3A_501, %get3A_502, %get3A_503] : memref<1x6x18xf32, #tpu.memory_space<smem>>
    %convert_element_type3A_505 = arith.truncf %get3A_504 : f32 to bf16
    %convert_element_type3A_506 = arith.extf %convert_element_type3A_505 : bf16 to f32
    %get3A_507 = arith.constant 0 : index
    %get3A_508 = arith.constant 2 : index
    %get3A_509 = arith.constant 14 : index
    %get3A_510 = memref.load %arg3[%get3A_507, %get3A_508, %get3A_509] : memref<1x6x18xf32, #tpu.memory_space<smem>>
    %convert_element_type3A_511 = arith.truncf %get3A_510 : f32 to bf16
    %convert_element_type3A_512 = arith.extf %convert_element_type3A_511 : bf16 to f32
    %get3A_513 = arith.constant 0 : index
    %get3A_514 = arith.constant 2 : index
    %get3A_515 = arith.constant 15 : index
    %get3A_516 = memref.load %arg3[%get3A_513, %get3A_514, %get3A_515] : memref<1x6x18xf32, #tpu.memory_space<smem>>
    %convert_element_type3A_517 = arith.truncf %get3A_516 : f32 to bf16
    %convert_element_type3A_518 = arith.extf %convert_element_type3A_517 : bf16 to f32
    %mul3A_519 = vector.broadcast %convert_element_type3A_470 : f32 to vector<256x17xf32>
    %mul3A_520 = arith.mulf %mul3A_519, %convert_element_type3A_456 : vector<256x17xf32>
    %mul3A_521 = vector.broadcast %convert_element_type3A_476 : f32 to vector<256x17xf32>
    %mul3A_522 = arith.mulf %mul3A_521, %convert_element_type3A_460 : vector<256x17xf32>
    %add3A_523 = arith.addf %mul3A_520, %mul3A_522 : vector<256x17xf32>
    %mul3A_524 = vector.broadcast %convert_element_type3A_482 : f32 to vector<256x17xf32>
    %mul3A_525 = arith.mulf %mul3A_524, %convert_element_type3A_464 : vector<256x17xf32>
    %add3A_526 = arith.addf %add3A_523, %mul3A_525 : vector<256x17xf32>
    %mul3A_527 = vector.broadcast %convert_element_type3A_488 : f32 to vector<256x17xf32>
    %mul3A_528 = arith.mulf %mul3A_527, %convert_element_type3A_456 : vector<256x17xf32>
    %mul3A_529 = vector.broadcast %convert_element_type3A_494 : f32 to vector<256x17xf32>
    %mul3A_530 = arith.mulf %mul3A_529, %convert_element_type3A_460 : vector<256x17xf32>
    %add3A_531 = arith.addf %mul3A_528, %mul3A_530 : vector<256x17xf32>
    %mul3A_532 = vector.broadcast %convert_element_type3A_500 : f32 to vector<256x17xf32>
    %mul3A_533 = arith.mulf %mul3A_532, %convert_element_type3A_464 : vector<256x17xf32>
    %add3A_534 = arith.addf %add3A_531, %mul3A_533 : vector<256x17xf32>
    %mul3A_535 = vector.broadcast %convert_element_type3A_506 : f32 to vector<256x17xf32>
    %mul3A_536 = arith.mulf %mul3A_535, %convert_element_type3A_456 : vector<256x17xf32>
    %mul3A_537 = vector.broadcast %convert_element_type3A_512 : f32 to vector<256x17xf32>
    %mul3A_538 = arith.mulf %mul3A_537, %convert_element_type3A_460 : vector<256x17xf32>
    %add3A_539 = arith.addf %mul3A_536, %mul3A_538 : vector<256x17xf32>
    %mul3A_540 = vector.broadcast %convert_element_type3A_518 : f32 to vector<256x17xf32>
    %mul3A_541 = arith.mulf %mul3A_540, %convert_element_type3A_464 : vector<256x17xf32>
    %add3A_542 = arith.addf %add3A_539, %mul3A_541 : vector<256x17xf32>
    %abs3A_543 = math.absf %add3A_542 : vector<256x17xf32>
    %gt3A_544 = arith.constant 1.000000e-03 : f32
    %gt3A_545 = vector.broadcast %gt3A_544 : f32 to vector<256x17xf32>
    %gt3A_546 = arith.cmpf ogt, %abs3A_543, %gt3A_545 : vector<256x17xf32>
    %jit3A_547 = arith.constant 1.000000e-03 : f32
    %broadcast_in_dim3A_548 = vector.broadcast %jit3A_547 : f32 to vector<256x17xf32>
    %select_n3A_549 = arith.select %gt3A_546, %add3A_542, %broadcast_in_dim3A_548 : vector<256x17xi1>, vector<256x17xf32>
    %mul3A_550 = vector.broadcast %get3A_428 : f32 to vector<256x17xf32>
    %mul3A_551 = arith.mulf %mul3A_550, %add3A_526 : vector<256x17xf32>
    %div3A_552 = arith.divf %mul3A_551, %select_n3A_549 : vector<256x17xf32>
    %add3A_553 = vector.broadcast %get3A_436 : f32 to vector<256x17xf32>
    %add3A_554 = arith.addf %div3A_552, %add3A_553 : vector<256x17xf32>
    %logistic3A_555 = arith.negf %add3A_554 : vector<256x17xf32>
    %logistic3A_556 = math.exp %logistic3A_555 : vector<256x17xf32>
    %logistic3A_557 = arith.constant 1.000000e+00 : f32
    %logistic3A_558 = vector.broadcast %logistic3A_557 : f32 to vector<256x17xf32>
    %logistic3A_559 = arith.addf %logistic3A_558, %logistic3A_556 : vector<256x17xf32>
    %logistic3A_560 = arith.divf %logistic3A_558, %logistic3A_559 : vector<256x17xf32>
    %mul3A_561 = vector.broadcast %get3A_432 : f32 to vector<256x17xf32>
    %mul3A_562 = arith.mulf %mul3A_561, %add3A_534 : vector<256x17xf32>
    %div3A_563 = arith.divf %mul3A_562, %select_n3A_549 : vector<256x17xf32>
    %add3A_564 = vector.broadcast %get3A_440 : f32 to vector<256x17xf32>
    %add3A_565 = arith.addf %div3A_563, %add3A_564 : vector<256x17xf32>
    %logistic3A_566 = arith.negf %add3A_565 : vector<256x17xf32>
    %logistic3A_567 = math.exp %logistic3A_566 : vector<256x17xf32>
    %logistic3A_568 = arith.constant 1.000000e+00 : f32
    %logistic3A_569 = vector.broadcast %logistic3A_568 : f32 to vector<256x17xf32>
    %logistic3A_570 = arith.addf %logistic3A_569, %logistic3A_567 : vector<256x17xf32>
    %logistic3A_571 = arith.divf %logistic3A_569, %logistic3A_570 : vector<256x17xf32>
    %le3A_572 = arith.constant 1.000000e-03 : f32
    %le3A_573 = vector.broadcast %le3A_572 : f32 to vector<256x17xf32>
    %le3A_574 = arith.cmpf ole, %add3A_542, %le3A_573 : vector<256x17xf32>
    %jit3A_575 = arith.constant -1.000000e+00 : f32
    %broadcast_in_dim3A_576 = vector.broadcast %jit3A_575 : f32 to vector<256x17xf32>
    %select_n3A_577 = arith.select %le3A_574, %broadcast_in_dim3A_576, %logistic3A_560 : vector<256x17xi1>, vector<256x17xf32>
    %jit3A_578 = arith.constant -1.000000e+00 : f32
    %broadcast_in_dim3A_579 = vector.broadcast %jit3A_578 : f32 to vector<256x17xf32>
    %select_n3A_580 = arith.select %le3A_574, %broadcast_in_dim3A_579, %logistic3A_571 : vector<256x17xi1>, vector<256x17xf32>
    %swap3A_581 = arith.constant 2 : index
    %swap3A_582 = arith.constant 0 : index
    %swap3A_583 = arith.constant 0 : index
    %swap3A_584 = vector.load %arg10[%swap3A_581, %swap3A_582, %swap3A_583] : memref<6x256x17xf32, #tpu.memory_space<vmem>>, vector<1x256x17xf32>
    %swap3A_585 = vector.shape_cast %swap3A_584 : vector<1x256x17xf32> to vector<256x17xf32>
    %swap3A_586 = vector.shape_cast %select_n3A_577 : vector<256x17xf32> to vector<1x256x17xf32>
    tpu.vector_store %arg10[%swap3A_581, %swap3A_582, %swap3A_583], %swap3A_586 {strides = array<i32>} : memref<6x256x17xf32, #tpu.memory_space<vmem>>, vector<1x256x17xf32>,
    %swap3A_587 = arith.constant 2 : index
    %swap3A_588 = arith.constant 0 : index
    %swap3A_589 = arith.constant 0 : index
    %swap3A_590 = vector.load %arg11[%swap3A_587, %swap3A_588, %swap3A_589] : memref<6x256x17xf32, #tpu.memory_space<vmem>>, vector<1x256x17xf32>
    %swap3A_591 = vector.shape_cast %swap3A_590 : vector<1x256x17xf32> to vector<256x17xf32>
    %swap3A_592 = vector.shape_cast %select_n3A_580 : vector<256x17xf32> to vector<1x256x17xf32>
    tpu.vector_store %arg11[%swap3A_587, %swap3A_588, %swap3A_589], %swap3A_592 {strides = array<i32>} : memref<6x256x17xf32, #tpu.memory_space<vmem>>, vector<1x256x17xf32>,
    %get3A_593 = arith.constant 0 : index
    %get3A_594 = arith.constant 3 : index
    %get3A_595 = arith.constant 0 : index
    %get3A_596 = memref.load %arg3[%get3A_593, %get3A_594, %get3A_595] : memref<1x6x18xf32, #tpu.memory_space<smem>>
    %get3A_597 = arith.constant 0 : index
    %get3A_598 = arith.constant 3 : index
    %get3A_599 = arith.constant 1 : index
    %get3A_600 = memref.load %arg3[%get3A_597, %get3A_598, %get3A_599] : memref<1x6x18xf32, #tpu.memory_space<smem>>
    %get3A_601 = arith.constant 0 : index
    %get3A_602 = arith.constant 3 : index
    %get3A_603 = arith.constant 2 : index
    %get3A_604 = memref.load %arg3[%get3A_601, %get3A_602, %get3A_603] : memref<1x6x18xf32, #tpu.memory_space<smem>>
    %get3A_605 = arith.constant 0 : index
    %get3A_606 = arith.constant 3 : index
    %get3A_607 = arith.constant 3 : index
    %get3A_608 = memref.load %arg3[%get3A_605, %get3A_606, %get3A_607] : memref<1x6x18xf32, #tpu.memory_space<smem>>
    %get3A_609 = arith.constant 0 : index
    %get3A_610 = arith.constant 3 : index
    %get3A_611 = arith.constant 4 : index
    %get3A_612 = memref.load %arg3[%get3A_609, %get3A_610, %get3A_611] : memref<1x6x18xf32, #tpu.memory_space<smem>>
    %get3A_613 = arith.constant 0 : index
    %get3A_614 = arith.constant 3 : index
    %get3A_615 = arith.constant 5 : index
    %get3A_616 = memref.load %arg3[%get3A_613, %get3A_614, %get3A_615] : memref<1x6x18xf32, #tpu.memory_space<smem>>
    %get3A_617 = arith.constant 0 : index
    %get3A_618 = arith.constant 3 : index
    %get3A_619 = arith.constant 6 : index
    %get3A_620 = memref.load %arg3[%get3A_617, %get3A_618, %get3A_619] : memref<1x6x18xf32, #tpu.memory_space<smem>>
    %sub3A_621 = vector.broadcast %get3A_612 : f32 to vector<256x17xf32>
    %sub3A_622 = arith.subf %add3A_85, %sub3A_621 : vector<256x17xf32>
    %convert_element_type3A_623 = arith.truncf %sub3A_622 : vector<256x17xf32> to vector<256x17xbf16>
    %convert_element_type3A_624 = arith.extf %convert_element_type3A_623 : vector<256x17xbf16> to vector<256x17xf32>
    %sub3A_625 = vector.broadcast %get3A_616 : f32 to vector<256x17xf32>
    %sub3A_626 = arith.subf %add3A_92, %sub3A_625 : vector<256x17xf32>
    %convert_element_type3A_627 = arith.truncf %sub3A_626 : vector<256x17xf32> to vector<256x17xbf16>
    %convert_element_type3A_628 = arith.extf %convert_element_type3A_627 : vector<256x17xbf16> to vector<256x17xf32>
    %sub3A_629 = vector.broadcast %get3A_620 : f32 to vector<256x17xf32>
    %sub3A_630 = arith.subf %add3A_94, %sub3A_629 : vector<256x17xf32>
    %convert_element_type3A_631 = arith.truncf %sub3A_630 : vector<256x17xf32> to vector<256x17xbf16>
    %convert_element_type3A_632 = arith.extf %convert_element_type3A_631 : vector<256x17xbf16> to vector<256x17xf32>
    %get3A_633 = arith.constant 0 : index
    %get3A_634 = arith.constant 3 : index
    %get3A_635 = arith.constant 7 : index
    %get3A_636 = memref.load %arg3[%get3A_633, %get3A_634, %get3A_635] : memref<1x6x18xf32, #tpu.memory_space<smem>>
    %convert_element_type3A_637 = arith.truncf %get3A_636 : f32 to bf16
    %convert_element_type3A_638 = arith.extf %convert_element_type3A_637 : bf16 to f32
    %get3A_639 = arith.constant 0 : index
    %get3A_640 = arith.constant 3 : index
    %get3A_641 = arith.constant 8 : index
    %get3A_642 = memref.load %arg3[%get3A_639, %get3A_640, %get3A_641] : memref<1x6x18xf32, #tpu.memory_space<smem>>
    %convert_element_type3A_643 = arith.truncf %get3A_642 : f32 to bf16
    %convert_element_type3A_644 = arith.extf %convert_element_type3A_643 : bf16 to f32
    %get3A_645 = arith.constant 0 : index
    %get3A_646 = arith.constant 3 : index
    %get3A_647 = arith.constant 9 : index
    %get3A_648 = memref.load %arg3[%get3A_645, %get3A_646, %get3A_647] : memref<1x6x18xf32, #tpu.memory_space<smem>>
    %convert_element_type3A_649 = arith.truncf %get3A_648 : f32 to bf16
    %convert_element_type3A_650 = arith.extf %convert_element_type3A_649 : bf16 to f32
    %get3A_651 = arith.constant 0 : index
    %get3A_652 = arith.constant 3 : index
    %get3A_653 = arith.constant 10 : index
    %get3A_654 = memref.load %arg3[%get3A_651, %get3A_652, %get3A_653] : memref<1x6x18xf32, #tpu.memory_space<smem>>
    %convert_element_type3A_655 = arith.truncf %get3A_654 : f32 to bf16
    %convert_element_type3A_656 = arith.extf %convert_element_type3A_655 : bf16 to f32
    %get3A_657 = arith.constant 0 : index
    %get3A_658 = arith.constant 3 : index
    %get3A_659 = arith.constant 11 : index
    %get3A_660 = memref.load %arg3[%get3A_657, %get3A_658, %get3A_659] : memref<1x6x18xf32, #tpu.memory_space<smem>>
    %convert_element_type3A_661 = arith.truncf %get3A_660 : f32 to bf16
    %convert_element_type3A_662 = arith.extf %convert_element_type3A_661 : bf16 to f32
    %get3A_663 = arith.constant 0 : index
    %get3A_664 = arith.constant 3 : index
    %get3A_665 = arith.constant 12 : index
    %get3A_666 = memref.load %arg3[%get3A_663, %get3A_664, %get3A_665] : memref<1x6x18xf32, #tpu.memory_space<smem>>
    %convert_element_type3A_667 = arith.truncf %get3A_666 : f32 to bf16
    %convert_element_type3A_668 = arith.extf %convert_element_type3A_667 : bf16 to f32
    %get3A_669 = arith.constant 0 : index
    %get3A_670 = arith.constant 3 : index
    %get3A_671 = arith.constant 13 : index
    %get3A_672 = memref.load %arg3[%get3A_669, %get3A_670, %get3A_671] : memref<1x6x18xf32, #tpu.memory_space<smem>>
    %convert_element_type3A_673 = arith.truncf %get3A_672 : f32 to bf16
    %convert_element_type3A_674 = arith.extf %convert_element_type3A_673 : bf16 to f32
    %get3A_675 = arith.constant 0 : index
    %get3A_676 = arith.constant 3 : index
    %get3A_677 = arith.constant 14 : index
    %get3A_678 = memref.load %arg3[%get3A_675, %get3A_676, %get3A_677] : memref<1x6x18xf32, #tpu.memory_space<smem>>
    %convert_element_type3A_679 = arith.truncf %get3A_678 : f32 to bf16
    %convert_element_type3A_680 = arith.extf %convert_element_type3A_679 : bf16 to f32
    %get3A_681 = arith.constant 0 : index
    %get3A_682 = arith.constant 3 : index
    %get3A_683 = arith.constant 15 : index
    %get3A_684 = memref.load %arg3[%get3A_681, %get3A_682, %get3A_683] : memref<1x6x18xf32, #tpu.memory_space<smem>>
    %convert_element_type3A_685 = arith.truncf %get3A_684 : f32 to bf16
    %convert_element_type3A_686 = arith.extf %convert_element_type3A_685 : bf16 to f32
    %mul3A_687 = vector.broadcast %convert_element_type3A_638 : f32 to vector<256x17xf32>
    %mul3A_688 = arith.mulf %mul3A_687, %convert_element_type3A_624 : vector<256x17xf32>
    %mul3A_689 = vector.broadcast %convert_element_type3A_644 : f32 to vector<256x17xf32>
    %mul3A_690 = arith.mulf %mul3A_689, %convert_element_type3A_628 : vector<256x17xf32>
    %add3A_691 = arith.addf %mul3A_688, %mul3A_690 : vector<256x17xf32>
    %mul3A_692 = vector.broadcast %convert_element_type3A_650 : f32 to vector<256x17xf32>
    %mul3A_693 = arith.mulf %mul3A_692, %convert_element_type3A_632 : vector<256x17xf32>
    %add3A_694 = arith.addf %add3A_691, %mul3A_693 : vector<256x17xf32>
    %mul3A_695 = vector.broadcast %convert_element_type3A_656 : f32 to vector<256x17xf32>
    %mul3A_696 = arith.mulf %mul3A_695, %convert_element_type3A_624 : vector<256x17xf32>
    %mul3A_697 = vector.broadcast %convert_element_type3A_662 : f32 to vector<256x17xf32>
    %mul3A_698 = arith.mulf %mul3A_697, %convert_element_type3A_628 : vector<256x17xf32>
    %add3A_699 = arith.addf %mul3A_696, %mul3A_698 : vector<256x17xf32>
    %mul3A_700 = vector.broadcast %convert_element_type3A_668 : f32 to vector<256x17xf32>
    %mul3A_701 = arith.mulf %mul3A_700, %convert_element_type3A_632 : vector<256x17xf32>
    %add3A_702 = arith.addf %add3A_699, %mul3A_701 : vector<256x17xf32>
    %mul3A_703 = vector.broadcast %convert_element_type3A_674 : f32 to vector<256x17xf32>
    %mul3A_704 = arith.mulf %mul3A_703, %convert_element_type3A_624 : vector<256x17xf32>
    %mul3A_705 = vector.broadcast %convert_element_type3A_680 : f32 to vector<256x17xf32>
    %mul3A_706 = arith.mulf %mul3A_705, %convert_element_type3A_628 : vector<256x17xf32>
    %add3A_707 = arith.addf %mul3A_704, %mul3A_706 : vector<256x17xf32>
    %mul3A_708 = vector.broadcast %convert_element_type3A_686 : f32 to vector<256x17xf32>
    %mul3A_709 = arith.mulf %mul3A_708, %convert_element_type3A_632 : vector<256x17xf32>
    %add3A_710 = arith.addf %add3A_707, %mul3A_709 : vector<256x17xf32>
    %abs3A_711 = math.absf %add3A_710 : vector<256x17xf32>
    %gt3A_712 = arith.constant 1.000000e-03 : f32
    %gt3A_713 = vector.broadcast %gt3A_712 : f32 to vector<256x17xf32>
    %gt3A_714 = arith.cmpf ogt, %abs3A_711, %gt3A_713 : vector<256x17xf32>
    %jit3A_715 = arith.constant 1.000000e-03 : f32
    %broadcast_in_dim3A_716 = vector.broadcast %jit3A_715 : f32 to vector<256x17xf32>
    %select_n3A_717 = arith.select %gt3A_714, %add3A_710, %broadcast_in_dim3A_716 : vector<256x17xi1>, vector<256x17xf32>
    %mul3A_718 = vector.broadcast %get3A_596 : f32 to vector<256x17xf32>
    %mul3A_719 = arith.mulf %mul3A_718, %add3A_694 : vector<256x17xf32>
    %div3A_720 = arith.divf %mul3A_719, %select_n3A_717 : vector<256x17xf32>
    %add3A_721 = vector.broadcast %get3A_604 : f32 to vector<256x17xf32>
    %add3A_722 = arith.addf %div3A_720, %add3A_721 : vector<256x17xf32>
    %logistic3A_723 = arith.negf %add3A_722 : vector<256x17xf32>
    %logistic3A_724 = math.exp %logistic3A_723 : vector<256x17xf32>
    %logistic3A_725 = arith.constant 1.000000e+00 : f32
    %logistic3A_726 = vector.broadcast %logistic3A_725 : f32 to vector<256x17xf32>
    %logistic3A_727 = arith.addf %logistic3A_726, %logistic3A_724 : vector<256x17xf32>
    %logistic3A_728 = arith.divf %logistic3A_726, %logistic3A_727 : vector<256x17xf32>
    %mul3A_729 = vector.broadcast %get3A_600 : f32 to vector<256x17xf32>
    %mul3A_730 = arith.mulf %mul3A_729, %add3A_702 : vector<256x17xf32>
    %div3A_731 = arith.divf %mul3A_730, %select_n3A_717 : vector<256x17xf32>
    %add3A_732 = vector.broadcast %get3A_608 : f32 to vector<256x17xf32>
    %add3A_733 = arith.addf %div3A_731, %add3A_732 : vector<256x17xf32>
    %logistic3A_734 = arith.negf %add3A_733 : vector<256x17xf32>
    %logistic3A_735 = math.exp %logistic3A_734 : vector<256x17xf32>
    %logistic3A_736 = arith.constant 1.000000e+00 : f32
    %logistic3A_737 = vector.broadcast %logistic3A_736 : f32 to vector<256x17xf32>
    %logistic3A_738 = arith.addf %logistic3A_737, %logistic3A_735 : vector<256x17xf32>
    %logistic3A_739 = arith.divf %logistic3A_737, %logistic3A_738 : vector<256x17xf32>
    %le3A_740 = arith.constant 1.000000e-03 : f32
    %le3A_741 = vector.broadcast %le3A_740 : f32 to vector<256x17xf32>
    %le3A_742 = arith.cmpf ole, %add3A_710, %le3A_741 : vector<256x17xf32>
    %jit3A_743 = arith.constant -1.000000e+00 : f32
    %broadcast_in_dim3A_744 = vector.broadcast %jit3A_743 : f32 to vector<256x17xf32>
    %select_n3A_745 = arith.select %le3A_742, %broadcast_in_dim3A_744, %logistic3A_728 : vector<256x17xi1>, vector<256x17xf32>
    %jit3A_746 = arith.constant -1.000000e+00 : f32
    %broadcast_in_dim3A_747 = vector.broadcast %jit3A_746 : f32 to vector<256x17xf32>
    %select_n3A_748 = arith.select %le3A_742, %broadcast_in_dim3A_747, %logistic3A_739 : vector<256x17xi1>, vector<256x17xf32>
    %swap3A_749 = arith.constant 3 : index
    %swap3A_750 = arith.constant 0 : index
    %swap3A_751 = arith.constant 0 : index
    %swap3A_752 = vector.load %arg10[%swap3A_749, %swap3A_750, %swap3A_751] : memref<6x256x17xf32, #tpu.memory_space<vmem>>, vector<1x256x17xf32>
    %swap3A_753 = vector.shape_cast %swap3A_752 : vector<1x256x17xf32> to vector<256x17xf32>
    %swap3A_754 = vector.shape_cast %select_n3A_745 : vector<256x17xf32> to vector<1x256x17xf32>
    tpu.vector_store %arg10[%swap3A_749, %swap3A_750, %swap3A_751], %swap3A_754 {strides = array<i32>} : memref<6x256x17xf32, #tpu.memory_space<vmem>>, vector<1x256x17xf32>,
    %swap3A_755 = arith.constant 3 : index
    %swap3A_756 = arith.constant 0 : index
    %swap3A_757 = arith.constant 0 : index
    %swap3A_758 = vector.load %arg11[%swap3A_755, %swap3A_756, %swap3A_757] : memref<6x256x17xf32, #tpu.memory_space<vmem>>, vector<1x256x17xf32>
    %swap3A_759 = vector.shape_cast %swap3A_758 : vector<1x256x17xf32> to vector<256x17xf32>
    %swap3A_760 = vector.shape_cast %select_n3A_748 : vector<256x17xf32> to vector<1x256x17xf32>
    tpu.vector_store %arg11[%swap3A_755, %swap3A_756, %swap3A_757], %swap3A_760 {strides = array<i32>} : memref<6x256x17xf32, #tpu.memory_space<vmem>>, vector<1x256x17xf32>,
    %get3A_761 = arith.constant 0 : index
    %get3A_762 = arith.constant 4 : index
    %get3A_763 = arith.constant 0 : index
    %get3A_764 = memref.load %arg3[%get3A_761, %get3A_762, %get3A_763] : memref<1x6x18xf32, #tpu.memory_space<smem>>
    %get3A_765 = arith.constant 0 : index
    %get3A_766 = arith.constant 4 : index
    %get3A_767 = arith.constant 1 : index
    %get3A_768 = memref.load %arg3[%get3A_765, %get3A_766, %get3A_767] : memref<1x6x18xf32, #tpu.memory_space<smem>>
    %get3A_769 = arith.constant 0 : index
    %get3A_770 = arith.constant 4 : index
    %get3A_771 = arith.constant 2 : index
    %get3A_772 = memref.load %arg3[%get3A_769, %get3A_770, %get3A_771] : memref<1x6x18xf32, #tpu.memory_space<smem>>
    %get3A_773 = arith.constant 0 : index
    %get3A_774 = arith.constant 4 : index
    %get3A_775 = arith.constant 3 : index
    %get3A_776 = memref.load %arg3[%get3A_773, %get3A_774, %get3A_775] : memref<1x6x18xf32, #tpu.memory_space<smem>>
    %get3A_777 = arith.constant 0 : index
    %get3A_778 = arith.constant 4 : index
    %get3A_779 = arith.constant 4 : index
    %get3A_780 = memref.load %arg3[%get3A_777, %get3A_778, %get3A_779] : memref<1x6x18xf32, #tpu.memory_space<smem>>
    %get3A_781 = arith.constant 0 : index
    %get3A_782 = arith.constant 4 : index
    %get3A_783 = arith.constant 5 : index
    %get3A_784 = memref.load %arg3[%get3A_781, %get3A_782, %get3A_783] : memref<1x6x18xf32, #tpu.memory_space<smem>>
    %get3A_785 = arith.constant 0 : index
    %get3A_786 = arith.constant 4 : index
    %get3A_787 = arith.constant 6 : index
    %get3A_788 = memref.load %arg3[%get3A_785, %get3A_786, %get3A_787] : memref<1x6x18xf32, #tpu.memory_space<smem>>
    %sub3A_789 = vector.broadcast %get3A_780 : f32 to vector<256x17xf32>
    %sub3A_790 = arith.subf %add3A_85, %sub3A_789 : vector<256x17xf32>
    %convert_element_type3A_791 = arith.truncf %sub3A_790 : vector<256x17xf32> to vector<256x17xbf16>
    %convert_element_type3A_792 = arith.extf %convert_element_type3A_791 : vector<256x17xbf16> to vector<256x17xf32>
    %sub3A_793 = vector.broadcast %get3A_784 : f32 to vector<256x17xf32>
    %sub3A_794 = arith.subf %add3A_92, %sub3A_793 : vector<256x17xf32>
    %convert_element_type3A_795 = arith.truncf %sub3A_794 : vector<256x17xf32> to vector<256x17xbf16>
    %convert_element_type3A_796 = arith.extf %convert_element_type3A_795 : vector<256x17xbf16> to vector<256x17xf32>
    %sub3A_797 = vector.broadcast %get3A_788 : f32 to vector<256x17xf32>
    %sub3A_798 = arith.subf %add3A_94, %sub3A_797 : vector<256x17xf32>
    %convert_element_type3A_799 = arith.truncf %sub3A_798 : vector<256x17xf32> to vector<256x17xbf16>
    %convert_element_type3A_800 = arith.extf %convert_element_type3A_799 : vector<256x17xbf16> to vector<256x17xf32>
    %get3A_801 = arith.constant 0 : index
    %get3A_802 = arith.constant 4 : index
    %get3A_803 = arith.constant 7 : index
    %get3A_804 = memref.load %arg3[%get3A_801, %get3A_802, %get3A_803] : memref<1x6x18xf32, #tpu.memory_space<smem>>
    %convert_element_type3A_805 = arith.truncf %get3A_804 : f32 to bf16
    %convert_element_type3A_806 = arith.extf %convert_element_type3A_805 : bf16 to f32
    %get3A_807 = arith.constant 0 : index
    %get3A_808 = arith.constant 4 : index
    %get3A_809 = arith.constant 8 : index
    %get3A_810 = memref.load %arg3[%get3A_807, %get3A_808, %get3A_809] : memref<1x6x18xf32, #tpu.memory_space<smem>>
    %convert_element_type3A_811 = arith.truncf %get3A_810 : f32 to bf16
    %convert_element_type3A_812 = arith.extf %convert_element_type3A_811 : bf16 to f32
    %get3A_813 = arith.constant 0 : index
    %get3A_814 = arith.constant 4 : index
    %get3A_815 = arith.constant 9 : index
    %get3A_816 = memref.load %arg3[%get3A_813, %get3A_814, %get3A_815] : memref<1x6x18xf32, #tpu.memory_space<smem>>
    %convert_element_type3A_817 = arith.truncf %get3A_816 : f32 to bf16
    %convert_element_type3A_818 = arith.extf %convert_element_type3A_817 : bf16 to f32
    %get3A_819 = arith.constant 0 : index
    %get3A_820 = arith.constant 4 : index
    %get3A_821 = arith.constant 10 : index
    %get3A_822 = memref.load %arg3[%get3A_819, %get3A_820, %get3A_821] : memref<1x6x18xf32, #tpu.memory_space<smem>>
    %convert_element_type3A_823 = arith.truncf %get3A_822 : f32 to bf16
    %convert_element_type3A_824 = arith.extf %convert_element_type3A_823 : bf16 to f32
    %get3A_825 = arith.constant 0 : index
    %get3A_826 = arith.constant 4 : index
    %get3A_827 = arith.constant 11 : index
    %get3A_828 = memref.load %arg3[%get3A_825, %get3A_826, %get3A_827] : memref<1x6x18xf32, #tpu.memory_space<smem>>
    %convert_element_type3A_829 = arith.truncf %get3A_828 : f32 to bf16
    %convert_element_type3A_830 = arith.extf %convert_element_type3A_829 : bf16 to f32
    %get3A_831 = arith.constant 0 : index
    %get3A_832 = arith.constant 4 : index
    %get3A_833 = arith.constant 12 : index
    %get3A_834 = memref.load %arg3[%get3A_831, %get3A_832, %get3A_833] : memref<1x6x18xf32, #tpu.memory_space<smem>>
    %convert_element_type3A_835 = arith.truncf %get3A_834 : f32 to bf16
    %convert_element_type3A_836 = arith.extf %convert_element_type3A_835 : bf16 to f32
    %get3A_837 = arith.constant 0 : index
    %get3A_838 = arith.constant 4 : index
    %get3A_839 = arith.constant 13 : index
    %get3A_840 = memref.load %arg3[%get3A_837, %get3A_838, %get3A_839] : memref<1x6x18xf32, #tpu.memory_space<smem>>
    %convert_element_type3A_841 = arith.truncf %get3A_840 : f32 to bf16
    %convert_element_type3A_842 = arith.extf %convert_element_type3A_841 : bf16 to f32
    %get3A_843 = arith.constant 0 : index
    %get3A_844 = arith.constant 4 : index
    %get3A_845 = arith.constant 14 : index
    %get3A_846 = memref.load %arg3[%get3A_843, %get3A_844, %get3A_845] : memref<1x6x18xf32, #tpu.memory_space<smem>>
    %convert_element_type3A_847 = arith.truncf %get3A_846 : f32 to bf16
    %convert_element_type3A_848 = arith.extf %convert_element_type3A_847 : bf16 to f32
    %get3A_849 = arith.constant 0 : index
    %get3A_850 = arith.constant 4 : index
    %get3A_851 = arith.constant 15 : index
    %get3A_852 = memref.load %arg3[%get3A_849, %get3A_850, %get3A_851] : memref<1x6x18xf32, #tpu.memory_space<smem>>
    %convert_element_type3A_853 = arith.truncf %get3A_852 : f32 to bf16
    %convert_element_type3A_854 = arith.extf %convert_element_type3A_853 : bf16 to f32
    %mul3A_855 = vector.broadcast %convert_element_type3A_806 : f32 to vector<256x17xf32>
    %mul3A_856 = arith.mulf %mul3A_855, %convert_element_type3A_792 : vector<256x17xf32>
    %mul3A_857 = vector.broadcast %convert_element_type3A_812 : f32 to vector<256x17xf32>
    %mul3A_858 = arith.mulf %mul3A_857, %convert_element_type3A_796 : vector<256x17xf32>
    %add3A_859 = arith.addf %mul3A_856, %mul3A_858 : vector<256x17xf32>
    %mul3A_860 = vector.broadcast %convert_element_type3A_818 : f32 to vector<256x17xf32>
    %mul3A_861 = arith.mulf %mul3A_860, %convert_element_type3A_800 : vector<256x17xf32>
    %add3A_862 = arith.addf %add3A_859, %mul3A_861 : vector<256x17xf32>
    %mul3A_863 = vector.broadcast %convert_element_type3A_824 : f32 to vector<256x17xf32>
    %mul3A_864 = arith.mulf %mul3A_863, %convert_element_type3A_792 : vector<256x17xf32>
    %mul3A_865 = vector.broadcast %convert_element_type3A_830 : f32 to vector<256x17xf32>
    %mul3A_866 = arith.mulf %mul3A_865, %convert_element_type3A_796 : vector<256x17xf32>
    %add3A_867 = arith.addf %mul3A_864, %mul3A_866 : vector<256x17xf32>
    %mul3A_868 = vector.broadcast %convert_element_type3A_836 : f32 to vector<256x17xf32>
    %mul3A_869 = arith.mulf %mul3A_868, %convert_element_type3A_800 : vector<256x17xf32>
    %add3A_870 = arith.addf %add3A_867, %mul3A_869 : vector<256x17xf32>
    %mul3A_871 = vector.broadcast %convert_element_type3A_842 : f32 to vector<256x17xf32>
    %mul3A_872 = arith.mulf %mul3A_871, %convert_element_type3A_792 : vector<256x17xf32>
    %mul3A_873 = vector.broadcast %convert_element_type3A_848 : f32 to vector<256x17xf32>
    %mul3A_874 = arith.mulf %mul3A_873, %convert_element_type3A_796 : vector<256x17xf32>
    %add3A_875 = arith.addf %mul3A_872, %mul3A_874 : vector<256x17xf32>
    %mul3A_876 = vector.broadcast %convert_element_type3A_854 : f32 to vector<256x17xf32>
    %mul3A_877 = arith.mulf %mul3A_876, %convert_element_type3A_800 : vector<256x17xf32>
    %add3A_878 = arith.addf %add3A_875, %mul3A_877 : vector<256x17xf32>
    %abs3A_879 = math.absf %add3A_878 : vector<256x17xf32>
    %gt3A_880 = arith.constant 1.000000e-03 : f32
    %gt3A_881 = vector.broadcast %gt3A_880 : f32 to vector<256x17xf32>
    %gt3A_882 = arith.cmpf ogt, %abs3A_879, %gt3A_881 : vector<256x17xf32>
    %jit3A_883 = arith.constant 1.000000e-03 : f32
    %broadcast_in_dim3A_884 = vector.broadcast %jit3A_883 : f32 to vector<256x17xf32>
    %select_n3A_885 = arith.select %gt3A_882, %add3A_878, %broadcast_in_dim3A_884 : vector<256x17xi1>, vector<256x17xf32>
    %mul3A_886 = vector.broadcast %get3A_764 : f32 to vector<256x17xf32>
    %mul3A_887 = arith.mulf %mul3A_886, %add3A_862 : vector<256x17xf32>
    %div3A_888 = arith.divf %mul3A_887, %select_n3A_885 : vector<256x17xf32>
    %add3A_889 = vector.broadcast %get3A_772 : f32 to vector<256x17xf32>
    %add3A_890 = arith.addf %div3A_888, %add3A_889 : vector<256x17xf32>
    %logistic3A_891 = arith.negf %add3A_890 : vector<256x17xf32>
    %logistic3A_892 = math.exp %logistic3A_891 : vector<256x17xf32>
    %logistic3A_893 = arith.constant 1.000000e+00 : f32
    %logistic3A_894 = vector.broadcast %logistic3A_893 : f32 to vector<256x17xf32>
    %logistic3A_895 = arith.addf %logistic3A_894, %logistic3A_892 : vector<256x17xf32>
    %logistic3A_896 = arith.divf %logistic3A_894, %logistic3A_895 : vector<256x17xf32>
    %mul3A_897 = vector.broadcast %get3A_768 : f32 to vector<256x17xf32>
    %mul3A_898 = arith.mulf %mul3A_897, %add3A_870 : vector<256x17xf32>
    %div3A_899 = arith.divf %mul3A_898, %select_n3A_885 : vector<256x17xf32>
    %add3A_900 = vector.broadcast %get3A_776 : f32 to vector<256x17xf32>
    %add3A_901 = arith.addf %div3A_899, %add3A_900 : vector<256x17xf32>
    %logistic3A_902 = arith.negf %add3A_901 : vector<256x17xf32>
    %logistic3A_903 = math.exp %logistic3A_902 : vector<256x17xf32>
    %logistic3A_904 = arith.constant 1.000000e+00 : f32
    %logistic3A_905 = vector.broadcast %logistic3A_904 : f32 to vector<256x17xf32>
    %logistic3A_906 = arith.addf %logistic3A_905, %logistic3A_903 : vector<256x17xf32>
    %logistic3A_907 = arith.divf %logistic3A_905, %logistic3A_906 : vector<256x17xf32>
    %le3A_908 = arith.constant 1.000000e-03 : f32
    %le3A_909 = vector.broadcast %le3A_908 : f32 to vector<256x17xf32>
    %le3A_910 = arith.cmpf ole, %add3A_878, %le3A_909 : vector<256x17xf32>
    %jit3A_911 = arith.constant -1.000000e+00 : f32
    %broadcast_in_dim3A_912 = vector.broadcast %jit3A_911 : f32 to vector<256x17xf32>
    %select_n3A_913 = arith.select %le3A_910, %broadcast_in_dim3A_912, %logistic3A_896 : vector<256x17xi1>, vector<256x17xf32>
    %jit3A_914 = arith.constant -1.000000e+00 : f32
    %broadcast_in_dim3A_915 = vector.broadcast %jit3A_914 : f32 to vector<256x17xf32>
    %select_n3A_916 = arith.select %le3A_910, %broadcast_in_dim3A_915, %logistic3A_907 : vector<256x17xi1>, vector<256x17xf32>
    %swap3A_917 = arith.constant 4 : index
    %swap3A_918 = arith.constant 0 : index
    %swap3A_919 = arith.constant 0 : index
    %swap3A_920 = vector.load %arg10[%swap3A_917, %swap3A_918, %swap3A_919] : memref<6x256x17xf32, #tpu.memory_space<vmem>>, vector<1x256x17xf32>
    %swap3A_921 = vector.shape_cast %swap3A_920 : vector<1x256x17xf32> to vector<256x17xf32>
    %swap3A_922 = vector.shape_cast %select_n3A_913 : vector<256x17xf32> to vector<1x256x17xf32>
    tpu.vector_store %arg10[%swap3A_917, %swap3A_918, %swap3A_919], %swap3A_922 {strides = array<i32>} : memref<6x256x17xf32, #tpu.memory_space<vmem>>, vector<1x256x17xf32>,
    %swap3A_923 = arith.constant 4 : index
    %swap3A_924 = arith.constant 0 : index
    %swap3A_925 = arith.constant 0 : index
    %swap3A_926 = vector.load %arg11[%swap3A_923, %swap3A_924, %swap3A_925] : memref<6x256x17xf32, #tpu.memory_space<vmem>>, vector<1x256x17xf32>
    %swap3A_927 = vector.shape_cast %swap3A_926 : vector<1x256x17xf32> to vector<256x17xf32>
    %swap3A_928 = vector.shape_cast %select_n3A_916 : vector<256x17xf32> to vector<1x256x17xf32>
    tpu.vector_store %arg11[%swap3A_923, %swap3A_924, %swap3A_925], %swap3A_928 {strides = array<i32>} : memref<6x256x17xf32, #tpu.memory_space<vmem>>, vector<1x256x17xf32>,
    %get3A_929 = arith.constant 0 : index
    %get3A_930 = arith.constant 5 : index
    %get3A_931 = arith.constant 0 : index
    %get3A_932 = memref.load %arg3[%get3A_929, %get3A_930, %get3A_931] : memref<1x6x18xf32, #tpu.memory_space<smem>>
    %get3A_933 = arith.constant 0 : index
    %get3A_934 = arith.constant 5 : index
    %get3A_935 = arith.constant 1 : index
    %get3A_936 = memref.load %arg3[%get3A_933, %get3A_934, %get3A_935] : memref<1x6x18xf32, #tpu.memory_space<smem>>
    %get3A_937 = arith.constant 0 : index
    %get3A_938 = arith.constant 5 : index
    %get3A_939 = arith.constant 2 : index
    %get3A_940 = memref.load %arg3[%get3A_937, %get3A_938, %get3A_939] : memref<1x6x18xf32, #tpu.memory_space<smem>>
    %get3A_941 = arith.constant 0 : index
    %get3A_942 = arith.constant 5 : index
    %get3A_943 = arith.constant 3 : index
    %get3A_944 = memref.load %arg3[%get3A_941, %get3A_942, %get3A_943] : memref<1x6x18xf32, #tpu.memory_space<smem>>
    %get3A_945 = arith.constant 0 : index
    %get3A_946 = arith.constant 5 : index
    %get3A_947 = arith.constant 4 : index
    %get3A_948 = memref.load %arg3[%get3A_945, %get3A_946, %get3A_947] : memref<1x6x18xf32, #tpu.memory_space<smem>>
    %get3A_949 = arith.constant 0 : index
    %get3A_950 = arith.constant 5 : index
    %get3A_951 = arith.constant 5 : index
    %get3A_952 = memref.load %arg3[%get3A_949, %get3A_950, %get3A_951] : memref<1x6x18xf32, #tpu.memory_space<smem>>
    %get3A_953 = arith.constant 0 : index
    %get3A_954 = arith.constant 5 : index
    %get3A_955 = arith.constant 6 : index
    %get3A_956 = memref.load %arg3[%get3A_953, %get3A_954, %get3A_955] : memref<1x6x18xf32, #tpu.memory_space<smem>>
    %sub3A_957 = vector.broadcast %get3A_948 : f32 to vector<256x17xf32>
    %sub3A_958 = arith.subf %add3A_85, %sub3A_957 : vector<256x17xf32>
    %convert_element_type3A_959 = arith.truncf %sub3A_958 : vector<256x17xf32> to vector<256x17xbf16>
    %convert_element_type3A_960 = arith.extf %convert_element_type3A_959 : vector<256x17xbf16> to vector<256x17xf32>
    %sub3A_961 = vector.broadcast %get3A_952 : f32 to vector<256x17xf32>
    %sub3A_962 = arith.subf %add3A_92, %sub3A_961 : vector<256x17xf32>
    %convert_element_type3A_963 = arith.truncf %sub3A_962 : vector<256x17xf32> to vector<256x17xbf16>
    %convert_element_type3A_964 = arith.extf %convert_element_type3A_963 : vector<256x17xbf16> to vector<256x17xf32>
    %sub3A_965 = vector.broadcast %get3A_956 : f32 to vector<256x17xf32>
    %sub3A_966 = arith.subf %add3A_94, %sub3A_965 : vector<256x17xf32>
    %convert_element_type3A_967 = arith.truncf %sub3A_966 : vector<256x17xf32> to vector<256x17xbf16>
    %convert_element_type3A_968 = arith.extf %convert_element_type3A_967 : vector<256x17xbf16> to vector<256x17xf32>
    %get3A_969 = arith.constant 0 : index
    %get3A_970 = arith.constant 5 : index
    %get3A_971 = arith.constant 7 : index
    %get3A_972 = memref.load %arg3[%get3A_969, %get3A_970, %get3A_971] : memref<1x6x18xf32, #tpu.memory_space<smem>>
    %convert_element_type3A_973 = arith.truncf %get3A_972 : f32 to bf16
    %convert_element_type3A_974 = arith.extf %convert_element_type3A_973 : bf16 to f32
    %get3A_975 = arith.constant 0 : index
    %get3A_976 = arith.constant 5 : index
    %get3A_977 = arith.constant 8 : index
    %get3A_978 = memref.load %arg3[%get3A_975, %get3A_976, %get3A_977] : memref<1x6x18xf32, #tpu.memory_space<smem>>
    %convert_element_type3A_979 = arith.truncf %get3A_978 : f32 to bf16
    %convert_element_type3A_980 = arith.extf %convert_element_type3A_979 : bf16 to f32
    %get3A_981 = arith.constant 0 : index
    %get3A_982 = arith.constant 5 : index
    %get3A_983 = arith.constant 9 : index
    %get3A_984 = memref.load %arg3[%get3A_981, %get3A_982, %get3A_983] : memref<1x6x18xf32, #tpu.memory_space<smem>>
    %convert_element_type3A_985 = arith.truncf %get3A_984 : f32 to bf16
    %convert_element_type3A_986 = arith.extf %convert_element_type3A_985 : bf16 to f32
    %get3A_987 = arith.constant 0 : index
    %get3A_988 = arith.constant 5 : index
    %get3A_989 = arith.constant 10 : index
    %get3A_990 = memref.load %arg3[%get3A_987, %get3A_988, %get3A_989] : memref<1x6x18xf32, #tpu.memory_space<smem>>
    %convert_element_type3A_991 = arith.truncf %get3A_990 : f32 to bf16
    %convert_element_type3A_992 = arith.extf %convert_element_type3A_991 : bf16 to f32
    %get3A_993 = arith.constant 0 : index
    %get3A_994 = arith.constant 5 : index
    %get3A_995 = arith.constant 11 : index
    %get3A_996 = memref.load %arg3[%get3A_993, %get3A_994, %get3A_995] : memref<1x6x18xf32, #tpu.memory_space<smem>>
    %convert_element_type3A_997 = arith.truncf %get3A_996 : f32 to bf16
    %convert_element_type3A_998 = arith.extf %convert_element_type3A_997 : bf16 to f32
    %get3A_999 = arith.constant 0 : index
    %get3A_1000 = arith.constant 5 : index
    %get3A_1001 = arith.constant 12 : index
    %get3A_1002 = memref.load %arg3[%get3A_999, %get3A_1000, %get3A_1001] : memref<1x6x18xf32, #tpu.memory_space<smem>>
    %convert_element_type3A_1003 = arith.truncf %get3A_1002 : f32 to bf16
    %convert_element_type3A_1004 = arith.extf %convert_element_type3A_1003 : bf16 to f32
    %get3A_1005 = arith.constant 0 : index
    %get3A_1006 = arith.constant 5 : index
    %get3A_1007 = arith.constant 13 : index
    %get3A_1008 = memref.load %arg3[%get3A_1005, %get3A_1006, %get3A_1007] : memref<1x6x18xf32, #tpu.memory_space<smem>>
    %convert_element_type3A_1009 = arith.truncf %get3A_1008 : f32 to bf16
    %convert_element_type3A_1010 = arith.extf %convert_element_type3A_1009 : bf16 to f32
    %get3A_1011 = arith.constant 0 : index
    %get3A_1012 = arith.constant 5 : index
    %get3A_1013 = arith.constant 14 : index
    %get3A_1014 = memref.load %arg3[%get3A_1011, %get3A_1012, %get3A_1013] : memref<1x6x18xf32, #tpu.memory_space<smem>>
    %convert_element_type3A_1015 = arith.truncf %get3A_1014 : f32 to bf16
    %convert_element_type3A_1016 = arith.extf %convert_element_type3A_1015 : bf16 to f32
    %get3A_1017 = arith.constant 0 : index
    %get3A_1018 = arith.constant 5 : index
    %get3A_1019 = arith.constant 15 : index
    %get3A_1020 = memref.load %arg3[%get3A_1017, %get3A_1018, %get3A_1019] : memref<1x6x18xf32, #tpu.memory_space<smem>>
    %convert_element_type3A_1021 = arith.truncf %get3A_1020 : f32 to bf16
    %convert_element_type3A_1022 = arith.extf %convert_element_type3A_1021 : bf16 to f32
    %mul3A_1023 = vector.broadcast %convert_element_type3A_974 : f32 to vector<256x17xf32>
    %mul3A_1024 = arith.mulf %mul3A_1023, %convert_element_type3A_960 : vector<256x17xf32>
    %mul3A_1025 = vector.broadcast %convert_element_type3A_980 : f32 to vector<256x17xf32>
    %mul3A_1026 = arith.mulf %mul3A_1025, %convert_element_type3A_964 : vector<256x17xf32>
    %add3A_1027 = arith.addf %mul3A_1024, %mul3A_1026 : vector<256x17xf32>
    %mul3A_1028 = vector.broadcast %convert_element_type3A_986 : f32 to vector<256x17xf32>
    %mul3A_1029 = arith.mulf %mul3A_1028, %convert_element_type3A_968 : vector<256x17xf32>
    %add3A_1030 = arith.addf %add3A_1027, %mul3A_1029 : vector<256x17xf32>
    %mul3A_1031 = vector.broadcast %convert_element_type3A_992 : f32 to vector<256x17xf32>
    %mul3A_1032 = arith.mulf %mul3A_1031, %convert_element_type3A_960 : vector<256x17xf32>
    %mul3A_1033 = vector.broadcast %convert_element_type3A_998 : f32 to vector<256x17xf32>
    %mul3A_1034 = arith.mulf %mul3A_1033, %convert_element_type3A_964 : vector<256x17xf32>
    %add3A_1035 = arith.addf %mul3A_1032, %mul3A_1034 : vector<256x17xf32>
    %mul3A_1036 = vector.broadcast %convert_element_type3A_1004 : f32 to vector<256x17xf32>
    %mul3A_1037 = arith.mulf %mul3A_1036, %convert_element_type3A_968 : vector<256x17xf32>
    %add3A_1038 = arith.addf %add3A_1035, %mul3A_1037 : vector<256x17xf32>
    %mul3A_1039 = vector.broadcast %convert_element_type3A_1010 : f32 to vector<256x17xf32>
    %mul3A_1040 = arith.mulf %mul3A_1039, %convert_element_type3A_960 : vector<256x17xf32>
    %mul3A_1041 = vector.broadcast %convert_element_type3A_1016 : f32 to vector<256x17xf32>
    %mul3A_1042 = arith.mulf %mul3A_1041, %convert_element_type3A_964 : vector<256x17xf32>
    %add3A_1043 = arith.addf %mul3A_1040, %mul3A_1042 : vector<256x17xf32>
    %mul3A_1044 = vector.broadcast %convert_element_type3A_1022 : f32 to vector<256x17xf32>
    %mul3A_1045 = arith.mulf %mul3A_1044, %convert_element_type3A_968 : vector<256x17xf32>
    %add3A_1046 = arith.addf %add3A_1043, %mul3A_1045 : vector<256x17xf32>
    %abs3A_1047 = math.absf %add3A_1046 : vector<256x17xf32>
    %gt3A_1048 = arith.constant 1.000000e-03 : f32
    %gt3A_1049 = vector.broadcast %gt3A_1048 : f32 to vector<256x17xf32>
    %gt3A_1050 = arith.cmpf ogt, %abs3A_1047, %gt3A_1049 : vector<256x17xf32>
    %jit3A_1051 = arith.constant 1.000000e-03 : f32
    %broadcast_in_dim3A_1052 = vector.broadcast %jit3A_1051 : f32 to vector<256x17xf32>
    %select_n3A_1053 = arith.select %gt3A_1050, %add3A_1046, %broadcast_in_dim3A_1052 : vector<256x17xi1>, vector<256x17xf32>
    %mul3A_1054 = vector.broadcast %get3A_932 : f32 to vector<256x17xf32>
    %mul3A_1055 = arith.mulf %mul3A_1054, %add3A_1030 : vector<256x17xf32>
    %div3A_1056 = arith.divf %mul3A_1055, %select_n3A_1053 : vector<256x17xf32>
    %add3A_1057 = vector.broadcast %get3A_940 : f32 to vector<256x17xf32>
    %add3A_1058 = arith.addf %div3A_1056, %add3A_1057 : vector<256x17xf32>
    %logistic3A_1059 = arith.negf %add3A_1058 : vector<256x17xf32>
    %logistic3A_1060 = math.exp %logistic3A_1059 : vector<256x17xf32>
    %logistic3A_1061 = arith.constant 1.000000e+00 : f32
    %logistic3A_1062 = vector.broadcast %logistic3A_1061 : f32 to vector<256x17xf32>
    %logistic3A_1063 = arith.addf %logistic3A_1062, %logistic3A_1060 : vector<256x17xf32>
    %logistic3A_1064 = arith.divf %logistic3A_1062, %logistic3A_1063 : vector<256x17xf32>
    %mul3A_1065 = vector.broadcast %get3A_936 : f32 to vector<256x17xf32>
    %mul3A_1066 = arith.mulf %mul3A_1065, %add3A_1038 : vector<256x17xf32>
    %div3A_1067 = arith.divf %mul3A_1066, %select_n3A_1053 : vector<256x17xf32>
    %add3A_1068 = vector.broadcast %get3A_944 : f32 to vector<256x17xf32>
    %add3A_1069 = arith.addf %div3A_1067, %add3A_1068 : vector<256x17xf32>
    %logistic3A_1070 = arith.negf %add3A_1069 : vector<256x17xf32>
    %logistic3A_1071 = math.exp %logistic3A_1070 : vector<256x17xf32>
    %logistic3A_1072 = arith.constant 1.000000e+00 : f32
    %logistic3A_1073 = vector.broadcast %logistic3A_1072 : f32 to vector<256x17xf32>
    %logistic3A_1074 = arith.addf %logistic3A_1073, %logistic3A_1071 : vector<256x17xf32>
    %logistic3A_1075 = arith.divf %logistic3A_1073, %logistic3A_1074 : vector<256x17xf32>
    %le3A_1076 = arith.constant 1.000000e-03 : f32
    %le3A_1077 = vector.broadcast %le3A_1076 : f32 to vector<256x17xf32>
    %le3A_1078 = arith.cmpf ole, %add3A_1046, %le3A_1077 : vector<256x17xf32>
    %jit3A_1079 = arith.constant -1.000000e+00 : f32
    %broadcast_in_dim3A_1080 = vector.broadcast %jit3A_1079 : f32 to vector<256x17xf32>
    %select_n3A_1081 = arith.select %le3A_1078, %broadcast_in_dim3A_1080, %logistic3A_1064 : vector<256x17xi1>, vector<256x17xf32>
    %jit3A_1082 = arith.constant -1.000000e+00 : f32
    %broadcast_in_dim3A_1083 = vector.broadcast %jit3A_1082 : f32 to vector<256x17xf32>
    %select_n3A_1084 = arith.select %le3A_1078, %broadcast_in_dim3A_1083, %logistic3A_1075 : vector<256x17xi1>, vector<256x17xf32>
    %swap3A_1085 = arith.constant 5 : index
    %swap3A_1086 = arith.constant 0 : index
    %swap3A_1087 = arith.constant 0 : index
    %swap3A_1088 = vector.load %arg10[%swap3A_1085, %swap3A_1086, %swap3A_1087] : memref<6x256x17xf32, #tpu.memory_space<vmem>>, vector<1x256x17xf32>
    %swap3A_1089 = vector.shape_cast %swap3A_1088 : vector<1x256x17xf32> to vector<256x17xf32>
    %swap3A_1090 = vector.shape_cast %select_n3A_1081 : vector<256x17xf32> to vector<1x256x17xf32>
    tpu.vector_store %arg10[%swap3A_1085, %swap3A_1086, %swap3A_1087], %swap3A_1090 {strides = array<i32>} : memref<6x256x17xf32, #tpu.memory_space<vmem>>, vector<1x256x17xf32>,
    %swap3A_1091 = arith.constant 5 : index
    %swap3A_1092 = arith.constant 0 : index
    %swap3A_1093 = arith.constant 0 : index
    %swap3A_1094 = vector.load %arg11[%swap3A_1091, %swap3A_1092, %swap3A_1093] : memref<6x256x17xf32, #tpu.memory_space<vmem>>, vector<1x256x17xf32>
    %swap3A_1095 = vector.shape_cast %swap3A_1094 : vector<1x256x17xf32> to vector<256x17xf32>
    %swap3A_1096 = vector.shape_cast %select_n3A_1084 : vector<256x17xf32> to vector<1x256x17xf32>
    tpu.vector_store %arg11[%swap3A_1091, %swap3A_1092, %swap3A_1093], %swap3A_1096 {strides = array<i32>} : memref<6x256x17xf32, #tpu.memory_space<vmem>>, vector<1x256x17xf32>,
    %ge3A = arith.constant 0.000000e+00 : f32
    %ge3A_1097 = vector.broadcast %ge3A : f32 to vector<256x17xf32>
    %ge3A_1098 = arith.cmpf oge, %select_n3A_242, %ge3A_1097 : vector<256x17xf32>
    %slice3A_1099 = vector.extract_strided_slice %logistic3A_39 {offsets = [0, 0], sizes = [256, 17], strides = [1, 1]} : vector<256x306xf32> to vector<256x17xf32>
    %mul3A_1100 = arith.constant 6.300000e+01 : f32
    %mul3A_1101 = vector.broadcast %mul3A_1100 : f32 to vector<256x17xf32>
    %mul3A_1102 = arith.mulf %select_n3A_242, %mul3A_1101 : vector<256x17xf32>
    %mul3A_1103 = arith.constant 6.300000e+01 : f32
    %mul3A_1104 = vector.broadcast %mul3A_1103 : f32 to vector<256x17xf32>
    %mul3A_1105 = arith.mulf %select_n3A_245, %mul3A_1104 : vector<256x17xf32>
    %floor3A = math.floor %mul3A_1102 : vector<256x17xf32>
    %floor3A_1106 = math.floor %mul3A_1105 : vector<256x17xf32>
    %add3A_1107 = arith.constant 1.000000e+00 : f32
    %add3A_1108 = vector.broadcast %add3A_1107 : f32 to vector<256x17xf32>
    %add3A_1109 = arith.addf %floor3A, %add3A_1108 : vector<256x17xf32>
    %add3A_1110 = arith.constant 1.000000e+00 : f32
    %add3A_1111 = vector.broadcast %add3A_1110 : f32 to vector<256x17xf32>
    %add3A_1112 = arith.addf %floor3A_1106, %add3A_1111 : vector<256x17xf32>
    %sub3A_1113 = arith.subf %mul3A_1102, %floor3A : vector<256x17xf32>
    %sub3A_1114 = arith.constant 1.000000e+00 : f32
    %sub3A_1115 = vector.broadcast %sub3A_1114 : f32 to vector<256x17xf32>
    %sub3A_1116 = arith.subf %sub3A_1115, %sub3A_1113 : vector<256x17xf32>
    %sub3A_1117 = arith.subf %mul3A_1105, %floor3A_1106 : vector<256x17xf32>
    %sub3A_1118 = arith.constant 1.000000e+00 : f32
    %sub3A_1119 = vector.broadcast %sub3A_1118 : f32 to vector<256x17xf32>
    %sub3A_1120 = arith.subf %sub3A_1119, %sub3A_1117 : vector<256x17xf32>
    %ge3A_1121 = arith.constant 0.000000e+00 : f32
    %ge3A_1122 = vector.broadcast %ge3A_1121 : f32 to vector<256x17xf32>
    %ge3A_1123 = arith.cmpf oge, %floor3A, %ge3A_1122 : vector<256x17xf32>
    %le3A_1124 = arith.constant 6.300000e+01 : f32
    %le3A_1125 = vector.broadcast %le3A_1124 : f32 to vector<256x17xf32>
    %le3A_1126 = arith.cmpf ole, %floor3A, %le3A_1125 : vector<256x17xf32>
    %and3A = arith.andi %ge3A_1123, %le3A_1126 : vector<256x17xi1>
    %ge3A_1127 = arith.constant 0.000000e+00 : f32
    %ge3A_1128 = vector.broadcast %ge3A_1127 : f32 to vector<256x17xf32>
    %ge3A_1129 = arith.cmpf oge, %floor3A_1106, %ge3A_1128 : vector<256x17xf32>
    %and3A_1130 = arith.andi %and3A, %ge3A_1129 : vector<256x17xi1>
    %le3A_1131 = arith.constant 6.300000e+01 : f32
    %le3A_1132 = vector.broadcast %le3A_1131 : f32 to vector<256x17xf32>
    %le3A_1133 = arith.cmpf ole, %floor3A_1106, %le3A_1132 : vector<256x17xf32>
    %and3A_1134 = arith.andi %and3A_1130, %le3A_1133 : vector<256x17xi1>
    %jit3A_1135 = arith.constant 0.000000e+00 : f32
    %jit3A_1136 = arith.constant 6.300000e+01 : f32
    %max3A = vector.broadcast %jit3A_1135 : f32 to vector<256x17xf32>
    %max3A_1137 = arith.maximumf %max3A, %floor3A : vector<256x17xf32>
    %min3A = vector.broadcast %jit3A_1136 : f32 to vector<256x17xf32>
    %min3A_1138 = arith.minimumf %min3A, %max3A_1137 : vector<256x17xf32>
    %convert_element_type3A_1139 = arith.fptosi %min3A_1138 : vector<256x17xf32> to vector<256x17xi32>
    %jit3A_1140 = arith.constant 0.000000e+00 : f32
    %jit3A_1141 = arith.constant 6.300000e+01 : f32
    %max3A_1142 = vector.broadcast %jit3A_1140 : f32 to vector<256x17xf32>
    %max3A_1143 = arith.maximumf %max3A_1142, %floor3A_1106 : vector<256x17xf32>
    %min3A_1144 = vector.broadcast %jit3A_1141 : f32 to vector<256x17xf32>
    %min3A_1145 = arith.minimumf %min3A_1144, %max3A_1143 : vector<256x17xf32>
    %convert_element_type3A_1146 = arith.fptosi %min3A_1145 : vector<256x17xf32> to vector<256x17xi32>
    %mul3A_1147 = arith.constant 64 : i32
    %mul3A_1148 = vector.broadcast %mul3A_1147 : i32 to vector<256x17xi32>
    %mul3A_1149 = arith.muli %convert_element_type3A_1146, %mul3A_1148 : vector<256x17xi32>
    %add3A_1150 = arith.constant 0 : i32
    %add3A_1151 = vector.broadcast %add3A_1150 : i32 to vector<256x17xi32>
    %add3A_1152 = arith.addi %add3A_1151, %mul3A_1149 : vector<256x17xi32>
    %add3A_1153 = arith.addi %add3A_1152, %convert_element_type3A_1139 : vector<256x17xi32>
    %and3A_1154 = arith.andi %and3A_1134, %ge3A_1098 : vector<256x17xi1>
    %mul3A_1155 = arith.mulf %sub3A_1116, %sub3A_1120 : vector<256x17xf32>
    %mul3A_1156 = arith.mulf %slice3A_1099, %mul3A_1155 : vector<256x17xf32>
    %jit3A_1157 = arith.constant 0.000000e+00 : f32
    %broadcast_in_dim3A_1158 = vector.broadcast %jit3A_1157 : f32 to vector<256x17xf32>
    %select_n3A_1159 = arith.select %and3A_1154, %mul3A_1156, %broadcast_in_dim3A_1158 : vector<256x17xi1>, vector<256x17xf32>
    %ge3A_1160 = arith.constant 0.000000e+00 : f32
    %ge3A_1161 = vector.broadcast %ge3A_1160 : f32 to vector<256x17xf32>
    %ge3A_1162 = arith.cmpf oge, %add3A_1109, %ge3A_1161 : vector<256x17xf32>
    %le3A_1163 = arith.constant 6.300000e+01 : f32
    %le3A_1164 = vector.broadcast %le3A_1163 : f32 to vector<256x17xf32>
    %le3A_1165 = arith.cmpf ole, %add3A_1109, %le3A_1164 : vector<256x17xf32>
    %and3A_1166 = arith.andi %ge3A_1162, %le3A_1165 : vector<256x17xi1>
    %ge3A_1167 = arith.constant 0.000000e+00 : f32
    %ge3A_1168 = vector.broadcast %ge3A_1167 : f32 to vector<256x17xf32>
    %ge3A_1169 = arith.cmpf oge, %floor3A_1106, %ge3A_1168 : vector<256x17xf32>
    %and3A_1170 = arith.andi %and3A_1166, %ge3A_1169 : vector<256x17xi1>
    %le3A_1171 = arith.constant 6.300000e+01 : f32
    %le3A_1172 = vector.broadcast %le3A_1171 : f32 to vector<256x17xf32>
    %le3A_1173 = arith.cmpf ole, %floor3A_1106, %le3A_1172 : vector<256x17xf32>
    %and3A_1174 = arith.andi %and3A_1170, %le3A_1173 : vector<256x17xi1>
    %jit3A_1175 = arith.constant 0.000000e+00 : f32
    %jit3A_1176 = arith.constant 6.300000e+01 : f32
    %max3A_1177 = vector.broadcast %jit3A_1175 : f32 to vector<256x17xf32>
    %max3A_1178 = arith.maximumf %max3A_1177, %add3A_1109 : vector<256x17xf32>
    %min3A_1179 = vector.broadcast %jit3A_1176 : f32 to vector<256x17xf32>
    %min3A_1180 = arith.minimumf %min3A_1179, %max3A_1178 : vector<256x17xf32>
    %convert_element_type3A_1181 = arith.fptosi %min3A_1180 : vector<256x17xf32> to vector<256x17xi32>
    %jit3A_1182 = arith.constant 0.000000e+00 : f32
    %jit3A_1183 = arith.constant 6.300000e+01 : f32
    %max3A_1184 = vector.broadcast %jit3A_1182 : f32 to vector<256x17xf32>
    %max3A_1185 = arith.maximumf %max3A_1184, %floor3A_1106 : vector<256x17xf32>
    %min3A_1186 = vector.broadcast %jit3A_1183 : f32 to vector<256x17xf32>
    %min3A_1187 = arith.minimumf %min3A_1186, %max3A_1185 : vector<256x17xf32>
    %convert_element_type3A_1188 = arith.fptosi %min3A_1187 : vector<256x17xf32> to vector<256x17xi32>
    %mul3A_1189 = arith.constant 64 : i32
    %mul3A_1190 = vector.broadcast %mul3A_1189 : i32 to vector<256x17xi32>
    %mul3A_1191 = arith.muli %convert_element_type3A_1188, %mul3A_1190 : vector<256x17xi32>
    %add3A_1192 = arith.constant 0 : i32
    %add3A_1193 = vector.broadcast %add3A_1192 : i32 to vector<256x17xi32>
    %add3A_1194 = arith.addi %add3A_1193, %mul3A_1191 : vector<256x17xi32>
    %add3A_1195 = arith.addi %add3A_1194, %convert_element_type3A_1181 : vector<256x17xi32>
    %and3A_1196 = arith.andi %and3A_1174, %ge3A_1098 : vector<256x17xi1>
    %mul3A_1197 = arith.mulf %sub3A_1113, %sub3A_1120 : vector<256x17xf32>
    %mul3A_1198 = arith.mulf %slice3A_1099, %mul3A_1197 : vector<256x17xf32>
    %jit3A_1199 = arith.constant 0.000000e+00 : f32
    %broadcast_in_dim3A_1200 = vector.broadcast %jit3A_1199 : f32 to vector<256x17xf32>
    %select_n3A_1201 = arith.select %and3A_1196, %mul3A_1198, %broadcast_in_dim3A_1200 : vector<256x17xi1>, vector<256x17xf32>
    %ge3A_1202 = arith.constant 0.000000e+00 : f32
    %ge3A_1203 = vector.broadcast %ge3A_1202 : f32 to vector<256x17xf32>
    %ge3A_1204 = arith.cmpf oge, %floor3A, %ge3A_1203 : vector<256x17xf32>
    %le3A_1205 = arith.constant 6.300000e+01 : f32
    %le3A_1206 = vector.broadcast %le3A_1205 : f32 to vector<256x17xf32>
    %le3A_1207 = arith.cmpf ole, %floor3A, %le3A_1206 : vector<256x17xf32>
    %and3A_1208 = arith.andi %ge3A_1204, %le3A_1207 : vector<256x17xi1>
    %ge3A_1209 = arith.constant 0.000000e+00 : f32
    %ge3A_1210 = vector.broadcast %ge3A_1209 : f32 to vector<256x17xf32>
    %ge3A_1211 = arith.cmpf oge, %add3A_1112, %ge3A_1210 : vector<256x17xf32>
    %and3A_1212 = arith.andi %and3A_1208, %ge3A_1211 : vector<256x17xi1>
    %le3A_1213 = arith.constant 6.300000e+01 : f32
    %le3A_1214 = vector.broadcast %le3A_1213 : f32 to vector<256x17xf32>
    %le3A_1215 = arith.cmpf ole, %add3A_1112, %le3A_1214 : vector<256x17xf32>
    %and3A_1216 = arith.andi %and3A_1212, %le3A_1215 : vector<256x17xi1>
    %jit3A_1217 = arith.constant 0.000000e+00 : f32
    %jit3A_1218 = arith.constant 6.300000e+01 : f32
    %max3A_1219 = vector.broadcast %jit3A_1217 : f32 to vector<256x17xf32>
    %max3A_1220 = arith.maximumf %max3A_1219, %floor3A : vector<256x17xf32>
    %min3A_1221 = vector.broadcast %jit3A_1218 : f32 to vector<256x17xf32>
    %min3A_1222 = arith.minimumf %min3A_1221, %max3A_1220 : vector<256x17xf32>
    %convert_element_type3A_1223 = arith.fptosi %min3A_1222 : vector<256x17xf32> to vector<256x17xi32>
    %jit3A_1224 = arith.constant 0.000000e+00 : f32
    %jit3A_1225 = arith.constant 6.300000e+01 : f32
    %max3A_1226 = vector.broadcast %jit3A_1224 : f32 to vector<256x17xf32>
    %max3A_1227 = arith.maximumf %max3A_1226, %add3A_1112 : vector<256x17xf32>
    %min3A_1228 = vector.broadcast %jit3A_1225 : f32 to vector<256x17xf32>
    %min3A_1229 = arith.minimumf %min3A_1228, %max3A_1227 : vector<256x17xf32>
    %convert_element_type3A_1230 = arith.fptosi %min3A_1229 : vector<256x17xf32> to vector<256x17xi32>
    %mul3A_1231 = arith.constant 64 : i32
    %mul3A_1232 = vector.broadcast %mul3A_1231 : i32 to vector<256x17xi32>
    %mul3A_1233 = arith.muli %convert_element_type3A_1230, %mul3A_1232 : vector<256x17xi32>
    %add3A_1234 = arith.constant 0 : i32
    %add3A_1235 = vector.broadcast %add3A_1234 : i32 to vector<256x17xi32>
    %add3A_1236 = arith.addi %add3A_1235, %mul3A_1233 : vector<256x17xi32>
    %add3A_1237 = arith.addi %add3A_1236, %convert_element_type3A_1223 : vector<256x17xi32>
    %and3A_1238 = arith.andi %and3A_1216, %ge3A_1098 : vector<256x17xi1>
    %mul3A_1239 = arith.mulf %sub3A_1116, %sub3A_1117 : vector<256x17xf32>
    %mul3A_1240 = arith.mulf %slice3A_1099, %mul3A_1239 : vector<256x17xf32>
    %jit3A_1241 = arith.constant 0.000000e+00 : f32
    %broadcast_in_dim3A_1242 = vector.broadcast %jit3A_1241 : f32 to vector<256x17xf32>
    %select_n3A_1243 = arith.select %and3A_1238, %mul3A_1240, %broadcast_in_dim3A_1242 : vector<256x17xi1>, vector<256x17xf32>
    %ge3A_1244 = arith.constant 0.000000e+00 : f32
    %ge3A_1245 = vector.broadcast %ge3A_1244 : f32 to vector<256x17xf32>
    %ge3A_1246 = arith.cmpf oge, %add3A_1109, %ge3A_1245 : vector<256x17xf32>
    %le3A_1247 = arith.constant 6.300000e+01 : f32
    %le3A_1248 = vector.broadcast %le3A_1247 : f32 to vector<256x17xf32>
    %le3A_1249 = arith.cmpf ole, %add3A_1109, %le3A_1248 : vector<256x17xf32>
    %and3A_1250 = arith.andi %ge3A_1246, %le3A_1249 : vector<256x17xi1>
    %ge3A_1251 = arith.constant 0.000000e+00 : f32
    %ge3A_1252 = vector.broadcast %ge3A_1251 : f32 to vector<256x17xf32>
    %ge3A_1253 = arith.cmpf oge, %add3A_1112, %ge3A_1252 : vector<256x17xf32>
    %and3A_1254 = arith.andi %and3A_1250, %ge3A_1253 : vector<256x17xi1>
    %le3A_1255 = arith.constant 6.300000e+01 : f32
    %le3A_1256 = vector.broadcast %le3A_1255 : f32 to vector<256x17xf32>
    %le3A_1257 = arith.cmpf ole, %add3A_1112, %le3A_1256 : vector<256x17xf32>
    %and3A_1258 = arith.andi %and3A_1254, %le3A_1257 : vector<256x17xi1>
    %jit3A_1259 = arith.constant 0.000000e+00 : f32
    %jit3A_1260 = arith.constant 6.300000e+01 : f32
    %max3A_1261 = vector.broadcast %jit3A_1259 : f32 to vector<256x17xf32>
    %max3A_1262 = arith.maximumf %max3A_1261, %add3A_1109 : vector<256x17xf32>
    %min3A_1263 = vector.broadcast %jit3A_1260 : f32 to vector<256x17xf32>
    %min3A_1264 = arith.minimumf %min3A_1263, %max3A_1262 : vector<256x17xf32>
    %convert_element_type3A_1265 = arith.fptosi %min3A_1264 : vector<256x17xf32> to vector<256x17xi32>
    %jit3A_1266 = arith.constant 0.000000e+00 : f32
    %jit3A_1267 = arith.constant 6.300000e+01 : f32
    %max3A_1268 = vector.broadcast %jit3A_1266 : f32 to vector<256x17xf32>
    %max3A_1269 = arith.maximumf %max3A_1268, %add3A_1112 : vector<256x17xf32>
    %min3A_1270 = vector.broadcast %jit3A_1267 : f32 to vector<256x17xf32>
    %min3A_1271 = arith.minimumf %min3A_1270, %max3A_1269 : vector<256x17xf32>
    %convert_element_type3A_1272 = arith.fptosi %min3A_1271 : vector<256x17xf32> to vector<256x17xi32>
    %mul3A_1273 = arith.constant 64 : i32
    %mul3A_1274 = vector.broadcast %mul3A_1273 : i32 to vector<256x17xi32>
    %mul3A_1275 = arith.muli %convert_element_type3A_1272, %mul3A_1274 : vector<256x17xi32>
    %add3A_1276 = arith.constant 0 : i32
    %add3A_1277 = vector.broadcast %add3A_1276 : i32 to vector<256x17xi32>
    %add3A_1278 = arith.addi %add3A_1277, %mul3A_1275 : vector<256x17xi32>
    %add3A_1279 = arith.addi %add3A_1278, %convert_element_type3A_1265 : vector<256x17xi32>
    %and3A_1280 = arith.andi %and3A_1258, %ge3A_1098 : vector<256x17xi1>
    %mul3A_1281 = arith.mulf %sub3A_1113, %sub3A_1117 : vector<256x17xf32>
    %mul3A_1282 = arith.mulf %slice3A_1099, %mul3A_1281 : vector<256x17xf32>
    %jit3A_1283 = arith.constant 0.000000e+00 : f32
    %broadcast_in_dim3A_1284 = vector.broadcast %jit3A_1283 : f32 to vector<256x17xf32>
    %select_n3A_1285 = arith.select %and3A_1280, %mul3A_1282, %broadcast_in_dim3A_1284 : vector<256x17xi1>, vector<256x17xf32>
    %ge3A_1286 = arith.constant 0.000000e+00 : f32
    %ge3A_1287 = vector.broadcast %ge3A_1286 : f32 to vector<256x17xf32>
    %ge3A_1288 = arith.cmpf oge, %select_n3A_409, %ge3A_1287 : vector<256x17xf32>
    %slice3A_1289 = vector.extract_strided_slice %logistic3A_39 {offsets = [0, 17], sizes = [256, 17], strides = [1, 1]} : vector<256x306xf32> to vector<256x17xf32>
    %mul3A_1290 = arith.constant 6.300000e+01 : f32
    %mul3A_1291 = vector.broadcast %mul3A_1290 : f32 to vector<256x17xf32>
    %mul3A_1292 = arith.mulf %select_n3A_409, %mul3A_1291 : vector<256x17xf32>
    %mul3A_1293 = arith.constant 6.300000e+01 : f32
    %mul3A_1294 = vector.broadcast %mul3A_1293 : f32 to vector<256x17xf32>
    %mul3A_1295 = arith.mulf %select_n3A_412, %mul3A_1294 : vector<256x17xf32>
    %floor3A_1296 = math.floor %mul3A_1292 : vector<256x17xf32>
    %floor3A_1297 = math.floor %mul3A_1295 : vector<256x17xf32>
    %add3A_1298 = arith.constant 1.000000e+00 : f32
    %add3A_1299 = vector.broadcast %add3A_1298 : f32 to vector<256x17xf32>
    %add3A_1300 = arith.addf %floor3A_1296, %add3A_1299 : vector<256x17xf32>
    %add3A_1301 = arith.constant 1.000000e+00 : f32
    %add3A_1302 = vector.broadcast %add3A_1301 : f32 to vector<256x17xf32>
    %add3A_1303 = arith.addf %floor3A_1297, %add3A_1302 : vector<256x17xf32>
    %sub3A_1304 = arith.subf %mul3A_1292, %floor3A_1296 : vector<256x17xf32>
    %sub3A_1305 = arith.constant 1.000000e+00 : f32
    %sub3A_1306 = vector.broadcast %sub3A_1305 : f32 to vector<256x17xf32>
    %sub3A_1307 = arith.subf %sub3A_1306, %sub3A_1304 : vector<256x17xf32>
    %sub3A_1308 = arith.subf %mul3A_1295, %floor3A_1297 : vector<256x17xf32>
    %sub3A_1309 = arith.constant 1.000000e+00 : f32
    %sub3A_1310 = vector.broadcast %sub3A_1309 : f32 to vector<256x17xf32>
    %sub3A_1311 = arith.subf %sub3A_1310, %sub3A_1308 : vector<256x17xf32>
    %ge3A_1312 = arith.constant 0.000000e+00 : f32
    %ge3A_1313 = vector.broadcast %ge3A_1312 : f32 to vector<256x17xf32>
    %ge3A_1314 = arith.cmpf oge, %floor3A_1296, %ge3A_1313 : vector<256x17xf32>
    %le3A_1315 = arith.constant 6.300000e+01 : f32
    %le3A_1316 = vector.broadcast %le3A_1315 : f32 to vector<256x17xf32>
    %le3A_1317 = arith.cmpf ole, %floor3A_1296, %le3A_1316 : vector<256x17xf32>
    %and3A_1318 = arith.andi %ge3A_1314, %le3A_1317 : vector<256x17xi1>
    %ge3A_1319 = arith.constant 0.000000e+00 : f32
    %ge3A_1320 = vector.broadcast %ge3A_1319 : f32 to vector<256x17xf32>
    %ge3A_1321 = arith.cmpf oge, %floor3A_1297, %ge3A_1320 : vector<256x17xf32>
    %and3A_1322 = arith.andi %and3A_1318, %ge3A_1321 : vector<256x17xi1>
    %le3A_1323 = arith.constant 6.300000e+01 : f32
    %le3A_1324 = vector.broadcast %le3A_1323 : f32 to vector<256x17xf32>
    %le3A_1325 = arith.cmpf ole, %floor3A_1297, %le3A_1324 : vector<256x17xf32>
    %and3A_1326 = arith.andi %and3A_1322, %le3A_1325 : vector<256x17xi1>
    %jit3A_1327 = arith.constant 0.000000e+00 : f32
    %jit3A_1328 = arith.constant 6.300000e+01 : f32
    %max3A_1329 = vector.broadcast %jit3A_1327 : f32 to vector<256x17xf32>
    %max3A_1330 = arith.maximumf %max3A_1329, %floor3A_1296 : vector<256x17xf32>
    %min3A_1331 = vector.broadcast %jit3A_1328 : f32 to vector<256x17xf32>
    %min3A_1332 = arith.minimumf %min3A_1331, %max3A_1330 : vector<256x17xf32>
    %convert_element_type3A_1333 = arith.fptosi %min3A_1332 : vector<256x17xf32> to vector<256x17xi32>
    %jit3A_1334 = arith.constant 0.000000e+00 : f32
    %jit3A_1335 = arith.constant 6.300000e+01 : f32
    %max3A_1336 = vector.broadcast %jit3A_1334 : f32 to vector<256x17xf32>
    %max3A_1337 = arith.maximumf %max3A_1336, %floor3A_1297 : vector<256x17xf32>
    %min3A_1338 = vector.broadcast %jit3A_1335 : f32 to vector<256x17xf32>
    %min3A_1339 = arith.minimumf %min3A_1338, %max3A_1337 : vector<256x17xf32>
    %convert_element_type3A_1340 = arith.fptosi %min3A_1339 : vector<256x17xf32> to vector<256x17xi32>
    %mul3A_1341 = arith.constant 64 : i32
    %mul3A_1342 = vector.broadcast %mul3A_1341 : i32 to vector<256x17xi32>
    %mul3A_1343 = arith.muli %convert_element_type3A_1340, %mul3A_1342 : vector<256x17xi32>
    %add3A_1344 = arith.constant 4096 : i32
    %add3A_1345 = vector.broadcast %add3A_1344 : i32 to vector<256x17xi32>
    %add3A_1346 = arith.addi %add3A_1345, %mul3A_1343 : vector<256x17xi32>
    %add3A_1347 = arith.addi %add3A_1346, %convert_element_type3A_1333 : vector<256x17xi32>
    %and3A_1348 = arith.andi %and3A_1326, %ge3A_1288 : vector<256x17xi1>
    %mul3A_1349 = arith.mulf %sub3A_1307, %sub3A_1311 : vector<256x17xf32>
    %mul3A_1350 = arith.mulf %slice3A_1289, %mul3A_1349 : vector<256x17xf32>
    %jit3A_1351 = arith.constant 0.000000e+00 : f32
    %broadcast_in_dim3A_1352 = vector.broadcast %jit3A_1351 : f32 to vector<256x17xf32>
    %select_n3A_1353 = arith.select %and3A_1348, %mul3A_1350, %broadcast_in_dim3A_1352 : vector<256x17xi1>, vector<256x17xf32>
    %ge3A_1354 = arith.constant 0.000000e+00 : f32
    %ge3A_1355 = vector.broadcast %ge3A_1354 : f32 to vector<256x17xf32>
    %ge3A_1356 = arith.cmpf oge, %add3A_1300, %ge3A_1355 : vector<256x17xf32>
    %le3A_1357 = arith.constant 6.300000e+01 : f32
    %le3A_1358 = vector.broadcast %le3A_1357 : f32 to vector<256x17xf32>
    %le3A_1359 = arith.cmpf ole, %add3A_1300, %le3A_1358 : vector<256x17xf32>
    %and3A_1360 = arith.andi %ge3A_1356, %le3A_1359 : vector<256x17xi1>
    %ge3A_1361 = arith.constant 0.000000e+00 : f32
    %ge3A_1362 = vector.broadcast %ge3A_1361 : f32 to vector<256x17xf32>
    %ge3A_1363 = arith.cmpf oge, %floor3A_1297, %ge3A_1362 : vector<256x17xf32>
    %and3A_1364 = arith.andi %and3A_1360, %ge3A_1363 : vector<256x17xi1>
    %le3A_1365 = arith.constant 6.300000e+01 : f32
    %le3A_1366 = vector.broadcast %le3A_1365 : f32 to vector<256x17xf32>
    %le3A_1367 = arith.cmpf ole, %floor3A_1297, %le3A_1366 : vector<256x17xf32>
    %and3A_1368 = arith.andi %and3A_1364, %le3A_1367 : vector<256x17xi1>
    %jit3A_1369 = arith.constant 0.000000e+00 : f32
    %jit3A_1370 = arith.constant 6.300000e+01 : f32
    %max3A_1371 = vector.broadcast %jit3A_1369 : f32 to vector<256x17xf32>
    %max3A_1372 = arith.maximumf %max3A_1371, %add3A_1300 : vector<256x17xf32>
    %min3A_1373 = vector.broadcast %jit3A_1370 : f32 to vector<256x17xf32>
    %min3A_1374 = arith.minimumf %min3A_1373, %max3A_1372 : vector<256x17xf32>
    %convert_element_type3A_1375 = arith.fptosi %min3A_1374 : vector<256x17xf32> to vector<256x17xi32>
    %jit3A_1376 = arith.constant 0.000000e+00 : f32
    %jit3A_1377 = arith.constant 6.300000e+01 : f32
    %max3A_1378 = vector.broadcast %jit3A_1376 : f32 to vector<256x17xf32>
    %max3A_1379 = arith.maximumf %max3A_1378, %floor3A_1297 : vector<256x17xf32>
    %min3A_1380 = vector.broadcast %jit3A_1377 : f32 to vector<256x17xf32>
    %min3A_1381 = arith.minimumf %min3A_1380, %max3A_1379 : vector<256x17xf32>
    %convert_element_type3A_1382 = arith.fptosi %min3A_1381 : vector<256x17xf32> to vector<256x17xi32>
    %mul3A_1383 = arith.constant 64 : i32
    %mul3A_1384 = vector.broadcast %mul3A_1383 : i32 to vector<256x17xi32>
    %mul3A_1385 = arith.muli %convert_element_type3A_1382, %mul3A_1384 : vector<256x17xi32>
    %add3A_1386 = arith.constant 4096 : i32
    %add3A_1387 = vector.broadcast %add3A_1386 : i32 to vector<256x17xi32>
    %add3A_1388 = arith.addi %add3A_1387, %mul3A_1385 : vector<256x17xi32>
    %add3A_1389 = arith.addi %add3A_1388, %convert_element_type3A_1375 : vector<256x17xi32>
    %and3A_1390 = arith.andi %and3A_1368, %ge3A_1288 : vector<256x17xi1>
    %mul3A_1391 = arith.mulf %sub3A_1304, %sub3A_1311 : vector<256x17xf32>
    %mul3A_1392 = arith.mulf %slice3A_1289, %mul3A_1391 : vector<256x17xf32>
    %jit3A_1393 = arith.constant 0.000000e+00 : f32
    %broadcast_in_dim3A_1394 = vector.broadcast %jit3A_1393 : f32 to vector<256x17xf32>
    %select_n3A_1395 = arith.select %and3A_1390, %mul3A_1392, %broadcast_in_dim3A_1394 : vector<256x17xi1>, vector<256x17xf32>
    %ge3A_1396 = arith.constant 0.000000e+00 : f32
    %ge3A_1397 = vector.broadcast %ge3A_1396 : f32 to vector<256x17xf32>
    %ge3A_1398 = arith.cmpf oge, %floor3A_1296, %ge3A_1397 : vector<256x17xf32>
    %le3A_1399 = arith.constant 6.300000e+01 : f32
    %le3A_1400 = vector.broadcast %le3A_1399 : f32 to vector<256x17xf32>
    %le3A_1401 = arith.cmpf ole, %floor3A_1296, %le3A_1400 : vector<256x17xf32>
    %and3A_1402 = arith.andi %ge3A_1398, %le3A_1401 : vector<256x17xi1>
    %ge3A_1403 = arith.constant 0.000000e+00 : f32
    %ge3A_1404 = vector.broadcast %ge3A_1403 : f32 to vector<256x17xf32>
    %ge3A_1405 = arith.cmpf oge, %add3A_1303, %ge3A_1404 : vector<256x17xf32>
    %and3A_1406 = arith.andi %and3A_1402, %ge3A_1405 : vector<256x17xi1>
    %le3A_1407 = arith.constant 6.300000e+01 : f32
    %le3A_1408 = vector.broadcast %le3A_1407 : f32 to vector<256x17xf32>
    %le3A_1409 = arith.cmpf ole, %add3A_1303, %le3A_1408 : vector<256x17xf32>
    %and3A_1410 = arith.andi %and3A_1406, %le3A_1409 : vector<256x17xi1>
    %jit3A_1411 = arith.constant 0.000000e+00 : f32
    %jit3A_1412 = arith.constant 6.300000e+01 : f32
    %max3A_1413 = vector.broadcast %jit3A_1411 : f32 to vector<256x17xf32>
    %max3A_1414 = arith.maximumf %max3A_1413, %floor3A_1296 : vector<256x17xf32>
    %min3A_1415 = vector.broadcast %jit3A_1412 : f32 to vector<256x17xf32>
    %min3A_1416 = arith.minimumf %min3A_1415, %max3A_1414 : vector<256x17xf32>
    %convert_element_type3A_1417 = arith.fptosi %min3A_1416 : vector<256x17xf32> to vector<256x17xi32>
    %jit3A_1418 = arith.constant 0.000000e+00 : f32
    %jit3A_1419 = arith.constant 6.300000e+01 : f32
    %max3A_1420 = vector.broadcast %jit3A_1418 : f32 to vector<256x17xf32>
    %max3A_1421 = arith.maximumf %max3A_1420, %add3A_1303 : vector<256x17xf32>
    %min3A_1422 = vector.broadcast %jit3A_1419 : f32 to vector<256x17xf32>
    %min3A_1423 = arith.minimumf %min3A_1422, %max3A_1421 : vector<256x17xf32>
    %convert_element_type3A_1424 = arith.fptosi %min3A_1423 : vector<256x17xf32> to vector<256x17xi32>
    %mul3A_1425 = arith.constant 64 : i32
    %mul3A_1426 = vector.broadcast %mul3A_1425 : i32 to vector<256x17xi32>
    %mul3A_1427 = arith.muli %convert_element_type3A_1424, %mul3A_1426 : vector<256x17xi32>
    %add3A_1428 = arith.constant 4096 : i32
    %add3A_1429 = vector.broadcast %add3A_1428 : i32 to vector<256x17xi32>
    %add3A_1430 = arith.addi %add3A_1429, %mul3A_1427 : vector<256x17xi32>
    %add3A_1431 = arith.addi %add3A_1430, %convert_element_type3A_1417 : vector<256x17xi32>
    %and3A_1432 = arith.andi %and3A_1410, %ge3A_1288 : vector<256x17xi1>
    %mul3A_1433 = arith.mulf %sub3A_1307, %sub3A_1308 : vector<256x17xf32>
    %mul3A_1434 = arith.mulf %slice3A_1289, %mul3A_1433 : vector<256x17xf32>
    %jit3A_1435 = arith.constant 0.000000e+00 : f32
    %broadcast_in_dim3A_1436 = vector.broadcast %jit3A_1435 : f32 to vector<256x17xf32>
    %select_n3A_1437 = arith.select %and3A_1432, %mul3A_1434, %broadcast_in_dim3A_1436 : vector<256x17xi1>, vector<256x17xf32>
    %ge3A_1438 = arith.constant 0.000000e+00 : f32
    %ge3A_1439 = vector.broadcast %ge3A_1438 : f32 to vector<256x17xf32>
    %ge3A_1440 = arith.cmpf oge, %add3A_1300, %ge3A_1439 : vector<256x17xf32>
    %le3A_1441 = arith.constant 6.300000e+01 : f32
    %le3A_1442 = vector.broadcast %le3A_1441 : f32 to vector<256x17xf32>
    %le3A_1443 = arith.cmpf ole, %add3A_1300, %le3A_1442 : vector<256x17xf32>
    %and3A_1444 = arith.andi %ge3A_1440, %le3A_1443 : vector<256x17xi1>
    %ge3A_1445 = arith.constant 0.000000e+00 : f32
    %ge3A_1446 = vector.broadcast %ge3A_1445 : f32 to vector<256x17xf32>
    %ge3A_1447 = arith.cmpf oge, %add3A_1303, %ge3A_1446 : vector<256x17xf32>
    %and3A_1448 = arith.andi %and3A_1444, %ge3A_1447 : vector<256x17xi1>
    %le3A_1449 = arith.constant 6.300000e+01 : f32
    %le3A_1450 = vector.broadcast %le3A_1449 : f32 to vector<256x17xf32>
    %le3A_1451 = arith.cmpf ole, %add3A_1303, %le3A_1450 : vector<256x17xf32>
    %and3A_1452 = arith.andi %and3A_1448, %le3A_1451 : vector<256x17xi1>
    %jit3A_1453 = arith.constant 0.000000e+00 : f32
    %jit3A_1454 = arith.constant 6.300000e+01 : f32
    %max3A_1455 = vector.broadcast %jit3A_1453 : f32 to vector<256x17xf32>
    %max3A_1456 = arith.maximumf %max3A_1455, %add3A_1300 : vector<256x17xf32>
    %min3A_1457 = vector.broadcast %jit3A_1454 : f32 to vector<256x17xf32>
    %min3A_1458 = arith.minimumf %min3A_1457, %max3A_1456 : vector<256x17xf32>
    %convert_element_type3A_1459 = arith.fptosi %min3A_1458 : vector<256x17xf32> to vector<256x17xi32>
    %jit3A_1460 = arith.constant 0.000000e+00 : f32
    %jit3A_1461 = arith.constant 6.300000e+01 : f32
    %max3A_1462 = vector.broadcast %jit3A_1460 : f32 to vector<256x17xf32>
    %max3A_1463 = arith.maximumf %max3A_1462, %add3A_1303 : vector<256x17xf32>
    %min3A_1464 = vector.broadcast %jit3A_1461 : f32 to vector<256x17xf32>
    %min3A_1465 = arith.minimumf %min3A_1464, %max3A_1463 : vector<256x17xf32>
    %convert_element_type3A_1466 = arith.fptosi %min3A_1465 : vector<256x17xf32> to vector<256x17xi32>
    %mul3A_1467 = arith.constant 64 : i32
    %mul3A_1468 = vector.broadcast %mul3A_1467 : i32 to vector<256x17xi32>
    %mul3A_1469 = arith.muli %convert_element_type3A_1466, %mul3A_1468 : vector<256x17xi32>
    %add3A_1470 = arith.constant 4096 : i32
    %add3A_1471 = vector.broadcast %add3A_1470 : i32 to vector<256x17xi32>
    %add3A_1472 = arith.addi %add3A_1471, %mul3A_1469 : vector<256x17xi32>
    %add3A_1473 = arith.addi %add3A_1472, %convert_element_type3A_1459 : vector<256x17xi32>
    %and3A_1474 = arith.andi %and3A_1452, %ge3A_1288 : vector<256x17xi1>
    %mul3A_1475 = arith.mulf %sub3A_1304, %sub3A_1308 : vector<256x17xf32>
    %mul3A_1476 = arith.mulf %slice3A_1289, %mul3A_1475 : vector<256x17xf32>
    %jit3A_1477 = arith.constant 0.000000e+00 : f32
    %broadcast_in_dim3A_1478 = vector.broadcast %jit3A_1477 : f32 to vector<256x17xf32>
    %select_n3A_1479 = arith.select %and3A_1474, %mul3A_1476, %broadcast_in_dim3A_1478 : vector<256x17xi1>, vector<256x17xf32>
    %ge3A_1480 = arith.constant 0.000000e+00 : f32
    %ge3A_1481 = vector.broadcast %ge3A_1480 : f32 to vector<256x17xf32>
    %ge3A_1482 = arith.cmpf oge, %select_n3A_577, %ge3A_1481 : vector<256x17xf32>
    %slice3A_1483 = vector.extract_strided_slice %logistic3A_39 {offsets = [0, 34], sizes = [256, 17], strides = [1, 1]} : vector<256x306xf32> to vector<256x17xf32>
    %mul3A_1484 = arith.constant 6.300000e+01 : f32
    %mul3A_1485 = vector.broadcast %mul3A_1484 : f32 to vector<256x17xf32>
    %mul3A_1486 = arith.mulf %select_n3A_577, %mul3A_1485 : vector<256x17xf32>
    %mul3A_1487 = arith.constant 6.300000e+01 : f32
    %mul3A_1488 = vector.broadcast %mul3A_1487 : f32 to vector<256x17xf32>
    %mul3A_1489 = arith.mulf %select_n3A_580, %mul3A_1488 : vector<256x17xf32>
    %floor3A_1490 = math.floor %mul3A_1486 : vector<256x17xf32>
    %floor3A_1491 = math.floor %mul3A_1489 : vector<256x17xf32>
    %add3A_1492 = arith.constant 1.000000e+00 : f32
    %add3A_1493 = vector.broadcast %add3A_1492 : f32 to vector<256x17xf32>
    %add3A_1494 = arith.addf %floor3A_1490, %add3A_1493 : vector<256x17xf32>
    %add3A_1495 = arith.constant 1.000000e+00 : f32
    %add3A_1496 = vector.broadcast %add3A_1495 : f32 to vector<256x17xf32>
    %add3A_1497 = arith.addf %floor3A_1491, %add3A_1496 : vector<256x17xf32>
    %sub3A_1498 = arith.subf %mul3A_1486, %floor3A_1490 : vector<256x17xf32>
    %sub3A_1499 = arith.constant 1.000000e+00 : f32
    %sub3A_1500 = vector.broadcast %sub3A_1499 : f32 to vector<256x17xf32>
    %sub3A_1501 = arith.subf %sub3A_1500, %sub3A_1498 : vector<256x17xf32>
    %sub3A_1502 = arith.subf %mul3A_1489, %floor3A_1491 : vector<256x17xf32>
    %sub3A_1503 = arith.constant 1.000000e+00 : f32
    %sub3A_1504 = vector.broadcast %sub3A_1503 : f32 to vector<256x17xf32>
    %sub3A_1505 = arith.subf %sub3A_1504, %sub3A_1502 : vector<256x17xf32>
    %ge3A_1506 = arith.constant 0.000000e+00 : f32
    %ge3A_1507 = vector.broadcast %ge3A_1506 : f32 to vector<256x17xf32>
    %ge3A_1508 = arith.cmpf oge, %floor3A_1490, %ge3A_1507 : vector<256x17xf32>
    %le3A_1509 = arith.constant 6.300000e+01 : f32
    %le3A_1510 = vector.broadcast %le3A_1509 : f32 to vector<256x17xf32>
    %le3A_1511 = arith.cmpf ole, %floor3A_1490, %le3A_1510 : vector<256x17xf32>
    %and3A_1512 = arith.andi %ge3A_1508, %le3A_1511 : vector<256x17xi1>
    %ge3A_1513 = arith.constant 0.000000e+00 : f32
    %ge3A_1514 = vector.broadcast %ge3A_1513 : f32 to vector<256x17xf32>
    %ge3A_1515 = arith.cmpf oge, %floor3A_1491, %ge3A_1514 : vector<256x17xf32>
    %and3A_1516 = arith.andi %and3A_1512, %ge3A_1515 : vector<256x17xi1>
    %le3A_1517 = arith.constant 6.300000e+01 : f32
    %le3A_1518 = vector.broadcast %le3A_1517 : f32 to vector<256x17xf32>
    %le3A_1519 = arith.cmpf ole, %floor3A_1491, %le3A_1518 : vector<256x17xf32>
    %and3A_1520 = arith.andi %and3A_1516, %le3A_1519 : vector<256x17xi1>
    %jit3A_1521 = arith.constant 0.000000e+00 : f32
    %jit3A_1522 = arith.constant 6.300000e+01 : f32
    %max3A_1523 = vector.broadcast %jit3A_1521 : f32 to vector<256x17xf32>
    %max3A_1524 = arith.maximumf %max3A_1523, %floor3A_1490 : vector<256x17xf32>
    %min3A_1525 = vector.broadcast %jit3A_1522 : f32 to vector<256x17xf32>
    %min3A_1526 = arith.minimumf %min3A_1525, %max3A_1524 : vector<256x17xf32>
    %convert_element_type3A_1527 = arith.fptosi %min3A_1526 : vector<256x17xf32> to vector<256x17xi32>
    %jit3A_1528 = arith.constant 0.000000e+00 : f32
    %jit3A_1529 = arith.constant 6.300000e+01 : f32
    %max3A_1530 = vector.broadcast %jit3A_1528 : f32 to vector<256x17xf32>
    %max3A_1531 = arith.maximumf %max3A_1530, %floor3A_1491 : vector<256x17xf32>
    %min3A_1532 = vector.broadcast %jit3A_1529 : f32 to vector<256x17xf32>
    %min3A_1533 = arith.minimumf %min3A_1532, %max3A_1531 : vector<256x17xf32>
    %convert_element_type3A_1534 = arith.fptosi %min3A_1533 : vector<256x17xf32> to vector<256x17xi32>
    %mul3A_1535 = arith.constant 64 : i32
    %mul3A_1536 = vector.broadcast %mul3A_1535 : i32 to vector<256x17xi32>
    %mul3A_1537 = arith.muli %convert_element_type3A_1534, %mul3A_1536 : vector<256x17xi32>
    %add3A_1538 = arith.constant 8192 : i32
    %add3A_1539 = vector.broadcast %add3A_1538 : i32 to vector<256x17xi32>
    %add3A_1540 = arith.addi %add3A_1539, %mul3A_1537 : vector<256x17xi32>
    %add3A_1541 = arith.addi %add3A_1540, %convert_element_type3A_1527 : vector<256x17xi32>
    %and3A_1542 = arith.andi %and3A_1520, %ge3A_1482 : vector<256x17xi1>
    %mul3A_1543 = arith.mulf %sub3A_1501, %sub3A_1505 : vector<256x17xf32>
    %mul3A_1544 = arith.mulf %slice3A_1483, %mul3A_1543 : vector<256x17xf32>
    %jit3A_1545 = arith.constant 0.000000e+00 : f32
    %broadcast_in_dim3A_1546 = vector.broadcast %jit3A_1545 : f32 to vector<256x17xf32>
    %select_n3A_1547 = arith.select %and3A_1542, %mul3A_1544, %broadcast_in_dim3A_1546 : vector<256x17xi1>, vector<256x17xf32>
    %ge3A_1548 = arith.constant 0.000000e+00 : f32
    %ge3A_1549 = vector.broadcast %ge3A_1548 : f32 to vector<256x17xf32>
    %ge3A_1550 = arith.cmpf oge, %add3A_1494, %ge3A_1549 : vector<256x17xf32>
    %le3A_1551 = arith.constant 6.300000e+01 : f32
    %le3A_1552 = vector.broadcast %le3A_1551 : f32 to vector<256x17xf32>
    %le3A_1553 = arith.cmpf ole, %add3A_1494, %le3A_1552 : vector<256x17xf32>
    %and3A_1554 = arith.andi %ge3A_1550, %le3A_1553 : vector<256x17xi1>
    %ge3A_1555 = arith.constant 0.000000e+00 : f32
    %ge3A_1556 = vector.broadcast %ge3A_1555 : f32 to vector<256x17xf32>
    %ge3A_1557 = arith.cmpf oge, %floor3A_1491, %ge3A_1556 : vector<256x17xf32>
    %and3A_1558 = arith.andi %and3A_1554, %ge3A_1557 : vector<256x17xi1>
    %le3A_1559 = arith.constant 6.300000e+01 : f32
    %le3A_1560 = vector.broadcast %le3A_1559 : f32 to vector<256x17xf32>
    %le3A_1561 = arith.cmpf ole, %floor3A_1491, %le3A_1560 : vector<256x17xf32>
    %and3A_1562 = arith.andi %and3A_1558, %le3A_1561 : vector<256x17xi1>
    %jit3A_1563 = arith.constant 0.000000e+00 : f32
    %jit3A_1564 = arith.constant 6.300000e+01 : f32
    %max3A_1565 = vector.broadcast %jit3A_1563 : f32 to vector<256x17xf32>
    %max3A_1566 = arith.maximumf %max3A_1565, %add3A_1494 : vector<256x17xf32>
    %min3A_1567 = vector.broadcast %jit3A_1564 : f32 to vector<256x17xf32>
    %min3A_1568 = arith.minimumf %min3A_1567, %max3A_1566 : vector<256x17xf32>
    %convert_element_type3A_1569 = arith.fptosi %min3A_1568 : vector<256x17xf32> to vector<256x17xi32>
    %jit3A_1570 = arith.constant 0.000000e+00 : f32
    %jit3A_1571 = arith.constant 6.300000e+01 : f32
    %max3A_1572 = vector.broadcast %jit3A_1570 : f32 to vector<256x17xf32>
    %max3A_1573 = arith.maximumf %max3A_1572, %floor3A_1491 : vector<256x17xf32>
    %min3A_1574 = vector.broadcast %jit3A_1571 : f32 to vector<256x17xf32>
    %min3A_1575 = arith.minimumf %min3A_1574, %max3A_1573 : vector<256x17xf32>
    %convert_element_type3A_1576 = arith.fptosi %min3A_1575 : vector<256x17xf32> to vector<256x17xi32>
    %mul3A_1577 = arith.constant 64 : i32
    %mul3A_1578 = vector.broadcast %mul3A_1577 : i32 to vector<256x17xi32>
    %mul3A_1579 = arith.muli %convert_element_type3A_1576, %mul3A_1578 : vector<256x17xi32>
    %add3A_1580 = arith.constant 8192 : i32
    %add3A_1581 = vector.broadcast %add3A_1580 : i32 to vector<256x17xi32>
    %add3A_1582 = arith.addi %add3A_1581, %mul3A_1579 : vector<256x17xi32>
    %add3A_1583 = arith.addi %add3A_1582, %convert_element_type3A_1569 : vector<256x17xi32>
    %and3A_1584 = arith.andi %and3A_1562, %ge3A_1482 : vector<256x17xi1>
    %mul3A_1585 = arith.mulf %sub3A_1498, %sub3A_1505 : vector<256x17xf32>
    %mul3A_1586 = arith.mulf %slice3A_1483, %mul3A_1585 : vector<256x17xf32>
    %jit3A_1587 = arith.constant 0.000000e+00 : f32
    %broadcast_in_dim3A_1588 = vector.broadcast %jit3A_1587 : f32 to vector<256x17xf32>
    %select_n3A_1589 = arith.select %and3A_1584, %mul3A_1586, %broadcast_in_dim3A_1588 : vector<256x17xi1>, vector<256x17xf32>
    %ge3A_1590 = arith.constant 0.000000e+00 : f32
    %ge3A_1591 = vector.broadcast %ge3A_1590 : f32 to vector<256x17xf32>
    %ge3A_1592 = arith.cmpf oge, %floor3A_1490, %ge3A_1591 : vector<256x17xf32>
    %le3A_1593 = arith.constant 6.300000e+01 : f32
    %le3A_1594 = vector.broadcast %le3A_1593 : f32 to vector<256x17xf32>
    %le3A_1595 = arith.cmpf ole, %floor3A_1490, %le3A_1594 : vector<256x17xf32>
    %and3A_1596 = arith.andi %ge3A_1592, %le3A_1595 : vector<256x17xi1>
    %ge3A_1597 = arith.constant 0.000000e+00 : f32
    %ge3A_1598 = vector.broadcast %ge3A_1597 : f32 to vector<256x17xf32>
    %ge3A_1599 = arith.cmpf oge, %add3A_1497, %ge3A_1598 : vector<256x17xf32>
    %and3A_1600 = arith.andi %and3A_1596, %ge3A_1599 : vector<256x17xi1>
    %le3A_1601 = arith.constant 6.300000e+01 : f32
    %le3A_1602 = vector.broadcast %le3A_1601 : f32 to vector<256x17xf32>
    %le3A_1603 = arith.cmpf ole, %add3A_1497, %le3A_1602 : vector<256x17xf32>
    %and3A_1604 = arith.andi %and3A_1600, %le3A_1603 : vector<256x17xi1>
    %jit3A_1605 = arith.constant 0.000000e+00 : f32
    %jit3A_1606 = arith.constant 6.300000e+01 : f32
    %max3A_1607 = vector.broadcast %jit3A_1605 : f32 to vector<256x17xf32>
    %max3A_1608 = arith.maximumf %max3A_1607, %floor3A_1490 : vector<256x17xf32>
    %min3A_1609 = vector.broadcast %jit3A_1606 : f32 to vector<256x17xf32>
    %min3A_1610 = arith.minimumf %min3A_1609, %max3A_1608 : vector<256x17xf32>
    %convert_element_type3A_1611 = arith.fptosi %min3A_1610 : vector<256x17xf32> to vector<256x17xi32>
    %jit3A_1612 = arith.constant 0.000000e+00 : f32
    %jit3A_1613 = arith.constant 6.300000e+01 : f32
    %max3A_1614 = vector.broadcast %jit3A_1612 : f32 to vector<256x17xf32>
    %max3A_1615 = arith.maximumf %max3A_1614, %add3A_1497 : vector<256x17xf32>
    %min3A_1616 = vector.broadcast %jit3A_1613 : f32 to vector<256x17xf32>
    %min3A_1617 = arith.minimumf %min3A_1616, %max3A_1615 : vector<256x17xf32>
    %convert_element_type3A_1618 = arith.fptosi %min3A_1617 : vector<256x17xf32> to vector<256x17xi32>
    %mul3A_1619 = arith.constant 64 : i32
    %mul3A_1620 = vector.broadcast %mul3A_1619 : i32 to vector<256x17xi32>
    %mul3A_1621 = arith.muli %convert_element_type3A_1618, %mul3A_1620 : vector<256x17xi32>
    %add3A_1622 = arith.constant 8192 : i32
    %add3A_1623 = vector.broadcast %add3A_1622 : i32 to vector<256x17xi32>
    %add3A_1624 = arith.addi %add3A_1623, %mul3A_1621 : vector<256x17xi32>
    %add3A_1625 = arith.addi %add3A_1624, %convert_element_type3A_1611 : vector<256x17xi32>
    %and3A_1626 = arith.andi %and3A_1604, %ge3A_1482 : vector<256x17xi1>
    %mul3A_1627 = arith.mulf %sub3A_1501, %sub3A_1502 : vector<256x17xf32>
    %mul3A_1628 = arith.mulf %slice3A_1483, %mul3A_1627 : vector<256x17xf32>
    %jit3A_1629 = arith.constant 0.000000e+00 : f32
    %broadcast_in_dim3A_1630 = vector.broadcast %jit3A_1629 : f32 to vector<256x17xf32>
    %select_n3A_1631 = arith.select %and3A_1626, %mul3A_1628, %broadcast_in_dim3A_1630 : vector<256x17xi1>, vector<256x17xf32>
    %ge3A_1632 = arith.constant 0.000000e+00 : f32
    %ge3A_1633 = vector.broadcast %ge3A_1632 : f32 to vector<256x17xf32>
    %ge3A_1634 = arith.cmpf oge, %add3A_1494, %ge3A_1633 : vector<256x17xf32>
    %le3A_1635 = arith.constant 6.300000e+01 : f32
    %le3A_1636 = vector.broadcast %le3A_1635 : f32 to vector<256x17xf32>
    %le3A_1637 = arith.cmpf ole, %add3A_1494, %le3A_1636 : vector<256x17xf32>
    %and3A_1638 = arith.andi %ge3A_1634, %le3A_1637 : vector<256x17xi1>
    %ge3A_1639 = arith.constant 0.000000e+00 : f32
    %ge3A_1640 = vector.broadcast %ge3A_1639 : f32 to vector<256x17xf32>
    %ge3A_1641 = arith.cmpf oge, %add3A_1497, %ge3A_1640 : vector<256x17xf32>
    %and3A_1642 = arith.andi %and3A_1638, %ge3A_1641 : vector<256x17xi1>
    %le3A_1643 = arith.constant 6.300000e+01 : f32
    %le3A_1644 = vector.broadcast %le3A_1643 : f32 to vector<256x17xf32>
    %le3A_1645 = arith.cmpf ole, %add3A_1497, %le3A_1644 : vector<256x17xf32>
    %and3A_1646 = arith.andi %and3A_1642, %le3A_1645 : vector<256x17xi1>
    %jit3A_1647 = arith.constant 0.000000e+00 : f32
    %jit3A_1648 = arith.constant 6.300000e+01 : f32
    %max3A_1649 = vector.broadcast %jit3A_1647 : f32 to vector<256x17xf32>
    %max3A_1650 = arith.maximumf %max3A_1649, %add3A_1494 : vector<256x17xf32>
    %min3A_1651 = vector.broadcast %jit3A_1648 : f32 to vector<256x17xf32>
    %min3A_1652 = arith.minimumf %min3A_1651, %max3A_1650 : vector<256x17xf32>
    %convert_element_type3A_1653 = arith.fptosi %min3A_1652 : vector<256x17xf32> to vector<256x17xi32>
    %jit3A_1654 = arith.constant 0.000000e+00 : f32
    %jit3A_1655 = arith.constant 6.300000e+01 : f32
    %max3A_1656 = vector.broadcast %jit3A_1654 : f32 to vector<256x17xf32>
    %max3A_1657 = arith.maximumf %max3A_1656, %add3A_1497 : vector<256x17xf32>
    %min3A_1658 = vector.broadcast %jit3A_1655 : f32 to vector<256x17xf32>
    %min3A_1659 = arith.minimumf %min3A_1658, %max3A_1657 : vector<256x17xf32>
    %convert_element_type3A_1660 = arith.fptosi %min3A_1659 : vector<256x17xf32> to vector<256x17xi32>
    %mul3A_1661 = arith.constant 64 : i32
    %mul3A_1662 = vector.broadcast %mul3A_1661 : i32 to vector<256x17xi32>
    %mul3A_1663 = arith.muli %convert_element_type3A_1660, %mul3A_1662 : vector<256x17xi32>
    %add3A_1664 = arith.constant 8192 : i32
    %add3A_1665 = vector.broadcast %add3A_1664 : i32 to vector<256x17xi32>
    %add3A_1666 = arith.addi %add3A_1665, %mul3A_1663 : vector<256x17xi32>
    %add3A_1667 = arith.addi %add3A_1666, %convert_element_type3A_1653 : vector<256x17xi32>
    %and3A_1668 = arith.andi %and3A_1646, %ge3A_1482 : vector<256x17xi1>
    %mul3A_1669 = arith.mulf %sub3A_1498, %sub3A_1502 : vector<256x17xf32>
    %mul3A_1670 = arith.mulf %slice3A_1483, %mul3A_1669 : vector<256x17xf32>
    %jit3A_1671 = arith.constant 0.000000e+00 : f32
    %broadcast_in_dim3A_1672 = vector.broadcast %jit3A_1671 : f32 to vector<256x17xf32>
    %select_n3A_1673 = arith.select %and3A_1668, %mul3A_1670, %broadcast_in_dim3A_1672 : vector<256x17xi1>, vector<256x17xf32>
    %ge3A_1674 = arith.constant 0.000000e+00 : f32
    %ge3A_1675 = vector.broadcast %ge3A_1674 : f32 to vector<256x17xf32>
    %ge3A_1676 = arith.cmpf oge, %select_n3A_745, %ge3A_1675 : vector<256x17xf32>
    %slice3A_1677 = vector.extract_strided_slice %logistic3A_39 {offsets = [0, 51], sizes = [256, 17], strides = [1, 1]} : vector<256x306xf32> to vector<256x17xf32>
    %mul3A_1678 = arith.constant 6.300000e+01 : f32
    %mul3A_1679 = vector.broadcast %mul3A_1678 : f32 to vector<256x17xf32>
    %mul3A_1680 = arith.mulf %select_n3A_745, %mul3A_1679 : vector<256x17xf32>
    %mul3A_1681 = arith.constant 6.300000e+01 : f32
    %mul3A_1682 = vector.broadcast %mul3A_1681 : f32 to vector<256x17xf32>
    %mul3A_1683 = arith.mulf %select_n3A_748, %mul3A_1682 : vector<256x17xf32>
    %floor3A_1684 = math.floor %mul3A_1680 : vector<256x17xf32>
    %floor3A_1685 = math.floor %mul3A_1683 : vector<256x17xf32>
    %add3A_1686 = arith.constant 1.000000e+00 : f32
    %add3A_1687 = vector.broadcast %add3A_1686 : f32 to vector<256x17xf32>
    %add3A_1688 = arith.addf %floor3A_1684, %add3A_1687 : vector<256x17xf32>
    %add3A_1689 = arith.constant 1.000000e+00 : f32
    %add3A_1690 = vector.broadcast %add3A_1689 : f32 to vector<256x17xf32>
    %add3A_1691 = arith.addf %floor3A_1685, %add3A_1690 : vector<256x17xf32>
    %sub3A_1692 = arith.subf %mul3A_1680, %floor3A_1684 : vector<256x17xf32>
    %sub3A_1693 = arith.constant 1.000000e+00 : f32
    %sub3A_1694 = vector.broadcast %sub3A_1693 : f32 to vector<256x17xf32>
    %sub3A_1695 = arith.subf %sub3A_1694, %sub3A_1692 : vector<256x17xf32>
    %sub3A_1696 = arith.subf %mul3A_1683, %floor3A_1685 : vector<256x17xf32>
    %sub3A_1697 = arith.constant 1.000000e+00 : f32
    %sub3A_1698 = vector.broadcast %sub3A_1697 : f32 to vector<256x17xf32>
    %sub3A_1699 = arith.subf %sub3A_1698, %sub3A_1696 : vector<256x17xf32>
    %ge3A_1700 = arith.constant 0.000000e+00 : f32
    %ge3A_1701 = vector.broadcast %ge3A_1700 : f32 to vector<256x17xf32>
    %ge3A_1702 = arith.cmpf oge, %floor3A_1684, %ge3A_1701 : vector<256x17xf32>
    %le3A_1703 = arith.constant 6.300000e+01 : f32
    %le3A_1704 = vector.broadcast %le3A_1703 : f32 to vector<256x17xf32>
    %le3A_1705 = arith.cmpf ole, %floor3A_1684, %le3A_1704 : vector<256x17xf32>
    %and3A_1706 = arith.andi %ge3A_1702, %le3A_1705 : vector<256x17xi1>
    %ge3A_1707 = arith.constant 0.000000e+00 : f32
    %ge3A_1708 = vector.broadcast %ge3A_1707 : f32 to vector<256x17xf32>
    %ge3A_1709 = arith.cmpf oge, %floor3A_1685, %ge3A_1708 : vector<256x17xf32>
    %and3A_1710 = arith.andi %and3A_1706, %ge3A_1709 : vector<256x17xi1>
    %le3A_1711 = arith.constant 6.300000e+01 : f32
    %le3A_1712 = vector.broadcast %le3A_1711 : f32 to vector<256x17xf32>
    %le3A_1713 = arith.cmpf ole, %floor3A_1685, %le3A_1712 : vector<256x17xf32>
    %and3A_1714 = arith.andi %and3A_1710, %le3A_1713 : vector<256x17xi1>
    %jit3A_1715 = arith.constant 0.000000e+00 : f32
    %jit3A_1716 = arith.constant 6.300000e+01 : f32
    %max3A_1717 = vector.broadcast %jit3A_1715 : f32 to vector<256x17xf32>
    %max3A_1718 = arith.maximumf %max3A_1717, %floor3A_1684 : vector<256x17xf32>
    %min3A_1719 = vector.broadcast %jit3A_1716 : f32 to vector<256x17xf32>
    %min3A_1720 = arith.minimumf %min3A_1719, %max3A_1718 : vector<256x17xf32>
    %convert_element_type3A_1721 = arith.fptosi %min3A_1720 : vector<256x17xf32> to vector<256x17xi32>
    %jit3A_1722 = arith.constant 0.000000e+00 : f32
    %jit3A_1723 = arith.constant 6.300000e+01 : f32
    %max3A_1724 = vector.broadcast %jit3A_1722 : f32 to vector<256x17xf32>
    %max3A_1725 = arith.maximumf %max3A_1724, %floor3A_1685 : vector<256x17xf32>
    %min3A_1726 = vector.broadcast %jit3A_1723 : f32 to vector<256x17xf32>
    %min3A_1727 = arith.minimumf %min3A_1726, %max3A_1725 : vector<256x17xf32>
    %convert_element_type3A_1728 = arith.fptosi %min3A_1727 : vector<256x17xf32> to vector<256x17xi32>
    %mul3A_1729 = arith.constant 64 : i32
    %mul3A_1730 = vector.broadcast %mul3A_1729 : i32 to vector<256x17xi32>
    %mul3A_1731 = arith.muli %convert_element_type3A_1728, %mul3A_1730 : vector<256x17xi32>
    %add3A_1732 = arith.constant 12288 : i32
    %add3A_1733 = vector.broadcast %add3A_1732 : i32 to vector<256x17xi32>
    %add3A_1734 = arith.addi %add3A_1733, %mul3A_1731 : vector<256x17xi32>
    %add3A_1735 = arith.addi %add3A_1734, %convert_element_type3A_1721 : vector<256x17xi32>
    %and3A_1736 = arith.andi %and3A_1714, %ge3A_1676 : vector<256x17xi1>
    %mul3A_1737 = arith.mulf %sub3A_1695, %sub3A_1699 : vector<256x17xf32>
    %mul3A_1738 = arith.mulf %slice3A_1677, %mul3A_1737 : vector<256x17xf32>
    %jit3A_1739 = arith.constant 0.000000e+00 : f32
    %broadcast_in_dim3A_1740 = vector.broadcast %jit3A_1739 : f32 to vector<256x17xf32>
    %select_n3A_1741 = arith.select %and3A_1736, %mul3A_1738, %broadcast_in_dim3A_1740 : vector<256x17xi1>, vector<256x17xf32>
    %ge3A_1742 = arith.constant 0.000000e+00 : f32
    %ge3A_1743 = vector.broadcast %ge3A_1742 : f32 to vector<256x17xf32>
    %ge3A_1744 = arith.cmpf oge, %add3A_1688, %ge3A_1743 : vector<256x17xf32>
    %le3A_1745 = arith.constant 6.300000e+01 : f32
    %le3A_1746 = vector.broadcast %le3A_1745 : f32 to vector<256x17xf32>
    %le3A_1747 = arith.cmpf ole, %add3A_1688, %le3A_1746 : vector<256x17xf32>
    %and3A_1748 = arith.andi %ge3A_1744, %le3A_1747 : vector<256x17xi1>
    %ge3A_1749 = arith.constant 0.000000e+00 : f32
    %ge3A_1750 = vector.broadcast %ge3A_1749 : f32 to vector<256x17xf32>
    %ge3A_1751 = arith.cmpf oge, %floor3A_1685, %ge3A_1750 : vector<256x17xf32>
    %and3A_1752 = arith.andi %and3A_1748, %ge3A_1751 : vector<256x17xi1>
    %le3A_1753 = arith.constant 6.300000e+01 : f32
    %le3A_1754 = vector.broadcast %le3A_1753 : f32 to vector<256x17xf32>
    %le3A_1755 = arith.cmpf ole, %floor3A_1685, %le3A_1754 : vector<256x17xf32>
    %and3A_1756 = arith.andi %and3A_1752, %le3A_1755 : vector<256x17xi1>
    %jit3A_1757 = arith.constant 0.000000e+00 : f32
    %jit3A_1758 = arith.constant 6.300000e+01 : f32
    %max3A_1759 = vector.broadcast %jit3A_1757 : f32 to vector<256x17xf32>
    %max3A_1760 = arith.maximumf %max3A_1759, %add3A_1688 : vector<256x17xf32>
    %min3A_1761 = vector.broadcast %jit3A_1758 : f32 to vector<256x17xf32>
    %min3A_1762 = arith.minimumf %min3A_1761, %max3A_1760 : vector<256x17xf32>
    %convert_element_type3A_1763 = arith.fptosi %min3A_1762 : vector<256x17xf32> to vector<256x17xi32>
    %jit3A_1764 = arith.constant 0.000000e+00 : f32
    %jit3A_1765 = arith.constant 6.300000e+01 : f32
    %max3A_1766 = vector.broadcast %jit3A_1764 : f32 to vector<256x17xf32>
    %max3A_1767 = arith.maximumf %max3A_1766, %floor3A_1685 : vector<256x17xf32>
    %min3A_1768 = vector.broadcast %jit3A_1765 : f32 to vector<256x17xf32>
    %min3A_1769 = arith.minimumf %min3A_1768, %max3A_1767 : vector<256x17xf32>
    %convert_element_type3A_1770 = arith.fptosi %min3A_1769 : vector<256x17xf32> to vector<256x17xi32>
    %mul3A_1771 = arith.constant 64 : i32
    %mul3A_1772 = vector.broadcast %mul3A_1771 : i32 to vector<256x17xi32>
    %mul3A_1773 = arith.muli %convert_element_type3A_1770, %mul3A_1772 : vector<256x17xi32>
    %add3A_1774 = arith.constant 12288 : i32
    %add3A_1775 = vector.broadcast %add3A_1774 : i32 to vector<256x17xi32>
    %add3A_1776 = arith.addi %add3A_1775, %mul3A_1773 : vector<256x17xi32>
    %add3A_1777 = arith.addi %add3A_1776, %convert_element_type3A_1763 : vector<256x17xi32>
    %and3A_1778 = arith.andi %and3A_1756, %ge3A_1676 : vector<256x17xi1>
    %mul3A_1779 = arith.mulf %sub3A_1692, %sub3A_1699 : vector<256x17xf32>
    %mul3A_1780 = arith.mulf %slice3A_1677, %mul3A_1779 : vector<256x17xf32>
    %jit3A_1781 = arith.constant 0.000000e+00 : f32
    %broadcast_in_dim3A_1782 = vector.broadcast %jit3A_1781 : f32 to vector<256x17xf32>
    %select_n3A_1783 = arith.select %and3A_1778, %mul3A_1780, %broadcast_in_dim3A_1782 : vector<256x17xi1>, vector<256x17xf32>
    %ge3A_1784 = arith.constant 0.000000e+00 : f32
    %ge3A_1785 = vector.broadcast %ge3A_1784 : f32 to vector<256x17xf32>
    %ge3A_1786 = arith.cmpf oge, %floor3A_1684, %ge3A_1785 : vector<256x17xf32>
    %le3A_1787 = arith.constant 6.300000e+01 : f32
    %le3A_1788 = vector.broadcast %le3A_1787 : f32 to vector<256x17xf32>
    %le3A_1789 = arith.cmpf ole, %floor3A_1684, %le3A_1788 : vector<256x17xf32>
    %and3A_1790 = arith.andi %ge3A_1786, %le3A_1789 : vector<256x17xi1>
    %ge3A_1791 = arith.constant 0.000000e+00 : f32
    %ge3A_1792 = vector.broadcast %ge3A_1791 : f32 to vector<256x17xf32>
    %ge3A_1793 = arith.cmpf oge, %add3A_1691, %ge3A_1792 : vector<256x17xf32>
    %and3A_1794 = arith.andi %and3A_1790, %ge3A_1793 : vector<256x17xi1>
    %le3A_1795 = arith.constant 6.300000e+01 : f32
    %le3A_1796 = vector.broadcast %le3A_1795 : f32 to vector<256x17xf32>
    %le3A_1797 = arith.cmpf ole, %add3A_1691, %le3A_1796 : vector<256x17xf32>
    %and3A_1798 = arith.andi %and3A_1794, %le3A_1797 : vector<256x17xi1>
    %jit3A_1799 = arith.constant 0.000000e+00 : f32
    %jit3A_1800 = arith.constant 6.300000e+01 : f32
    %max3A_1801 = vector.broadcast %jit3A_1799 : f32 to vector<256x17xf32>
    %max3A_1802 = arith.maximumf %max3A_1801, %floor3A_1684 : vector<256x17xf32>
    %min3A_1803 = vector.broadcast %jit3A_1800 : f32 to vector<256x17xf32>
    %min3A_1804 = arith.minimumf %min3A_1803, %max3A_1802 : vector<256x17xf32>
    %convert_element_type3A_1805 = arith.fptosi %min3A_1804 : vector<256x17xf32> to vector<256x17xi32>
    %jit3A_1806 = arith.constant 0.000000e+00 : f32
    %jit3A_1807 = arith.constant 6.300000e+01 : f32
    %max3A_1808 = vector.broadcast %jit3A_1806 : f32 to vector<256x17xf32>
    %max3A_1809 = arith.maximumf %max3A_1808, %add3A_1691 : vector<256x17xf32>
    %min3A_1810 = vector.broadcast %jit3A_1807 : f32 to vector<256x17xf32>
    %min3A_1811 = arith.minimumf %min3A_1810, %max3A_1809 : vector<256x17xf32>
    %convert_element_type3A_1812 = arith.fptosi %min3A_1811 : vector<256x17xf32> to vector<256x17xi32>
    %mul3A_1813 = arith.constant 64 : i32
    %mul3A_1814 = vector.broadcast %mul3A_1813 : i32 to vector<256x17xi32>
    %mul3A_1815 = arith.muli %convert_element_type3A_1812, %mul3A_1814 : vector<256x17xi32>
    %add3A_1816 = arith.constant 12288 : i32
    %add3A_1817 = vector.broadcast %add3A_1816 : i32 to vector<256x17xi32>
    %add3A_1818 = arith.addi %add3A_1817, %mul3A_1815 : vector<256x17xi32>
    %add3A_1819 = arith.addi %add3A_1818, %convert_element_type3A_1805 : vector<256x17xi32>
    %and3A_1820 = arith.andi %and3A_1798, %ge3A_1676 : vector<256x17xi1>
    %mul3A_1821 = arith.mulf %sub3A_1695, %sub3A_1696 : vector<256x17xf32>
    %mul3A_1822 = arith.mulf %slice3A_1677, %mul3A_1821 : vector<256x17xf32>
    %jit3A_1823 = arith.constant 0.000000e+00 : f32
    %broadcast_in_dim3A_1824 = vector.broadcast %jit3A_1823 : f32 to vector<256x17xf32>
    %select_n3A_1825 = arith.select %and3A_1820, %mul3A_1822, %broadcast_in_dim3A_1824 : vector<256x17xi1>, vector<256x17xf32>
    %ge3A_1826 = arith.constant 0.000000e+00 : f32
    %ge3A_1827 = vector.broadcast %ge3A_1826 : f32 to vector<256x17xf32>
    %ge3A_1828 = arith.cmpf oge, %add3A_1688, %ge3A_1827 : vector<256x17xf32>
    %le3A_1829 = arith.constant 6.300000e+01 : f32
    %le3A_1830 = vector.broadcast %le3A_1829 : f32 to vector<256x17xf32>
    %le3A_1831 = arith.cmpf ole, %add3A_1688, %le3A_1830 : vector<256x17xf32>
    %and3A_1832 = arith.andi %ge3A_1828, %le3A_1831 : vector<256x17xi1>
    %ge3A_1833 = arith.constant 0.000000e+00 : f32
    %ge3A_1834 = vector.broadcast %ge3A_1833 : f32 to vector<256x17xf32>
    %ge3A_1835 = arith.cmpf oge, %add3A_1691, %ge3A_1834 : vector<256x17xf32>
    %and3A_1836 = arith.andi %and3A_1832, %ge3A_1835 : vector<256x17xi1>
    %le3A_1837 = arith.constant 6.300000e+01 : f32
    %le3A_1838 = vector.broadcast %le3A_1837 : f32 to vector<256x17xf32>
    %le3A_1839 = arith.cmpf ole, %add3A_1691, %le3A_1838 : vector<256x17xf32>
    %and3A_1840 = arith.andi %and3A_1836, %le3A_1839 : vector<256x17xi1>
    %jit3A_1841 = arith.constant 0.000000e+00 : f32
    %jit3A_1842 = arith.constant 6.300000e+01 : f32
    %max3A_1843 = vector.broadcast %jit3A_1841 : f32 to vector<256x17xf32>
    %max3A_1844 = arith.maximumf %max3A_1843, %add3A_1688 : vector<256x17xf32>
    %min3A_1845 = vector.broadcast %jit3A_1842 : f32 to vector<256x17xf32>
    %min3A_1846 = arith.minimumf %min3A_1845, %max3A_1844 : vector<256x17xf32>
    %convert_element_type3A_1847 = arith.fptosi %min3A_1846 : vector<256x17xf32> to vector<256x17xi32>
    %jit3A_1848 = arith.constant 0.000000e+00 : f32
    %jit3A_1849 = arith.constant 6.300000e+01 : f32
    %max3A_1850 = vector.broadcast %jit3A_1848 : f32 to vector<256x17xf32>
    %max3A_1851 = arith.maximumf %max3A_1850, %add3A_1691 : vector<256x17xf32>
    %min3A_1852 = vector.broadcast %jit3A_1849 : f32 to vector<256x17xf32>
    %min3A_1853 = arith.minimumf %min3A_1852, %max3A_1851 : vector<256x17xf32>
    %convert_element_type3A_1854 = arith.fptosi %min3A_1853 : vector<256x17xf32> to vector<256x17xi32>
    %mul3A_1855 = arith.constant 64 : i32
    %mul3A_1856 = vector.broadcast %mul3A_1855 : i32 to vector<256x17xi32>
    %mul3A_1857 = arith.muli %convert_element_type3A_1854, %mul3A_1856 : vector<256x17xi32>
    %add3A_1858 = arith.constant 12288 : i32
    %add3A_1859 = vector.broadcast %add3A_1858 : i32 to vector<256x17xi32>
    %add3A_1860 = arith.addi %add3A_1859, %mul3A_1857 : vector<256x17xi32>
    %add3A_1861 = arith.addi %add3A_1860, %convert_element_type3A_1847 : vector<256x17xi32>
    %and3A_1862 = arith.andi %and3A_1840, %ge3A_1676 : vector<256x17xi1>
    %mul3A_1863 = arith.mulf %sub3A_1692, %sub3A_1696 : vector<256x17xf32>
    %mul3A_1864 = arith.mulf %slice3A_1677, %mul3A_1863 : vector<256x17xf32>
    %jit3A_1865 = arith.constant 0.000000e+00 : f32
    %broadcast_in_dim3A_1866 = vector.broadcast %jit3A_1865 : f32 to vector<256x17xf32>
    %select_n3A_1867 = arith.select %and3A_1862, %mul3A_1864, %broadcast_in_dim3A_1866 : vector<256x17xi1>, vector<256x17xf32>
    %ge3A_1868 = arith.constant 0.000000e+00 : f32
    %ge3A_1869 = vector.broadcast %ge3A_1868 : f32 to vector<256x17xf32>
    %ge3A_1870 = arith.cmpf oge, %select_n3A_913, %ge3A_1869 : vector<256x17xf32>
    %slice3A_1871 = vector.extract_strided_slice %logistic3A_39 {offsets = [0, 68], sizes = [256, 17], strides = [1, 1]} : vector<256x306xf32> to vector<256x17xf32>
    %mul3A_1872 = arith.constant 6.300000e+01 : f32
    %mul3A_1873 = vector.broadcast %mul3A_1872 : f32 to vector<256x17xf32>
    %mul3A_1874 = arith.mulf %select_n3A_913, %mul3A_1873 : vector<256x17xf32>
    %mul3A_1875 = arith.constant 6.300000e+01 : f32
    %mul3A_1876 = vector.broadcast %mul3A_1875 : f32 to vector<256x17xf32>
    %mul3A_1877 = arith.mulf %select_n3A_916, %mul3A_1876 : vector<256x17xf32>
    %floor3A_1878 = math.floor %mul3A_1874 : vector<256x17xf32>
    %floor3A_1879 = math.floor %mul3A_1877 : vector<256x17xf32>
    %add3A_1880 = arith.constant 1.000000e+00 : f32
    %add3A_1881 = vector.broadcast %add3A_1880 : f32 to vector<256x17xf32>
    %add3A_1882 = arith.addf %floor3A_1878, %add3A_1881 : vector<256x17xf32>
    %add3A_1883 = arith.constant 1.000000e+00 : f32
    %add3A_1884 = vector.broadcast %add3A_1883 : f32 to vector<256x17xf32>
    %add3A_1885 = arith.addf %floor3A_1879, %add3A_1884 : vector<256x17xf32>
    %sub3A_1886 = arith.subf %mul3A_1874, %floor3A_1878 : vector<256x17xf32>
    %sub3A_1887 = arith.constant 1.000000e+00 : f32
    %sub3A_1888 = vector.broadcast %sub3A_1887 : f32 to vector<256x17xf32>
    %sub3A_1889 = arith.subf %sub3A_1888, %sub3A_1886 : vector<256x17xf32>
    %sub3A_1890 = arith.subf %mul3A_1877, %floor3A_1879 : vector<256x17xf32>
    %sub3A_1891 = arith.constant 1.000000e+00 : f32
    %sub3A_1892 = vector.broadcast %sub3A_1891 : f32 to vector<256x17xf32>
    %sub3A_1893 = arith.subf %sub3A_1892, %sub3A_1890 : vector<256x17xf32>
    %ge3A_1894 = arith.constant 0.000000e+00 : f32
    %ge3A_1895 = vector.broadcast %ge3A_1894 : f32 to vector<256x17xf32>
    %ge3A_1896 = arith.cmpf oge, %floor3A_1878, %ge3A_1895 : vector<256x17xf32>
    %le3A_1897 = arith.constant 6.300000e+01 : f32
    %le3A_1898 = vector.broadcast %le3A_1897 : f32 to vector<256x17xf32>
    %le3A_1899 = arith.cmpf ole, %floor3A_1878, %le3A_1898 : vector<256x17xf32>
    %and3A_1900 = arith.andi %ge3A_1896, %le3A_1899 : vector<256x17xi1>
    %ge3A_1901 = arith.constant 0.000000e+00 : f32
    %ge3A_1902 = vector.broadcast %ge3A_1901 : f32 to vector<256x17xf32>
    %ge3A_1903 = arith.cmpf oge, %floor3A_1879, %ge3A_1902 : vector<256x17xf32>
    %and3A_1904 = arith.andi %and3A_1900, %ge3A_1903 : vector<256x17xi1>
    %le3A_1905 = arith.constant 6.300000e+01 : f32
    %le3A_1906 = vector.broadcast %le3A_1905 : f32 to vector<256x17xf32>
    %le3A_1907 = arith.cmpf ole, %floor3A_1879, %le3A_1906 : vector<256x17xf32>
    %and3A_1908 = arith.andi %and3A_1904, %le3A_1907 : vector<256x17xi1>
    %jit3A_1909 = arith.constant 0.000000e+00 : f32
    %jit3A_1910 = arith.constant 6.300000e+01 : f32
    %max3A_1911 = vector.broadcast %jit3A_1909 : f32 to vector<256x17xf32>
    %max3A_1912 = arith.maximumf %max3A_1911, %floor3A_1878 : vector<256x17xf32>
    %min3A_1913 = vector.broadcast %jit3A_1910 : f32 to vector<256x17xf32>
    %min3A_1914 = arith.minimumf %min3A_1913, %max3A_1912 : vector<256x17xf32>
    %convert_element_type3A_1915 = arith.fptosi %min3A_1914 : vector<256x17xf32> to vector<256x17xi32>
    %jit3A_1916 = arith.constant 0.000000e+00 : f32
    %jit3A_1917 = arith.constant 6.300000e+01 : f32
    %max3A_1918 = vector.broadcast %jit3A_1916 : f32 to vector<256x17xf32>
    %max3A_1919 = arith.maximumf %max3A_1918, %floor3A_1879 : vector<256x17xf32>
    %min3A_1920 = vector.broadcast %jit3A_1917 : f32 to vector<256x17xf32>
    %min3A_1921 = arith.minimumf %min3A_1920, %max3A_1919 : vector<256x17xf32>
    %convert_element_type3A_1922 = arith.fptosi %min3A_1921 : vector<256x17xf32> to vector<256x17xi32>
    %mul3A_1923 = arith.constant 64 : i32
    %mul3A_1924 = vector.broadcast %mul3A_1923 : i32 to vector<256x17xi32>
    %mul3A_1925 = arith.muli %convert_element_type3A_1922, %mul3A_1924 : vector<256x17xi32>
    %add3A_1926 = arith.constant 16384 : i32
    %add3A_1927 = vector.broadcast %add3A_1926 : i32 to vector<256x17xi32>
    %add3A_1928 = arith.addi %add3A_1927, %mul3A_1925 : vector<256x17xi32>
    %add3A_1929 = arith.addi %add3A_1928, %convert_element_type3A_1915 : vector<256x17xi32>
    %and3A_1930 = arith.andi %and3A_1908, %ge3A_1870 : vector<256x17xi1>
    %mul3A_1931 = arith.mulf %sub3A_1889, %sub3A_1893 : vector<256x17xf32>
    %mul3A_1932 = arith.mulf %slice3A_1871, %mul3A_1931 : vector<256x17xf32>
    %jit3A_1933 = arith.constant 0.000000e+00 : f32
    %broadcast_in_dim3A_1934 = vector.broadcast %jit3A_1933 : f32 to vector<256x17xf32>
    %select_n3A_1935 = arith.select %and3A_1930, %mul3A_1932, %broadcast_in_dim3A_1934 : vector<256x17xi1>, vector<256x17xf32>
    %ge3A_1936 = arith.constant 0.000000e+00 : f32
    %ge3A_1937 = vector.broadcast %ge3A_1936 : f32 to vector<256x17xf32>
    %ge3A_1938 = arith.cmpf oge, %add3A_1882, %ge3A_1937 : vector<256x17xf32>
    %le3A_1939 = arith.constant 6.300000e+01 : f32
    %le3A_1940 = vector.broadcast %le3A_1939 : f32 to vector<256x17xf32>
    %le3A_1941 = arith.cmpf ole, %add3A_1882, %le3A_1940 : vector<256x17xf32>
    %and3A_1942 = arith.andi %ge3A_1938, %le3A_1941 : vector<256x17xi1>
    %ge3A_1943 = arith.constant 0.000000e+00 : f32
    %ge3A_1944 = vector.broadcast %ge3A_1943 : f32 to vector<256x17xf32>
    %ge3A_1945 = arith.cmpf oge, %floor3A_1879, %ge3A_1944 : vector<256x17xf32>
    %and3A_1946 = arith.andi %and3A_1942, %ge3A_1945 : vector<256x17xi1>
    %le3A_1947 = arith.constant 6.300000e+01 : f32
    %le3A_1948 = vector.broadcast %le3A_1947 : f32 to vector<256x17xf32>
    %le3A_1949 = arith.cmpf ole, %floor3A_1879, %le3A_1948 : vector<256x17xf32>
    %and3A_1950 = arith.andi %and3A_1946, %le3A_1949 : vector<256x17xi1>
    %jit3A_1951 = arith.constant 0.000000e+00 : f32
    %jit3A_1952 = arith.constant 6.300000e+01 : f32
    %max3A_1953 = vector.broadcast %jit3A_1951 : f32 to vector<256x17xf32>
    %max3A_1954 = arith.maximumf %max3A_1953, %add3A_1882 : vector<256x17xf32>
    %min3A_1955 = vector.broadcast %jit3A_1952 : f32 to vector<256x17xf32>
    %min3A_1956 = arith.minimumf %min3A_1955, %max3A_1954 : vector<256x17xf32>
    %convert_element_type3A_1957 = arith.fptosi %min3A_1956 : vector<256x17xf32> to vector<256x17xi32>
    %jit3A_1958 = arith.constant 0.000000e+00 : f32
    %jit3A_1959 = arith.constant 6.300000e+01 : f32
    %max3A_1960 = vector.broadcast %jit3A_1958 : f32 to vector<256x17xf32>
    %max3A_1961 = arith.maximumf %max3A_1960, %floor3A_1879 : vector<256x17xf32>
    %min3A_1962 = vector.broadcast %jit3A_1959 : f32 to vector<256x17xf32>
    %min3A_1963 = arith.minimumf %min3A_1962, %max3A_1961 : vector<256x17xf32>
    %convert_element_type3A_1964 = arith.fptosi %min3A_1963 : vector<256x17xf32> to vector<256x17xi32>
    %mul3A_1965 = arith.constant 64 : i32
    %mul3A_1966 = vector.broadcast %mul3A_1965 : i32 to vector<256x17xi32>
    %mul3A_1967 = arith.muli %convert_element_type3A_1964, %mul3A_1966 : vector<256x17xi32>
    %add3A_1968 = arith.constant 16384 : i32
    %add3A_1969 = vector.broadcast %add3A_1968 : i32 to vector<256x17xi32>
    %add3A_1970 = arith.addi %add3A_1969, %mul3A_1967 : vector<256x17xi32>
    %add3A_1971 = arith.addi %add3A_1970, %convert_element_type3A_1957 : vector<256x17xi32>
    %and3A_1972 = arith.andi %and3A_1950, %ge3A_1870 : vector<256x17xi1>
    %mul3A_1973 = arith.mulf %sub3A_1886, %sub3A_1893 : vector<256x17xf32>
    %mul3A_1974 = arith.mulf %slice3A_1871, %mul3A_1973 : vector<256x17xf32>
    %jit3A_1975 = arith.constant 0.000000e+00 : f32
    %broadcast_in_dim3A_1976 = vector.broadcast %jit3A_1975 : f32 to vector<256x17xf32>
    %select_n3A_1977 = arith.select %and3A_1972, %mul3A_1974, %broadcast_in_dim3A_1976 : vector<256x17xi1>, vector<256x17xf32>
    %ge3A_1978 = arith.constant 0.000000e+00 : f32
    %ge3A_1979 = vector.broadcast %ge3A_1978 : f32 to vector<256x17xf32>
    %ge3A_1980 = arith.cmpf oge, %floor3A_1878, %ge3A_1979 : vector<256x17xf32>
    %le3A_1981 = arith.constant 6.300000e+01 : f32
    %le3A_1982 = vector.broadcast %le3A_1981 : f32 to vector<256x17xf32>
    %le3A_1983 = arith.cmpf ole, %floor3A_1878, %le3A_1982 : vector<256x17xf32>
    %and3A_1984 = arith.andi %ge3A_1980, %le3A_1983 : vector<256x17xi1>
    %ge3A_1985 = arith.constant 0.000000e+00 : f32
    %ge3A_1986 = vector.broadcast %ge3A_1985 : f32 to vector<256x17xf32>
    %ge3A_1987 = arith.cmpf oge, %add3A_1885, %ge3A_1986 : vector<256x17xf32>
    %and3A_1988 = arith.andi %and3A_1984, %ge3A_1987 : vector<256x17xi1>
    %le3A_1989 = arith.constant 6.300000e+01 : f32
    %le3A_1990 = vector.broadcast %le3A_1989 : f32 to vector<256x17xf32>
    %le3A_1991 = arith.cmpf ole, %add3A_1885, %le3A_1990 : vector<256x17xf32>
    %and3A_1992 = arith.andi %and3A_1988, %le3A_1991 : vector<256x17xi1>
    %jit3A_1993 = arith.constant 0.000000e+00 : f32
    %jit3A_1994 = arith.constant 6.300000e+01 : f32
    %max3A_1995 = vector.broadcast %jit3A_1993 : f32 to vector<256x17xf32>
    %max3A_1996 = arith.maximumf %max3A_1995, %floor3A_1878 : vector<256x17xf32>
    %min3A_1997 = vector.broadcast %jit3A_1994 : f32 to vector<256x17xf32>
    %min3A_1998 = arith.minimumf %min3A_1997, %max3A_1996 : vector<256x17xf32>
    %convert_element_type3A_1999 = arith.fptosi %min3A_1998 : vector<256x17xf32> to vector<256x17xi32>
    %jit3A_2000 = arith.constant 0.000000e+00 : f32
    %jit3A_2001 = arith.constant 6.300000e+01 : f32
    %max3A_2002 = vector.broadcast %jit3A_2000 : f32 to vector<256x17xf32>
    %max3A_2003 = arith.maximumf %max3A_2002, %add3A_1885 : vector<256x17xf32>
    %min3A_2004 = vector.broadcast %jit3A_2001 : f32 to vector<256x17xf32>
    %min3A_2005 = arith.minimumf %min3A_2004, %max3A_2003 : vector<256x17xf32>
    %convert_element_type3A_2006 = arith.fptosi %min3A_2005 : vector<256x17xf32> to vector<256x17xi32>
    %mul3A_2007 = arith.constant 64 : i32
    %mul3A_2008 = vector.broadcast %mul3A_2007 : i32 to vector<256x17xi32>
    %mul3A_2009 = arith.muli %convert_element_type3A_2006, %mul3A_2008 : vector<256x17xi32>
    %add3A_2010 = arith.constant 16384 : i32
    %add3A_2011 = vector.broadcast %add3A_2010 : i32 to vector<256x17xi32>
    %add3A_2012 = arith.addi %add3A_2011, %mul3A_2009 : vector<256x17xi32>
    %add3A_2013 = arith.addi %add3A_2012, %convert_element_type3A_1999 : vector<256x17xi32>
    %and3A_2014 = arith.andi %and3A_1992, %ge3A_1870 : vector<256x17xi1>
    %mul3A_2015 = arith.mulf %sub3A_1889, %sub3A_1890 : vector<256x17xf32>
    %mul3A_2016 = arith.mulf %slice3A_1871, %mul3A_2015 : vector<256x17xf32>
    %jit3A_2017 = arith.constant 0.000000e+00 : f32
    %broadcast_in_dim3A_2018 = vector.broadcast %jit3A_2017 : f32 to vector<256x17xf32>
    %select_n3A_2019 = arith.select %and3A_2014, %mul3A_2016, %broadcast_in_dim3A_2018 : vector<256x17xi1>, vector<256x17xf32>
    %ge3A_2020 = arith.constant 0.000000e+00 : f32
    %ge3A_2021 = vector.broadcast %ge3A_2020 : f32 to vector<256x17xf32>
    %ge3A_2022 = arith.cmpf oge, %add3A_1882, %ge3A_2021 : vector<256x17xf32>
    %le3A_2023 = arith.constant 6.300000e+01 : f32
    %le3A_2024 = vector.broadcast %le3A_2023 : f32 to vector<256x17xf32>
    %le3A_2025 = arith.cmpf ole, %add3A_1882, %le3A_2024 : vector<256x17xf32>
    %and3A_2026 = arith.andi %ge3A_2022, %le3A_2025 : vector<256x17xi1>
    %ge3A_2027 = arith.constant 0.000000e+00 : f32
    %ge3A_2028 = vector.broadcast %ge3A_2027 : f32 to vector<256x17xf32>
    %ge3A_2029 = arith.cmpf oge, %add3A_1885, %ge3A_2028 : vector<256x17xf32>
    %and3A_2030 = arith.andi %and3A_2026, %ge3A_2029 : vector<256x17xi1>
    %le3A_2031 = arith.constant 6.300000e+01 : f32
    %le3A_2032 = vector.broadcast %le3A_2031 : f32 to vector<256x17xf32>
    %le3A_2033 = arith.cmpf ole, %add3A_1885, %le3A_2032 : vector<256x17xf32>
    %and3A_2034 = arith.andi %and3A_2030, %le3A_2033 : vector<256x17xi1>
    %jit3A_2035 = arith.constant 0.000000e+00 : f32
    %jit3A_2036 = arith.constant 6.300000e+01 : f32
    %max3A_2037 = vector.broadcast %jit3A_2035 : f32 to vector<256x17xf32>
    %max3A_2038 = arith.maximumf %max3A_2037, %add3A_1882 : vector<256x17xf32>
    %min3A_2039 = vector.broadcast %jit3A_2036 : f32 to vector<256x17xf32>
    %min3A_2040 = arith.minimumf %min3A_2039, %max3A_2038 : vector<256x17xf32>
    %convert_element_type3A_2041 = arith.fptosi %min3A_2040 : vector<256x17xf32> to vector<256x17xi32>
    %jit3A_2042 = arith.constant 0.000000e+00 : f32
    %jit3A_2043 = arith.constant 6.300000e+01 : f32
    %max3A_2044 = vector.broadcast %jit3A_2042 : f32 to vector<256x17xf32>
    %max3A_2045 = arith.maximumf %max3A_2044, %add3A_1885 : vector<256x17xf32>
    %min3A_2046 = vector.broadcast %jit3A_2043 : f32 to vector<256x17xf32>
    %min3A_2047 = arith.minimumf %min3A_2046, %max3A_2045 : vector<256x17xf32>
    %convert_element_type3A_2048 = arith.fptosi %min3A_2047 : vector<256x17xf32> to vector<256x17xi32>
    %mul3A_2049 = arith.constant 64 : i32
    %mul3A_2050 = vector.broadcast %mul3A_2049 : i32 to vector<256x17xi32>
    %mul3A_2051 = arith.muli %convert_element_type3A_2048, %mul3A_2050 : vector<256x17xi32>
    %add3A_2052 = arith.constant 16384 : i32
    %add3A_2053 = vector.broadcast %add3A_2052 : i32 to vector<256x17xi32>
    %add3A_2054 = arith.addi %add3A_2053, %mul3A_2051 : vector<256x17xi32>
    %add3A_2055 = arith.addi %add3A_2054, %convert_element_type3A_2041 : vector<256x17xi32>
    %and3A_2056 = arith.andi %and3A_2034, %ge3A_1870 : vector<256x17xi1>
    %mul3A_2057 = arith.mulf %sub3A_1886, %sub3A_1890 : vector<256x17xf32>
    %mul3A_2058 = arith.mulf %slice3A_1871, %mul3A_2057 : vector<256x17xf32>
    %jit3A_2059 = arith.constant 0.000000e+00 : f32
    %broadcast_in_dim3A_2060 = vector.broadcast %jit3A_2059 : f32 to vector<256x17xf32>
    %select_n3A_2061 = arith.select %and3A_2056, %mul3A_2058, %broadcast_in_dim3A_2060 : vector<256x17xi1>, vector<256x17xf32>
    %ge3A_2062 = arith.constant 0.000000e+00 : f32
    %ge3A_2063 = vector.broadcast %ge3A_2062 : f32 to vector<256x17xf32>
    %ge3A_2064 = arith.cmpf oge, %select_n3A_1081, %ge3A_2063 : vector<256x17xf32>
    %slice3A_2065 = vector.extract_strided_slice %logistic3A_39 {offsets = [0, 85], sizes = [256, 17], strides = [1, 1]} : vector<256x306xf32> to vector<256x17xf32>
    %mul3A_2066 = arith.constant 6.300000e+01 : f32
    %mul3A_2067 = vector.broadcast %mul3A_2066 : f32 to vector<256x17xf32>
    %mul3A_2068 = arith.mulf %select_n3A_1081, %mul3A_2067 : vector<256x17xf32>
    %mul3A_2069 = arith.constant 6.300000e+01 : f32
    %mul3A_2070 = vector.broadcast %mul3A_2069 : f32 to vector<256x17xf32>
    %mul3A_2071 = arith.mulf %select_n3A_1084, %mul3A_2070 : vector<256x17xf32>
    %floor3A_2072 = math.floor %mul3A_2068 : vector<256x17xf32>
    %floor3A_2073 = math.floor %mul3A_2071 : vector<256x17xf32>
    %add3A_2074 = arith.constant 1.000000e+00 : f32
    %add3A_2075 = vector.broadcast %add3A_2074 : f32 to vector<256x17xf32>
    %add3A_2076 = arith.addf %floor3A_2072, %add3A_2075 : vector<256x17xf32>
    %add3A_2077 = arith.constant 1.000000e+00 : f32
    %add3A_2078 = vector.broadcast %add3A_2077 : f32 to vector<256x17xf32>
    %add3A_2079 = arith.addf %floor3A_2073, %add3A_2078 : vector<256x17xf32>
    %sub3A_2080 = arith.subf %mul3A_2068, %floor3A_2072 : vector<256x17xf32>
    %sub3A_2081 = arith.constant 1.000000e+00 : f32
    %sub3A_2082 = vector.broadcast %sub3A_2081 : f32 to vector<256x17xf32>
    %sub3A_2083 = arith.subf %sub3A_2082, %sub3A_2080 : vector<256x17xf32>
    %sub3A_2084 = arith.subf %mul3A_2071, %floor3A_2073 : vector<256x17xf32>
    %sub3A_2085 = arith.constant 1.000000e+00 : f32
    %sub3A_2086 = vector.broadcast %sub3A_2085 : f32 to vector<256x17xf32>
    %sub3A_2087 = arith.subf %sub3A_2086, %sub3A_2084 : vector<256x17xf32>
    %ge3A_2088 = arith.constant 0.000000e+00 : f32
    %ge3A_2089 = vector.broadcast %ge3A_2088 : f32 to vector<256x17xf32>
    %ge3A_2090 = arith.cmpf oge, %floor3A_2072, %ge3A_2089 : vector<256x17xf32>
    %le3A_2091 = arith.constant 6.300000e+01 : f32
    %le3A_2092 = vector.broadcast %le3A_2091 : f32 to vector<256x17xf32>
    %le3A_2093 = arith.cmpf ole, %floor3A_2072, %le3A_2092 : vector<256x17xf32>
    %and3A_2094 = arith.andi %ge3A_2090, %le3A_2093 : vector<256x17xi1>
    %ge3A_2095 = arith.constant 0.000000e+00 : f32
    %ge3A_2096 = vector.broadcast %ge3A_2095 : f32 to vector<256x17xf32>
    %ge3A_2097 = arith.cmpf oge, %floor3A_2073, %ge3A_2096 : vector<256x17xf32>
    %and3A_2098 = arith.andi %and3A_2094, %ge3A_2097 : vector<256x17xi1>
    %le3A_2099 = arith.constant 6.300000e+01 : f32
    %le3A_2100 = vector.broadcast %le3A_2099 : f32 to vector<256x17xf32>
    %le3A_2101 = arith.cmpf ole, %floor3A_2073, %le3A_2100 : vector<256x17xf32>
    %and3A_2102 = arith.andi %and3A_2098, %le3A_2101 : vector<256x17xi1>
    %jit3A_2103 = arith.constant 0.000000e+00 : f32
    %jit3A_2104 = arith.constant 6.300000e+01 : f32
    %max3A_2105 = vector.broadcast %jit3A_2103 : f32 to vector<256x17xf32>
    %max3A_2106 = arith.maximumf %max3A_2105, %floor3A_2072 : vector<256x17xf32>
    %min3A_2107 = vector.broadcast %jit3A_2104 : f32 to vector<256x17xf32>
    %min3A_2108 = arith.minimumf %min3A_2107, %max3A_2106 : vector<256x17xf32>
    %convert_element_type3A_2109 = arith.fptosi %min3A_2108 : vector<256x17xf32> to vector<256x17xi32>
    %jit3A_2110 = arith.constant 0.000000e+00 : f32
    %jit3A_2111 = arith.constant 6.300000e+01 : f32
    %max3A_2112 = vector.broadcast %jit3A_2110 : f32 to vector<256x17xf32>
    %max3A_2113 = arith.maximumf %max3A_2112, %floor3A_2073 : vector<256x17xf32>
    %min3A_2114 = vector.broadcast %jit3A_2111 : f32 to vector<256x17xf32>
    %min3A_2115 = arith.minimumf %min3A_2114, %max3A_2113 : vector<256x17xf32>
    %convert_element_type3A_2116 = arith.fptosi %min3A_2115 : vector<256x17xf32> to vector<256x17xi32>
    %mul3A_2117 = arith.constant 64 : i32
    %mul3A_2118 = vector.broadcast %mul3A_2117 : i32 to vector<256x17xi32>
    %mul3A_2119 = arith.muli %convert_element_type3A_2116, %mul3A_2118 : vector<256x17xi32>
    %add3A_2120 = arith.constant 20480 : i32
    %add3A_2121 = vector.broadcast %add3A_2120 : i32 to vector<256x17xi32>
    %add3A_2122 = arith.addi %add3A_2121, %mul3A_2119 : vector<256x17xi32>
    %add3A_2123 = arith.addi %add3A_2122, %convert_element_type3A_2109 : vector<256x17xi32>
    %and3A_2124 = arith.andi %and3A_2102, %ge3A_2064 : vector<256x17xi1>
    %mul3A_2125 = arith.mulf %sub3A_2083, %sub3A_2087 : vector<256x17xf32>
    %mul3A_2126 = arith.mulf %slice3A_2065, %mul3A_2125 : vector<256x17xf32>
    %jit3A_2127 = arith.constant 0.000000e+00 : f32
    %broadcast_in_dim3A_2128 = vector.broadcast %jit3A_2127 : f32 to vector<256x17xf32>
    %select_n3A_2129 = arith.select %and3A_2124, %mul3A_2126, %broadcast_in_dim3A_2128 : vector<256x17xi1>, vector<256x17xf32>
    %ge3A_2130 = arith.constant 0.000000e+00 : f32
    %ge3A_2131 = vector.broadcast %ge3A_2130 : f32 to vector<256x17xf32>
    %ge3A_2132 = arith.cmpf oge, %add3A_2076, %ge3A_2131 : vector<256x17xf32>
    %le3A_2133 = arith.constant 6.300000e+01 : f32
    %le3A_2134 = vector.broadcast %le3A_2133 : f32 to vector<256x17xf32>
    %le3A_2135 = arith.cmpf ole, %add3A_2076, %le3A_2134 : vector<256x17xf32>
    %and3A_2136 = arith.andi %ge3A_2132, %le3A_2135 : vector<256x17xi1>
    %ge3A_2137 = arith.constant 0.000000e+00 : f32
    %ge3A_2138 = vector.broadcast %ge3A_2137 : f32 to vector<256x17xf32>
    %ge3A_2139 = arith.cmpf oge, %floor3A_2073, %ge3A_2138 : vector<256x17xf32>
    %and3A_2140 = arith.andi %and3A_2136, %ge3A_2139 : vector<256x17xi1>
    %le3A_2141 = arith.constant 6.300000e+01 : f32
    %le3A_2142 = vector.broadcast %le3A_2141 : f32 to vector<256x17xf32>
    %le3A_2143 = arith.cmpf ole, %floor3A_2073, %le3A_2142 : vector<256x17xf32>
    %and3A_2144 = arith.andi %and3A_2140, %le3A_2143 : vector<256x17xi1>
    %jit3A_2145 = arith.constant 0.000000e+00 : f32
    %jit3A_2146 = arith.constant 6.300000e+01 : f32
    %max3A_2147 = vector.broadcast %jit3A_2145 : f32 to vector<256x17xf32>
    %max3A_2148 = arith.maximumf %max3A_2147, %add3A_2076 : vector<256x17xf32>
    %min3A_2149 = vector.broadcast %jit3A_2146 : f32 to vector<256x17xf32>
    %min3A_2150 = arith.minimumf %min3A_2149, %max3A_2148 : vector<256x17xf32>
    %convert_element_type3A_2151 = arith.fptosi %min3A_2150 : vector<256x17xf32> to vector<256x17xi32>
    %jit3A_2152 = arith.constant 0.000000e+00 : f32
    %jit3A_2153 = arith.constant 6.300000e+01 : f32
    %max3A_2154 = vector.broadcast %jit3A_2152 : f32 to vector<256x17xf32>
    %max3A_2155 = arith.maximumf %max3A_2154, %floor3A_2073 : vector<256x17xf32>
    %min3A_2156 = vector.broadcast %jit3A_2153 : f32 to vector<256x17xf32>
    %min3A_2157 = arith.minimumf %min3A_2156, %max3A_2155 : vector<256x17xf32>
    %convert_element_type3A_2158 = arith.fptosi %min3A_2157 : vector<256x17xf32> to vector<256x17xi32>
    %mul3A_2159 = arith.constant 64 : i32
    %mul3A_2160 = vector.broadcast %mul3A_2159 : i32 to vector<256x17xi32>
    %mul3A_2161 = arith.muli %convert_element_type3A_2158, %mul3A_2160 : vector<256x17xi32>
    %add3A_2162 = arith.constant 20480 : i32
    %add3A_2163 = vector.broadcast %add3A_2162 : i32 to vector<256x17xi32>
    %add3A_2164 = arith.addi %add3A_2163, %mul3A_2161 : vector<256x17xi32>
    %add3A_2165 = arith.addi %add3A_2164, %convert_element_type3A_2151 : vector<256x17xi32>
    %and3A_2166 = arith.andi %and3A_2144, %ge3A_2064 : vector<256x17xi1>
    %mul3A_2167 = arith.mulf %sub3A_2080, %sub3A_2087 : vector<256x17xf32>
    %mul3A_2168 = arith.mulf %slice3A_2065, %mul3A_2167 : vector<256x17xf32>
    %jit3A_2169 = arith.constant 0.000000e+00 : f32
    %broadcast_in_dim3A_2170 = vector.broadcast %jit3A_2169 : f32 to vector<256x17xf32>
    %select_n3A_2171 = arith.select %and3A_2166, %mul3A_2168, %broadcast_in_dim3A_2170 : vector<256x17xi1>, vector<256x17xf32>
    %ge3A_2172 = arith.constant 0.000000e+00 : f32
    %ge3A_2173 = vector.broadcast %ge3A_2172 : f32 to vector<256x17xf32>
    %ge3A_2174 = arith.cmpf oge, %floor3A_2072, %ge3A_2173 : vector<256x17xf32>
    %le3A_2175 = arith.constant 6.300000e+01 : f32
    %le3A_2176 = vector.broadcast %le3A_2175 : f32 to vector<256x17xf32>
    %le3A_2177 = arith.cmpf ole, %floor3A_2072, %le3A_2176 : vector<256x17xf32>
    %and3A_2178 = arith.andi %ge3A_2174, %le3A_2177 : vector<256x17xi1>
    %ge3A_2179 = arith.constant 0.000000e+00 : f32
    %ge3A_2180 = vector.broadcast %ge3A_2179 : f32 to vector<256x17xf32>
    %ge3A_2181 = arith.cmpf oge, %add3A_2079, %ge3A_2180 : vector<256x17xf32>
    %and3A_2182 = arith.andi %and3A_2178, %ge3A_2181 : vector<256x17xi1>
    %le3A_2183 = arith.constant 6.300000e+01 : f32
    %le3A_2184 = vector.broadcast %le3A_2183 : f32 to vector<256x17xf32>
    %le3A_2185 = arith.cmpf ole, %add3A_2079, %le3A_2184 : vector<256x17xf32>
    %and3A_2186 = arith.andi %and3A_2182, %le3A_2185 : vector<256x17xi1>
    %jit3A_2187 = arith.constant 0.000000e+00 : f32
    %jit3A_2188 = arith.constant 6.300000e+01 : f32
    %max3A_2189 = vector.broadcast %jit3A_2187 : f32 to vector<256x17xf32>
    %max3A_2190 = arith.maximumf %max3A_2189, %floor3A_2072 : vector<256x17xf32>
    %min3A_2191 = vector.broadcast %jit3A_2188 : f32 to vector<256x17xf32>
    %min3A_2192 = arith.minimumf %min3A_2191, %max3A_2190 : vector<256x17xf32>
    %convert_element_type3A_2193 = arith.fptosi %min3A_2192 : vector<256x17xf32> to vector<256x17xi32>
    %jit3A_2194 = arith.constant 0.000000e+00 : f32
    %jit3A_2195 = arith.constant 6.300000e+01 : f32
    %max3A_2196 = vector.broadcast %jit3A_2194 : f32 to vector<256x17xf32>
    %max3A_2197 = arith.maximumf %max3A_2196, %add3A_2079 : vector<256x17xf32>
    %min3A_2198 = vector.broadcast %jit3A_2195 : f32 to vector<256x17xf32>
    %min3A_2199 = arith.minimumf %min3A_2198, %max3A_2197 : vector<256x17xf32>
    %convert_element_type3A_2200 = arith.fptosi %min3A_2199 : vector<256x17xf32> to vector<256x17xi32>
    %mul3A_2201 = arith.constant 64 : i32
    %mul3A_2202 = vector.broadcast %mul3A_2201 : i32 to vector<256x17xi32>
    %mul3A_2203 = arith.muli %convert_element_type3A_2200, %mul3A_2202 : vector<256x17xi32>
    %add3A_2204 = arith.constant 20480 : i32
    %add3A_2205 = vector.broadcast %add3A_2204 : i32 to vector<256x17xi32>
    %add3A_2206 = arith.addi %add3A_2205, %mul3A_2203 : vector<256x17xi32>
    %add3A_2207 = arith.addi %add3A_2206, %convert_element_type3A_2193 : vector<256x17xi32>
    %and3A_2208 = arith.andi %and3A_2186, %ge3A_2064 : vector<256x17xi1>
    %mul3A_2209 = arith.mulf %sub3A_2083, %sub3A_2084 : vector<256x17xf32>
    %mul3A_2210 = arith.mulf %slice3A_2065, %mul3A_2209 : vector<256x17xf32>
    %jit3A_2211 = arith.constant 0.000000e+00 : f32
    %broadcast_in_dim3A_2212 = vector.broadcast %jit3A_2211 : f32 to vector<256x17xf32>
    %select_n3A_2213 = arith.select %and3A_2208, %mul3A_2210, %broadcast_in_dim3A_2212 : vector<256x17xi1>, vector<256x17xf32>
    %ge3A_2214 = arith.constant 0.000000e+00 : f32
    %ge3A_2215 = vector.broadcast %ge3A_2214 : f32 to vector<256x17xf32>
    %ge3A_2216 = arith.cmpf oge, %add3A_2076, %ge3A_2215 : vector<256x17xf32>
    %le3A_2217 = arith.constant 6.300000e+01 : f32
    %le3A_2218 = vector.broadcast %le3A_2217 : f32 to vector<256x17xf32>
    %le3A_2219 = arith.cmpf ole, %add3A_2076, %le3A_2218 : vector<256x17xf32>
    %and3A_2220 = arith.andi %ge3A_2216, %le3A_2219 : vector<256x17xi1>
    %ge3A_2221 = arith.constant 0.000000e+00 : f32
    %ge3A_2222 = vector.broadcast %ge3A_2221 : f32 to vector<256x17xf32>
    %ge3A_2223 = arith.cmpf oge, %add3A_2079, %ge3A_2222 : vector<256x17xf32>
    %and3A_2224 = arith.andi %and3A_2220, %ge3A_2223 : vector<256x17xi1>
    %le3A_2225 = arith.constant 6.300000e+01 : f32
    %le3A_2226 = vector.broadcast %le3A_2225 : f32 to vector<256x17xf32>
    %le3A_2227 = arith.cmpf ole, %add3A_2079, %le3A_2226 : vector<256x17xf32>
    %and3A_2228 = arith.andi %and3A_2224, %le3A_2227 : vector<256x17xi1>
    %jit3A_2229 = arith.constant 0.000000e+00 : f32
    %jit3A_2230 = arith.constant 6.300000e+01 : f32
    %max3A_2231 = vector.broadcast %jit3A_2229 : f32 to vector<256x17xf32>
    %max3A_2232 = arith.maximumf %max3A_2231, %add3A_2076 : vector<256x17xf32>
    %min3A_2233 = vector.broadcast %jit3A_2230 : f32 to vector<256x17xf32>
    %min3A_2234 = arith.minimumf %min3A_2233, %max3A_2232 : vector<256x17xf32>
    %convert_element_type3A_2235 = arith.fptosi %min3A_2234 : vector<256x17xf32> to vector<256x17xi32>
    %jit3A_2236 = arith.constant 0.000000e+00 : f32
    %jit3A_2237 = arith.constant 6.300000e+01 : f32
    %max3A_2238 = vector.broadcast %jit3A_2236 : f32 to vector<256x17xf32>
    %max3A_2239 = arith.maximumf %max3A_2238, %add3A_2079 : vector<256x17xf32>
    %min3A_2240 = vector.broadcast %jit3A_2237 : f32 to vector<256x17xf32>
    %min3A_2241 = arith.minimumf %min3A_2240, %max3A_2239 : vector<256x17xf32>
    %convert_element_type3A_2242 = arith.fptosi %min3A_2241 : vector<256x17xf32> to vector<256x17xi32>
    %mul3A_2243 = arith.constant 64 : i32
    %mul3A_2244 = vector.broadcast %mul3A_2243 : i32 to vector<256x17xi32>
    %mul3A_2245 = arith.muli %convert_element_type3A_2242, %mul3A_2244 : vector<256x17xi32>
    %add3A_2246 = arith.constant 20480 : i32
    %add3A_2247 = vector.broadcast %add3A_2246 : i32 to vector<256x17xi32>
    %add3A_2248 = arith.addi %add3A_2247, %mul3A_2245 : vector<256x17xi32>
    %add3A_2249 = arith.addi %add3A_2248, %convert_element_type3A_2235 : vector<256x17xi32>
    %and3A_2250 = arith.andi %and3A_2228, %ge3A_2064 : vector<256x17xi1>
    %mul3A_2251 = arith.mulf %sub3A_2080, %sub3A_2084 : vector<256x17xf32>
    %mul3A_2252 = arith.mulf %slice3A_2065, %mul3A_2251 : vector<256x17xf32>
    %jit3A_2253 = arith.constant 0.000000e+00 : f32
    %broadcast_in_dim3A_2254 = vector.broadcast %jit3A_2253 : f32 to vector<256x17xf32>
    %select_n3A_2255 = arith.select %and3A_2250, %mul3A_2252, %broadcast_in_dim3A_2254 : vector<256x17xi1>, vector<256x17xf32>
    %ge3A_2256 = arith.constant 0.000000e+00 : f32
    %ge3A_2257 = vector.broadcast %ge3A_2256 : f32 to vector<256x17xf32>
    %ge3A_2258 = arith.cmpf oge, %select_n3A_242, %ge3A_2257 : vector<256x17xf32>
    %slice3A_2259 = vector.extract_strided_slice %logistic3A_39 {offsets = [0, 102], sizes = [256, 17], strides = [1, 1]} : vector<256x306xf32> to vector<256x17xf32>
    %mul3A_2260 = arith.constant 3.100000e+01 : f32
    %mul3A_2261 = vector.broadcast %mul3A_2260 : f32 to vector<256x17xf32>
    %mul3A_2262 = arith.mulf %select_n3A_242, %mul3A_2261 : vector<256x17xf32>
    %mul3A_2263 = arith.constant 3.100000e+01 : f32
    %mul3A_2264 = vector.broadcast %mul3A_2263 : f32 to vector<256x17xf32>
    %mul3A_2265 = arith.mulf %select_n3A_245, %mul3A_2264 : vector<256x17xf32>
    %floor3A_2266 = math.floor %mul3A_2262 : vector<256x17xf32>
    %floor3A_2267 = math.floor %mul3A_2265 : vector<256x17xf32>
    %add3A_2268 = arith.constant 1.000000e+00 : f32
    %add3A_2269 = vector.broadcast %add3A_2268 : f32 to vector<256x17xf32>
    %add3A_2270 = arith.addf %floor3A_2266, %add3A_2269 : vector<256x17xf32>
    %add3A_2271 = arith.constant 1.000000e+00 : f32
    %add3A_2272 = vector.broadcast %add3A_2271 : f32 to vector<256x17xf32>
    %add3A_2273 = arith.addf %floor3A_2267, %add3A_2272 : vector<256x17xf32>
    %sub3A_2274 = arith.subf %mul3A_2262, %floor3A_2266 : vector<256x17xf32>
    %sub3A_2275 = arith.constant 1.000000e+00 : f32
    %sub3A_2276 = vector.broadcast %sub3A_2275 : f32 to vector<256x17xf32>
    %sub3A_2277 = arith.subf %sub3A_2276, %sub3A_2274 : vector<256x17xf32>
    %sub3A_2278 = arith.subf %mul3A_2265, %floor3A_2267 : vector<256x17xf32>
    %sub3A_2279 = arith.constant 1.000000e+00 : f32
    %sub3A_2280 = vector.broadcast %sub3A_2279 : f32 to vector<256x17xf32>
    %sub3A_2281 = arith.subf %sub3A_2280, %sub3A_2278 : vector<256x17xf32>
    %ge3A_2282 = arith.constant 0.000000e+00 : f32
    %ge3A_2283 = vector.broadcast %ge3A_2282 : f32 to vector<256x17xf32>
    %ge3A_2284 = arith.cmpf oge, %floor3A_2266, %ge3A_2283 : vector<256x17xf32>
    %le3A_2285 = arith.constant 3.100000e+01 : f32
    %le3A_2286 = vector.broadcast %le3A_2285 : f32 to vector<256x17xf32>
    %le3A_2287 = arith.cmpf ole, %floor3A_2266, %le3A_2286 : vector<256x17xf32>
    %and3A_2288 = arith.andi %ge3A_2284, %le3A_2287 : vector<256x17xi1>
    %ge3A_2289 = arith.constant 0.000000e+00 : f32
    %ge3A_2290 = vector.broadcast %ge3A_2289 : f32 to vector<256x17xf32>
    %ge3A_2291 = arith.cmpf oge, %floor3A_2267, %ge3A_2290 : vector<256x17xf32>
    %and3A_2292 = arith.andi %and3A_2288, %ge3A_2291 : vector<256x17xi1>
    %le3A_2293 = arith.constant 3.100000e+01 : f32
    %le3A_2294 = vector.broadcast %le3A_2293 : f32 to vector<256x17xf32>
    %le3A_2295 = arith.cmpf ole, %floor3A_2267, %le3A_2294 : vector<256x17xf32>
    %and3A_2296 = arith.andi %and3A_2292, %le3A_2295 : vector<256x17xi1>
    %jit3A_2297 = arith.constant 0.000000e+00 : f32
    %jit3A_2298 = arith.constant 3.100000e+01 : f32
    %max3A_2299 = vector.broadcast %jit3A_2297 : f32 to vector<256x17xf32>
    %max3A_2300 = arith.maximumf %max3A_2299, %floor3A_2266 : vector<256x17xf32>
    %min3A_2301 = vector.broadcast %jit3A_2298 : f32 to vector<256x17xf32>
    %min3A_2302 = arith.minimumf %min3A_2301, %max3A_2300 : vector<256x17xf32>
    %convert_element_type3A_2303 = arith.fptosi %min3A_2302 : vector<256x17xf32> to vector<256x17xi32>
    %jit3A_2304 = arith.constant 0.000000e+00 : f32
    %jit3A_2305 = arith.constant 3.100000e+01 : f32
    %max3A_2306 = vector.broadcast %jit3A_2304 : f32 to vector<256x17xf32>
    %max3A_2307 = arith.maximumf %max3A_2306, %floor3A_2267 : vector<256x17xf32>
    %min3A_2308 = vector.broadcast %jit3A_2305 : f32 to vector<256x17xf32>
    %min3A_2309 = arith.minimumf %min3A_2308, %max3A_2307 : vector<256x17xf32>
    %convert_element_type3A_2310 = arith.fptosi %min3A_2309 : vector<256x17xf32> to vector<256x17xi32>
    %mul3A_2311 = arith.constant 32 : i32
    %mul3A_2312 = vector.broadcast %mul3A_2311 : i32 to vector<256x17xi32>
    %mul3A_2313 = arith.muli %convert_element_type3A_2310, %mul3A_2312 : vector<256x17xi32>
    %add3A_2314 = arith.constant 24576 : i32
    %add3A_2315 = vector.broadcast %add3A_2314 : i32 to vector<256x17xi32>
    %add3A_2316 = arith.addi %add3A_2315, %mul3A_2313 : vector<256x17xi32>
    %add3A_2317 = arith.addi %add3A_2316, %convert_element_type3A_2303 : vector<256x17xi32>
    %and3A_2318 = arith.andi %and3A_2296, %ge3A_2258 : vector<256x17xi1>
    %mul3A_2319 = arith.mulf %sub3A_2277, %sub3A_2281 : vector<256x17xf32>
    %mul3A_2320 = arith.mulf %slice3A_2259, %mul3A_2319 : vector<256x17xf32>
    %jit3A_2321 = arith.constant 0.000000e+00 : f32
    %broadcast_in_dim3A_2322 = vector.broadcast %jit3A_2321 : f32 to vector<256x17xf32>
    %select_n3A_2323 = arith.select %and3A_2318, %mul3A_2320, %broadcast_in_dim3A_2322 : vector<256x17xi1>, vector<256x17xf32>
    %ge3A_2324 = arith.constant 0.000000e+00 : f32
    %ge3A_2325 = vector.broadcast %ge3A_2324 : f32 to vector<256x17xf32>
    %ge3A_2326 = arith.cmpf oge, %add3A_2270, %ge3A_2325 : vector<256x17xf32>
    %le3A_2327 = arith.constant 3.100000e+01 : f32
    %le3A_2328 = vector.broadcast %le3A_2327 : f32 to vector<256x17xf32>
    %le3A_2329 = arith.cmpf ole, %add3A_2270, %le3A_2328 : vector<256x17xf32>
    %and3A_2330 = arith.andi %ge3A_2326, %le3A_2329 : vector<256x17xi1>
    %ge3A_2331 = arith.constant 0.000000e+00 : f32
    %ge3A_2332 = vector.broadcast %ge3A_2331 : f32 to vector<256x17xf32>
    %ge3A_2333 = arith.cmpf oge, %floor3A_2267, %ge3A_2332 : vector<256x17xf32>
    %and3A_2334 = arith.andi %and3A_2330, %ge3A_2333 : vector<256x17xi1>
    %le3A_2335 = arith.constant 3.100000e+01 : f32
    %le3A_2336 = vector.broadcast %le3A_2335 : f32 to vector<256x17xf32>
    %le3A_2337 = arith.cmpf ole, %floor3A_2267, %le3A_2336 : vector<256x17xf32>
    %and3A_2338 = arith.andi %and3A_2334, %le3A_2337 : vector<256x17xi1>
    %jit3A_2339 = arith.constant 0.000000e+00 : f32
    %jit3A_2340 = arith.constant 3.100000e+01 : f32
    %max3A_2341 = vector.broadcast %jit3A_2339 : f32 to vector<256x17xf32>
    %max3A_2342 = arith.maximumf %max3A_2341, %add3A_2270 : vector<256x17xf32>
    %min3A_2343 = vector.broadcast %jit3A_2340 : f32 to vector<256x17xf32>
    %min3A_2344 = arith.minimumf %min3A_2343, %max3A_2342 : vector<256x17xf32>
    %convert_element_type3A_2345 = arith.fptosi %min3A_2344 : vector<256x17xf32> to vector<256x17xi32>
    %jit3A_2346 = arith.constant 0.000000e+00 : f32
    %jit3A_2347 = arith.constant 3.100000e+01 : f32
    %max3A_2348 = vector.broadcast %jit3A_2346 : f32 to vector<256x17xf32>
    %max3A_2349 = arith.maximumf %max3A_2348, %floor3A_2267 : vector<256x17xf32>
    %min3A_2350 = vector.broadcast %jit3A_2347 : f32 to vector<256x17xf32>
    %min3A_2351 = arith.minimumf %min3A_2350, %max3A_2349 : vector<256x17xf32>
    %convert_element_type3A_2352 = arith.fptosi %min3A_2351 : vector<256x17xf32> to vector<256x17xi32>
    %mul3A_2353 = arith.constant 32 : i32
    %mul3A_2354 = vector.broadcast %mul3A_2353 : i32 to vector<256x17xi32>
    %mul3A_2355 = arith.muli %convert_element_type3A_2352, %mul3A_2354 : vector<256x17xi32>
    %add3A_2356 = arith.constant 24576 : i32
    %add3A_2357 = vector.broadcast %add3A_2356 : i32 to vector<256x17xi32>
    %add3A_2358 = arith.addi %add3A_2357, %mul3A_2355 : vector<256x17xi32>
    %add3A_2359 = arith.addi %add3A_2358, %convert_element_type3A_2345 : vector<256x17xi32>
    %and3A_2360 = arith.andi %and3A_2338, %ge3A_2258 : vector<256x17xi1>
    %mul3A_2361 = arith.mulf %sub3A_2274, %sub3A_2281 : vector<256x17xf32>
    %mul3A_2362 = arith.mulf %slice3A_2259, %mul3A_2361 : vector<256x17xf32>
    %jit3A_2363 = arith.constant 0.000000e+00 : f32
    %broadcast_in_dim3A_2364 = vector.broadcast %jit3A_2363 : f32 to vector<256x17xf32>
    %select_n3A_2365 = arith.select %and3A_2360, %mul3A_2362, %broadcast_in_dim3A_2364 : vector<256x17xi1>, vector<256x17xf32>
    %ge3A_2366 = arith.constant 0.000000e+00 : f32
    %ge3A_2367 = vector.broadcast %ge3A_2366 : f32 to vector<256x17xf32>
    %ge3A_2368 = arith.cmpf oge, %floor3A_2266, %ge3A_2367 : vector<256x17xf32>
    %le3A_2369 = arith.constant 3.100000e+01 : f32
    %le3A_2370 = vector.broadcast %le3A_2369 : f32 to vector<256x17xf32>
    %le3A_2371 = arith.cmpf ole, %floor3A_2266, %le3A_2370 : vector<256x17xf32>
    %and3A_2372 = arith.andi %ge3A_2368, %le3A_2371 : vector<256x17xi1>
    %ge3A_2373 = arith.constant 0.000000e+00 : f32
    %ge3A_2374 = vector.broadcast %ge3A_2373 : f32 to vector<256x17xf32>
    %ge3A_2375 = arith.cmpf oge, %add3A_2273, %ge3A_2374 : vector<256x17xf32>
    %and3A_2376 = arith.andi %and3A_2372, %ge3A_2375 : vector<256x17xi1>
    %le3A_2377 = arith.constant 3.100000e+01 : f32
    %le3A_2378 = vector.broadcast %le3A_2377 : f32 to vector<256x17xf32>
    %le3A_2379 = arith.cmpf ole, %add3A_2273, %le3A_2378 : vector<256x17xf32>
    %and3A_2380 = arith.andi %and3A_2376, %le3A_2379 : vector<256x17xi1>
    %jit3A_2381 = arith.constant 0.000000e+00 : f32
    %jit3A_2382 = arith.constant 3.100000e+01 : f32
    %max3A_2383 = vector.broadcast %jit3A_2381 : f32 to vector<256x17xf32>
    %max3A_2384 = arith.maximumf %max3A_2383, %floor3A_2266 : vector<256x17xf32>
    %min3A_2385 = vector.broadcast %jit3A_2382 : f32 to vector<256x17xf32>
    %min3A_2386 = arith.minimumf %min3A_2385, %max3A_2384 : vector<256x17xf32>
    %convert_element_type3A_2387 = arith.fptosi %min3A_2386 : vector<256x17xf32> to vector<256x17xi32>
    %jit3A_2388 = arith.constant 0.000000e+00 : f32
    %jit3A_2389 = arith.constant 3.100000e+01 : f32
    %max3A_2390 = vector.broadcast %jit3A_2388 : f32 to vector<256x17xf32>
    %max3A_2391 = arith.maximumf %max3A_2390, %add3A_2273 : vector<256x17xf32>
    %min3A_2392 = vector.broadcast %jit3A_2389 : f32 to vector<256x17xf32>
    %min3A_2393 = arith.minimumf %min3A_2392, %max3A_2391 : vector<256x17xf32>
    %convert_element_type3A_2394 = arith.fptosi %min3A_2393 : vector<256x17xf32> to vector<256x17xi32>
    %mul3A_2395 = arith.constant 32 : i32
    %mul3A_2396 = vector.broadcast %mul3A_2395 : i32 to vector<256x17xi32>
    %mul3A_2397 = arith.muli %convert_element_type3A_2394, %mul3A_2396 : vector<256x17xi32>
    %add3A_2398 = arith.constant 24576 : i32
    %add3A_2399 = vector.broadcast %add3A_2398 : i32 to vector<256x17xi32>
    %add3A_2400 = arith.addi %add3A_2399, %mul3A_2397 : vector<256x17xi32>
    %add3A_2401 = arith.addi %add3A_2400, %convert_element_type3A_2387 : vector<256x17xi32>
    %and3A_2402 = arith.andi %and3A_2380, %ge3A_2258 : vector<256x17xi1>
    %mul3A_2403 = arith.mulf %sub3A_2277, %sub3A_2278 : vector<256x17xf32>
    %mul3A_2404 = arith.mulf %slice3A_2259, %mul3A_2403 : vector<256x17xf32>
    %jit3A_2405 = arith.constant 0.000000e+00 : f32
    %broadcast_in_dim3A_2406 = vector.broadcast %jit3A_2405 : f32 to vector<256x17xf32>
    %select_n3A_2407 = arith.select %and3A_2402, %mul3A_2404, %broadcast_in_dim3A_2406 : vector<256x17xi1>, vector<256x17xf32>
    %ge3A_2408 = arith.constant 0.000000e+00 : f32
    %ge3A_2409 = vector.broadcast %ge3A_2408 : f32 to vector<256x17xf32>
    %ge3A_2410 = arith.cmpf oge, %add3A_2270, %ge3A_2409 : vector<256x17xf32>
    %le3A_2411 = arith.constant 3.100000e+01 : f32
    %le3A_2412 = vector.broadcast %le3A_2411 : f32 to vector<256x17xf32>
    %le3A_2413 = arith.cmpf ole, %add3A_2270, %le3A_2412 : vector<256x17xf32>
    %and3A_2414 = arith.andi %ge3A_2410, %le3A_2413 : vector<256x17xi1>
    %ge3A_2415 = arith.constant 0.000000e+00 : f32
    %ge3A_2416 = vector.broadcast %ge3A_2415 : f32 to vector<256x17xf32>
    %ge3A_2417 = arith.cmpf oge, %add3A_2273, %ge3A_2416 : vector<256x17xf32>
    %and3A_2418 = arith.andi %and3A_2414, %ge3A_2417 : vector<256x17xi1>
    %le3A_2419 = arith.constant 3.100000e+01 : f32
    %le3A_2420 = vector.broadcast %le3A_2419 : f32 to vector<256x17xf32>
    %le3A_2421 = arith.cmpf ole, %add3A_2273, %le3A_2420 : vector<256x17xf32>
    %and3A_2422 = arith.andi %and3A_2418, %le3A_2421 : vector<256x17xi1>
    %jit3A_2423 = arith.constant 0.000000e+00 : f32
    %jit3A_2424 = arith.constant 3.100000e+01 : f32
    %max3A_2425 = vector.broadcast %jit3A_2423 : f32 to vector<256x17xf32>
    %max3A_2426 = arith.maximumf %max3A_2425, %add3A_2270 : vector<256x17xf32>
    %min3A_2427 = vector.broadcast %jit3A_2424 : f32 to vector<256x17xf32>
    %min3A_2428 = arith.minimumf %min3A_2427, %max3A_2426 : vector<256x17xf32>
    %convert_element_type3A_2429 = arith.fptosi %min3A_2428 : vector<256x17xf32> to vector<256x17xi32>
    %jit3A_2430 = arith.constant 0.000000e+00 : f32
    %jit3A_2431 = arith.constant 3.100000e+01 : f32
    %max3A_2432 = vector.broadcast %jit3A_2430 : f32 to vector<256x17xf32>
    %max3A_2433 = arith.maximumf %max3A_2432, %add3A_2273 : vector<256x17xf32>
    %min3A_2434 = vector.broadcast %jit3A_2431 : f32 to vector<256x17xf32>
    %min3A_2435 = arith.minimumf %min3A_2434, %max3A_2433 : vector<256x17xf32>
    %convert_element_type3A_2436 = arith.fptosi %min3A_2435 : vector<256x17xf32> to vector<256x17xi32>
    %mul3A_2437 = arith.constant 32 : i32
    %mul3A_2438 = vector.broadcast %mul3A_2437 : i32 to vector<256x17xi32>
    %mul3A_2439 = arith.muli %convert_element_type3A_2436, %mul3A_2438 : vector<256x17xi32>
    %add3A_2440 = arith.constant 24576 : i32
    %add3A_2441 = vector.broadcast %add3A_2440 : i32 to vector<256x17xi32>
    %add3A_2442 = arith.addi %add3A_2441, %mul3A_2439 : vector<256x17xi32>
    %add3A_2443 = arith.addi %add3A_2442, %convert_element_type3A_2429 : vector<256x17xi32>
    %and3A_2444 = arith.andi %and3A_2422, %ge3A_2258 : vector<256x17xi1>
    %mul3A_2445 = arith.mulf %sub3A_2274, %sub3A_2278 : vector<256x17xf32>
    %mul3A_2446 = arith.mulf %slice3A_2259, %mul3A_2445 : vector<256x17xf32>
    %jit3A_2447 = arith.constant 0.000000e+00 : f32
    %broadcast_in_dim3A_2448 = vector.broadcast %jit3A_2447 : f32 to vector<256x17xf32>
    %select_n3A_2449 = arith.select %and3A_2444, %mul3A_2446, %broadcast_in_dim3A_2448 : vector<256x17xi1>, vector<256x17xf32>
    %ge3A_2450 = arith.constant 0.000000e+00 : f32
    %ge3A_2451 = vector.broadcast %ge3A_2450 : f32 to vector<256x17xf32>
    %ge3A_2452 = arith.cmpf oge, %select_n3A_409, %ge3A_2451 : vector<256x17xf32>
    %slice3A_2453 = vector.extract_strided_slice %logistic3A_39 {offsets = [0, 119], sizes = [256, 17], strides = [1, 1]} : vector<256x306xf32> to vector<256x17xf32>
    %mul3A_2454 = arith.constant 3.100000e+01 : f32
    %mul3A_2455 = vector.broadcast %mul3A_2454 : f32 to vector<256x17xf32>
    %mul3A_2456 = arith.mulf %select_n3A_409, %mul3A_2455 : vector<256x17xf32>
    %mul3A_2457 = arith.constant 3.100000e+01 : f32
    %mul3A_2458 = vector.broadcast %mul3A_2457 : f32 to vector<256x17xf32>
    %mul3A_2459 = arith.mulf %select_n3A_412, %mul3A_2458 : vector<256x17xf32>
    %floor3A_2460 = math.floor %mul3A_2456 : vector<256x17xf32>
    %floor3A_2461 = math.floor %mul3A_2459 : vector<256x17xf32>
    %add3A_2462 = arith.constant 1.000000e+00 : f32
    %add3A_2463 = vector.broadcast %add3A_2462 : f32 to vector<256x17xf32>
    %add3A_2464 = arith.addf %floor3A_2460, %add3A_2463 : vector<256x17xf32>
    %add3A_2465 = arith.constant 1.000000e+00 : f32
    %add3A_2466 = vector.broadcast %add3A_2465 : f32 to vector<256x17xf32>
    %add3A_2467 = arith.addf %floor3A_2461, %add3A_2466 : vector<256x17xf32>
    %sub3A_2468 = arith.subf %mul3A_2456, %floor3A_2460 : vector<256x17xf32>
    %sub3A_2469 = arith.constant 1.000000e+00 : f32
    %sub3A_2470 = vector.broadcast %sub3A_2469 : f32 to vector<256x17xf32>
    %sub3A_2471 = arith.subf %sub3A_2470, %sub3A_2468 : vector<256x17xf32>
    %sub3A_2472 = arith.subf %mul3A_2459, %floor3A_2461 : vector<256x17xf32>
    %sub3A_2473 = arith.constant 1.000000e+00 : f32
    %sub3A_2474 = vector.broadcast %sub3A_2473 : f32 to vector<256x17xf32>
    %sub3A_2475 = arith.subf %sub3A_2474, %sub3A_2472 : vector<256x17xf32>
    %ge3A_2476 = arith.constant 0.000000e+00 : f32
    %ge3A_2477 = vector.broadcast %ge3A_2476 : f32 to vector<256x17xf32>
    %ge3A_2478 = arith.cmpf oge, %floor3A_2460, %ge3A_2477 : vector<256x17xf32>
    %le3A_2479 = arith.constant 3.100000e+01 : f32
    %le3A_2480 = vector.broadcast %le3A_2479 : f32 to vector<256x17xf32>
    %le3A_2481 = arith.cmpf ole, %floor3A_2460, %le3A_2480 : vector<256x17xf32>
    %and3A_2482 = arith.andi %ge3A_2478, %le3A_2481 : vector<256x17xi1>
    %ge3A_2483 = arith.constant 0.000000e+00 : f32
    %ge3A_2484 = vector.broadcast %ge3A_2483 : f32 to vector<256x17xf32>
    %ge3A_2485 = arith.cmpf oge, %floor3A_2461, %ge3A_2484 : vector<256x17xf32>
    %and3A_2486 = arith.andi %and3A_2482, %ge3A_2485 : vector<256x17xi1>
    %le3A_2487 = arith.constant 3.100000e+01 : f32
    %le3A_2488 = vector.broadcast %le3A_2487 : f32 to vector<256x17xf32>
    %le3A_2489 = arith.cmpf ole, %floor3A_2461, %le3A_2488 : vector<256x17xf32>
    %and3A_2490 = arith.andi %and3A_2486, %le3A_2489 : vector<256x17xi1>
    %jit3A_2491 = arith.constant 0.000000e+00 : f32
    %jit3A_2492 = arith.constant 3.100000e+01 : f32
    %max3A_2493 = vector.broadcast %jit3A_2491 : f32 to vector<256x17xf32>
    %max3A_2494 = arith.maximumf %max3A_2493, %floor3A_2460 : vector<256x17xf32>
    %min3A_2495 = vector.broadcast %jit3A_2492 : f32 to vector<256x17xf32>
    %min3A_2496 = arith.minimumf %min3A_2495, %max3A_2494 : vector<256x17xf32>
    %convert_element_type3A_2497 = arith.fptosi %min3A_2496 : vector<256x17xf32> to vector<256x17xi32>
    %jit3A_2498 = arith.constant 0.000000e+00 : f32
    %jit3A_2499 = arith.constant 3.100000e+01 : f32
    %max3A_2500 = vector.broadcast %jit3A_2498 : f32 to vector<256x17xf32>
    %max3A_2501 = arith.maximumf %max3A_2500, %floor3A_2461 : vector<256x17xf32>
    %min3A_2502 = vector.broadcast %jit3A_2499 : f32 to vector<256x17xf32>
    %min3A_2503 = arith.minimumf %min3A_2502, %max3A_2501 : vector<256x17xf32>
    %convert_element_type3A_2504 = arith.fptosi %min3A_2503 : vector<256x17xf32> to vector<256x17xi32>
    %mul3A_2505 = arith.constant 32 : i32
    %mul3A_2506 = vector.broadcast %mul3A_2505 : i32 to vector<256x17xi32>
    %mul3A_2507 = arith.muli %convert_element_type3A_2504, %mul3A_2506 : vector<256x17xi32>
    %add3A_2508 = arith.constant 25600 : i32
    %add3A_2509 = vector.broadcast %add3A_2508 : i32 to vector<256x17xi32>
    %add3A_2510 = arith.addi %add3A_2509, %mul3A_2507 : vector<256x17xi32>
    %add3A_2511 = arith.addi %add3A_2510, %convert_element_type3A_2497 : vector<256x17xi32>
    %and3A_2512 = arith.andi %and3A_2490, %ge3A_2452 : vector<256x17xi1>
    %mul3A_2513 = arith.mulf %sub3A_2471, %sub3A_2475 : vector<256x17xf32>
    %mul3A_2514 = arith.mulf %slice3A_2453, %mul3A_2513 : vector<256x17xf32>
    %jit3A_2515 = arith.constant 0.000000e+00 : f32
    %broadcast_in_dim3A_2516 = vector.broadcast %jit3A_2515 : f32 to vector<256x17xf32>
    %select_n3A_2517 = arith.select %and3A_2512, %mul3A_2514, %broadcast_in_dim3A_2516 : vector<256x17xi1>, vector<256x17xf32>
    %ge3A_2518 = arith.constant 0.000000e+00 : f32
    %ge3A_2519 = vector.broadcast %ge3A_2518 : f32 to vector<256x17xf32>
    %ge3A_2520 = arith.cmpf oge, %add3A_2464, %ge3A_2519 : vector<256x17xf32>
    %le3A_2521 = arith.constant 3.100000e+01 : f32
    %le3A_2522 = vector.broadcast %le3A_2521 : f32 to vector<256x17xf32>
    %le3A_2523 = arith.cmpf ole, %add3A_2464, %le3A_2522 : vector<256x17xf32>
    %and3A_2524 = arith.andi %ge3A_2520, %le3A_2523 : vector<256x17xi1>
    %ge3A_2525 = arith.constant 0.000000e+00 : f32
    %ge3A_2526 = vector.broadcast %ge3A_2525 : f32 to vector<256x17xf32>
    %ge3A_2527 = arith.cmpf oge, %floor3A_2461, %ge3A_2526 : vector<256x17xf32>
    %and3A_2528 = arith.andi %and3A_2524, %ge3A_2527 : vector<256x17xi1>
    %le3A_2529 = arith.constant 3.100000e+01 : f32
    %le3A_2530 = vector.broadcast %le3A_2529 : f32 to vector<256x17xf32>
    %le3A_2531 = arith.cmpf ole, %floor3A_2461, %le3A_2530 : vector<256x17xf32>
    %and3A_2532 = arith.andi %and3A_2528, %le3A_2531 : vector<256x17xi1>
    %jit3A_2533 = arith.constant 0.000000e+00 : f32
    %jit3A_2534 = arith.constant 3.100000e+01 : f32
    %max3A_2535 = vector.broadcast %jit3A_2533 : f32 to vector<256x17xf32>
    %max3A_2536 = arith.maximumf %max3A_2535, %add3A_2464 : vector<256x17xf32>
    %min3A_2537 = vector.broadcast %jit3A_2534 : f32 to vector<256x17xf32>
    %min3A_2538 = arith.minimumf %min3A_2537, %max3A_2536 : vector<256x17xf32>
    %convert_element_type3A_2539 = arith.fptosi %min3A_2538 : vector<256x17xf32> to vector<256x17xi32>
    %jit3A_2540 = arith.constant 0.000000e+00 : f32
    %jit3A_2541 = arith.constant 3.100000e+01 : f32
    %max3A_2542 = vector.broadcast %jit3A_2540 : f32 to vector<256x17xf32>
    %max3A_2543 = arith.maximumf %max3A_2542, %floor3A_2461 : vector<256x17xf32>
    %min3A_2544 = vector.broadcast %jit3A_2541 : f32 to vector<256x17xf32>
    %min3A_2545 = arith.minimumf %min3A_2544, %max3A_2543 : vector<256x17xf32>
    %convert_element_type3A_2546 = arith.fptosi %min3A_2545 : vector<256x17xf32> to vector<256x17xi32>
    %mul3A_2547 = arith.constant 32 : i32
    %mul3A_2548 = vector.broadcast %mul3A_2547 : i32 to vector<256x17xi32>
    %mul3A_2549 = arith.muli %convert_element_type3A_2546, %mul3A_2548 : vector<256x17xi32>
    %add3A_2550 = arith.constant 25600 : i32
    %add3A_2551 = vector.broadcast %add3A_2550 : i32 to vector<256x17xi32>
    %add3A_2552 = arith.addi %add3A_2551, %mul3A_2549 : vector<256x17xi32>
    %add3A_2553 = arith.addi %add3A_2552, %convert_element_type3A_2539 : vector<256x17xi32>
    %and3A_2554 = arith.andi %and3A_2532, %ge3A_2452 : vector<256x17xi1>
    %mul3A_2555 = arith.mulf %sub3A_2468, %sub3A_2475 : vector<256x17xf32>
    %mul3A_2556 = arith.mulf %slice3A_2453, %mul3A_2555 : vector<256x17xf32>
    %jit3A_2557 = arith.constant 0.000000e+00 : f32
    %broadcast_in_dim3A_2558 = vector.broadcast %jit3A_2557 : f32 to vector<256x17xf32>
    %select_n3A_2559 = arith.select %and3A_2554, %mul3A_2556, %broadcast_in_dim3A_2558 : vector<256x17xi1>, vector<256x17xf32>
    %ge3A_2560 = arith.constant 0.000000e+00 : f32
    %ge3A_2561 = vector.broadcast %ge3A_2560 : f32 to vector<256x17xf32>
    %ge3A_2562 = arith.cmpf oge, %floor3A_2460, %ge3A_2561 : vector<256x17xf32>
    %le3A_2563 = arith.constant 3.100000e+01 : f32
    %le3A_2564 = vector.broadcast %le3A_2563 : f32 to vector<256x17xf32>
    %le3A_2565 = arith.cmpf ole, %floor3A_2460, %le3A_2564 : vector<256x17xf32>
    %and3A_2566 = arith.andi %ge3A_2562, %le3A_2565 : vector<256x17xi1>
    %ge3A_2567 = arith.constant 0.000000e+00 : f32
    %ge3A_2568 = vector.broadcast %ge3A_2567 : f32 to vector<256x17xf32>
    %ge3A_2569 = arith.cmpf oge, %add3A_2467, %ge3A_2568 : vector<256x17xf32>
    %and3A_2570 = arith.andi %and3A_2566, %ge3A_2569 : vector<256x17xi1>
    %le3A_2571 = arith.constant 3.100000e+01 : f32
    %le3A_2572 = vector.broadcast %le3A_2571 : f32 to vector<256x17xf32>
    %le3A_2573 = arith.cmpf ole, %add3A_2467, %le3A_2572 : vector<256x17xf32>
    %and3A_2574 = arith.andi %and3A_2570, %le3A_2573 : vector<256x17xi1>
    %jit3A_2575 = arith.constant 0.000000e+00 : f32
    %jit3A_2576 = arith.constant 3.100000e+01 : f32
    %max3A_2577 = vector.broadcast %jit3A_2575 : f32 to vector<256x17xf32>
    %max3A_2578 = arith.maximumf %max3A_2577, %floor3A_2460 : vector<256x17xf32>
    %min3A_2579 = vector.broadcast %jit3A_2576 : f32 to vector<256x17xf32>
    %min3A_2580 = arith.minimumf %min3A_2579, %max3A_2578 : vector<256x17xf32>
    %convert_element_type3A_2581 = arith.fptosi %min3A_2580 : vector<256x17xf32> to vector<256x17xi32>
    %jit3A_2582 = arith.constant 0.000000e+00 : f32
    %jit3A_2583 = arith.constant 3.100000e+01 : f32
    %max3A_2584 = vector.broadcast %jit3A_2582 : f32 to vector<256x17xf32>
    %max3A_2585 = arith.maximumf %max3A_2584, %add3A_2467 : vector<256x17xf32>
    %min3A_2586 = vector.broadcast %jit3A_2583 : f32 to vector<256x17xf32>
    %min3A_2587 = arith.minimumf %min3A_2586, %max3A_2585 : vector<256x17xf32>
    %convert_element_type3A_2588 = arith.fptosi %min3A_2587 : vector<256x17xf32> to vector<256x17xi32>
    %mul3A_2589 = arith.constant 32 : i32
    %mul3A_2590 = vector.broadcast %mul3A_2589 : i32 to vector<256x17xi32>
    %mul3A_2591 = arith.muli %convert_element_type3A_2588, %mul3A_2590 : vector<256x17xi32>
    %add3A_2592 = arith.constant 25600 : i32
    %add3A_2593 = vector.broadcast %add3A_2592 : i32 to vector<256x17xi32>
    %add3A_2594 = arith.addi %add3A_2593, %mul3A_2591 : vector<256x17xi32>
    %add3A_2595 = arith.addi %add3A_2594, %convert_element_type3A_2581 : vector<256x17xi32>
    %and3A_2596 = arith.andi %and3A_2574, %ge3A_2452 : vector<256x17xi1>
    %mul3A_2597 = arith.mulf %sub3A_2471, %sub3A_2472 : vector<256x17xf32>
    %mul3A_2598 = arith.mulf %slice3A_2453, %mul3A_2597 : vector<256x17xf32>
    %jit3A_2599 = arith.constant 0.000000e+00 : f32
    %broadcast_in_dim3A_2600 = vector.broadcast %jit3A_2599 : f32 to vector<256x17xf32>
    %select_n3A_2601 = arith.select %and3A_2596, %mul3A_2598, %broadcast_in_dim3A_2600 : vector<256x17xi1>, vector<256x17xf32>
    %ge3A_2602 = arith.constant 0.000000e+00 : f32
    %ge3A_2603 = vector.broadcast %ge3A_2602 : f32 to vector<256x17xf32>
    %ge3A_2604 = arith.cmpf oge, %add3A_2464, %ge3A_2603 : vector<256x17xf32>
    %le3A_2605 = arith.constant 3.100000e+01 : f32
    %le3A_2606 = vector.broadcast %le3A_2605 : f32 to vector<256x17xf32>
    %le3A_2607 = arith.cmpf ole, %add3A_2464, %le3A_2606 : vector<256x17xf32>
    %and3A_2608 = arith.andi %ge3A_2604, %le3A_2607 : vector<256x17xi1>
    %ge3A_2609 = arith.constant 0.000000e+00 : f32
    %ge3A_2610 = vector.broadcast %ge3A_2609 : f32 to vector<256x17xf32>
    %ge3A_2611 = arith.cmpf oge, %add3A_2467, %ge3A_2610 : vector<256x17xf32>
    %and3A_2612 = arith.andi %and3A_2608, %ge3A_2611 : vector<256x17xi1>
    %le3A_2613 = arith.constant 3.100000e+01 : f32
    %le3A_2614 = vector.broadcast %le3A_2613 : f32 to vector<256x17xf32>
    %le3A_2615 = arith.cmpf ole, %add3A_2467, %le3A_2614 : vector<256x17xf32>
    %and3A_2616 = arith.andi %and3A_2612, %le3A_2615 : vector<256x17xi1>
    %jit3A_2617 = arith.constant 0.000000e+00 : f32
    %jit3A_2618 = arith.constant 3.100000e+01 : f32
    %max3A_2619 = vector.broadcast %jit3A_2617 : f32 to vector<256x17xf32>
    %max3A_2620 = arith.maximumf %max3A_2619, %add3A_2464 : vector<256x17xf32>
    %min3A_2621 = vector.broadcast %jit3A_2618 : f32 to vector<256x17xf32>
    %min3A_2622 = arith.minimumf %min3A_2621, %max3A_2620 : vector<256x17xf32>
    %convert_element_type3A_2623 = arith.fptosi %min3A_2622 : vector<256x17xf32> to vector<256x17xi32>
    %jit3A_2624 = arith.constant 0.000000e+00 : f32
    %jit3A_2625 = arith.constant 3.100000e+01 : f32
    %max3A_2626 = vector.broadcast %jit3A_2624 : f32 to vector<256x17xf32>
    %max3A_2627 = arith.maximumf %max3A_2626, %add3A_2467 : vector<256x17xf32>
    %min3A_2628 = vector.broadcast %jit3A_2625 : f32 to vector<256x17xf32>
    %min3A_2629 = arith.minimumf %min3A_2628, %max3A_2627 : vector<256x17xf32>
    %convert_element_type3A_2630 = arith.fptosi %min3A_2629 : vector<256x17xf32> to vector<256x17xi32>
    %mul3A_2631 = arith.constant 32 : i32
    %mul3A_2632 = vector.broadcast %mul3A_2631 : i32 to vector<256x17xi32>
    %mul3A_2633 = arith.muli %convert_element_type3A_2630, %mul3A_2632 : vector<256x17xi32>
    %add3A_2634 = arith.constant 25600 : i32
    %add3A_2635 = vector.broadcast %add3A_2634 : i32 to vector<256x17xi32>
    %add3A_2636 = arith.addi %add3A_2635, %mul3A_2633 : vector<256x17xi32>
    %add3A_2637 = arith.addi %add3A_2636, %convert_element_type3A_2623 : vector<256x17xi32>
    %and3A_2638 = arith.andi %and3A_2616, %ge3A_2452 : vector<256x17xi1>
    %mul3A_2639 = arith.mulf %sub3A_2468, %sub3A_2472 : vector<256x17xf32>
    %mul3A_2640 = arith.mulf %slice3A_2453, %mul3A_2639 : vector<256x17xf32>
    %jit3A_2641 = arith.constant 0.000000e+00 : f32
    %broadcast_in_dim3A_2642 = vector.broadcast %jit3A_2641 : f32 to vector<256x17xf32>
    %select_n3A_2643 = arith.select %and3A_2638, %mul3A_2640, %broadcast_in_dim3A_2642 : vector<256x17xi1>, vector<256x17xf32>
    %ge3A_2644 = arith.constant 0.000000e+00 : f32
    %ge3A_2645 = vector.broadcast %ge3A_2644 : f32 to vector<256x17xf32>
    %ge3A_2646 = arith.cmpf oge, %select_n3A_577, %ge3A_2645 : vector<256x17xf32>
    %slice3A_2647 = vector.extract_strided_slice %logistic3A_39 {offsets = [0, 136], sizes = [256, 17], strides = [1, 1]} : vector<256x306xf32> to vector<256x17xf32>
    %mul3A_2648 = arith.constant 3.100000e+01 : f32
    %mul3A_2649 = vector.broadcast %mul3A_2648 : f32 to vector<256x17xf32>
    %mul3A_2650 = arith.mulf %select_n3A_577, %mul3A_2649 : vector<256x17xf32>
    %mul3A_2651 = arith.constant 3.100000e+01 : f32
    %mul3A_2652 = vector.broadcast %mul3A_2651 : f32 to vector<256x17xf32>
    %mul3A_2653 = arith.mulf %select_n3A_580, %mul3A_2652 : vector<256x17xf32>
    %floor3A_2654 = math.floor %mul3A_2650 : vector<256x17xf32>
    %floor3A_2655 = math.floor %mul3A_2653 : vector<256x17xf32>
    %add3A_2656 = arith.constant 1.000000e+00 : f32
    %add3A_2657 = vector.broadcast %add3A_2656 : f32 to vector<256x17xf32>
    %add3A_2658 = arith.addf %floor3A_2654, %add3A_2657 : vector<256x17xf32>
    %add3A_2659 = arith.constant 1.000000e+00 : f32
    %add3A_2660 = vector.broadcast %add3A_2659 : f32 to vector<256x17xf32>
    %add3A_2661 = arith.addf %floor3A_2655, %add3A_2660 : vector<256x17xf32>
    %sub3A_2662 = arith.subf %mul3A_2650, %floor3A_2654 : vector<256x17xf32>
    %sub3A_2663 = arith.constant 1.000000e+00 : f32
    %sub3A_2664 = vector.broadcast %sub3A_2663 : f32 to vector<256x17xf32>
    %sub3A_2665 = arith.subf %sub3A_2664, %sub3A_2662 : vector<256x17xf32>
    %sub3A_2666 = arith.subf %mul3A_2653, %floor3A_2655 : vector<256x17xf32>
    %sub3A_2667 = arith.constant 1.000000e+00 : f32
    %sub3A_2668 = vector.broadcast %sub3A_2667 : f32 to vector<256x17xf32>
    %sub3A_2669 = arith.subf %sub3A_2668, %sub3A_2666 : vector<256x17xf32>
    %ge3A_2670 = arith.constant 0.000000e+00 : f32
    %ge3A_2671 = vector.broadcast %ge3A_2670 : f32 to vector<256x17xf32>
    %ge3A_2672 = arith.cmpf oge, %floor3A_2654, %ge3A_2671 : vector<256x17xf32>
    %le3A_2673 = arith.constant 3.100000e+01 : f32
    %le3A_2674 = vector.broadcast %le3A_2673 : f32 to vector<256x17xf32>
    %le3A_2675 = arith.cmpf ole, %floor3A_2654, %le3A_2674 : vector<256x17xf32>
    %and3A_2676 = arith.andi %ge3A_2672, %le3A_2675 : vector<256x17xi1>
    %ge3A_2677 = arith.constant 0.000000e+00 : f32
    %ge3A_2678 = vector.broadcast %ge3A_2677 : f32 to vector<256x17xf32>
    %ge3A_2679 = arith.cmpf oge, %floor3A_2655, %ge3A_2678 : vector<256x17xf32>
    %and3A_2680 = arith.andi %and3A_2676, %ge3A_2679 : vector<256x17xi1>
    %le3A_2681 = arith.constant 3.100000e+01 : f32
    %le3A_2682 = vector.broadcast %le3A_2681 : f32 to vector<256x17xf32>
    %le3A_2683 = arith.cmpf ole, %floor3A_2655, %le3A_2682 : vector<256x17xf32>
    %and3A_2684 = arith.andi %and3A_2680, %le3A_2683 : vector<256x17xi1>
    %jit3A_2685 = arith.constant 0.000000e+00 : f32
    %jit3A_2686 = arith.constant 3.100000e+01 : f32
    %max3A_2687 = vector.broadcast %jit3A_2685 : f32 to vector<256x17xf32>
    %max3A_2688 = arith.maximumf %max3A_2687, %floor3A_2654 : vector<256x17xf32>
    %min3A_2689 = vector.broadcast %jit3A_2686 : f32 to vector<256x17xf32>
    %min3A_2690 = arith.minimumf %min3A_2689, %max3A_2688 : vector<256x17xf32>
    %convert_element_type3A_2691 = arith.fptosi %min3A_2690 : vector<256x17xf32> to vector<256x17xi32>
    %jit3A_2692 = arith.constant 0.000000e+00 : f32
    %jit3A_2693 = arith.constant 3.100000e+01 : f32
    %max3A_2694 = vector.broadcast %jit3A_2692 : f32 to vector<256x17xf32>
    %max3A_2695 = arith.maximumf %max3A_2694, %floor3A_2655 : vector<256x17xf32>
    %min3A_2696 = vector.broadcast %jit3A_2693 : f32 to vector<256x17xf32>
    %min3A_2697 = arith.minimumf %min3A_2696, %max3A_2695 : vector<256x17xf32>
    %convert_element_type3A_2698 = arith.fptosi %min3A_2697 : vector<256x17xf32> to vector<256x17xi32>
    %mul3A_2699 = arith.constant 32 : i32
    %mul3A_2700 = vector.broadcast %mul3A_2699 : i32 to vector<256x17xi32>
    %mul3A_2701 = arith.muli %convert_element_type3A_2698, %mul3A_2700 : vector<256x17xi32>
    %add3A_2702 = arith.constant 26624 : i32
    %add3A_2703 = vector.broadcast %add3A_2702 : i32 to vector<256x17xi32>
    %add3A_2704 = arith.addi %add3A_2703, %mul3A_2701 : vector<256x17xi32>
    %add3A_2705 = arith.addi %add3A_2704, %convert_element_type3A_2691 : vector<256x17xi32>
    %and3A_2706 = arith.andi %and3A_2684, %ge3A_2646 : vector<256x17xi1>
    %mul3A_2707 = arith.mulf %sub3A_2665, %sub3A_2669 : vector<256x17xf32>
    %mul3A_2708 = arith.mulf %slice3A_2647, %mul3A_2707 : vector<256x17xf32>
    %jit3A_2709 = arith.constant 0.000000e+00 : f32
    %broadcast_in_dim3A_2710 = vector.broadcast %jit3A_2709 : f32 to vector<256x17xf32>
    %select_n3A_2711 = arith.select %and3A_2706, %mul3A_2708, %broadcast_in_dim3A_2710 : vector<256x17xi1>, vector<256x17xf32>
    %ge3A_2712 = arith.constant 0.000000e+00 : f32
    %ge3A_2713 = vector.broadcast %ge3A_2712 : f32 to vector<256x17xf32>
    %ge3A_2714 = arith.cmpf oge, %add3A_2658, %ge3A_2713 : vector<256x17xf32>
    %le3A_2715 = arith.constant 3.100000e+01 : f32
    %le3A_2716 = vector.broadcast %le3A_2715 : f32 to vector<256x17xf32>
    %le3A_2717 = arith.cmpf ole, %add3A_2658, %le3A_2716 : vector<256x17xf32>
    %and3A_2718 = arith.andi %ge3A_2714, %le3A_2717 : vector<256x17xi1>
    %ge3A_2719 = arith.constant 0.000000e+00 : f32
    %ge3A_2720 = vector.broadcast %ge3A_2719 : f32 to vector<256x17xf32>
    %ge3A_2721 = arith.cmpf oge, %floor3A_2655, %ge3A_2720 : vector<256x17xf32>
    %and3A_2722 = arith.andi %and3A_2718, %ge3A_2721 : vector<256x17xi1>
    %le3A_2723 = arith.constant 3.100000e+01 : f32
    %le3A_2724 = vector.broadcast %le3A_2723 : f32 to vector<256x17xf32>
    %le3A_2725 = arith.cmpf ole, %floor3A_2655, %le3A_2724 : vector<256x17xf32>
    %and3A_2726 = arith.andi %and3A_2722, %le3A_2725 : vector<256x17xi1>
    %jit3A_2727 = arith.constant 0.000000e+00 : f32
    %jit3A_2728 = arith.constant 3.100000e+01 : f32
    %max3A_2729 = vector.broadcast %jit3A_2727 : f32 to vector<256x17xf32>
    %max3A_2730 = arith.maximumf %max3A_2729, %add3A_2658 : vector<256x17xf32>
    %min3A_2731 = vector.broadcast %jit3A_2728 : f32 to vector<256x17xf32>
    %min3A_2732 = arith.minimumf %min3A_2731, %max3A_2730 : vector<256x17xf32>
    %convert_element_type3A_2733 = arith.fptosi %min3A_2732 : vector<256x17xf32> to vector<256x17xi32>
    %jit3A_2734 = arith.constant 0.000000e+00 : f32
    %jit3A_2735 = arith.constant 3.100000e+01 : f32
    %max3A_2736 = vector.broadcast %jit3A_2734 : f32 to vector<256x17xf32>
    %max3A_2737 = arith.maximumf %max3A_2736, %floor3A_2655 : vector<256x17xf32>
    %min3A_2738 = vector.broadcast %jit3A_2735 : f32 to vector<256x17xf32>
    %min3A_2739 = arith.minimumf %min3A_2738, %max3A_2737 : vector<256x17xf32>
    %convert_element_type3A_2740 = arith.fptosi %min3A_2739 : vector<256x17xf32> to vector<256x17xi32>
    %mul3A_2741 = arith.constant 32 : i32
    %mul3A_2742 = vector.broadcast %mul3A_2741 : i32 to vector<256x17xi32>
    %mul3A_2743 = arith.muli %convert_element_type3A_2740, %mul3A_2742 : vector<256x17xi32>
    %add3A_2744 = arith.constant 26624 : i32
    %add3A_2745 = vector.broadcast %add3A_2744 : i32 to vector<256x17xi32>
    %add3A_2746 = arith.addi %add3A_2745, %mul3A_2743 : vector<256x17xi32>
    %add3A_2747 = arith.addi %add3A_2746, %convert_element_type3A_2733 : vector<256x17xi32>
    %and3A_2748 = arith.andi %and3A_2726, %ge3A_2646 : vector<256x17xi1>
    %mul3A_2749 = arith.mulf %sub3A_2662, %sub3A_2669 : vector<256x17xf32>
    %mul3A_2750 = arith.mulf %slice3A_2647, %mul3A_2749 : vector<256x17xf32>
    %jit3A_2751 = arith.constant 0.000000e+00 : f32
    %broadcast_in_dim3A_2752 = vector.broadcast %jit3A_2751 : f32 to vector<256x17xf32>
    %select_n3A_2753 = arith.select %and3A_2748, %mul3A_2750, %broadcast_in_dim3A_2752 : vector<256x17xi1>, vector<256x17xf32>
    %ge3A_2754 = arith.constant 0.000000e+00 : f32
    %ge3A_2755 = vector.broadcast %ge3A_2754 : f32 to vector<256x17xf32>
    %ge3A_2756 = arith.cmpf oge, %floor3A_2654, %ge3A_2755 : vector<256x17xf32>
    %le3A_2757 = arith.constant 3.100000e+01 : f32
    %le3A_2758 = vector.broadcast %le3A_2757 : f32 to vector<256x17xf32>
    %le3A_2759 = arith.cmpf ole, %floor3A_2654, %le3A_2758 : vector<256x17xf32>
    %and3A_2760 = arith.andi %ge3A_2756, %le3A_2759 : vector<256x17xi1>
    %ge3A_2761 = arith.constant 0.000000e+00 : f32
    %ge3A_2762 = vector.broadcast %ge3A_2761 : f32 to vector<256x17xf32>
    %ge3A_2763 = arith.cmpf oge, %add3A_2661, %ge3A_2762 : vector<256x17xf32>
    %and3A_2764 = arith.andi %and3A_2760, %ge3A_2763 : vector<256x17xi1>
    %le3A_2765 = arith.constant 3.100000e+01 : f32
    %le3A_2766 = vector.broadcast %le3A_2765 : f32 to vector<256x17xf32>
    %le3A_2767 = arith.cmpf ole, %add3A_2661, %le3A_2766 : vector<256x17xf32>
    %and3A_2768 = arith.andi %and3A_2764, %le3A_2767 : vector<256x17xi1>
    %jit3A_2769 = arith.constant 0.000000e+00 : f32
    %jit3A_2770 = arith.constant 3.100000e+01 : f32
    %max3A_2771 = vector.broadcast %jit3A_2769 : f32 to vector<256x17xf32>
    %max3A_2772 = arith.maximumf %max3A_2771, %floor3A_2654 : vector<256x17xf32>
    %min3A_2773 = vector.broadcast %jit3A_2770 : f32 to vector<256x17xf32>
    %min3A_2774 = arith.minimumf %min3A_2773, %max3A_2772 : vector<256x17xf32>
    %convert_element_type3A_2775 = arith.fptosi %min3A_2774 : vector<256x17xf32> to vector<256x17xi32>
    %jit3A_2776 = arith.constant 0.000000e+00 : f32
    %jit3A_2777 = arith.constant 3.100000e+01 : f32
    %max3A_2778 = vector.broadcast %jit3A_2776 : f32 to vector<256x17xf32>
    %max3A_2779 = arith.maximumf %max3A_2778, %add3A_2661 : vector<256x17xf32>
    %min3A_2780 = vector.broadcast %jit3A_2777 : f32 to vector<256x17xf32>
    %min3A_2781 = arith.minimumf %min3A_2780, %max3A_2779 : vector<256x17xf32>
    %convert_element_type3A_2782 = arith.fptosi %min3A_2781 : vector<256x17xf32> to vector<256x17xi32>
    %mul3A_2783 = arith.constant 32 : i32
    %mul3A_2784 = vector.broadcast %mul3A_2783 : i32 to vector<256x17xi32>
    %mul3A_2785 = arith.muli %convert_element_type3A_2782, %mul3A_2784 : vector<256x17xi32>
    %add3A_2786 = arith.constant 26624 : i32
    %add3A_2787 = vector.broadcast %add3A_2786 : i32 to vector<256x17xi32>
    %add3A_2788 = arith.addi %add3A_2787, %mul3A_2785 : vector<256x17xi32>
    %add3A_2789 = arith.addi %add3A_2788, %convert_element_type3A_2775 : vector<256x17xi32>
    %and3A_2790 = arith.andi %and3A_2768, %ge3A_2646 : vector<256x17xi1>
    %mul3A_2791 = arith.mulf %sub3A_2665, %sub3A_2666 : vector<256x17xf32>
    %mul3A_2792 = arith.mulf %slice3A_2647, %mul3A_2791 : vector<256x17xf32>
    %jit3A_2793 = arith.constant 0.000000e+00 : f32
    %broadcast_in_dim3A_2794 = vector.broadcast %jit3A_2793 : f32 to vector<256x17xf32>
    %select_n3A_2795 = arith.select %and3A_2790, %mul3A_2792, %broadcast_in_dim3A_2794 : vector<256x17xi1>, vector<256x17xf32>
    %ge3A_2796 = arith.constant 0.000000e+00 : f32
    %ge3A_2797 = vector.broadcast %ge3A_2796 : f32 to vector<256x17xf32>
    %ge3A_2798 = arith.cmpf oge, %add3A_2658, %ge3A_2797 : vector<256x17xf32>
    %le3A_2799 = arith.constant 3.100000e+01 : f32
    %le3A_2800 = vector.broadcast %le3A_2799 : f32 to vector<256x17xf32>
    %le3A_2801 = arith.cmpf ole, %add3A_2658, %le3A_2800 : vector<256x17xf32>
    %and3A_2802 = arith.andi %ge3A_2798, %le3A_2801 : vector<256x17xi1>
    %ge3A_2803 = arith.constant 0.000000e+00 : f32
    %ge3A_2804 = vector.broadcast %ge3A_2803 : f32 to vector<256x17xf32>
    %ge3A_2805 = arith.cmpf oge, %add3A_2661, %ge3A_2804 : vector<256x17xf32>
    %and3A_2806 = arith.andi %and3A_2802, %ge3A_2805 : vector<256x17xi1>
    %le3A_2807 = arith.constant 3.100000e+01 : f32
    %le3A_2808 = vector.broadcast %le3A_2807 : f32 to vector<256x17xf32>
    %le3A_2809 = arith.cmpf ole, %add3A_2661, %le3A_2808 : vector<256x17xf32>
    %and3A_2810 = arith.andi %and3A_2806, %le3A_2809 : vector<256x17xi1>
    %jit3A_2811 = arith.constant 0.000000e+00 : f32
    %jit3A_2812 = arith.constant 3.100000e+01 : f32
    %max3A_2813 = vector.broadcast %jit3A_2811 : f32 to vector<256x17xf32>
    %max3A_2814 = arith.maximumf %max3A_2813, %add3A_2658 : vector<256x17xf32>
    %min3A_2815 = vector.broadcast %jit3A_2812 : f32 to vector<256x17xf32>
    %min3A_2816 = arith.minimumf %min3A_2815, %max3A_2814 : vector<256x17xf32>
    %convert_element_type3A_2817 = arith.fptosi %min3A_2816 : vector<256x17xf32> to vector<256x17xi32>
    %jit3A_2818 = arith.constant 0.000000e+00 : f32
    %jit3A_2819 = arith.constant 3.100000e+01 : f32
    %max3A_2820 = vector.broadcast %jit3A_2818 : f32 to vector<256x17xf32>
    %max3A_2821 = arith.maximumf %max3A_2820, %add3A_2661 : vector<256x17xf32>
    %min3A_2822 = vector.broadcast %jit3A_2819 : f32 to vector<256x17xf32>
    %min3A_2823 = arith.minimumf %min3A_2822, %max3A_2821 : vector<256x17xf32>
    %convert_element_type3A_2824 = arith.fptosi %min3A_2823 : vector<256x17xf32> to vector<256x17xi32>
    %mul3A_2825 = arith.constant 32 : i32
    %mul3A_2826 = vector.broadcast %mul3A_2825 : i32 to vector<256x17xi32>
    %mul3A_2827 = arith.muli %convert_element_type3A_2824, %mul3A_2826 : vector<256x17xi32>
    %add3A_2828 = arith.constant 26624 : i32
    %add3A_2829 = vector.broadcast %add3A_2828 : i32 to vector<256x17xi32>
    %add3A_2830 = arith.addi %add3A_2829, %mul3A_2827 : vector<256x17xi32>
    %add3A_2831 = arith.addi %add3A_2830, %convert_element_type3A_2817 : vector<256x17xi32>
    %and3A_2832 = arith.andi %and3A_2810, %ge3A_2646 : vector<256x17xi1>
    %mul3A_2833 = arith.mulf %sub3A_2662, %sub3A_2666 : vector<256x17xf32>
    %mul3A_2834 = arith.mulf %slice3A_2647, %mul3A_2833 : vector<256x17xf32>
    %jit3A_2835 = arith.constant 0.000000e+00 : f32
    %broadcast_in_dim3A_2836 = vector.broadcast %jit3A_2835 : f32 to vector<256x17xf32>
    %select_n3A_2837 = arith.select %and3A_2832, %mul3A_2834, %broadcast_in_dim3A_2836 : vector<256x17xi1>, vector<256x17xf32>
    %ge3A_2838 = arith.constant 0.000000e+00 : f32
    %ge3A_2839 = vector.broadcast %ge3A_2838 : f32 to vector<256x17xf32>
    %ge3A_2840 = arith.cmpf oge, %select_n3A_745, %ge3A_2839 : vector<256x17xf32>
    %slice3A_2841 = vector.extract_strided_slice %logistic3A_39 {offsets = [0, 153], sizes = [256, 17], strides = [1, 1]} : vector<256x306xf32> to vector<256x17xf32>
    %mul3A_2842 = arith.constant 3.100000e+01 : f32
    %mul3A_2843 = vector.broadcast %mul3A_2842 : f32 to vector<256x17xf32>
    %mul3A_2844 = arith.mulf %select_n3A_745, %mul3A_2843 : vector<256x17xf32>
    %mul3A_2845 = arith.constant 3.100000e+01 : f32
    %mul3A_2846 = vector.broadcast %mul3A_2845 : f32 to vector<256x17xf32>
    %mul3A_2847 = arith.mulf %select_n3A_748, %mul3A_2846 : vector<256x17xf32>
    %floor3A_2848 = math.floor %mul3A_2844 : vector<256x17xf32>
    %floor3A_2849 = math.floor %mul3A_2847 : vector<256x17xf32>
    %add3A_2850 = arith.constant 1.000000e+00 : f32
    %add3A_2851 = vector.broadcast %add3A_2850 : f32 to vector<256x17xf32>
    %add3A_2852 = arith.addf %floor3A_2848, %add3A_2851 : vector<256x17xf32>
    %add3A_2853 = arith.constant 1.000000e+00 : f32
    %add3A_2854 = vector.broadcast %add3A_2853 : f32 to vector<256x17xf32>
    %add3A_2855 = arith.addf %floor3A_2849, %add3A_2854 : vector<256x17xf32>
    %sub3A_2856 = arith.subf %mul3A_2844, %floor3A_2848 : vector<256x17xf32>
    %sub3A_2857 = arith.constant 1.000000e+00 : f32
    %sub3A_2858 = vector.broadcast %sub3A_2857 : f32 to vector<256x17xf32>
    %sub3A_2859 = arith.subf %sub3A_2858, %sub3A_2856 : vector<256x17xf32>
    %sub3A_2860 = arith.subf %mul3A_2847, %floor3A_2849 : vector<256x17xf32>
    %sub3A_2861 = arith.constant 1.000000e+00 : f32
    %sub3A_2862 = vector.broadcast %sub3A_2861 : f32 to vector<256x17xf32>
    %sub3A_2863 = arith.subf %sub3A_2862, %sub3A_2860 : vector<256x17xf32>
    %ge3A_2864 = arith.constant 0.000000e+00 : f32
    %ge3A_2865 = vector.broadcast %ge3A_2864 : f32 to vector<256x17xf32>
    %ge3A_2866 = arith.cmpf oge, %floor3A_2848, %ge3A_2865 : vector<256x17xf32>
    %le3A_2867 = arith.constant 3.100000e+01 : f32
    %le3A_2868 = vector.broadcast %le3A_2867 : f32 to vector<256x17xf32>
    %le3A_2869 = arith.cmpf ole, %floor3A_2848, %le3A_2868 : vector<256x17xf32>
    %and3A_2870 = arith.andi %ge3A_2866, %le3A_2869 : vector<256x17xi1>
    %ge3A_2871 = arith.constant 0.000000e+00 : f32
    %ge3A_2872 = vector.broadcast %ge3A_2871 : f32 to vector<256x17xf32>
    %ge3A_2873 = arith.cmpf oge, %floor3A_2849, %ge3A_2872 : vector<256x17xf32>
    %and3A_2874 = arith.andi %and3A_2870, %ge3A_2873 : vector<256x17xi1>
    %le3A_2875 = arith.constant 3.100000e+01 : f32
    %le3A_2876 = vector.broadcast %le3A_2875 : f32 to vector<256x17xf32>
    %le3A_2877 = arith.cmpf ole, %floor3A_2849, %le3A_2876 : vector<256x17xf32>
    %and3A_2878 = arith.andi %and3A_2874, %le3A_2877 : vector<256x17xi1>
    %jit3A_2879 = arith.constant 0.000000e+00 : f32
    %jit3A_2880 = arith.constant 3.100000e+01 : f32
    %max3A_2881 = vector.broadcast %jit3A_2879 : f32 to vector<256x17xf32>
    %max3A_2882 = arith.maximumf %max3A_2881, %floor3A_2848 : vector<256x17xf32>
    %min3A_2883 = vector.broadcast %jit3A_2880 : f32 to vector<256x17xf32>
    %min3A_2884 = arith.minimumf %min3A_2883, %max3A_2882 : vector<256x17xf32>
    %convert_element_type3A_2885 = arith.fptosi %min3A_2884 : vector<256x17xf32> to vector<256x17xi32>
    %jit3A_2886 = arith.constant 0.000000e+00 : f32
    %jit3A_2887 = arith.constant 3.100000e+01 : f32
    %max3A_2888 = vector.broadcast %jit3A_2886 : f32 to vector<256x17xf32>
    %max3A_2889 = arith.maximumf %max3A_2888, %floor3A_2849 : vector<256x17xf32>
    %min3A_2890 = vector.broadcast %jit3A_2887 : f32 to vector<256x17xf32>
    %min3A_2891 = arith.minimumf %min3A_2890, %max3A_2889 : vector<256x17xf32>
    %convert_element_type3A_2892 = arith.fptosi %min3A_2891 : vector<256x17xf32> to vector<256x17xi32>
    %mul3A_2893 = arith.constant 32 : i32
    %mul3A_2894 = vector.broadcast %mul3A_2893 : i32 to vector<256x17xi32>
    %mul3A_2895 = arith.muli %convert_element_type3A_2892, %mul3A_2894 : vector<256x17xi32>
    %add3A_2896 = arith.constant 27648 : i32
    %add3A_2897 = vector.broadcast %add3A_2896 : i32 to vector<256x17xi32>
    %add3A_2898 = arith.addi %add3A_2897, %mul3A_2895 : vector<256x17xi32>
    %add3A_2899 = arith.addi %add3A_2898, %convert_element_type3A_2885 : vector<256x17xi32>
    %and3A_2900 = arith.andi %and3A_2878, %ge3A_2840 : vector<256x17xi1>
    %mul3A_2901 = arith.mulf %sub3A_2859, %sub3A_2863 : vector<256x17xf32>
    %mul3A_2902 = arith.mulf %slice3A_2841, %mul3A_2901 : vector<256x17xf32>
    %jit3A_2903 = arith.constant 0.000000e+00 : f32
    %broadcast_in_dim3A_2904 = vector.broadcast %jit3A_2903 : f32 to vector<256x17xf32>
    %select_n3A_2905 = arith.select %and3A_2900, %mul3A_2902, %broadcast_in_dim3A_2904 : vector<256x17xi1>, vector<256x17xf32>
    %ge3A_2906 = arith.constant 0.000000e+00 : f32
    %ge3A_2907 = vector.broadcast %ge3A_2906 : f32 to vector<256x17xf32>
    %ge3A_2908 = arith.cmpf oge, %add3A_2852, %ge3A_2907 : vector<256x17xf32>
    %le3A_2909 = arith.constant 3.100000e+01 : f32
    %le3A_2910 = vector.broadcast %le3A_2909 : f32 to vector<256x17xf32>
    %le3A_2911 = arith.cmpf ole, %add3A_2852, %le3A_2910 : vector<256x17xf32>
    %and3A_2912 = arith.andi %ge3A_2908, %le3A_2911 : vector<256x17xi1>
    %ge3A_2913 = arith.constant 0.000000e+00 : f32
    %ge3A_2914 = vector.broadcast %ge3A_2913 : f32 to vector<256x17xf32>
    %ge3A_2915 = arith.cmpf oge, %floor3A_2849, %ge3A_2914 : vector<256x17xf32>
    %and3A_2916 = arith.andi %and3A_2912, %ge3A_2915 : vector<256x17xi1>
    %le3A_2917 = arith.constant 3.100000e+01 : f32
    %le3A_2918 = vector.broadcast %le3A_2917 : f32 to vector<256x17xf32>
    %le3A_2919 = arith.cmpf ole, %floor3A_2849, %le3A_2918 : vector<256x17xf32>
    %and3A_2920 = arith.andi %and3A_2916, %le3A_2919 : vector<256x17xi1>
    %jit3A_2921 = arith.constant 0.000000e+00 : f32
    %jit3A_2922 = arith.constant 3.100000e+01 : f32
    %max3A_2923 = vector.broadcast %jit3A_2921 : f32 to vector<256x17xf32>
    %max3A_2924 = arith.maximumf %max3A_2923, %add3A_2852 : vector<256x17xf32>
    %min3A_2925 = vector.broadcast %jit3A_2922 : f32 to vector<256x17xf32>
    %min3A_2926 = arith.minimumf %min3A_2925, %max3A_2924 : vector<256x17xf32>
    %convert_element_type3A_2927 = arith.fptosi %min3A_2926 : vector<256x17xf32> to vector<256x17xi32>
    %jit3A_2928 = arith.constant 0.000000e+00 : f32
    %jit3A_2929 = arith.constant 3.100000e+01 : f32
    %max3A_2930 = vector.broadcast %jit3A_2928 : f32 to vector<256x17xf32>
    %max3A_2931 = arith.maximumf %max3A_2930, %floor3A_2849 : vector<256x17xf32>
    %min3A_2932 = vector.broadcast %jit3A_2929 : f32 to vector<256x17xf32>
    %min3A_2933 = arith.minimumf %min3A_2932, %max3A_2931 : vector<256x17xf32>
    %convert_element_type3A_2934 = arith.fptosi %min3A_2933 : vector<256x17xf32> to vector<256x17xi32>
    %mul3A_2935 = arith.constant 32 : i32
    %mul3A_2936 = vector.broadcast %mul3A_2935 : i32 to vector<256x17xi32>
    %mul3A_2937 = arith.muli %convert_element_type3A_2934, %mul3A_2936 : vector<256x17xi32>
    %add3A_2938 = arith.constant 27648 : i32
    %add3A_2939 = vector.broadcast %add3A_2938 : i32 to vector<256x17xi32>
    %add3A_2940 = arith.addi %add3A_2939, %mul3A_2937 : vector<256x17xi32>
    %add3A_2941 = arith.addi %add3A_2940, %convert_element_type3A_2927 : vector<256x17xi32>
    %and3A_2942 = arith.andi %and3A_2920, %ge3A_2840 : vector<256x17xi1>
    %mul3A_2943 = arith.mulf %sub3A_2856, %sub3A_2863 : vector<256x17xf32>
    %mul3A_2944 = arith.mulf %slice3A_2841, %mul3A_2943 : vector<256x17xf32>
    %jit3A_2945 = arith.constant 0.000000e+00 : f32
    %broadcast_in_dim3A_2946 = vector.broadcast %jit3A_2945 : f32 to vector<256x17xf32>
    %select_n3A_2947 = arith.select %and3A_2942, %mul3A_2944, %broadcast_in_dim3A_2946 : vector<256x17xi1>, vector<256x17xf32>
    %ge3A_2948 = arith.constant 0.000000e+00 : f32
    %ge3A_2949 = vector.broadcast %ge3A_2948 : f32 to vector<256x17xf32>
    %ge3A_2950 = arith.cmpf oge, %floor3A_2848, %ge3A_2949 : vector<256x17xf32>
    %le3A_2951 = arith.constant 3.100000e+01 : f32
    %le3A_2952 = vector.broadcast %le3A_2951 : f32 to vector<256x17xf32>
    %le3A_2953 = arith.cmpf ole, %floor3A_2848, %le3A_2952 : vector<256x17xf32>
    %and3A_2954 = arith.andi %ge3A_2950, %le3A_2953 : vector<256x17xi1>
    %ge3A_2955 = arith.constant 0.000000e+00 : f32
    %ge3A_2956 = vector.broadcast %ge3A_2955 : f32 to vector<256x17xf32>
    %ge3A_2957 = arith.cmpf oge, %add3A_2855, %ge3A_2956 : vector<256x17xf32>
    %and3A_2958 = arith.andi %and3A_2954, %ge3A_2957 : vector<256x17xi1>
    %le3A_2959 = arith.constant 3.100000e+01 : f32
    %le3A_2960 = vector.broadcast %le3A_2959 : f32 to vector<256x17xf32>
    %le3A_2961 = arith.cmpf ole, %add3A_2855, %le3A_2960 : vector<256x17xf32>
    %and3A_2962 = arith.andi %and3A_2958, %le3A_2961 : vector<256x17xi1>
    %jit3A_2963 = arith.constant 0.000000e+00 : f32
    %jit3A_2964 = arith.constant 3.100000e+01 : f32
    %max3A_2965 = vector.broadcast %jit3A_2963 : f32 to vector<256x17xf32>
    %max3A_2966 = arith.maximumf %max3A_2965, %floor3A_2848 : vector<256x17xf32>
    %min3A_2967 = vector.broadcast %jit3A_2964 : f32 to vector<256x17xf32>
    %min3A_2968 = arith.minimumf %min3A_2967, %max3A_2966 : vector<256x17xf32>
    %convert_element_type3A_2969 = arith.fptosi %min3A_2968 : vector<256x17xf32> to vector<256x17xi32>
    %jit3A_2970 = arith.constant 0.000000e+00 : f32
    %jit3A_2971 = arith.constant 3.100000e+01 : f32
    %max3A_2972 = vector.broadcast %jit3A_2970 : f32 to vector<256x17xf32>
    %max3A_2973 = arith.maximumf %max3A_2972, %add3A_2855 : vector<256x17xf32>
    %min3A_2974 = vector.broadcast %jit3A_2971 : f32 to vector<256x17xf32>
    %min3A_2975 = arith.minimumf %min3A_2974, %max3A_2973 : vector<256x17xf32>
    %convert_element_type3A_2976 = arith.fptosi %min3A_2975 : vector<256x17xf32> to vector<256x17xi32>
    %mul3A_2977 = arith.constant 32 : i32
    %mul3A_2978 = vector.broadcast %mul3A_2977 : i32 to vector<256x17xi32>
    %mul3A_2979 = arith.muli %convert_element_type3A_2976, %mul3A_2978 : vector<256x17xi32>
    %add3A_2980 = arith.constant 27648 : i32
    %add3A_2981 = vector.broadcast %add3A_2980 : i32 to vector<256x17xi32>
    %add3A_2982 = arith.addi %add3A_2981, %mul3A_2979 : vector<256x17xi32>
    %add3A_2983 = arith.addi %add3A_2982, %convert_element_type3A_2969 : vector<256x17xi32>
    %and3A_2984 = arith.andi %and3A_2962, %ge3A_2840 : vector<256x17xi1>
    %mul3A_2985 = arith.mulf %sub3A_2859, %sub3A_2860 : vector<256x17xf32>
    %mul3A_2986 = arith.mulf %slice3A_2841, %mul3A_2985 : vector<256x17xf32>
    %jit3A_2987 = arith.constant 0.000000e+00 : f32
    %broadcast_in_dim3A_2988 = vector.broadcast %jit3A_2987 : f32 to vector<256x17xf32>
    %select_n3A_2989 = arith.select %and3A_2984, %mul3A_2986, %broadcast_in_dim3A_2988 : vector<256x17xi1>, vector<256x17xf32>
    %ge3A_2990 = arith.constant 0.000000e+00 : f32
    %ge3A_2991 = vector.broadcast %ge3A_2990 : f32 to vector<256x17xf32>
    %ge3A_2992 = arith.cmpf oge, %add3A_2852, %ge3A_2991 : vector<256x17xf32>
    %le3A_2993 = arith.constant 3.100000e+01 : f32
    %le3A_2994 = vector.broadcast %le3A_2993 : f32 to vector<256x17xf32>
    %le3A_2995 = arith.cmpf ole, %add3A_2852, %le3A_2994 : vector<256x17xf32>
    %and3A_2996 = arith.andi %ge3A_2992, %le3A_2995 : vector<256x17xi1>
    %ge3A_2997 = arith.constant 0.000000e+00 : f32
    %ge3A_2998 = vector.broadcast %ge3A_2997 : f32 to vector<256x17xf32>
    %ge3A_2999 = arith.cmpf oge, %add3A_2855, %ge3A_2998 : vector<256x17xf32>
    %and3A_3000 = arith.andi %and3A_2996, %ge3A_2999 : vector<256x17xi1>
    %le3A_3001 = arith.constant 3.100000e+01 : f32
    %le3A_3002 = vector.broadcast %le3A_3001 : f32 to vector<256x17xf32>
    %le3A_3003 = arith.cmpf ole, %add3A_2855, %le3A_3002 : vector<256x17xf32>
    %and3A_3004 = arith.andi %and3A_3000, %le3A_3003 : vector<256x17xi1>
    %jit3A_3005 = arith.constant 0.000000e+00 : f32
    %jit3A_3006 = arith.constant 3.100000e+01 : f32
    %max3A_3007 = vector.broadcast %jit3A_3005 : f32 to vector<256x17xf32>
    %max3A_3008 = arith.maximumf %max3A_3007, %add3A_2852 : vector<256x17xf32>
    %min3A_3009 = vector.broadcast %jit3A_3006 : f32 to vector<256x17xf32>
    %min3A_3010 = arith.minimumf %min3A_3009, %max3A_3008 : vector<256x17xf32>
    %convert_element_type3A_3011 = arith.fptosi %min3A_3010 : vector<256x17xf32> to vector<256x17xi32>
    %jit3A_3012 = arith.constant 0.000000e+00 : f32
    %jit3A_3013 = arith.constant 3.100000e+01 : f32
    %max3A_3014 = vector.broadcast %jit3A_3012 : f32 to vector<256x17xf32>
    %max3A_3015 = arith.maximumf %max3A_3014, %add3A_2855 : vector<256x17xf32>
    %min3A_3016 = vector.broadcast %jit3A_3013 : f32 to vector<256x17xf32>
    %min3A_3017 = arith.minimumf %min3A_3016, %max3A_3015 : vector<256x17xf32>
    %convert_element_type3A_3018 = arith.fptosi %min3A_3017 : vector<256x17xf32> to vector<256x17xi32>
    %mul3A_3019 = arith.constant 32 : i32
    %mul3A_3020 = vector.broadcast %mul3A_3019 : i32 to vector<256x17xi32>
    %mul3A_3021 = arith.muli %convert_element_type3A_3018, %mul3A_3020 : vector<256x17xi32>
    %add3A_3022 = arith.constant 27648 : i32
    %add3A_3023 = vector.broadcast %add3A_3022 : i32 to vector<256x17xi32>
    %add3A_3024 = arith.addi %add3A_3023, %mul3A_3021 : vector<256x17xi32>
    %add3A_3025 = arith.addi %add3A_3024, %convert_element_type3A_3011 : vector<256x17xi32>
    %and3A_3026 = arith.andi %and3A_3004, %ge3A_2840 : vector<256x17xi1>
    %mul3A_3027 = arith.mulf %sub3A_2856, %sub3A_2860 : vector<256x17xf32>
    %mul3A_3028 = arith.mulf %slice3A_2841, %mul3A_3027 : vector<256x17xf32>
    %jit3A_3029 = arith.constant 0.000000e+00 : f32
    %broadcast_in_dim3A_3030 = vector.broadcast %jit3A_3029 : f32 to vector<256x17xf32>
    %select_n3A_3031 = arith.select %and3A_3026, %mul3A_3028, %broadcast_in_dim3A_3030 : vector<256x17xi1>, vector<256x17xf32>
    %ge3A_3032 = arith.constant 0.000000e+00 : f32
    %ge3A_3033 = vector.broadcast %ge3A_3032 : f32 to vector<256x17xf32>
    %ge3A_3034 = arith.cmpf oge, %select_n3A_913, %ge3A_3033 : vector<256x17xf32>
    %slice3A_3035 = vector.extract_strided_slice %logistic3A_39 {offsets = [0, 170], sizes = [256, 17], strides = [1, 1]} : vector<256x306xf32> to vector<256x17xf32>
    %mul3A_3036 = arith.constant 3.100000e+01 : f32
    %mul3A_3037 = vector.broadcast %mul3A_3036 : f32 to vector<256x17xf32>
    %mul3A_3038 = arith.mulf %select_n3A_913, %mul3A_3037 : vector<256x17xf32>
    %mul3A_3039 = arith.constant 3.100000e+01 : f32
    %mul3A_3040 = vector.broadcast %mul3A_3039 : f32 to vector<256x17xf32>
    %mul3A_3041 = arith.mulf %select_n3A_916, %mul3A_3040 : vector<256x17xf32>
    %floor3A_3042 = math.floor %mul3A_3038 : vector<256x17xf32>
    %floor3A_3043 = math.floor %mul3A_3041 : vector<256x17xf32>
    %add3A_3044 = arith.constant 1.000000e+00 : f32
    %add3A_3045 = vector.broadcast %add3A_3044 : f32 to vector<256x17xf32>
    %add3A_3046 = arith.addf %floor3A_3042, %add3A_3045 : vector<256x17xf32>
    %add3A_3047 = arith.constant 1.000000e+00 : f32
    %add3A_3048 = vector.broadcast %add3A_3047 : f32 to vector<256x17xf32>
    %add3A_3049 = arith.addf %floor3A_3043, %add3A_3048 : vector<256x17xf32>
    %sub3A_3050 = arith.subf %mul3A_3038, %floor3A_3042 : vector<256x17xf32>
    %sub3A_3051 = arith.constant 1.000000e+00 : f32
    %sub3A_3052 = vector.broadcast %sub3A_3051 : f32 to vector<256x17xf32>
    %sub3A_3053 = arith.subf %sub3A_3052, %sub3A_3050 : vector<256x17xf32>
    %sub3A_3054 = arith.subf %mul3A_3041, %floor3A_3043 : vector<256x17xf32>
    %sub3A_3055 = arith.constant 1.000000e+00 : f32
    %sub3A_3056 = vector.broadcast %sub3A_3055 : f32 to vector<256x17xf32>
    %sub3A_3057 = arith.subf %sub3A_3056, %sub3A_3054 : vector<256x17xf32>
    %ge3A_3058 = arith.constant 0.000000e+00 : f32
    %ge3A_3059 = vector.broadcast %ge3A_3058 : f32 to vector<256x17xf32>
    %ge3A_3060 = arith.cmpf oge, %floor3A_3042, %ge3A_3059 : vector<256x17xf32>
    %le3A_3061 = arith.constant 3.100000e+01 : f32
    %le3A_3062 = vector.broadcast %le3A_3061 : f32 to vector<256x17xf32>
    %le3A_3063 = arith.cmpf ole, %floor3A_3042, %le3A_3062 : vector<256x17xf32>
    %and3A_3064 = arith.andi %ge3A_3060, %le3A_3063 : vector<256x17xi1>
    %ge3A_3065 = arith.constant 0.000000e+00 : f32
    %ge3A_3066 = vector.broadcast %ge3A_3065 : f32 to vector<256x17xf32>
    %ge3A_3067 = arith.cmpf oge, %floor3A_3043, %ge3A_3066 : vector<256x17xf32>
    %and3A_3068 = arith.andi %and3A_3064, %ge3A_3067 : vector<256x17xi1>
    %le3A_3069 = arith.constant 3.100000e+01 : f32
    %le3A_3070 = vector.broadcast %le3A_3069 : f32 to vector<256x17xf32>
    %le3A_3071 = arith.cmpf ole, %floor3A_3043, %le3A_3070 : vector<256x17xf32>
    %and3A_3072 = arith.andi %and3A_3068, %le3A_3071 : vector<256x17xi1>
    %jit3A_3073 = arith.constant 0.000000e+00 : f32
    %jit3A_3074 = arith.constant 3.100000e+01 : f32
    %max3A_3075 = vector.broadcast %jit3A_3073 : f32 to vector<256x17xf32>
    %max3A_3076 = arith.maximumf %max3A_3075, %floor3A_3042 : vector<256x17xf32>
    %min3A_3077 = vector.broadcast %jit3A_3074 : f32 to vector<256x17xf32>
    %min3A_3078 = arith.minimumf %min3A_3077, %max3A_3076 : vector<256x17xf32>
    %convert_element_type3A_3079 = arith.fptosi %min3A_3078 : vector<256x17xf32> to vector<256x17xi32>
    %jit3A_3080 = arith.constant 0.000000e+00 : f32
    %jit3A_3081 = arith.constant 3.100000e+01 : f32
    %max3A_3082 = vector.broadcast %jit3A_3080 : f32 to vector<256x17xf32>
    %max3A_3083 = arith.maximumf %max3A_3082, %floor3A_3043 : vector<256x17xf32>
    %min3A_3084 = vector.broadcast %jit3A_3081 : f32 to vector<256x17xf32>
    %min3A_3085 = arith.minimumf %min3A_3084, %max3A_3083 : vector<256x17xf32>
    %convert_element_type3A_3086 = arith.fptosi %min3A_3085 : vector<256x17xf32> to vector<256x17xi32>
    %mul3A_3087 = arith.constant 32 : i32
    %mul3A_3088 = vector.broadcast %mul3A_3087 : i32 to vector<256x17xi32>
    %mul3A_3089 = arith.muli %convert_element_type3A_3086, %mul3A_3088 : vector<256x17xi32>
    %add3A_3090 = arith.constant 28672 : i32
    %add3A_3091 = vector.broadcast %add3A_3090 : i32 to vector<256x17xi32>
    %add3A_3092 = arith.addi %add3A_3091, %mul3A_3089 : vector<256x17xi32>
    %add3A_3093 = arith.addi %add3A_3092, %convert_element_type3A_3079 : vector<256x17xi32>
    %and3A_3094 = arith.andi %and3A_3072, %ge3A_3034 : vector<256x17xi1>
    %mul3A_3095 = arith.mulf %sub3A_3053, %sub3A_3057 : vector<256x17xf32>
    %mul3A_3096 = arith.mulf %slice3A_3035, %mul3A_3095 : vector<256x17xf32>
    %jit3A_3097 = arith.constant 0.000000e+00 : f32
    %broadcast_in_dim3A_3098 = vector.broadcast %jit3A_3097 : f32 to vector<256x17xf32>
    %select_n3A_3099 = arith.select %and3A_3094, %mul3A_3096, %broadcast_in_dim3A_3098 : vector<256x17xi1>, vector<256x17xf32>
    %ge3A_3100 = arith.constant 0.000000e+00 : f32
    %ge3A_3101 = vector.broadcast %ge3A_3100 : f32 to vector<256x17xf32>
    %ge3A_3102 = arith.cmpf oge, %add3A_3046, %ge3A_3101 : vector<256x17xf32>
    %le3A_3103 = arith.constant 3.100000e+01 : f32
    %le3A_3104 = vector.broadcast %le3A_3103 : f32 to vector<256x17xf32>
    %le3A_3105 = arith.cmpf ole, %add3A_3046, %le3A_3104 : vector<256x17xf32>
    %and3A_3106 = arith.andi %ge3A_3102, %le3A_3105 : vector<256x17xi1>
    %ge3A_3107 = arith.constant 0.000000e+00 : f32
    %ge3A_3108 = vector.broadcast %ge3A_3107 : f32 to vector<256x17xf32>
    %ge3A_3109 = arith.cmpf oge, %floor3A_3043, %ge3A_3108 : vector<256x17xf32>
    %and3A_3110 = arith.andi %and3A_3106, %ge3A_3109 : vector<256x17xi1>
    %le3A_3111 = arith.constant 3.100000e+01 : f32
    %le3A_3112 = vector.broadcast %le3A_3111 : f32 to vector<256x17xf32>
    %le3A_3113 = arith.cmpf ole, %floor3A_3043, %le3A_3112 : vector<256x17xf32>
    %and3A_3114 = arith.andi %and3A_3110, %le3A_3113 : vector<256x17xi1>
    %jit3A_3115 = arith.constant 0.000000e+00 : f32
    %jit3A_3116 = arith.constant 3.100000e+01 : f32
    %max3A_3117 = vector.broadcast %jit3A_3115 : f32 to vector<256x17xf32>
    %max3A_3118 = arith.maximumf %max3A_3117, %add3A_3046 : vector<256x17xf32>
    %min3A_3119 = vector.broadcast %jit3A_3116 : f32 to vector<256x17xf32>
    %min3A_3120 = arith.minimumf %min3A_3119, %max3A_3118 : vector<256x17xf32>
    %convert_element_type3A_3121 = arith.fptosi %min3A_3120 : vector<256x17xf32> to vector<256x17xi32>
    %jit3A_3122 = arith.constant 0.000000e+00 : f32
    %jit3A_3123 = arith.constant 3.100000e+01 : f32
    %max3A_3124 = vector.broadcast %jit3A_3122 : f32 to vector<256x17xf32>
    %max3A_3125 = arith.maximumf %max3A_3124, %floor3A_3043 : vector<256x17xf32>
    %min3A_3126 = vector.broadcast %jit3A_3123 : f32 to vector<256x17xf32>
    %min3A_3127 = arith.minimumf %min3A_3126, %max3A_3125 : vector<256x17xf32>
    %convert_element_type3A_3128 = arith.fptosi %min3A_3127 : vector<256x17xf32> to vector<256x17xi32>
    %mul3A_3129 = arith.constant 32 : i32
    %mul3A_3130 = vector.broadcast %mul3A_3129 : i32 to vector<256x17xi32>
    %mul3A_3131 = arith.muli %convert_element_type3A_3128, %mul3A_3130 : vector<256x17xi32>
    %add3A_3132 = arith.constant 28672 : i32
    %add3A_3133 = vector.broadcast %add3A_3132 : i32 to vector<256x17xi32>
    %add3A_3134 = arith.addi %add3A_3133, %mul3A_3131 : vector<256x17xi32>
    %add3A_3135 = arith.addi %add3A_3134, %convert_element_type3A_3121 : vector<256x17xi32>
    %and3A_3136 = arith.andi %and3A_3114, %ge3A_3034 : vector<256x17xi1>
    %mul3A_3137 = arith.mulf %sub3A_3050, %sub3A_3057 : vector<256x17xf32>
    %mul3A_3138 = arith.mulf %slice3A_3035, %mul3A_3137 : vector<256x17xf32>
    %jit3A_3139 = arith.constant 0.000000e+00 : f32
    %broadcast_in_dim3A_3140 = vector.broadcast %jit3A_3139 : f32 to vector<256x17xf32>
    %select_n3A_3141 = arith.select %and3A_3136, %mul3A_3138, %broadcast_in_dim3A_3140 : vector<256x17xi1>, vector<256x17xf32>
    %ge3A_3142 = arith.constant 0.000000e+00 : f32
    %ge3A_3143 = vector.broadcast %ge3A_3142 : f32 to vector<256x17xf32>
    %ge3A_3144 = arith.cmpf oge, %floor3A_3042, %ge3A_3143 : vector<256x17xf32>
    %le3A_3145 = arith.constant 3.100000e+01 : f32
    %le3A_3146 = vector.broadcast %le3A_3145 : f32 to vector<256x17xf32>
    %le3A_3147 = arith.cmpf ole, %floor3A_3042, %le3A_3146 : vector<256x17xf32>
    %and3A_3148 = arith.andi %ge3A_3144, %le3A_3147 : vector<256x17xi1>
    %ge3A_3149 = arith.constant 0.000000e+00 : f32
    %ge3A_3150 = vector.broadcast %ge3A_3149 : f32 to vector<256x17xf32>
    %ge3A_3151 = arith.cmpf oge, %add3A_3049, %ge3A_3150 : vector<256x17xf32>
    %and3A_3152 = arith.andi %and3A_3148, %ge3A_3151 : vector<256x17xi1>
    %le3A_3153 = arith.constant 3.100000e+01 : f32
    %le3A_3154 = vector.broadcast %le3A_3153 : f32 to vector<256x17xf32>
    %le3A_3155 = arith.cmpf ole, %add3A_3049, %le3A_3154 : vector<256x17xf32>
    %and3A_3156 = arith.andi %and3A_3152, %le3A_3155 : vector<256x17xi1>
    %jit3A_3157 = arith.constant 0.000000e+00 : f32
    %jit3A_3158 = arith.constant 3.100000e+01 : f32
    %max3A_3159 = vector.broadcast %jit3A_3157 : f32 to vector<256x17xf32>
    %max3A_3160 = arith.maximumf %max3A_3159, %floor3A_3042 : vector<256x17xf32>
    %min3A_3161 = vector.broadcast %jit3A_3158 : f32 to vector<256x17xf32>
    %min3A_3162 = arith.minimumf %min3A_3161, %max3A_3160 : vector<256x17xf32>
    %convert_element_type3A_3163 = arith.fptosi %min3A_3162 : vector<256x17xf32> to vector<256x17xi32>
    %jit3A_3164 = arith.constant 0.000000e+00 : f32
    %jit3A_3165 = arith.constant 3.100000e+01 : f32
    %max3A_3166 = vector.broadcast %jit3A_3164 : f32 to vector<256x17xf32>
    %max3A_3167 = arith.maximumf %max3A_3166, %add3A_3049 : vector<256x17xf32>
    %min3A_3168 = vector.broadcast %jit3A_3165 : f32 to vector<256x17xf32>
    %min3A_3169 = arith.minimumf %min3A_3168, %max3A_3167 : vector<256x17xf32>
    %convert_element_type3A_3170 = arith.fptosi %min3A_3169 : vector<256x17xf32> to vector<256x17xi32>
    %mul3A_3171 = arith.constant 32 : i32
    %mul3A_3172 = vector.broadcast %mul3A_3171 : i32 to vector<256x17xi32>
    %mul3A_3173 = arith.muli %convert_element_type3A_3170, %mul3A_3172 : vector<256x17xi32>
    %add3A_3174 = arith.constant 28672 : i32
    %add3A_3175 = vector.broadcast %add3A_3174 : i32 to vector<256x17xi32>
    %add3A_3176 = arith.addi %add3A_3175, %mul3A_3173 : vector<256x17xi32>
    %add3A_3177 = arith.addi %add3A_3176, %convert_element_type3A_3163 : vector<256x17xi32>
    %and3A_3178 = arith.andi %and3A_3156, %ge3A_3034 : vector<256x17xi1>
    %mul3A_3179 = arith.mulf %sub3A_3053, %sub3A_3054 : vector<256x17xf32>
    %mul3A_3180 = arith.mulf %slice3A_3035, %mul3A_3179 : vector<256x17xf32>
    %jit3A_3181 = arith.constant 0.000000e+00 : f32
    %broadcast_in_dim3A_3182 = vector.broadcast %jit3A_3181 : f32 to vector<256x17xf32>
    %select_n3A_3183 = arith.select %and3A_3178, %mul3A_3180, %broadcast_in_dim3A_3182 : vector<256x17xi1>, vector<256x17xf32>
    %ge3A_3184 = arith.constant 0.000000e+00 : f32
    %ge3A_3185 = vector.broadcast %ge3A_3184 : f32 to vector<256x17xf32>
    %ge3A_3186 = arith.cmpf oge, %add3A_3046, %ge3A_3185 : vector<256x17xf32>
    %le3A_3187 = arith.constant 3.100000e+01 : f32
    %le3A_3188 = vector.broadcast %le3A_3187 : f32 to vector<256x17xf32>
    %le3A_3189 = arith.cmpf ole, %add3A_3046, %le3A_3188 : vector<256x17xf32>
    %and3A_3190 = arith.andi %ge3A_3186, %le3A_3189 : vector<256x17xi1>
    %ge3A_3191 = arith.constant 0.000000e+00 : f32
    %ge3A_3192 = vector.broadcast %ge3A_3191 : f32 to vector<256x17xf32>
    %ge3A_3193 = arith.cmpf oge, %add3A_3049, %ge3A_3192 : vector<256x17xf32>
    %and3A_3194 = arith.andi %and3A_3190, %ge3A_3193 : vector<256x17xi1>
    %le3A_3195 = arith.constant 3.100000e+01 : f32
    %le3A_3196 = vector.broadcast %le3A_3195 : f32 to vector<256x17xf32>
    %le3A_3197 = arith.cmpf ole, %add3A_3049, %le3A_3196 : vector<256x17xf32>
    %and3A_3198 = arith.andi %and3A_3194, %le3A_3197 : vector<256x17xi1>
    %jit3A_3199 = arith.constant 0.000000e+00 : f32
    %jit3A_3200 = arith.constant 3.100000e+01 : f32
    %max3A_3201 = vector.broadcast %jit3A_3199 : f32 to vector<256x17xf32>
    %max3A_3202 = arith.maximumf %max3A_3201, %add3A_3046 : vector<256x17xf32>
    %min3A_3203 = vector.broadcast %jit3A_3200 : f32 to vector<256x17xf32>
    %min3A_3204 = arith.minimumf %min3A_3203, %max3A_3202 : vector<256x17xf32>
    %convert_element_type3A_3205 = arith.fptosi %min3A_3204 : vector<256x17xf32> to vector<256x17xi32>
    %jit3A_3206 = arith.constant 0.000000e+00 : f32
    %jit3A_3207 = arith.constant 3.100000e+01 : f32
    %max3A_3208 = vector.broadcast %jit3A_3206 : f32 to vector<256x17xf32>
    %max3A_3209 = arith.maximumf %max3A_3208, %add3A_3049 : vector<256x17xf32>
    %min3A_3210 = vector.broadcast %jit3A_3207 : f32 to vector<256x17xf32>
    %min3A_3211 = arith.minimumf %min3A_3210, %max3A_3209 : vector<256x17xf32>
    %convert_element_type3A_3212 = arith.fptosi %min3A_3211 : vector<256x17xf32> to vector<256x17xi32>
    %mul3A_3213 = arith.constant 32 : i32
    %mul3A_3214 = vector.broadcast %mul3A_3213 : i32 to vector<256x17xi32>
    %mul3A_3215 = arith.muli %convert_element_type3A_3212, %mul3A_3214 : vector<256x17xi32>
    %add3A_3216 = arith.constant 28672 : i32
    %add3A_3217 = vector.broadcast %add3A_3216 : i32 to vector<256x17xi32>
    %add3A_3218 = arith.addi %add3A_3217, %mul3A_3215 : vector<256x17xi32>
    %add3A_3219 = arith.addi %add3A_3218, %convert_element_type3A_3205 : vector<256x17xi32>
    %and3A_3220 = arith.andi %and3A_3198, %ge3A_3034 : vector<256x17xi1>
    %mul3A_3221 = arith.mulf %sub3A_3050, %sub3A_3054 : vector<256x17xf32>
    %mul3A_3222 = arith.mulf %slice3A_3035, %mul3A_3221 : vector<256x17xf32>
    %jit3A_3223 = arith.constant 0.000000e+00 : f32
    %broadcast_in_dim3A_3224 = vector.broadcast %jit3A_3223 : f32 to vector<256x17xf32>
    %select_n3A_3225 = arith.select %and3A_3220, %mul3A_3222, %broadcast_in_dim3A_3224 : vector<256x17xi1>, vector<256x17xf32>
    %ge3A_3226 = arith.constant 0.000000e+00 : f32
    %ge3A_3227 = vector.broadcast %ge3A_3226 : f32 to vector<256x17xf32>
    %ge3A_3228 = arith.cmpf oge, %select_n3A_1081, %ge3A_3227 : vector<256x17xf32>
    %slice3A_3229 = vector.extract_strided_slice %logistic3A_39 {offsets = [0, 187], sizes = [256, 17], strides = [1, 1]} : vector<256x306xf32> to vector<256x17xf32>
    %mul3A_3230 = arith.constant 3.100000e+01 : f32
    %mul3A_3231 = vector.broadcast %mul3A_3230 : f32 to vector<256x17xf32>
    %mul3A_3232 = arith.mulf %select_n3A_1081, %mul3A_3231 : vector<256x17xf32>
    %mul3A_3233 = arith.constant 3.100000e+01 : f32
    %mul3A_3234 = vector.broadcast %mul3A_3233 : f32 to vector<256x17xf32>
    %mul3A_3235 = arith.mulf %select_n3A_1084, %mul3A_3234 : vector<256x17xf32>
    %floor3A_3236 = math.floor %mul3A_3232 : vector<256x17xf32>
    %floor3A_3237 = math.floor %mul3A_3235 : vector<256x17xf32>
    %add3A_3238 = arith.constant 1.000000e+00 : f32
    %add3A_3239 = vector.broadcast %add3A_3238 : f32 to vector<256x17xf32>
    %add3A_3240 = arith.addf %floor3A_3236, %add3A_3239 : vector<256x17xf32>
    %add3A_3241 = arith.constant 1.000000e+00 : f32
    %add3A_3242 = vector.broadcast %add3A_3241 : f32 to vector<256x17xf32>
    %add3A_3243 = arith.addf %floor3A_3237, %add3A_3242 : vector<256x17xf32>
    %sub3A_3244 = arith.subf %mul3A_3232, %floor3A_3236 : vector<256x17xf32>
    %sub3A_3245 = arith.constant 1.000000e+00 : f32
    %sub3A_3246 = vector.broadcast %sub3A_3245 : f32 to vector<256x17xf32>
    %sub3A_3247 = arith.subf %sub3A_3246, %sub3A_3244 : vector<256x17xf32>
    %sub3A_3248 = arith.subf %mul3A_3235, %floor3A_3237 : vector<256x17xf32>
    %sub3A_3249 = arith.constant 1.000000e+00 : f32
    %sub3A_3250 = vector.broadcast %sub3A_3249 : f32 to vector<256x17xf32>
    %sub3A_3251 = arith.subf %sub3A_3250, %sub3A_3248 : vector<256x17xf32>
    %ge3A_3252 = arith.constant 0.000000e+00 : f32
    %ge3A_3253 = vector.broadcast %ge3A_3252 : f32 to vector<256x17xf32>
    %ge3A_3254 = arith.cmpf oge, %floor3A_3236, %ge3A_3253 : vector<256x17xf32>
    %le3A_3255 = arith.constant 3.100000e+01 : f32
    %le3A_3256 = vector.broadcast %le3A_3255 : f32 to vector<256x17xf32>
    %le3A_3257 = arith.cmpf ole, %floor3A_3236, %le3A_3256 : vector<256x17xf32>
    %and3A_3258 = arith.andi %ge3A_3254, %le3A_3257 : vector<256x17xi1>
    %ge3A_3259 = arith.constant 0.000000e+00 : f32
    %ge3A_3260 = vector.broadcast %ge3A_3259 : f32 to vector<256x17xf32>
    %ge3A_3261 = arith.cmpf oge, %floor3A_3237, %ge3A_3260 : vector<256x17xf32>
    %and3A_3262 = arith.andi %and3A_3258, %ge3A_3261 : vector<256x17xi1>
    %le3A_3263 = arith.constant 3.100000e+01 : f32
    %le3A_3264 = vector.broadcast %le3A_3263 : f32 to vector<256x17xf32>
    %le3A_3265 = arith.cmpf ole, %floor3A_3237, %le3A_3264 : vector<256x17xf32>
    %and3A_3266 = arith.andi %and3A_3262, %le3A_3265 : vector<256x17xi1>
    %jit3A_3267 = arith.constant 0.000000e+00 : f32
    %jit3A_3268 = arith.constant 3.100000e+01 : f32
    %max3A_3269 = vector.broadcast %jit3A_3267 : f32 to vector<256x17xf32>
    %max3A_3270 = arith.maximumf %max3A_3269, %floor3A_3236 : vector<256x17xf32>
    %min3A_3271 = vector.broadcast %jit3A_3268 : f32 to vector<256x17xf32>
    %min3A_3272 = arith.minimumf %min3A_3271, %max3A_3270 : vector<256x17xf32>
    %convert_element_type3A_3273 = arith.fptosi %min3A_3272 : vector<256x17xf32> to vector<256x17xi32>
    %jit3A_3274 = arith.constant 0.000000e+00 : f32
    %jit3A_3275 = arith.constant 3.100000e+01 : f32
    %max3A_3276 = vector.broadcast %jit3A_3274 : f32 to vector<256x17xf32>
    %max3A_3277 = arith.maximumf %max3A_3276, %floor3A_3237 : vector<256x17xf32>
    %min3A_3278 = vector.broadcast %jit3A_3275 : f32 to vector<256x17xf32>
    %min3A_3279 = arith.minimumf %min3A_3278, %max3A_3277 : vector<256x17xf32>
    %convert_element_type3A_3280 = arith.fptosi %min3A_3279 : vector<256x17xf32> to vector<256x17xi32>
    %mul3A_3281 = arith.constant 32 : i32
    %mul3A_3282 = vector.broadcast %mul3A_3281 : i32 to vector<256x17xi32>
    %mul3A_3283 = arith.muli %convert_element_type3A_3280, %mul3A_3282 : vector<256x17xi32>
    %add3A_3284 = arith.constant 29696 : i32
    %add3A_3285 = vector.broadcast %add3A_3284 : i32 to vector<256x17xi32>
    %add3A_3286 = arith.addi %add3A_3285, %mul3A_3283 : vector<256x17xi32>
    %add3A_3287 = arith.addi %add3A_3286, %convert_element_type3A_3273 : vector<256x17xi32>
    %and3A_3288 = arith.andi %and3A_3266, %ge3A_3228 : vector<256x17xi1>
    %mul3A_3289 = arith.mulf %sub3A_3247, %sub3A_3251 : vector<256x17xf32>
    %mul3A_3290 = arith.mulf %slice3A_3229, %mul3A_3289 : vector<256x17xf32>
    %jit3A_3291 = arith.constant 0.000000e+00 : f32
    %broadcast_in_dim3A_3292 = vector.broadcast %jit3A_3291 : f32 to vector<256x17xf32>
    %select_n3A_3293 = arith.select %and3A_3288, %mul3A_3290, %broadcast_in_dim3A_3292 : vector<256x17xi1>, vector<256x17xf32>
    %ge3A_3294 = arith.constant 0.000000e+00 : f32
    %ge3A_3295 = vector.broadcast %ge3A_3294 : f32 to vector<256x17xf32>
    %ge3A_3296 = arith.cmpf oge, %add3A_3240, %ge3A_3295 : vector<256x17xf32>
    %le3A_3297 = arith.constant 3.100000e+01 : f32
    %le3A_3298 = vector.broadcast %le3A_3297 : f32 to vector<256x17xf32>
    %le3A_3299 = arith.cmpf ole, %add3A_3240, %le3A_3298 : vector<256x17xf32>
    %and3A_3300 = arith.andi %ge3A_3296, %le3A_3299 : vector<256x17xi1>
    %ge3A_3301 = arith.constant 0.000000e+00 : f32
    %ge3A_3302 = vector.broadcast %ge3A_3301 : f32 to vector<256x17xf32>
    %ge3A_3303 = arith.cmpf oge, %floor3A_3237, %ge3A_3302 : vector<256x17xf32>
    %and3A_3304 = arith.andi %and3A_3300, %ge3A_3303 : vector<256x17xi1>
    %le3A_3305 = arith.constant 3.100000e+01 : f32
    %le3A_3306 = vector.broadcast %le3A_3305 : f32 to vector<256x17xf32>
    %le3A_3307 = arith.cmpf ole, %floor3A_3237, %le3A_3306 : vector<256x17xf32>
    %and3A_3308 = arith.andi %and3A_3304, %le3A_3307 : vector<256x17xi1>
    %jit3A_3309 = arith.constant 0.000000e+00 : f32
    %jit3A_3310 = arith.constant 3.100000e+01 : f32
    %max3A_3311 = vector.broadcast %jit3A_3309 : f32 to vector<256x17xf32>
    %max3A_3312 = arith.maximumf %max3A_3311, %add3A_3240 : vector<256x17xf32>
    %min3A_3313 = vector.broadcast %jit3A_3310 : f32 to vector<256x17xf32>
    %min3A_3314 = arith.minimumf %min3A_3313, %max3A_3312 : vector<256x17xf32>
    %convert_element_type3A_3315 = arith.fptosi %min3A_3314 : vector<256x17xf32> to vector<256x17xi32>
    %jit3A_3316 = arith.constant 0.000000e+00 : f32
    %jit3A_3317 = arith.constant 3.100000e+01 : f32
    %max3A_3318 = vector.broadcast %jit3A_3316 : f32 to vector<256x17xf32>
    %max3A_3319 = arith.maximumf %max3A_3318, %floor3A_3237 : vector<256x17xf32>
    %min3A_3320 = vector.broadcast %jit3A_3317 : f32 to vector<256x17xf32>
    %min3A_3321 = arith.minimumf %min3A_3320, %max3A_3319 : vector<256x17xf32>
    %convert_element_type3A_3322 = arith.fptosi %min3A_3321 : vector<256x17xf32> to vector<256x17xi32>
    %mul3A_3323 = arith.constant 32 : i32
    %mul3A_3324 = vector.broadcast %mul3A_3323 : i32 to vector<256x17xi32>
    %mul3A_3325 = arith.muli %convert_element_type3A_3322, %mul3A_3324 : vector<256x17xi32>
    %add3A_3326 = arith.constant 29696 : i32
    %add3A_3327 = vector.broadcast %add3A_3326 : i32 to vector<256x17xi32>
    %add3A_3328 = arith.addi %add3A_3327, %mul3A_3325 : vector<256x17xi32>
    %add3A_3329 = arith.addi %add3A_3328, %convert_element_type3A_3315 : vector<256x17xi32>
    %and3A_3330 = arith.andi %and3A_3308, %ge3A_3228 : vector<256x17xi1>
    %mul3A_3331 = arith.mulf %sub3A_3244, %sub3A_3251 : vector<256x17xf32>
    %mul3A_3332 = arith.mulf %slice3A_3229, %mul3A_3331 : vector<256x17xf32>
    %jit3A_3333 = arith.constant 0.000000e+00 : f32
    %broadcast_in_dim3A_3334 = vector.broadcast %jit3A_3333 : f32 to vector<256x17xf32>
    %select_n3A_3335 = arith.select %and3A_3330, %mul3A_3332, %broadcast_in_dim3A_3334 : vector<256x17xi1>, vector<256x17xf32>
    %ge3A_3336 = arith.constant 0.000000e+00 : f32
    %ge3A_3337 = vector.broadcast %ge3A_3336 : f32 to vector<256x17xf32>
    %ge3A_3338 = arith.cmpf oge, %floor3A_3236, %ge3A_3337 : vector<256x17xf32>
    %le3A_3339 = arith.constant 3.100000e+01 : f32
    %le3A_3340 = vector.broadcast %le3A_3339 : f32 to vector<256x17xf32>
    %le3A_3341 = arith.cmpf ole, %floor3A_3236, %le3A_3340 : vector<256x17xf32>
    %and3A_3342 = arith.andi %ge3A_3338, %le3A_3341 : vector<256x17xi1>
    %ge3A_3343 = arith.constant 0.000000e+00 : f32
    %ge3A_3344 = vector.broadcast %ge3A_3343 : f32 to vector<256x17xf32>
    %ge3A_3345 = arith.cmpf oge, %add3A_3243, %ge3A_3344 : vector<256x17xf32>
    %and3A_3346 = arith.andi %and3A_3342, %ge3A_3345 : vector<256x17xi1>
    %le3A_3347 = arith.constant 3.100000e+01 : f32
    %le3A_3348 = vector.broadcast %le3A_3347 : f32 to vector<256x17xf32>
    %le3A_3349 = arith.cmpf ole, %add3A_3243, %le3A_3348 : vector<256x17xf32>
    %and3A_3350 = arith.andi %and3A_3346, %le3A_3349 : vector<256x17xi1>
    %jit3A_3351 = arith.constant 0.000000e+00 : f32
    %jit3A_3352 = arith.constant 3.100000e+01 : f32
    %max3A_3353 = vector.broadcast %jit3A_3351 : f32 to vector<256x17xf32>
    %max3A_3354 = arith.maximumf %max3A_3353, %floor3A_3236 : vector<256x17xf32>
    %min3A_3355 = vector.broadcast %jit3A_3352 : f32 to vector<256x17xf32>
    %min3A_3356 = arith.minimumf %min3A_3355, %max3A_3354 : vector<256x17xf32>
    %convert_element_type3A_3357 = arith.fptosi %min3A_3356 : vector<256x17xf32> to vector<256x17xi32>
    %jit3A_3358 = arith.constant 0.000000e+00 : f32
    %jit3A_3359 = arith.constant 3.100000e+01 : f32
    %max3A_3360 = vector.broadcast %jit3A_3358 : f32 to vector<256x17xf32>
    %max3A_3361 = arith.maximumf %max3A_3360, %add3A_3243 : vector<256x17xf32>
    %min3A_3362 = vector.broadcast %jit3A_3359 : f32 to vector<256x17xf32>
    %min3A_3363 = arith.minimumf %min3A_3362, %max3A_3361 : vector<256x17xf32>
    %convert_element_type3A_3364 = arith.fptosi %min3A_3363 : vector<256x17xf32> to vector<256x17xi32>
    %mul3A_3365 = arith.constant 32 : i32
    %mul3A_3366 = vector.broadcast %mul3A_3365 : i32 to vector<256x17xi32>
    %mul3A_3367 = arith.muli %convert_element_type3A_3364, %mul3A_3366 : vector<256x17xi32>
    %add3A_3368 = arith.constant 29696 : i32
    %add3A_3369 = vector.broadcast %add3A_3368 : i32 to vector<256x17xi32>
    %add3A_3370 = arith.addi %add3A_3369, %mul3A_3367 : vector<256x17xi32>
    %add3A_3371 = arith.addi %add3A_3370, %convert_element_type3A_3357 : vector<256x17xi32>
    %and3A_3372 = arith.andi %and3A_3350, %ge3A_3228 : vector<256x17xi1>
    %mul3A_3373 = arith.mulf %sub3A_3247, %sub3A_3248 : vector<256x17xf32>
    %mul3A_3374 = arith.mulf %slice3A_3229, %mul3A_3373 : vector<256x17xf32>
    %jit3A_3375 = arith.constant 0.000000e+00 : f32
    %broadcast_in_dim3A_3376 = vector.broadcast %jit3A_3375 : f32 to vector<256x17xf32>
    %select_n3A_3377 = arith.select %and3A_3372, %mul3A_3374, %broadcast_in_dim3A_3376 : vector<256x17xi1>, vector<256x17xf32>
    %ge3A_3378 = arith.constant 0.000000e+00 : f32
    %ge3A_3379 = vector.broadcast %ge3A_3378 : f32 to vector<256x17xf32>
    %ge3A_3380 = arith.cmpf oge, %add3A_3240, %ge3A_3379 : vector<256x17xf32>
    %le3A_3381 = arith.constant 3.100000e+01 : f32
    %le3A_3382 = vector.broadcast %le3A_3381 : f32 to vector<256x17xf32>
    %le3A_3383 = arith.cmpf ole, %add3A_3240, %le3A_3382 : vector<256x17xf32>
    %and3A_3384 = arith.andi %ge3A_3380, %le3A_3383 : vector<256x17xi1>
    %ge3A_3385 = arith.constant 0.000000e+00 : f32
    %ge3A_3386 = vector.broadcast %ge3A_3385 : f32 to vector<256x17xf32>
    %ge3A_3387 = arith.cmpf oge, %add3A_3243, %ge3A_3386 : vector<256x17xf32>
    %and3A_3388 = arith.andi %and3A_3384, %ge3A_3387 : vector<256x17xi1>
    %le3A_3389 = arith.constant 3.100000e+01 : f32
    %le3A_3390 = vector.broadcast %le3A_3389 : f32 to vector<256x17xf32>
    %le3A_3391 = arith.cmpf ole, %add3A_3243, %le3A_3390 : vector<256x17xf32>
    %and3A_3392 = arith.andi %and3A_3388, %le3A_3391 : vector<256x17xi1>
    %jit3A_3393 = arith.constant 0.000000e+00 : f32
    %jit3A_3394 = arith.constant 3.100000e+01 : f32
    %max3A_3395 = vector.broadcast %jit3A_3393 : f32 to vector<256x17xf32>
    %max3A_3396 = arith.maximumf %max3A_3395, %add3A_3240 : vector<256x17xf32>
    %min3A_3397 = vector.broadcast %jit3A_3394 : f32 to vector<256x17xf32>
    %min3A_3398 = arith.minimumf %min3A_3397, %max3A_3396 : vector<256x17xf32>
    %convert_element_type3A_3399 = arith.fptosi %min3A_3398 : vector<256x17xf32> to vector<256x17xi32>
    %jit3A_3400 = arith.constant 0.000000e+00 : f32
    %jit3A_3401 = arith.constant 3.100000e+01 : f32
    %max3A_3402 = vector.broadcast %jit3A_3400 : f32 to vector<256x17xf32>
    %max3A_3403 = arith.maximumf %max3A_3402, %add3A_3243 : vector<256x17xf32>
    %min3A_3404 = vector.broadcast %jit3A_3401 : f32 to vector<256x17xf32>
    %min3A_3405 = arith.minimumf %min3A_3404, %max3A_3403 : vector<256x17xf32>
    %convert_element_type3A_3406 = arith.fptosi %min3A_3405 : vector<256x17xf32> to vector<256x17xi32>
    %mul3A_3407 = arith.constant 32 : i32
    %mul3A_3408 = vector.broadcast %mul3A_3407 : i32 to vector<256x17xi32>
    %mul3A_3409 = arith.muli %convert_element_type3A_3406, %mul3A_3408 : vector<256x17xi32>
    %add3A_3410 = arith.constant 29696 : i32
    %add3A_3411 = vector.broadcast %add3A_3410 : i32 to vector<256x17xi32>
    %add3A_3412 = arith.addi %add3A_3411, %mul3A_3409 : vector<256x17xi32>
    %add3A_3413 = arith.addi %add3A_3412, %convert_element_type3A_3399 : vector<256x17xi32>
    %and3A_3414 = arith.andi %and3A_3392, %ge3A_3228 : vector<256x17xi1>
    %mul3A_3415 = arith.mulf %sub3A_3244, %sub3A_3248 : vector<256x17xf32>
    %mul3A_3416 = arith.mulf %slice3A_3229, %mul3A_3415 : vector<256x17xf32>
    %jit3A_3417 = arith.constant 0.000000e+00 : f32
    %broadcast_in_dim3A_3418 = vector.broadcast %jit3A_3417 : f32 to vector<256x17xf32>
    %select_n3A_3419 = arith.select %and3A_3414, %mul3A_3416, %broadcast_in_dim3A_3418 : vector<256x17xi1>, vector<256x17xf32>
    %ge3A_3420 = arith.constant 0.000000e+00 : f32
    %ge3A_3421 = vector.broadcast %ge3A_3420 : f32 to vector<256x17xf32>
    %ge3A_3422 = arith.cmpf oge, %select_n3A_242, %ge3A_3421 : vector<256x17xf32>
    %slice3A_3423 = vector.extract_strided_slice %logistic3A_39 {offsets = [0, 204], sizes = [256, 17], strides = [1, 1]} : vector<256x306xf32> to vector<256x17xf32>
    %mul3A_3424 = arith.constant 1.500000e+01 : f32
    %mul3A_3425 = vector.broadcast %mul3A_3424 : f32 to vector<256x17xf32>
    %mul3A_3426 = arith.mulf %select_n3A_242, %mul3A_3425 : vector<256x17xf32>
    %mul3A_3427 = arith.constant 1.500000e+01 : f32
    %mul3A_3428 = vector.broadcast %mul3A_3427 : f32 to vector<256x17xf32>
    %mul3A_3429 = arith.mulf %select_n3A_245, %mul3A_3428 : vector<256x17xf32>
    %floor3A_3430 = math.floor %mul3A_3426 : vector<256x17xf32>
    %floor3A_3431 = math.floor %mul3A_3429 : vector<256x17xf32>
    %add3A_3432 = arith.constant 1.000000e+00 : f32
    %add3A_3433 = vector.broadcast %add3A_3432 : f32 to vector<256x17xf32>
    %add3A_3434 = arith.addf %floor3A_3430, %add3A_3433 : vector<256x17xf32>
    %add3A_3435 = arith.constant 1.000000e+00 : f32
    %add3A_3436 = vector.broadcast %add3A_3435 : f32 to vector<256x17xf32>
    %add3A_3437 = arith.addf %floor3A_3431, %add3A_3436 : vector<256x17xf32>
    %sub3A_3438 = arith.subf %mul3A_3426, %floor3A_3430 : vector<256x17xf32>
    %sub3A_3439 = arith.constant 1.000000e+00 : f32
    %sub3A_3440 = vector.broadcast %sub3A_3439 : f32 to vector<256x17xf32>
    %sub3A_3441 = arith.subf %sub3A_3440, %sub3A_3438 : vector<256x17xf32>
    %sub3A_3442 = arith.subf %mul3A_3429, %floor3A_3431 : vector<256x17xf32>
    %sub3A_3443 = arith.constant 1.000000e+00 : f32
    %sub3A_3444 = vector.broadcast %sub3A_3443 : f32 to vector<256x17xf32>
    %sub3A_3445 = arith.subf %sub3A_3444, %sub3A_3442 : vector<256x17xf32>
    %ge3A_3446 = arith.constant 0.000000e+00 : f32
    %ge3A_3447 = vector.broadcast %ge3A_3446 : f32 to vector<256x17xf32>
    %ge3A_3448 = arith.cmpf oge, %floor3A_3430, %ge3A_3447 : vector<256x17xf32>
    %le3A_3449 = arith.constant 1.500000e+01 : f32
    %le3A_3450 = vector.broadcast %le3A_3449 : f32 to vector<256x17xf32>
    %le3A_3451 = arith.cmpf ole, %floor3A_3430, %le3A_3450 : vector<256x17xf32>
    %and3A_3452 = arith.andi %ge3A_3448, %le3A_3451 : vector<256x17xi1>
    %ge3A_3453 = arith.constant 0.000000e+00 : f32
    %ge3A_3454 = vector.broadcast %ge3A_3453 : f32 to vector<256x17xf32>
    %ge3A_3455 = arith.cmpf oge, %floor3A_3431, %ge3A_3454 : vector<256x17xf32>
    %and3A_3456 = arith.andi %and3A_3452, %ge3A_3455 : vector<256x17xi1>
    %le3A_3457 = arith.constant 1.500000e+01 : f32
    %le3A_3458 = vector.broadcast %le3A_3457 : f32 to vector<256x17xf32>
    %le3A_3459 = arith.cmpf ole, %floor3A_3431, %le3A_3458 : vector<256x17xf32>
    %and3A_3460 = arith.andi %and3A_3456, %le3A_3459 : vector<256x17xi1>
    %jit3A_3461 = arith.constant 0.000000e+00 : f32
    %jit3A_3462 = arith.constant 1.500000e+01 : f32
    %max3A_3463 = vector.broadcast %jit3A_3461 : f32 to vector<256x17xf32>
    %max3A_3464 = arith.maximumf %max3A_3463, %floor3A_3430 : vector<256x17xf32>
    %min3A_3465 = vector.broadcast %jit3A_3462 : f32 to vector<256x17xf32>
    %min3A_3466 = arith.minimumf %min3A_3465, %max3A_3464 : vector<256x17xf32>
    %convert_element_type3A_3467 = arith.fptosi %min3A_3466 : vector<256x17xf32> to vector<256x17xi32>
    %jit3A_3468 = arith.constant 0.000000e+00 : f32
    %jit3A_3469 = arith.constant 1.500000e+01 : f32
    %max3A_3470 = vector.broadcast %jit3A_3468 : f32 to vector<256x17xf32>
    %max3A_3471 = arith.maximumf %max3A_3470, %floor3A_3431 : vector<256x17xf32>
    %min3A_3472 = vector.broadcast %jit3A_3469 : f32 to vector<256x17xf32>
    %min3A_3473 = arith.minimumf %min3A_3472, %max3A_3471 : vector<256x17xf32>
    %convert_element_type3A_3474 = arith.fptosi %min3A_3473 : vector<256x17xf32> to vector<256x17xi32>
    %mul3A_3475 = arith.constant 16 : i32
    %mul3A_3476 = vector.broadcast %mul3A_3475 : i32 to vector<256x17xi32>
    %mul3A_3477 = arith.muli %convert_element_type3A_3474, %mul3A_3476 : vector<256x17xi32>
    %add3A_3478 = arith.constant 30720 : i32
    %add3A_3479 = vector.broadcast %add3A_3478 : i32 to vector<256x17xi32>
    %add3A_3480 = arith.addi %add3A_3479, %mul3A_3477 : vector<256x17xi32>
    %add3A_3481 = arith.addi %add3A_3480, %convert_element_type3A_3467 : vector<256x17xi32>
    %and3A_3482 = arith.andi %and3A_3460, %ge3A_3422 : vector<256x17xi1>
    %mul3A_3483 = arith.mulf %sub3A_3441, %sub3A_3445 : vector<256x17xf32>
    %mul3A_3484 = arith.mulf %slice3A_3423, %mul3A_3483 : vector<256x17xf32>
    %jit3A_3485 = arith.constant 0.000000e+00 : f32
    %broadcast_in_dim3A_3486 = vector.broadcast %jit3A_3485 : f32 to vector<256x17xf32>
    %select_n3A_3487 = arith.select %and3A_3482, %mul3A_3484, %broadcast_in_dim3A_3486 : vector<256x17xi1>, vector<256x17xf32>
    %ge3A_3488 = arith.constant 0.000000e+00 : f32
    %ge3A_3489 = vector.broadcast %ge3A_3488 : f32 to vector<256x17xf32>
    %ge3A_3490 = arith.cmpf oge, %add3A_3434, %ge3A_3489 : vector<256x17xf32>
    %le3A_3491 = arith.constant 1.500000e+01 : f32
    %le3A_3492 = vector.broadcast %le3A_3491 : f32 to vector<256x17xf32>
    %le3A_3493 = arith.cmpf ole, %add3A_3434, %le3A_3492 : vector<256x17xf32>
    %and3A_3494 = arith.andi %ge3A_3490, %le3A_3493 : vector<256x17xi1>
    %ge3A_3495 = arith.constant 0.000000e+00 : f32
    %ge3A_3496 = vector.broadcast %ge3A_3495 : f32 to vector<256x17xf32>
    %ge3A_3497 = arith.cmpf oge, %floor3A_3431, %ge3A_3496 : vector<256x17xf32>
    %and3A_3498 = arith.andi %and3A_3494, %ge3A_3497 : vector<256x17xi1>
    %le3A_3499 = arith.constant 1.500000e+01 : f32
    %le3A_3500 = vector.broadcast %le3A_3499 : f32 to vector<256x17xf32>
    %le3A_3501 = arith.cmpf ole, %floor3A_3431, %le3A_3500 : vector<256x17xf32>
    %and3A_3502 = arith.andi %and3A_3498, %le3A_3501 : vector<256x17xi1>
    %jit3A_3503 = arith.constant 0.000000e+00 : f32
    %jit3A_3504 = arith.constant 1.500000e+01 : f32
    %max3A_3505 = vector.broadcast %jit3A_3503 : f32 to vector<256x17xf32>
    %max3A_3506 = arith.maximumf %max3A_3505, %add3A_3434 : vector<256x17xf32>
    %min3A_3507 = vector.broadcast %jit3A_3504 : f32 to vector<256x17xf32>
    %min3A_3508 = arith.minimumf %min3A_3507, %max3A_3506 : vector<256x17xf32>
    %convert_element_type3A_3509 = arith.fptosi %min3A_3508 : vector<256x17xf32> to vector<256x17xi32>
    %jit3A_3510 = arith.constant 0.000000e+00 : f32
    %jit3A_3511 = arith.constant 1.500000e+01 : f32
    %max3A_3512 = vector.broadcast %jit3A_3510 : f32 to vector<256x17xf32>
    %max3A_3513 = arith.maximumf %max3A_3512, %floor3A_3431 : vector<256x17xf32>
    %min3A_3514 = vector.broadcast %jit3A_3511 : f32 to vector<256x17xf32>
    %min3A_3515 = arith.minimumf %min3A_3514, %max3A_3513 : vector<256x17xf32>
    %convert_element_type3A_3516 = arith.fptosi %min3A_3515 : vector<256x17xf32> to vector<256x17xi32>
    %mul3A_3517 = arith.constant 16 : i32
    %mul3A_3518 = vector.broadcast %mul3A_3517 : i32 to vector<256x17xi32>
    %mul3A_3519 = arith.muli %convert_element_type3A_3516, %mul3A_3518 : vector<256x17xi32>
    %add3A_3520 = arith.constant 30720 : i32
    %add3A_3521 = vector.broadcast %add3A_3520 : i32 to vector<256x17xi32>
    %add3A_3522 = arith.addi %add3A_3521, %mul3A_3519 : vector<256x17xi32>
    %add3A_3523 = arith.addi %add3A_3522, %convert_element_type3A_3509 : vector<256x17xi32>
    %and3A_3524 = arith.andi %and3A_3502, %ge3A_3422 : vector<256x17xi1>
    %mul3A_3525 = arith.mulf %sub3A_3438, %sub3A_3445 : vector<256x17xf32>
    %mul3A_3526 = arith.mulf %slice3A_3423, %mul3A_3525 : vector<256x17xf32>
    %jit3A_3527 = arith.constant 0.000000e+00 : f32
    %broadcast_in_dim3A_3528 = vector.broadcast %jit3A_3527 : f32 to vector<256x17xf32>
    %select_n3A_3529 = arith.select %and3A_3524, %mul3A_3526, %broadcast_in_dim3A_3528 : vector<256x17xi1>, vector<256x17xf32>
    %ge3A_3530 = arith.constant 0.000000e+00 : f32
    %ge3A_3531 = vector.broadcast %ge3A_3530 : f32 to vector<256x17xf32>
    %ge3A_3532 = arith.cmpf oge, %floor3A_3430, %ge3A_3531 : vector<256x17xf32>
    %le3A_3533 = arith.constant 1.500000e+01 : f32
    %le3A_3534 = vector.broadcast %le3A_3533 : f32 to vector<256x17xf32>
    %le3A_3535 = arith.cmpf ole, %floor3A_3430, %le3A_3534 : vector<256x17xf32>
    %and3A_3536 = arith.andi %ge3A_3532, %le3A_3535 : vector<256x17xi1>
    %ge3A_3537 = arith.constant 0.000000e+00 : f32
    %ge3A_3538 = vector.broadcast %ge3A_3537 : f32 to vector<256x17xf32>
    %ge3A_3539 = arith.cmpf oge, %add3A_3437, %ge3A_3538 : vector<256x17xf32>
    %and3A_3540 = arith.andi %and3A_3536, %ge3A_3539 : vector<256x17xi1>
    %le3A_3541 = arith.constant 1.500000e+01 : f32
    %le3A_3542 = vector.broadcast %le3A_3541 : f32 to vector<256x17xf32>
    %le3A_3543 = arith.cmpf ole, %add3A_3437, %le3A_3542 : vector<256x17xf32>
    %and3A_3544 = arith.andi %and3A_3540, %le3A_3543 : vector<256x17xi1>
    %jit3A_3545 = arith.constant 0.000000e+00 : f32
    %jit3A_3546 = arith.constant 1.500000e+01 : f32
    %max3A_3547 = vector.broadcast %jit3A_3545 : f32 to vector<256x17xf32>
    %max3A_3548 = arith.maximumf %max3A_3547, %floor3A_3430 : vector<256x17xf32>
    %min3A_3549 = vector.broadcast %jit3A_3546 : f32 to vector<256x17xf32>
    %min3A_3550 = arith.minimumf %min3A_3549, %max3A_3548 : vector<256x17xf32>
    %convert_element_type3A_3551 = arith.fptosi %min3A_3550 : vector<256x17xf32> to vector<256x17xi32>
    %jit3A_3552 = arith.constant 0.000000e+00 : f32
    %jit3A_3553 = arith.constant 1.500000e+01 : f32
    %max3A_3554 = vector.broadcast %jit3A_3552 : f32 to vector<256x17xf32>
    %max3A_3555 = arith.maximumf %max3A_3554, %add3A_3437 : vector<256x17xf32>
    %min3A_3556 = vector.broadcast %jit3A_3553 : f32 to vector<256x17xf32>
    %min3A_3557 = arith.minimumf %min3A_3556, %max3A_3555 : vector<256x17xf32>
    %convert_element_type3A_3558 = arith.fptosi %min3A_3557 : vector<256x17xf32> to vector<256x17xi32>
    %mul3A_3559 = arith.constant 16 : i32
    %mul3A_3560 = vector.broadcast %mul3A_3559 : i32 to vector<256x17xi32>
    %mul3A_3561 = arith.muli %convert_element_type3A_3558, %mul3A_3560 : vector<256x17xi32>
    %add3A_3562 = arith.constant 30720 : i32
    %add3A_3563 = vector.broadcast %add3A_3562 : i32 to vector<256x17xi32>
    %add3A_3564 = arith.addi %add3A_3563, %mul3A_3561 : vector<256x17xi32>
    %add3A_3565 = arith.addi %add3A_3564, %convert_element_type3A_3551 : vector<256x17xi32>
    %and3A_3566 = arith.andi %and3A_3544, %ge3A_3422 : vector<256x17xi1>
    %mul3A_3567 = arith.mulf %sub3A_3441, %sub3A_3442 : vector<256x17xf32>
    %mul3A_3568 = arith.mulf %slice3A_3423, %mul3A_3567 : vector<256x17xf32>
    %jit3A_3569 = arith.constant 0.000000e+00 : f32
    %broadcast_in_dim3A_3570 = vector.broadcast %jit3A_3569 : f32 to vector<256x17xf32>
    %select_n3A_3571 = arith.select %and3A_3566, %mul3A_3568, %broadcast_in_dim3A_3570 : vector<256x17xi1>, vector<256x17xf32>
    %ge3A_3572 = arith.constant 0.000000e+00 : f32
    %ge3A_3573 = vector.broadcast %ge3A_3572 : f32 to vector<256x17xf32>
    %ge3A_3574 = arith.cmpf oge, %add3A_3434, %ge3A_3573 : vector<256x17xf32>
    %le3A_3575 = arith.constant 1.500000e+01 : f32
    %le3A_3576 = vector.broadcast %le3A_3575 : f32 to vector<256x17xf32>
    %le3A_3577 = arith.cmpf ole, %add3A_3434, %le3A_3576 : vector<256x17xf32>
    %and3A_3578 = arith.andi %ge3A_3574, %le3A_3577 : vector<256x17xi1>
    %ge3A_3579 = arith.constant 0.000000e+00 : f32
    %ge3A_3580 = vector.broadcast %ge3A_3579 : f32 to vector<256x17xf32>
    %ge3A_3581 = arith.cmpf oge, %add3A_3437, %ge3A_3580 : vector<256x17xf32>
    %and3A_3582 = arith.andi %and3A_3578, %ge3A_3581 : vector<256x17xi1>
    %le3A_3583 = arith.constant 1.500000e+01 : f32
    %le3A_3584 = vector.broadcast %le3A_3583 : f32 to vector<256x17xf32>
    %le3A_3585 = arith.cmpf ole, %add3A_3437, %le3A_3584 : vector<256x17xf32>
    %and3A_3586 = arith.andi %and3A_3582, %le3A_3585 : vector<256x17xi1>
    %jit3A_3587 = arith.constant 0.000000e+00 : f32
    %jit3A_3588 = arith.constant 1.500000e+01 : f32
    %max3A_3589 = vector.broadcast %jit3A_3587 : f32 to vector<256x17xf32>
    %max3A_3590 = arith.maximumf %max3A_3589, %add3A_3434 : vector<256x17xf32>
    %min3A_3591 = vector.broadcast %jit3A_3588 : f32 to vector<256x17xf32>
    %min3A_3592 = arith.minimumf %min3A_3591, %max3A_3590 : vector<256x17xf32>
    %convert_element_type3A_3593 = arith.fptosi %min3A_3592 : vector<256x17xf32> to vector<256x17xi32>
    %jit3A_3594 = arith.constant 0.000000e+00 : f32
    %jit3A_3595 = arith.constant 1.500000e+01 : f32
    %max3A_3596 = vector.broadcast %jit3A_3594 : f32 to vector<256x17xf32>
    %max3A_3597 = arith.maximumf %max3A_3596, %add3A_3437 : vector<256x17xf32>
    %min3A_3598 = vector.broadcast %jit3A_3595 : f32 to vector<256x17xf32>
    %min3A_3599 = arith.minimumf %min3A_3598, %max3A_3597 : vector<256x17xf32>
    %convert_element_type3A_3600 = arith.fptosi %min3A_3599 : vector<256x17xf32> to vector<256x17xi32>
    %mul3A_3601 = arith.constant 16 : i32
    %mul3A_3602 = vector.broadcast %mul3A_3601 : i32 to vector<256x17xi32>
    %mul3A_3603 = arith.muli %convert_element_type3A_3600, %mul3A_3602 : vector<256x17xi32>
    %add3A_3604 = arith.constant 30720 : i32
    %add3A_3605 = vector.broadcast %add3A_3604 : i32 to vector<256x17xi32>
    %add3A_3606 = arith.addi %add3A_3605, %mul3A_3603 : vector<256x17xi32>
    %add3A_3607 = arith.addi %add3A_3606, %convert_element_type3A_3593 : vector<256x17xi32>
    %and3A_3608 = arith.andi %and3A_3586, %ge3A_3422 : vector<256x17xi1>
    %mul3A_3609 = arith.mulf %sub3A_3438, %sub3A_3442 : vector<256x17xf32>
    %mul3A_3610 = arith.mulf %slice3A_3423, %mul3A_3609 : vector<256x17xf32>
    %jit3A_3611 = arith.constant 0.000000e+00 : f32
    %broadcast_in_dim3A_3612 = vector.broadcast %jit3A_3611 : f32 to vector<256x17xf32>
    %select_n3A_3613 = arith.select %and3A_3608, %mul3A_3610, %broadcast_in_dim3A_3612 : vector<256x17xi1>, vector<256x17xf32>
    %ge3A_3614 = arith.constant 0.000000e+00 : f32
    %ge3A_3615 = vector.broadcast %ge3A_3614 : f32 to vector<256x17xf32>
    %ge3A_3616 = arith.cmpf oge, %select_n3A_409, %ge3A_3615 : vector<256x17xf32>
    %slice3A_3617 = vector.extract_strided_slice %logistic3A_39 {offsets = [0, 221], sizes = [256, 17], strides = [1, 1]} : vector<256x306xf32> to vector<256x17xf32>
    %mul3A_3618 = arith.constant 1.500000e+01 : f32
    %mul3A_3619 = vector.broadcast %mul3A_3618 : f32 to vector<256x17xf32>
    %mul3A_3620 = arith.mulf %select_n3A_409, %mul3A_3619 : vector<256x17xf32>
    %mul3A_3621 = arith.constant 1.500000e+01 : f32
    %mul3A_3622 = vector.broadcast %mul3A_3621 : f32 to vector<256x17xf32>
    %mul3A_3623 = arith.mulf %select_n3A_412, %mul3A_3622 : vector<256x17xf32>
    %floor3A_3624 = math.floor %mul3A_3620 : vector<256x17xf32>
    %floor3A_3625 = math.floor %mul3A_3623 : vector<256x17xf32>
    %add3A_3626 = arith.constant 1.000000e+00 : f32
    %add3A_3627 = vector.broadcast %add3A_3626 : f32 to vector<256x17xf32>
    %add3A_3628 = arith.addf %floor3A_3624, %add3A_3627 : vector<256x17xf32>
    %add3A_3629 = arith.constant 1.000000e+00 : f32
    %add3A_3630 = vector.broadcast %add3A_3629 : f32 to vector<256x17xf32>
    %add3A_3631 = arith.addf %floor3A_3625, %add3A_3630 : vector<256x17xf32>
    %sub3A_3632 = arith.subf %mul3A_3620, %floor3A_3624 : vector<256x17xf32>
    %sub3A_3633 = arith.constant 1.000000e+00 : f32
    %sub3A_3634 = vector.broadcast %sub3A_3633 : f32 to vector<256x17xf32>
    %sub3A_3635 = arith.subf %sub3A_3634, %sub3A_3632 : vector<256x17xf32>
    %sub3A_3636 = arith.subf %mul3A_3623, %floor3A_3625 : vector<256x17xf32>
    %sub3A_3637 = arith.constant 1.000000e+00 : f32
    %sub3A_3638 = vector.broadcast %sub3A_3637 : f32 to vector<256x17xf32>
    %sub3A_3639 = arith.subf %sub3A_3638, %sub3A_3636 : vector<256x17xf32>
    %ge3A_3640 = arith.constant 0.000000e+00 : f32
    %ge3A_3641 = vector.broadcast %ge3A_3640 : f32 to vector<256x17xf32>
    %ge3A_3642 = arith.cmpf oge, %floor3A_3624, %ge3A_3641 : vector<256x17xf32>
    %le3A_3643 = arith.constant 1.500000e+01 : f32
    %le3A_3644 = vector.broadcast %le3A_3643 : f32 to vector<256x17xf32>
    %le3A_3645 = arith.cmpf ole, %floor3A_3624, %le3A_3644 : vector<256x17xf32>
    %and3A_3646 = arith.andi %ge3A_3642, %le3A_3645 : vector<256x17xi1>
    %ge3A_3647 = arith.constant 0.000000e+00 : f32
    %ge3A_3648 = vector.broadcast %ge3A_3647 : f32 to vector<256x17xf32>
    %ge3A_3649 = arith.cmpf oge, %floor3A_3625, %ge3A_3648 : vector<256x17xf32>
    %and3A_3650 = arith.andi %and3A_3646, %ge3A_3649 : vector<256x17xi1>
    %le3A_3651 = arith.constant 1.500000e+01 : f32
    %le3A_3652 = vector.broadcast %le3A_3651 : f32 to vector<256x17xf32>
    %le3A_3653 = arith.cmpf ole, %floor3A_3625, %le3A_3652 : vector<256x17xf32>
    %and3A_3654 = arith.andi %and3A_3650, %le3A_3653 : vector<256x17xi1>
    %jit3A_3655 = arith.constant 0.000000e+00 : f32
    %jit3A_3656 = arith.constant 1.500000e+01 : f32
    %max3A_3657 = vector.broadcast %jit3A_3655 : f32 to vector<256x17xf32>
    %max3A_3658 = arith.maximumf %max3A_3657, %floor3A_3624 : vector<256x17xf32>
    %min3A_3659 = vector.broadcast %jit3A_3656 : f32 to vector<256x17xf32>
    %min3A_3660 = arith.minimumf %min3A_3659, %max3A_3658 : vector<256x17xf32>
    %convert_element_type3A_3661 = arith.fptosi %min3A_3660 : vector<256x17xf32> to vector<256x17xi32>
    %jit3A_3662 = arith.constant 0.000000e+00 : f32
    %jit3A_3663 = arith.constant 1.500000e+01 : f32
    %max3A_3664 = vector.broadcast %jit3A_3662 : f32 to vector<256x17xf32>
    %max3A_3665 = arith.maximumf %max3A_3664, %floor3A_3625 : vector<256x17xf32>
    %min3A_3666 = vector.broadcast %jit3A_3663 : f32 to vector<256x17xf32>
    %min3A_3667 = arith.minimumf %min3A_3666, %max3A_3665 : vector<256x17xf32>
    %convert_element_type3A_3668 = arith.fptosi %min3A_3667 : vector<256x17xf32> to vector<256x17xi32>
    %mul3A_3669 = arith.constant 16 : i32
    %mul3A_3670 = vector.broadcast %mul3A_3669 : i32 to vector<256x17xi32>
    %mul3A_3671 = arith.muli %convert_element_type3A_3668, %mul3A_3670 : vector<256x17xi32>
    %add3A_3672 = arith.constant 30976 : i32
    %add3A_3673 = vector.broadcast %add3A_3672 : i32 to vector<256x17xi32>
    %add3A_3674 = arith.addi %add3A_3673, %mul3A_3671 : vector<256x17xi32>
    %add3A_3675 = arith.addi %add3A_3674, %convert_element_type3A_3661 : vector<256x17xi32>
    %and3A_3676 = arith.andi %and3A_3654, %ge3A_3616 : vector<256x17xi1>
    %mul3A_3677 = arith.mulf %sub3A_3635, %sub3A_3639 : vector<256x17xf32>
    %mul3A_3678 = arith.mulf %slice3A_3617, %mul3A_3677 : vector<256x17xf32>
    %jit3A_3679 = arith.constant 0.000000e+00 : f32
    %broadcast_in_dim3A_3680 = vector.broadcast %jit3A_3679 : f32 to vector<256x17xf32>
    %select_n3A_3681 = arith.select %and3A_3676, %mul3A_3678, %broadcast_in_dim3A_3680 : vector<256x17xi1>, vector<256x17xf32>
    %ge3A_3682 = arith.constant 0.000000e+00 : f32
    %ge3A_3683 = vector.broadcast %ge3A_3682 : f32 to vector<256x17xf32>
    %ge3A_3684 = arith.cmpf oge, %add3A_3628, %ge3A_3683 : vector<256x17xf32>
    %le3A_3685 = arith.constant 1.500000e+01 : f32
    %le3A_3686 = vector.broadcast %le3A_3685 : f32 to vector<256x17xf32>
    %le3A_3687 = arith.cmpf ole, %add3A_3628, %le3A_3686 : vector<256x17xf32>
    %and3A_3688 = arith.andi %ge3A_3684, %le3A_3687 : vector<256x17xi1>
    %ge3A_3689 = arith.constant 0.000000e+00 : f32
    %ge3A_3690 = vector.broadcast %ge3A_3689 : f32 to vector<256x17xf32>
    %ge3A_3691 = arith.cmpf oge, %floor3A_3625, %ge3A_3690 : vector<256x17xf32>
    %and3A_3692 = arith.andi %and3A_3688, %ge3A_3691 : vector<256x17xi1>
    %le3A_3693 = arith.constant 1.500000e+01 : f32
    %le3A_3694 = vector.broadcast %le3A_3693 : f32 to vector<256x17xf32>
    %le3A_3695 = arith.cmpf ole, %floor3A_3625, %le3A_3694 : vector<256x17xf32>
    %and3A_3696 = arith.andi %and3A_3692, %le3A_3695 : vector<256x17xi1>
    %jit3A_3697 = arith.constant 0.000000e+00 : f32
    %jit3A_3698 = arith.constant 1.500000e+01 : f32
    %max3A_3699 = vector.broadcast %jit3A_3697 : f32 to vector<256x17xf32>
    %max3A_3700 = arith.maximumf %max3A_3699, %add3A_3628 : vector<256x17xf32>
    %min3A_3701 = vector.broadcast %jit3A_3698 : f32 to vector<256x17xf32>
    %min3A_3702 = arith.minimumf %min3A_3701, %max3A_3700 : vector<256x17xf32>
    %convert_element_type3A_3703 = arith.fptosi %min3A_3702 : vector<256x17xf32> to vector<256x17xi32>
    %jit3A_3704 = arith.constant 0.000000e+00 : f32
    %jit3A_3705 = arith.constant 1.500000e+01 : f32
    %max3A_3706 = vector.broadcast %jit3A_3704 : f32 to vector<256x17xf32>
    %max3A_3707 = arith.maximumf %max3A_3706, %floor3A_3625 : vector<256x17xf32>
    %min3A_3708 = vector.broadcast %jit3A_3705 : f32 to vector<256x17xf32>
    %min3A_3709 = arith.minimumf %min3A_3708, %max3A_3707 : vector<256x17xf32>
    %convert_element_type3A_3710 = arith.fptosi %min3A_3709 : vector<256x17xf32> to vector<256x17xi32>
    %mul3A_3711 = arith.constant 16 : i32
    %mul3A_3712 = vector.broadcast %mul3A_3711 : i32 to vector<256x17xi32>
    %mul3A_3713 = arith.muli %convert_element_type3A_3710, %mul3A_3712 : vector<256x17xi32>
    %add3A_3714 = arith.constant 30976 : i32
    %add3A_3715 = vector.broadcast %add3A_3714 : i32 to vector<256x17xi32>
    %add3A_3716 = arith.addi %add3A_3715, %mul3A_3713 : vector<256x17xi32>
    %add3A_3717 = arith.addi %add3A_3716, %convert_element_type3A_3703 : vector<256x17xi32>
    %and3A_3718 = arith.andi %and3A_3696, %ge3A_3616 : vector<256x17xi1>
    %mul3A_3719 = arith.mulf %sub3A_3632, %sub3A_3639 : vector<256x17xf32>
    %mul3A_3720 = arith.mulf %slice3A_3617, %mul3A_3719 : vector<256x17xf32>
    %jit3A_3721 = arith.constant 0.000000e+00 : f32
    %broadcast_in_dim3A_3722 = vector.broadcast %jit3A_3721 : f32 to vector<256x17xf32>
    %select_n3A_3723 = arith.select %and3A_3718, %mul3A_3720, %broadcast_in_dim3A_3722 : vector<256x17xi1>, vector<256x17xf32>
    %ge3A_3724 = arith.constant 0.000000e+00 : f32
    %ge3A_3725 = vector.broadcast %ge3A_3724 : f32 to vector<256x17xf32>
    %ge3A_3726 = arith.cmpf oge, %floor3A_3624, %ge3A_3725 : vector<256x17xf32>
    %le3A_3727 = arith.constant 1.500000e+01 : f32
    %le3A_3728 = vector.broadcast %le3A_3727 : f32 to vector<256x17xf32>
    %le3A_3729 = arith.cmpf ole, %floor3A_3624, %le3A_3728 : vector<256x17xf32>
    %and3A_3730 = arith.andi %ge3A_3726, %le3A_3729 : vector<256x17xi1>
    %ge3A_3731 = arith.constant 0.000000e+00 : f32
    %ge3A_3732 = vector.broadcast %ge3A_3731 : f32 to vector<256x17xf32>
    %ge3A_3733 = arith.cmpf oge, %add3A_3631, %ge3A_3732 : vector<256x17xf32>
    %and3A_3734 = arith.andi %and3A_3730, %ge3A_3733 : vector<256x17xi1>
    %le3A_3735 = arith.constant 1.500000e+01 : f32
    %le3A_3736 = vector.broadcast %le3A_3735 : f32 to vector<256x17xf32>
    %le3A_3737 = arith.cmpf ole, %add3A_3631, %le3A_3736 : vector<256x17xf32>
    %and3A_3738 = arith.andi %and3A_3734, %le3A_3737 : vector<256x17xi1>
    %jit3A_3739 = arith.constant 0.000000e+00 : f32
    %jit3A_3740 = arith.constant 1.500000e+01 : f32
    %max3A_3741 = vector.broadcast %jit3A_3739 : f32 to vector<256x17xf32>
    %max3A_3742 = arith.maximumf %max3A_3741, %floor3A_3624 : vector<256x17xf32>
    %min3A_3743 = vector.broadcast %jit3A_3740 : f32 to vector<256x17xf32>
    %min3A_3744 = arith.minimumf %min3A_3743, %max3A_3742 : vector<256x17xf32>
    %convert_element_type3A_3745 = arith.fptosi %min3A_3744 : vector<256x17xf32> to vector<256x17xi32>
    %jit3A_3746 = arith.constant 0.000000e+00 : f32
    %jit3A_3747 = arith.constant 1.500000e+01 : f32
    %max3A_3748 = vector.broadcast %jit3A_3746 : f32 to vector<256x17xf32>
    %max3A_3749 = arith.maximumf %max3A_3748, %add3A_3631 : vector<256x17xf32>
    %min3A_3750 = vector.broadcast %jit3A_3747 : f32 to vector<256x17xf32>
    %min3A_3751 = arith.minimumf %min3A_3750, %max3A_3749 : vector<256x17xf32>
    %convert_element_type3A_3752 = arith.fptosi %min3A_3751 : vector<256x17xf32> to vector<256x17xi32>
    %mul3A_3753 = arith.constant 16 : i32
    %mul3A_3754 = vector.broadcast %mul3A_3753 : i32 to vector<256x17xi32>
    %mul3A_3755 = arith.muli %convert_element_type3A_3752, %mul3A_3754 : vector<256x17xi32>
    %add3A_3756 = arith.constant 30976 : i32
    %add3A_3757 = vector.broadcast %add3A_3756 : i32 to vector<256x17xi32>
    %add3A_3758 = arith.addi %add3A_3757, %mul3A_3755 : vector<256x17xi32>
    %add3A_3759 = arith.addi %add3A_3758, %convert_element_type3A_3745 : vector<256x17xi32>
    %and3A_3760 = arith.andi %and3A_3738, %ge3A_3616 : vector<256x17xi1>
    %mul3A_3761 = arith.mulf %sub3A_3635, %sub3A_3636 : vector<256x17xf32>
    %mul3A_3762 = arith.mulf %slice3A_3617, %mul3A_3761 : vector<256x17xf32>
    %jit3A_3763 = arith.constant 0.000000e+00 : f32
    %broadcast_in_dim3A_3764 = vector.broadcast %jit3A_3763 : f32 to vector<256x17xf32>
    %select_n3A_3765 = arith.select %and3A_3760, %mul3A_3762, %broadcast_in_dim3A_3764 : vector<256x17xi1>, vector<256x17xf32>
    %ge3A_3766 = arith.constant 0.000000e+00 : f32
    %ge3A_3767 = vector.broadcast %ge3A_3766 : f32 to vector<256x17xf32>
    %ge3A_3768 = arith.cmpf oge, %add3A_3628, %ge3A_3767 : vector<256x17xf32>
    %le3A_3769 = arith.constant 1.500000e+01 : f32
    %le3A_3770 = vector.broadcast %le3A_3769 : f32 to vector<256x17xf32>
    %le3A_3771 = arith.cmpf ole, %add3A_3628, %le3A_3770 : vector<256x17xf32>
    %and3A_3772 = arith.andi %ge3A_3768, %le3A_3771 : vector<256x17xi1>
    %ge3A_3773 = arith.constant 0.000000e+00 : f32
    %ge3A_3774 = vector.broadcast %ge3A_3773 : f32 to vector<256x17xf32>
    %ge3A_3775 = arith.cmpf oge, %add3A_3631, %ge3A_3774 : vector<256x17xf32>
    %and3A_3776 = arith.andi %and3A_3772, %ge3A_3775 : vector<256x17xi1>
    %le3A_3777 = arith.constant 1.500000e+01 : f32
    %le3A_3778 = vector.broadcast %le3A_3777 : f32 to vector<256x17xf32>
    %le3A_3779 = arith.cmpf ole, %add3A_3631, %le3A_3778 : vector<256x17xf32>
    %and3A_3780 = arith.andi %and3A_3776, %le3A_3779 : vector<256x17xi1>
    %jit3A_3781 = arith.constant 0.000000e+00 : f32
    %jit3A_3782 = arith.constant 1.500000e+01 : f32
    %max3A_3783 = vector.broadcast %jit3A_3781 : f32 to vector<256x17xf32>
    %max3A_3784 = arith.maximumf %max3A_3783, %add3A_3628 : vector<256x17xf32>
    %min3A_3785 = vector.broadcast %jit3A_3782 : f32 to vector<256x17xf32>
    %min3A_3786 = arith.minimumf %min3A_3785, %max3A_3784 : vector<256x17xf32>
    %convert_element_type3A_3787 = arith.fptosi %min3A_3786 : vector<256x17xf32> to vector<256x17xi32>
    %jit3A_3788 = arith.constant 0.000000e+00 : f32
    %jit3A_3789 = arith.constant 1.500000e+01 : f32
    %max3A_3790 = vector.broadcast %jit3A_3788 : f32 to vector<256x17xf32>
    %max3A_3791 = arith.maximumf %max3A_3790, %add3A_3631 : vector<256x17xf32>
    %min3A_3792 = vector.broadcast %jit3A_3789 : f32 to vector<256x17xf32>
    %min3A_3793 = arith.minimumf %min3A_3792, %max3A_3791 : vector<256x17xf32>
    %convert_element_type3A_3794 = arith.fptosi %min3A_3793 : vector<256x17xf32> to vector<256x17xi32>
    %mul3A_3795 = arith.constant 16 : i32
    %mul3A_3796 = vector.broadcast %mul3A_3795 : i32 to vector<256x17xi32>
    %mul3A_3797 = arith.muli %convert_element_type3A_3794, %mul3A_3796 : vector<256x17xi32>
    %add3A_3798 = arith.constant 30976 : i32
    %add3A_3799 = vector.broadcast %add3A_3798 : i32 to vector<256x17xi32>
    %add3A_3800 = arith.addi %add3A_3799, %mul3A_3797 : vector<256x17xi32>
    %add3A_3801 = arith.addi %add3A_3800, %convert_element_type3A_3787 : vector<256x17xi32>
    %and3A_3802 = arith.andi %and3A_3780, %ge3A_3616 : vector<256x17xi1>
    %mul3A_3803 = arith.mulf %sub3A_3632, %sub3A_3636 : vector<256x17xf32>
    %mul3A_3804 = arith.mulf %slice3A_3617, %mul3A_3803 : vector<256x17xf32>
    %jit3A_3805 = arith.constant 0.000000e+00 : f32
    %broadcast_in_dim3A_3806 = vector.broadcast %jit3A_3805 : f32 to vector<256x17xf32>
    %select_n3A_3807 = arith.select %and3A_3802, %mul3A_3804, %broadcast_in_dim3A_3806 : vector<256x17xi1>, vector<256x17xf32>
    %ge3A_3808 = arith.constant 0.000000e+00 : f32
    %ge3A_3809 = vector.broadcast %ge3A_3808 : f32 to vector<256x17xf32>
    %ge3A_3810 = arith.cmpf oge, %select_n3A_577, %ge3A_3809 : vector<256x17xf32>
    %slice3A_3811 = vector.extract_strided_slice %logistic3A_39 {offsets = [0, 238], sizes = [256, 17], strides = [1, 1]} : vector<256x306xf32> to vector<256x17xf32>
    %mul3A_3812 = arith.constant 1.500000e+01 : f32
    %mul3A_3813 = vector.broadcast %mul3A_3812 : f32 to vector<256x17xf32>
    %mul3A_3814 = arith.mulf %select_n3A_577, %mul3A_3813 : vector<256x17xf32>
    %mul3A_3815 = arith.constant 1.500000e+01 : f32
    %mul3A_3816 = vector.broadcast %mul3A_3815 : f32 to vector<256x17xf32>
    %mul3A_3817 = arith.mulf %select_n3A_580, %mul3A_3816 : vector<256x17xf32>
    %floor3A_3818 = math.floor %mul3A_3814 : vector<256x17xf32>
    %floor3A_3819 = math.floor %mul3A_3817 : vector<256x17xf32>
    %add3A_3820 = arith.constant 1.000000e+00 : f32
    %add3A_3821 = vector.broadcast %add3A_3820 : f32 to vector<256x17xf32>
    %add3A_3822 = arith.addf %floor3A_3818, %add3A_3821 : vector<256x17xf32>
    %add3A_3823 = arith.constant 1.000000e+00 : f32
    %add3A_3824 = vector.broadcast %add3A_3823 : f32 to vector<256x17xf32>
    %add3A_3825 = arith.addf %floor3A_3819, %add3A_3824 : vector<256x17xf32>
    %sub3A_3826 = arith.subf %mul3A_3814, %floor3A_3818 : vector<256x17xf32>
    %sub3A_3827 = arith.constant 1.000000e+00 : f32
    %sub3A_3828 = vector.broadcast %sub3A_3827 : f32 to vector<256x17xf32>
    %sub3A_3829 = arith.subf %sub3A_3828, %sub3A_3826 : vector<256x17xf32>
    %sub3A_3830 = arith.subf %mul3A_3817, %floor3A_3819 : vector<256x17xf32>
    %sub3A_3831 = arith.constant 1.000000e+00 : f32
    %sub3A_3832 = vector.broadcast %sub3A_3831 : f32 to vector<256x17xf32>
    %sub3A_3833 = arith.subf %sub3A_3832, %sub3A_3830 : vector<256x17xf32>
    %ge3A_3834 = arith.constant 0.000000e+00 : f32
    %ge3A_3835 = vector.broadcast %ge3A_3834 : f32 to vector<256x17xf32>
    %ge3A_3836 = arith.cmpf oge, %floor3A_3818, %ge3A_3835 : vector<256x17xf32>
    %le3A_3837 = arith.constant 1.500000e+01 : f32
    %le3A_3838 = vector.broadcast %le3A_3837 : f32 to vector<256x17xf32>
    %le3A_3839 = arith.cmpf ole, %floor3A_3818, %le3A_3838 : vector<256x17xf32>
    %and3A_3840 = arith.andi %ge3A_3836, %le3A_3839 : vector<256x17xi1>
    %ge3A_3841 = arith.constant 0.000000e+00 : f32
    %ge3A_3842 = vector.broadcast %ge3A_3841 : f32 to vector<256x17xf32>
    %ge3A_3843 = arith.cmpf oge, %floor3A_3819, %ge3A_3842 : vector<256x17xf32>
    %and3A_3844 = arith.andi %and3A_3840, %ge3A_3843 : vector<256x17xi1>
    %le3A_3845 = arith.constant 1.500000e+01 : f32
    %le3A_3846 = vector.broadcast %le3A_3845 : f32 to vector<256x17xf32>
    %le3A_3847 = arith.cmpf ole, %floor3A_3819, %le3A_3846 : vector<256x17xf32>
    %and3A_3848 = arith.andi %and3A_3844, %le3A_3847 : vector<256x17xi1>
    %jit3A_3849 = arith.constant 0.000000e+00 : f32
    %jit3A_3850 = arith.constant 1.500000e+01 : f32
    %max3A_3851 = vector.broadcast %jit3A_3849 : f32 to vector<256x17xf32>
    %max3A_3852 = arith.maximumf %max3A_3851, %floor3A_3818 : vector<256x17xf32>
    %min3A_3853 = vector.broadcast %jit3A_3850 : f32 to vector<256x17xf32>
    %min3A_3854 = arith.minimumf %min3A_3853, %max3A_3852 : vector<256x17xf32>
    %convert_element_type3A_3855 = arith.fptosi %min3A_3854 : vector<256x17xf32> to vector<256x17xi32>
    %jit3A_3856 = arith.constant 0.000000e+00 : f32
    %jit3A_3857 = arith.constant 1.500000e+01 : f32
    %max3A_3858 = vector.broadcast %jit3A_3856 : f32 to vector<256x17xf32>
    %max3A_3859 = arith.maximumf %max3A_3858, %floor3A_3819 : vector<256x17xf32>
    %min3A_3860 = vector.broadcast %jit3A_3857 : f32 to vector<256x17xf32>
    %min3A_3861 = arith.minimumf %min3A_3860, %max3A_3859 : vector<256x17xf32>
    %convert_element_type3A_3862 = arith.fptosi %min3A_3861 : vector<256x17xf32> to vector<256x17xi32>
    %mul3A_3863 = arith.constant 16 : i32
    %mul3A_3864 = vector.broadcast %mul3A_3863 : i32 to vector<256x17xi32>
    %mul3A_3865 = arith.muli %convert_element_type3A_3862, %mul3A_3864 : vector<256x17xi32>
    %add3A_3866 = arith.constant 31232 : i32
    %add3A_3867 = vector.broadcast %add3A_3866 : i32 to vector<256x17xi32>
    %add3A_3868 = arith.addi %add3A_3867, %mul3A_3865 : vector<256x17xi32>
    %add3A_3869 = arith.addi %add3A_3868, %convert_element_type3A_3855 : vector<256x17xi32>
    %and3A_3870 = arith.andi %and3A_3848, %ge3A_3810 : vector<256x17xi1>
    %mul3A_3871 = arith.mulf %sub3A_3829, %sub3A_3833 : vector<256x17xf32>
    %mul3A_3872 = arith.mulf %slice3A_3811, %mul3A_3871 : vector<256x17xf32>
    %jit3A_3873 = arith.constant 0.000000e+00 : f32
    %broadcast_in_dim3A_3874 = vector.broadcast %jit3A_3873 : f32 to vector<256x17xf32>
    %select_n3A_3875 = arith.select %and3A_3870, %mul3A_3872, %broadcast_in_dim3A_3874 : vector<256x17xi1>, vector<256x17xf32>
    %ge3A_3876 = arith.constant 0.000000e+00 : f32
    %ge3A_3877 = vector.broadcast %ge3A_3876 : f32 to vector<256x17xf32>
    %ge3A_3878 = arith.cmpf oge, %add3A_3822, %ge3A_3877 : vector<256x17xf32>
    %le3A_3879 = arith.constant 1.500000e+01 : f32
    %le3A_3880 = vector.broadcast %le3A_3879 : f32 to vector<256x17xf32>
    %le3A_3881 = arith.cmpf ole, %add3A_3822, %le3A_3880 : vector<256x17xf32>
    %and3A_3882 = arith.andi %ge3A_3878, %le3A_3881 : vector<256x17xi1>
    %ge3A_3883 = arith.constant 0.000000e+00 : f32
    %ge3A_3884 = vector.broadcast %ge3A_3883 : f32 to vector<256x17xf32>
    %ge3A_3885 = arith.cmpf oge, %floor3A_3819, %ge3A_3884 : vector<256x17xf32>
    %and3A_3886 = arith.andi %and3A_3882, %ge3A_3885 : vector<256x17xi1>
    %le3A_3887 = arith.constant 1.500000e+01 : f32
    %le3A_3888 = vector.broadcast %le3A_3887 : f32 to vector<256x17xf32>
    %le3A_3889 = arith.cmpf ole, %floor3A_3819, %le3A_3888 : vector<256x17xf32>
    %and3A_3890 = arith.andi %and3A_3886, %le3A_3889 : vector<256x17xi1>
    %jit3A_3891 = arith.constant 0.000000e+00 : f32
    %jit3A_3892 = arith.constant 1.500000e+01 : f32
    %max3A_3893 = vector.broadcast %jit3A_3891 : f32 to vector<256x17xf32>
    %max3A_3894 = arith.maximumf %max3A_3893, %add3A_3822 : vector<256x17xf32>
    %min3A_3895 = vector.broadcast %jit3A_3892 : f32 to vector<256x17xf32>
    %min3A_3896 = arith.minimumf %min3A_3895, %max3A_3894 : vector<256x17xf32>
    %convert_element_type3A_3897 = arith.fptosi %min3A_3896 : vector<256x17xf32> to vector<256x17xi32>
    %jit3A_3898 = arith.constant 0.000000e+00 : f32
    %jit3A_3899 = arith.constant 1.500000e+01 : f32
    %max3A_3900 = vector.broadcast %jit3A_3898 : f32 to vector<256x17xf32>
    %max3A_3901 = arith.maximumf %max3A_3900, %floor3A_3819 : vector<256x17xf32>
    %min3A_3902 = vector.broadcast %jit3A_3899 : f32 to vector<256x17xf32>
    %min3A_3903 = arith.minimumf %min3A_3902, %max3A_3901 : vector<256x17xf32>
    %convert_element_type3A_3904 = arith.fptosi %min3A_3903 : vector<256x17xf32> to vector<256x17xi32>
    %mul3A_3905 = arith.constant 16 : i32
    %mul3A_3906 = vector.broadcast %mul3A_3905 : i32 to vector<256x17xi32>
    %mul3A_3907 = arith.muli %convert_element_type3A_3904, %mul3A_3906 : vector<256x17xi32>
    %add3A_3908 = arith.constant 31232 : i32
    %add3A_3909 = vector.broadcast %add3A_3908 : i32 to vector<256x17xi32>
    %add3A_3910 = arith.addi %add3A_3909, %mul3A_3907 : vector<256x17xi32>
    %add3A_3911 = arith.addi %add3A_3910, %convert_element_type3A_3897 : vector<256x17xi32>
    %and3A_3912 = arith.andi %and3A_3890, %ge3A_3810 : vector<256x17xi1>
    %mul3A_3913 = arith.mulf %sub3A_3826, %sub3A_3833 : vector<256x17xf32>
    %mul3A_3914 = arith.mulf %slice3A_3811, %mul3A_3913 : vector<256x17xf32>
    %jit3A_3915 = arith.constant 0.000000e+00 : f32
    %broadcast_in_dim3A_3916 = vector.broadcast %jit3A_3915 : f32 to vector<256x17xf32>
    %select_n3A_3917 = arith.select %and3A_3912, %mul3A_3914, %broadcast_in_dim3A_3916 : vector<256x17xi1>, vector<256x17xf32>
    %ge3A_3918 = arith.constant 0.000000e+00 : f32
    %ge3A_3919 = vector.broadcast %ge3A_3918 : f32 to vector<256x17xf32>
    %ge3A_3920 = arith.cmpf oge, %floor3A_3818, %ge3A_3919 : vector<256x17xf32>
    %le3A_3921 = arith.constant 1.500000e+01 : f32
    %le3A_3922 = vector.broadcast %le3A_3921 : f32 to vector<256x17xf32>
    %le3A_3923 = arith.cmpf ole, %floor3A_3818, %le3A_3922 : vector<256x17xf32>
    %and3A_3924 = arith.andi %ge3A_3920, %le3A_3923 : vector<256x17xi1>
    %ge3A_3925 = arith.constant 0.000000e+00 : f32
    %ge3A_3926 = vector.broadcast %ge3A_3925 : f32 to vector<256x17xf32>
    %ge3A_3927 = arith.cmpf oge, %add3A_3825, %ge3A_3926 : vector<256x17xf32>
    %and3A_3928 = arith.andi %and3A_3924, %ge3A_3927 : vector<256x17xi1>
    %le3A_3929 = arith.constant 1.500000e+01 : f32
    %le3A_3930 = vector.broadcast %le3A_3929 : f32 to vector<256x17xf32>
    %le3A_3931 = arith.cmpf ole, %add3A_3825, %le3A_3930 : vector<256x17xf32>
    %and3A_3932 = arith.andi %and3A_3928, %le3A_3931 : vector<256x17xi1>
    %jit3A_3933 = arith.constant 0.000000e+00 : f32
    %jit3A_3934 = arith.constant 1.500000e+01 : f32
    %max3A_3935 = vector.broadcast %jit3A_3933 : f32 to vector<256x17xf32>
    %max3A_3936 = arith.maximumf %max3A_3935, %floor3A_3818 : vector<256x17xf32>
    %min3A_3937 = vector.broadcast %jit3A_3934 : f32 to vector<256x17xf32>
    %min3A_3938 = arith.minimumf %min3A_3937, %max3A_3936 : vector<256x17xf32>
    %convert_element_type3A_3939 = arith.fptosi %min3A_3938 : vector<256x17xf32> to vector<256x17xi32>
    %jit3A_3940 = arith.constant 0.000000e+00 : f32
    %jit3A_3941 = arith.constant 1.500000e+01 : f32
    %max3A_3942 = vector.broadcast %jit3A_3940 : f32 to vector<256x17xf32>
    %max3A_3943 = arith.maximumf %max3A_3942, %add3A_3825 : vector<256x17xf32>
    %min3A_3944 = vector.broadcast %jit3A_3941 : f32 to vector<256x17xf32>
    %min3A_3945 = arith.minimumf %min3A_3944, %max3A_3943 : vector<256x17xf32>
    %convert_element_type3A_3946 = arith.fptosi %min3A_3945 : vector<256x17xf32> to vector<256x17xi32>
    %mul3A_3947 = arith.constant 16 : i32
    %mul3A_3948 = vector.broadcast %mul3A_3947 : i32 to vector<256x17xi32>
    %mul3A_3949 = arith.muli %convert_element_type3A_3946, %mul3A_3948 : vector<256x17xi32>
    %add3A_3950 = arith.constant 31232 : i32
    %add3A_3951 = vector.broadcast %add3A_3950 : i32 to vector<256x17xi32>
    %add3A_3952 = arith.addi %add3A_3951, %mul3A_3949 : vector<256x17xi32>
    %add3A_3953 = arith.addi %add3A_3952, %convert_element_type3A_3939 : vector<256x17xi32>
    %and3A_3954 = arith.andi %and3A_3932, %ge3A_3810 : vector<256x17xi1>
    %mul3A_3955 = arith.mulf %sub3A_3829, %sub3A_3830 : vector<256x17xf32>
    %mul3A_3956 = arith.mulf %slice3A_3811, %mul3A_3955 : vector<256x17xf32>
    %jit3A_3957 = arith.constant 0.000000e+00 : f32
    %broadcast_in_dim3A_3958 = vector.broadcast %jit3A_3957 : f32 to vector<256x17xf32>
    %select_n3A_3959 = arith.select %and3A_3954, %mul3A_3956, %broadcast_in_dim3A_3958 : vector<256x17xi1>, vector<256x17xf32>
    %ge3A_3960 = arith.constant 0.000000e+00 : f32
    %ge3A_3961 = vector.broadcast %ge3A_3960 : f32 to vector<256x17xf32>
    %ge3A_3962 = arith.cmpf oge, %add3A_3822, %ge3A_3961 : vector<256x17xf32>
    %le3A_3963 = arith.constant 1.500000e+01 : f32
    %le3A_3964 = vector.broadcast %le3A_3963 : f32 to vector<256x17xf32>
    %le3A_3965 = arith.cmpf ole, %add3A_3822, %le3A_3964 : vector<256x17xf32>
    %and3A_3966 = arith.andi %ge3A_3962, %le3A_3965 : vector<256x17xi1>
    %ge3A_3967 = arith.constant 0.000000e+00 : f32
    %ge3A_3968 = vector.broadcast %ge3A_3967 : f32 to vector<256x17xf32>
    %ge3A_3969 = arith.cmpf oge, %add3A_3825, %ge3A_3968 : vector<256x17xf32>
    %and3A_3970 = arith.andi %and3A_3966, %ge3A_3969 : vector<256x17xi1>
    %le3A_3971 = arith.constant 1.500000e+01 : f32
    %le3A_3972 = vector.broadcast %le3A_3971 : f32 to vector<256x17xf32>
    %le3A_3973 = arith.cmpf ole, %add3A_3825, %le3A_3972 : vector<256x17xf32>
    %and3A_3974 = arith.andi %and3A_3970, %le3A_3973 : vector<256x17xi1>
    %jit3A_3975 = arith.constant 0.000000e+00 : f32
    %jit3A_3976 = arith.constant 1.500000e+01 : f32
    %max3A_3977 = vector.broadcast %jit3A_3975 : f32 to vector<256x17xf32>
    %max3A_3978 = arith.maximumf %max3A_3977, %add3A_3822 : vector<256x17xf32>
    %min3A_3979 = vector.broadcast %jit3A_3976 : f32 to vector<256x17xf32>
    %min3A_3980 = arith.minimumf %min3A_3979, %max3A_3978 : vector<256x17xf32>
    %convert_element_type3A_3981 = arith.fptosi %min3A_3980 : vector<256x17xf32> to vector<256x17xi32>
    %jit3A_3982 = arith.constant 0.000000e+00 : f32
    %jit3A_3983 = arith.constant 1.500000e+01 : f32
    %max3A_3984 = vector.broadcast %jit3A_3982 : f32 to vector<256x17xf32>
    %max3A_3985 = arith.maximumf %max3A_3984, %add3A_3825 : vector<256x17xf32>
    %min3A_3986 = vector.broadcast %jit3A_3983 : f32 to vector<256x17xf32>
    %min3A_3987 = arith.minimumf %min3A_3986, %max3A_3985 : vector<256x17xf32>
    %convert_element_type3A_3988 = arith.fptosi %min3A_3987 : vector<256x17xf32> to vector<256x17xi32>
    %mul3A_3989 = arith.constant 16 : i32
    %mul3A_3990 = vector.broadcast %mul3A_3989 : i32 to vector<256x17xi32>
    %mul3A_3991 = arith.muli %convert_element_type3A_3988, %mul3A_3990 : vector<256x17xi32>
    %add3A_3992 = arith.constant 31232 : i32
    %add3A_3993 = vector.broadcast %add3A_3992 : i32 to vector<256x17xi32>
    %add3A_3994 = arith.addi %add3A_3993, %mul3A_3991 : vector<256x17xi32>
    %add3A_3995 = arith.addi %add3A_3994, %convert_element_type3A_3981 : vector<256x17xi32>
    %and3A_3996 = arith.andi %and3A_3974, %ge3A_3810 : vector<256x17xi1>
    %mul3A_3997 = arith.mulf %sub3A_3826, %sub3A_3830 : vector<256x17xf32>
    %mul3A_3998 = arith.mulf %slice3A_3811, %mul3A_3997 : vector<256x17xf32>
    %jit3A_3999 = arith.constant 0.000000e+00 : f32
    %broadcast_in_dim3A_4000 = vector.broadcast %jit3A_3999 : f32 to vector<256x17xf32>
    %select_n3A_4001 = arith.select %and3A_3996, %mul3A_3998, %broadcast_in_dim3A_4000 : vector<256x17xi1>, vector<256x17xf32>
    %ge3A_4002 = arith.constant 0.000000e+00 : f32
    %ge3A_4003 = vector.broadcast %ge3A_4002 : f32 to vector<256x17xf32>
    %ge3A_4004 = arith.cmpf oge, %select_n3A_745, %ge3A_4003 : vector<256x17xf32>
    %slice3A_4005 = vector.extract_strided_slice %logistic3A_39 {offsets = [0, 255], sizes = [256, 17], strides = [1, 1]} : vector<256x306xf32> to vector<256x17xf32>
    %mul3A_4006 = arith.constant 1.500000e+01 : f32
    %mul3A_4007 = vector.broadcast %mul3A_4006 : f32 to vector<256x17xf32>
    %mul3A_4008 = arith.mulf %select_n3A_745, %mul3A_4007 : vector<256x17xf32>
    %mul3A_4009 = arith.constant 1.500000e+01 : f32
    %mul3A_4010 = vector.broadcast %mul3A_4009 : f32 to vector<256x17xf32>
    %mul3A_4011 = arith.mulf %select_n3A_748, %mul3A_4010 : vector<256x17xf32>
    %floor3A_4012 = math.floor %mul3A_4008 : vector<256x17xf32>
    %floor3A_4013 = math.floor %mul3A_4011 : vector<256x17xf32>
    %add3A_4014 = arith.constant 1.000000e+00 : f32
    %add3A_4015 = vector.broadcast %add3A_4014 : f32 to vector<256x17xf32>
    %add3A_4016 = arith.addf %floor3A_4012, %add3A_4015 : vector<256x17xf32>
    %add3A_4017 = arith.constant 1.000000e+00 : f32
    %add3A_4018 = vector.broadcast %add3A_4017 : f32 to vector<256x17xf32>
    %add3A_4019 = arith.addf %floor3A_4013, %add3A_4018 : vector<256x17xf32>
    %sub3A_4020 = arith.subf %mul3A_4008, %floor3A_4012 : vector<256x17xf32>
    %sub3A_4021 = arith.constant 1.000000e+00 : f32
    %sub3A_4022 = vector.broadcast %sub3A_4021 : f32 to vector<256x17xf32>
    %sub3A_4023 = arith.subf %sub3A_4022, %sub3A_4020 : vector<256x17xf32>
    %sub3A_4024 = arith.subf %mul3A_4011, %floor3A_4013 : vector<256x17xf32>
    %sub3A_4025 = arith.constant 1.000000e+00 : f32
    %sub3A_4026 = vector.broadcast %sub3A_4025 : f32 to vector<256x17xf32>
    %sub3A_4027 = arith.subf %sub3A_4026, %sub3A_4024 : vector<256x17xf32>
    %ge3A_4028 = arith.constant 0.000000e+00 : f32
    %ge3A_4029 = vector.broadcast %ge3A_4028 : f32 to vector<256x17xf32>
    %ge3A_4030 = arith.cmpf oge, %floor3A_4012, %ge3A_4029 : vector<256x17xf32>
    %le3A_4031 = arith.constant 1.500000e+01 : f32
    %le3A_4032 = vector.broadcast %le3A_4031 : f32 to vector<256x17xf32>
    %le3A_4033 = arith.cmpf ole, %floor3A_4012, %le3A_4032 : vector<256x17xf32>
    %and3A_4034 = arith.andi %ge3A_4030, %le3A_4033 : vector<256x17xi1>
    %ge3A_4035 = arith.constant 0.000000e+00 : f32
    %ge3A_4036 = vector.broadcast %ge3A_4035 : f32 to vector<256x17xf32>
    %ge3A_4037 = arith.cmpf oge, %floor3A_4013, %ge3A_4036 : vector<256x17xf32>
    %and3A_4038 = arith.andi %and3A_4034, %ge3A_4037 : vector<256x17xi1>
    %le3A_4039 = arith.constant 1.500000e+01 : f32
    %le3A_4040 = vector.broadcast %le3A_4039 : f32 to vector<256x17xf32>
    %le3A_4041 = arith.cmpf ole, %floor3A_4013, %le3A_4040 : vector<256x17xf32>
    %and3A_4042 = arith.andi %and3A_4038, %le3A_4041 : vector<256x17xi1>
    %jit3A_4043 = arith.constant 0.000000e+00 : f32
    %jit3A_4044 = arith.constant 1.500000e+01 : f32
    %max3A_4045 = vector.broadcast %jit3A_4043 : f32 to vector<256x17xf32>
    %max3A_4046 = arith.maximumf %max3A_4045, %floor3A_4012 : vector<256x17xf32>
    %min3A_4047 = vector.broadcast %jit3A_4044 : f32 to vector<256x17xf32>
    %min3A_4048 = arith.minimumf %min3A_4047, %max3A_4046 : vector<256x17xf32>
    %convert_element_type3A_4049 = arith.fptosi %min3A_4048 : vector<256x17xf32> to vector<256x17xi32>
    %jit3A_4050 = arith.constant 0.000000e+00 : f32
    %jit3A_4051 = arith.constant 1.500000e+01 : f32
    %max3A_4052 = vector.broadcast %jit3A_4050 : f32 to vector<256x17xf32>
    %max3A_4053 = arith.maximumf %max3A_4052, %floor3A_4013 : vector<256x17xf32>
    %min3A_4054 = vector.broadcast %jit3A_4051 : f32 to vector<256x17xf32>
    %min3A_4055 = arith.minimumf %min3A_4054, %max3A_4053 : vector<256x17xf32>
    %convert_element_type3A_4056 = arith.fptosi %min3A_4055 : vector<256x17xf32> to vector<256x17xi32>
    %mul3A_4057 = arith.constant 16 : i32
    %mul3A_4058 = vector.broadcast %mul3A_4057 : i32 to vector<256x17xi32>
    %mul3A_4059 = arith.muli %convert_element_type3A_4056, %mul3A_4058 : vector<256x17xi32>
    %add3A_4060 = arith.constant 31488 : i32
    %add3A_4061 = vector.broadcast %add3A_4060 : i32 to vector<256x17xi32>
    %add3A_4062 = arith.addi %add3A_4061, %mul3A_4059 : vector<256x17xi32>
    %add3A_4063 = arith.addi %add3A_4062, %convert_element_type3A_4049 : vector<256x17xi32>
    %and3A_4064 = arith.andi %and3A_4042, %ge3A_4004 : vector<256x17xi1>
    %mul3A_4065 = arith.mulf %sub3A_4023, %sub3A_4027 : vector<256x17xf32>
    %mul3A_4066 = arith.mulf %slice3A_4005, %mul3A_4065 : vector<256x17xf32>
    %jit3A_4067 = arith.constant 0.000000e+00 : f32
    %broadcast_in_dim3A_4068 = vector.broadcast %jit3A_4067 : f32 to vector<256x17xf32>
    %select_n3A_4069 = arith.select %and3A_4064, %mul3A_4066, %broadcast_in_dim3A_4068 : vector<256x17xi1>, vector<256x17xf32>
    %ge3A_4070 = arith.constant 0.000000e+00 : f32
    %ge3A_4071 = vector.broadcast %ge3A_4070 : f32 to vector<256x17xf32>
    %ge3A_4072 = arith.cmpf oge, %add3A_4016, %ge3A_4071 : vector<256x17xf32>
    %le3A_4073 = arith.constant 1.500000e+01 : f32
    %le3A_4074 = vector.broadcast %le3A_4073 : f32 to vector<256x17xf32>
    %le3A_4075 = arith.cmpf ole, %add3A_4016, %le3A_4074 : vector<256x17xf32>
    %and3A_4076 = arith.andi %ge3A_4072, %le3A_4075 : vector<256x17xi1>
    %ge3A_4077 = arith.constant 0.000000e+00 : f32
    %ge3A_4078 = vector.broadcast %ge3A_4077 : f32 to vector<256x17xf32>
    %ge3A_4079 = arith.cmpf oge, %floor3A_4013, %ge3A_4078 : vector<256x17xf32>
    %and3A_4080 = arith.andi %and3A_4076, %ge3A_4079 : vector<256x17xi1>
    %le3A_4081 = arith.constant 1.500000e+01 : f32
    %le3A_4082 = vector.broadcast %le3A_4081 : f32 to vector<256x17xf32>
    %le3A_4083 = arith.cmpf ole, %floor3A_4013, %le3A_4082 : vector<256x17xf32>
    %and3A_4084 = arith.andi %and3A_4080, %le3A_4083 : vector<256x17xi1>
    %jit3A_4085 = arith.constant 0.000000e+00 : f32
    %jit3A_4086 = arith.constant 1.500000e+01 : f32
    %max3A_4087 = vector.broadcast %jit3A_4085 : f32 to vector<256x17xf32>
    %max3A_4088 = arith.maximumf %max3A_4087, %add3A_4016 : vector<256x17xf32>
    %min3A_4089 = vector.broadcast %jit3A_4086 : f32 to vector<256x17xf32>
    %min3A_4090 = arith.minimumf %min3A_4089, %max3A_4088 : vector<256x17xf32>
    %convert_element_type3A_4091 = arith.fptosi %min3A_4090 : vector<256x17xf32> to vector<256x17xi32>
    %jit3A_4092 = arith.constant 0.000000e+00 : f32
    %jit3A_4093 = arith.constant 1.500000e+01 : f32
    %max3A_4094 = vector.broadcast %jit3A_4092 : f32 to vector<256x17xf32>
    %max3A_4095 = arith.maximumf %max3A_4094, %floor3A_4013 : vector<256x17xf32>
    %min3A_4096 = vector.broadcast %jit3A_4093 : f32 to vector<256x17xf32>
    %min3A_4097 = arith.minimumf %min3A_4096, %max3A_4095 : vector<256x17xf32>
    %convert_element_type3A_4098 = arith.fptosi %min3A_4097 : vector<256x17xf32> to vector<256x17xi32>
    %mul3A_4099 = arith.constant 16 : i32
    %mul3A_4100 = vector.broadcast %mul3A_4099 : i32 to vector<256x17xi32>
    %mul3A_4101 = arith.muli %convert_element_type3A_4098, %mul3A_4100 : vector<256x17xi32>
    %add3A_4102 = arith.constant 31488 : i32
    %add3A_4103 = vector.broadcast %add3A_4102 : i32 to vector<256x17xi32>
    %add3A_4104 = arith.addi %add3A_4103, %mul3A_4101 : vector<256x17xi32>
    %add3A_4105 = arith.addi %add3A_4104, %convert_element_type3A_4091 : vector<256x17xi32>
    %and3A_4106 = arith.andi %and3A_4084, %ge3A_4004 : vector<256x17xi1>
    %mul3A_4107 = arith.mulf %sub3A_4020, %sub3A_4027 : vector<256x17xf32>
    %mul3A_4108 = arith.mulf %slice3A_4005, %mul3A_4107 : vector<256x17xf32>
    %jit3A_4109 = arith.constant 0.000000e+00 : f32
    %broadcast_in_dim3A_4110 = vector.broadcast %jit3A_4109 : f32 to vector<256x17xf32>
    %select_n3A_4111 = arith.select %and3A_4106, %mul3A_4108, %broadcast_in_dim3A_4110 : vector<256x17xi1>, vector<256x17xf32>
    %ge3A_4112 = arith.constant 0.000000e+00 : f32
    %ge3A_4113 = vector.broadcast %ge3A_4112 : f32 to vector<256x17xf32>
    %ge3A_4114 = arith.cmpf oge, %floor3A_4012, %ge3A_4113 : vector<256x17xf32>
    %le3A_4115 = arith.constant 1.500000e+01 : f32
    %le3A_4116 = vector.broadcast %le3A_4115 : f32 to vector<256x17xf32>
    %le3A_4117 = arith.cmpf ole, %floor3A_4012, %le3A_4116 : vector<256x17xf32>
    %and3A_4118 = arith.andi %ge3A_4114, %le3A_4117 : vector<256x17xi1>
    %ge3A_4119 = arith.constant 0.000000e+00 : f32
    %ge3A_4120 = vector.broadcast %ge3A_4119 : f32 to vector<256x17xf32>
    %ge3A_4121 = arith.cmpf oge, %add3A_4019, %ge3A_4120 : vector<256x17xf32>
    %and3A_4122 = arith.andi %and3A_4118, %ge3A_4121 : vector<256x17xi1>
    %le3A_4123 = arith.constant 1.500000e+01 : f32
    %le3A_4124 = vector.broadcast %le3A_4123 : f32 to vector<256x17xf32>
    %le3A_4125 = arith.cmpf ole, %add3A_4019, %le3A_4124 : vector<256x17xf32>
    %and3A_4126 = arith.andi %and3A_4122, %le3A_4125 : vector<256x17xi1>
    %jit3A_4127 = arith.constant 0.000000e+00 : f32
    %jit3A_4128 = arith.constant 1.500000e+01 : f32
    %max3A_4129 = vector.broadcast %jit3A_4127 : f32 to vector<256x17xf32>
    %max3A_4130 = arith.maximumf %max3A_4129, %floor3A_4012 : vector<256x17xf32>
    %min3A_4131 = vector.broadcast %jit3A_4128 : f32 to vector<256x17xf32>
    %min3A_4132 = arith.minimumf %min3A_4131, %max3A_4130 : vector<256x17xf32>
    %convert_element_type3A_4133 = arith.fptosi %min3A_4132 : vector<256x17xf32> to vector<256x17xi32>
    %jit3A_4134 = arith.constant 0.000000e+00 : f32
    %jit3A_4135 = arith.constant 1.500000e+01 : f32
    %max3A_4136 = vector.broadcast %jit3A_4134 : f32 to vector<256x17xf32>
    %max3A_4137 = arith.maximumf %max3A_4136, %add3A_4019 : vector<256x17xf32>
    %min3A_4138 = vector.broadcast %jit3A_4135 : f32 to vector<256x17xf32>
    %min3A_4139 = arith.minimumf %min3A_4138, %max3A_4137 : vector<256x17xf32>
    %convert_element_type3A_4140 = arith.fptosi %min3A_4139 : vector<256x17xf32> to vector<256x17xi32>
    %mul3A_4141 = arith.constant 16 : i32
    %mul3A_4142 = vector.broadcast %mul3A_4141 : i32 to vector<256x17xi32>
    %mul3A_4143 = arith.muli %convert_element_type3A_4140, %mul3A_4142 : vector<256x17xi32>
    %add3A_4144 = arith.constant 31488 : i32
    %add3A_4145 = vector.broadcast %add3A_4144 : i32 to vector<256x17xi32>
    %add3A_4146 = arith.addi %add3A_4145, %mul3A_4143 : vector<256x17xi32>
    %add3A_4147 = arith.addi %add3A_4146, %convert_element_type3A_4133 : vector<256x17xi32>
    %and3A_4148 = arith.andi %and3A_4126, %ge3A_4004 : vector<256x17xi1>
    %mul3A_4149 = arith.mulf %sub3A_4023, %sub3A_4024 : vector<256x17xf32>
    %mul3A_4150 = arith.mulf %slice3A_4005, %mul3A_4149 : vector<256x17xf32>
    %jit3A_4151 = arith.constant 0.000000e+00 : f32
    %broadcast_in_dim3A_4152 = vector.broadcast %jit3A_4151 : f32 to vector<256x17xf32>
    %select_n3A_4153 = arith.select %and3A_4148, %mul3A_4150, %broadcast_in_dim3A_4152 : vector<256x17xi1>, vector<256x17xf32>
    %ge3A_4154 = arith.constant 0.000000e+00 : f32
    %ge3A_4155 = vector.broadcast %ge3A_4154 : f32 to vector<256x17xf32>
    %ge3A_4156 = arith.cmpf oge, %add3A_4016, %ge3A_4155 : vector<256x17xf32>
    %le3A_4157 = arith.constant 1.500000e+01 : f32
    %le3A_4158 = vector.broadcast %le3A_4157 : f32 to vector<256x17xf32>
    %le3A_4159 = arith.cmpf ole, %add3A_4016, %le3A_4158 : vector<256x17xf32>
    %and3A_4160 = arith.andi %ge3A_4156, %le3A_4159 : vector<256x17xi1>
    %ge3A_4161 = arith.constant 0.000000e+00 : f32
    %ge3A_4162 = vector.broadcast %ge3A_4161 : f32 to vector<256x17xf32>
    %ge3A_4163 = arith.cmpf oge, %add3A_4019, %ge3A_4162 : vector<256x17xf32>
    %and3A_4164 = arith.andi %and3A_4160, %ge3A_4163 : vector<256x17xi1>
    %le3A_4165 = arith.constant 1.500000e+01 : f32
    %le3A_4166 = vector.broadcast %le3A_4165 : f32 to vector<256x17xf32>
    %le3A_4167 = arith.cmpf ole, %add3A_4019, %le3A_4166 : vector<256x17xf32>
    %and3A_4168 = arith.andi %and3A_4164, %le3A_4167 : vector<256x17xi1>
    %jit3A_4169 = arith.constant 0.000000e+00 : f32
    %jit3A_4170 = arith.constant 1.500000e+01 : f32
    %max3A_4171 = vector.broadcast %jit3A_4169 : f32 to vector<256x17xf32>
    %max3A_4172 = arith.maximumf %max3A_4171, %add3A_4016 : vector<256x17xf32>
    %min3A_4173 = vector.broadcast %jit3A_4170 : f32 to vector<256x17xf32>
    %min3A_4174 = arith.minimumf %min3A_4173, %max3A_4172 : vector<256x17xf32>
    %convert_element_type3A_4175 = arith.fptosi %min3A_4174 : vector<256x17xf32> to vector<256x17xi32>
    %jit3A_4176 = arith.constant 0.000000e+00 : f32
    %jit3A_4177 = arith.constant 1.500000e+01 : f32
    %max3A_4178 = vector.broadcast %jit3A_4176 : f32 to vector<256x17xf32>
    %max3A_4179 = arith.maximumf %max3A_4178, %add3A_4019 : vector<256x17xf32>
    %min3A_4180 = vector.broadcast %jit3A_4177 : f32 to vector<256x17xf32>
    %min3A_4181 = arith.minimumf %min3A_4180, %max3A_4179 : vector<256x17xf32>
    %convert_element_type3A_4182 = arith.fptosi %min3A_4181 : vector<256x17xf32> to vector<256x17xi32>
    %mul3A_4183 = arith.constant 16 : i32
    %mul3A_4184 = vector.broadcast %mul3A_4183 : i32 to vector<256x17xi32>
    %mul3A_4185 = arith.muli %convert_element_type3A_4182, %mul3A_4184 : vector<256x17xi32>
    %add3A_4186 = arith.constant 31488 : i32
    %add3A_4187 = vector.broadcast %add3A_4186 : i32 to vector<256x17xi32>
    %add3A_4188 = arith.addi %add3A_4187, %mul3A_4185 : vector<256x17xi32>
    %add3A_4189 = arith.addi %add3A_4188, %convert_element_type3A_4175 : vector<256x17xi32>
    %and3A_4190 = arith.andi %and3A_4168, %ge3A_4004 : vector<256x17xi1>
    %mul3A_4191 = arith.mulf %sub3A_4020, %sub3A_4024 : vector<256x17xf32>
    %mul3A_4192 = arith.mulf %slice3A_4005, %mul3A_4191 : vector<256x17xf32>
    %jit3A_4193 = arith.constant 0.000000e+00 : f32
    %broadcast_in_dim3A_4194 = vector.broadcast %jit3A_4193 : f32 to vector<256x17xf32>
    %select_n3A_4195 = arith.select %and3A_4190, %mul3A_4192, %broadcast_in_dim3A_4194 : vector<256x17xi1>, vector<256x17xf32>
    %ge3A_4196 = arith.constant 0.000000e+00 : f32
    %ge3A_4197 = vector.broadcast %ge3A_4196 : f32 to vector<256x17xf32>
    %ge3A_4198 = arith.cmpf oge, %select_n3A_913, %ge3A_4197 : vector<256x17xf32>
    %slice3A_4199 = vector.extract_strided_slice %logistic3A_39 {offsets = [0, 272], sizes = [256, 17], strides = [1, 1]} : vector<256x306xf32> to vector<256x17xf32>
    %mul3A_4200 = arith.constant 1.500000e+01 : f32
    %mul3A_4201 = vector.broadcast %mul3A_4200 : f32 to vector<256x17xf32>
    %mul3A_4202 = arith.mulf %select_n3A_913, %mul3A_4201 : vector<256x17xf32>
    %mul3A_4203 = arith.constant 1.500000e+01 : f32
    %mul3A_4204 = vector.broadcast %mul3A_4203 : f32 to vector<256x17xf32>
    %mul3A_4205 = arith.mulf %select_n3A_916, %mul3A_4204 : vector<256x17xf32>
    %floor3A_4206 = math.floor %mul3A_4202 : vector<256x17xf32>
    %floor3A_4207 = math.floor %mul3A_4205 : vector<256x17xf32>
    %add3A_4208 = arith.constant 1.000000e+00 : f32
    %add3A_4209 = vector.broadcast %add3A_4208 : f32 to vector<256x17xf32>
    %add3A_4210 = arith.addf %floor3A_4206, %add3A_4209 : vector<256x17xf32>
    %add3A_4211 = arith.constant 1.000000e+00 : f32
    %add3A_4212 = vector.broadcast %add3A_4211 : f32 to vector<256x17xf32>
    %add3A_4213 = arith.addf %floor3A_4207, %add3A_4212 : vector<256x17xf32>
    %sub3A_4214 = arith.subf %mul3A_4202, %floor3A_4206 : vector<256x17xf32>
    %sub3A_4215 = arith.constant 1.000000e+00 : f32
    %sub3A_4216 = vector.broadcast %sub3A_4215 : f32 to vector<256x17xf32>
    %sub3A_4217 = arith.subf %sub3A_4216, %sub3A_4214 : vector<256x17xf32>
    %sub3A_4218 = arith.subf %mul3A_4205, %floor3A_4207 : vector<256x17xf32>
    %sub3A_4219 = arith.constant 1.000000e+00 : f32
    %sub3A_4220 = vector.broadcast %sub3A_4219 : f32 to vector<256x17xf32>
    %sub3A_4221 = arith.subf %sub3A_4220, %sub3A_4218 : vector<256x17xf32>
    %ge3A_4222 = arith.constant 0.000000e+00 : f32
    %ge3A_4223 = vector.broadcast %ge3A_4222 : f32 to vector<256x17xf32>
    %ge3A_4224 = arith.cmpf oge, %floor3A_4206, %ge3A_4223 : vector<256x17xf32>
    %le3A_4225 = arith.constant 1.500000e+01 : f32
    %le3A_4226 = vector.broadcast %le3A_4225 : f32 to vector<256x17xf32>
    %le3A_4227 = arith.cmpf ole, %floor3A_4206, %le3A_4226 : vector<256x17xf32>
    %and3A_4228 = arith.andi %ge3A_4224, %le3A_4227 : vector<256x17xi1>
    %ge3A_4229 = arith.constant 0.000000e+00 : f32
    %ge3A_4230 = vector.broadcast %ge3A_4229 : f32 to vector<256x17xf32>
    %ge3A_4231 = arith.cmpf oge, %floor3A_4207, %ge3A_4230 : vector<256x17xf32>
    %and3A_4232 = arith.andi %and3A_4228, %ge3A_4231 : vector<256x17xi1>
    %le3A_4233 = arith.constant 1.500000e+01 : f32
    %le3A_4234 = vector.broadcast %le3A_4233 : f32 to vector<256x17xf32>
    %le3A_4235 = arith.cmpf ole, %floor3A_4207, %le3A_4234 : vector<256x17xf32>
    %and3A_4236 = arith.andi %and3A_4232, %le3A_4235 : vector<256x17xi1>
    %jit3A_4237 = arith.constant 0.000000e+00 : f32
    %jit3A_4238 = arith.constant 1.500000e+01 : f32
    %max3A_4239 = vector.broadcast %jit3A_4237 : f32 to vector<256x17xf32>
    %max3A_4240 = arith.maximumf %max3A_4239, %floor3A_4206 : vector<256x17xf32>
    %min3A_4241 = vector.broadcast %jit3A_4238 : f32 to vector<256x17xf32>
    %min3A_4242 = arith.minimumf %min3A_4241, %max3A_4240 : vector<256x17xf32>
    %convert_element_type3A_4243 = arith.fptosi %min3A_4242 : vector<256x17xf32> to vector<256x17xi32>
    %jit3A_4244 = arith.constant 0.000000e+00 : f32
    %jit3A_4245 = arith.constant 1.500000e+01 : f32
    %max3A_4246 = vector.broadcast %jit3A_4244 : f32 to vector<256x17xf32>
    %max3A_4247 = arith.maximumf %max3A_4246, %floor3A_4207 : vector<256x17xf32>
    %min3A_4248 = vector.broadcast %jit3A_4245 : f32 to vector<256x17xf32>
    %min3A_4249 = arith.minimumf %min3A_4248, %max3A_4247 : vector<256x17xf32>
    %convert_element_type3A_4250 = arith.fptosi %min3A_4249 : vector<256x17xf32> to vector<256x17xi32>
    %mul3A_4251 = arith.constant 16 : i32
    %mul3A_4252 = vector.broadcast %mul3A_4251 : i32 to vector<256x17xi32>
    %mul3A_4253 = arith.muli %convert_element_type3A_4250, %mul3A_4252 : vector<256x17xi32>
    %add3A_4254 = arith.constant 31744 : i32
    %add3A_4255 = vector.broadcast %add3A_4254 : i32 to vector<256x17xi32>
    %add3A_4256 = arith.addi %add3A_4255, %mul3A_4253 : vector<256x17xi32>
    %add3A_4257 = arith.addi %add3A_4256, %convert_element_type3A_4243 : vector<256x17xi32>
    %and3A_4258 = arith.andi %and3A_4236, %ge3A_4198 : vector<256x17xi1>
    %mul3A_4259 = arith.mulf %sub3A_4217, %sub3A_4221 : vector<256x17xf32>
    %mul3A_4260 = arith.mulf %slice3A_4199, %mul3A_4259 : vector<256x17xf32>
    %jit3A_4261 = arith.constant 0.000000e+00 : f32
    %broadcast_in_dim3A_4262 = vector.broadcast %jit3A_4261 : f32 to vector<256x17xf32>
    %select_n3A_4263 = arith.select %and3A_4258, %mul3A_4260, %broadcast_in_dim3A_4262 : vector<256x17xi1>, vector<256x17xf32>
    %ge3A_4264 = arith.constant 0.000000e+00 : f32
    %ge3A_4265 = vector.broadcast %ge3A_4264 : f32 to vector<256x17xf32>
    %ge3A_4266 = arith.cmpf oge, %add3A_4210, %ge3A_4265 : vector<256x17xf32>
    %le3A_4267 = arith.constant 1.500000e+01 : f32
    %le3A_4268 = vector.broadcast %le3A_4267 : f32 to vector<256x17xf32>
    %le3A_4269 = arith.cmpf ole, %add3A_4210, %le3A_4268 : vector<256x17xf32>
    %and3A_4270 = arith.andi %ge3A_4266, %le3A_4269 : vector<256x17xi1>
    %ge3A_4271 = arith.constant 0.000000e+00 : f32
    %ge3A_4272 = vector.broadcast %ge3A_4271 : f32 to vector<256x17xf32>
    %ge3A_4273 = arith.cmpf oge, %floor3A_4207, %ge3A_4272 : vector<256x17xf32>
    %and3A_4274 = arith.andi %and3A_4270, %ge3A_4273 : vector<256x17xi1>
    %le3A_4275 = arith.constant 1.500000e+01 : f32
    %le3A_4276 = vector.broadcast %le3A_4275 : f32 to vector<256x17xf32>
    %le3A_4277 = arith.cmpf ole, %floor3A_4207, %le3A_4276 : vector<256x17xf32>
    %and3A_4278 = arith.andi %and3A_4274, %le3A_4277 : vector<256x17xi1>
    %jit3A_4279 = arith.constant 0.000000e+00 : f32
    %jit3A_4280 = arith.constant 1.500000e+01 : f32
    %max3A_4281 = vector.broadcast %jit3A_4279 : f32 to vector<256x17xf32>
    %max3A_4282 = arith.maximumf %max3A_4281, %add3A_4210 : vector<256x17xf32>
    %min3A_4283 = vector.broadcast %jit3A_4280 : f32 to vector<256x17xf32>
    %min3A_4284 = arith.minimumf %min3A_4283, %max3A_4282 : vector<256x17xf32>
    %convert_element_type3A_4285 = arith.fptosi %min3A_4284 : vector<256x17xf32> to vector<256x17xi32>
    %jit3A_4286 = arith.constant 0.000000e+00 : f32
    %jit3A_4287 = arith.constant 1.500000e+01 : f32
    %max3A_4288 = vector.broadcast %jit3A_4286 : f32 to vector<256x17xf32>
    %max3A_4289 = arith.maximumf %max3A_4288, %floor3A_4207 : vector<256x17xf32>
    %min3A_4290 = vector.broadcast %jit3A_4287 : f32 to vector<256x17xf32>
    %min3A_4291 = arith.minimumf %min3A_4290, %max3A_4289 : vector<256x17xf32>
    %convert_element_type3A_4292 = arith.fptosi %min3A_4291 : vector<256x17xf32> to vector<256x17xi32>
    %mul3A_4293 = arith.constant 16 : i32
    %mul3A_4294 = vector.broadcast %mul3A_4293 : i32 to vector<256x17xi32>
    %mul3A_4295 = arith.muli %convert_element_type3A_4292, %mul3A_4294 : vector<256x17xi32>
    %add3A_4296 = arith.constant 31744 : i32
    %add3A_4297 = vector.broadcast %add3A_4296 : i32 to vector<256x17xi32>
    %add3A_4298 = arith.addi %add3A_4297, %mul3A_4295 : vector<256x17xi32>
    %add3A_4299 = arith.addi %add3A_4298, %convert_element_type3A_4285 : vector<256x17xi32>
    %and3A_4300 = arith.andi %and3A_4278, %ge3A_4198 : vector<256x17xi1>
    %mul3A_4301 = arith.mulf %sub3A_4214, %sub3A_4221 : vector<256x17xf32>
    %mul3A_4302 = arith.mulf %slice3A_4199, %mul3A_4301 : vector<256x17xf32>
    %jit3A_4303 = arith.constant 0.000000e+00 : f32
    %broadcast_in_dim3A_4304 = vector.broadcast %jit3A_4303 : f32 to vector<256x17xf32>
    %select_n3A_4305 = arith.select %and3A_4300, %mul3A_4302, %broadcast_in_dim3A_4304 : vector<256x17xi1>, vector<256x17xf32>
    %ge3A_4306 = arith.constant 0.000000e+00 : f32
    %ge3A_4307 = vector.broadcast %ge3A_4306 : f32 to vector<256x17xf32>
    %ge3A_4308 = arith.cmpf oge, %floor3A_4206, %ge3A_4307 : vector<256x17xf32>
    %le3A_4309 = arith.constant 1.500000e+01 : f32
    %le3A_4310 = vector.broadcast %le3A_4309 : f32 to vector<256x17xf32>
    %le3A_4311 = arith.cmpf ole, %floor3A_4206, %le3A_4310 : vector<256x17xf32>
    %and3A_4312 = arith.andi %ge3A_4308, %le3A_4311 : vector<256x17xi1>
    %ge3A_4313 = arith.constant 0.000000e+00 : f32
    %ge3A_4314 = vector.broadcast %ge3A_4313 : f32 to vector<256x17xf32>
    %ge3A_4315 = arith.cmpf oge, %add3A_4213, %ge3A_4314 : vector<256x17xf32>
    %and3A_4316 = arith.andi %and3A_4312, %ge3A_4315 : vector<256x17xi1>
    %le3A_4317 = arith.constant 1.500000e+01 : f32
    %le3A_4318 = vector.broadcast %le3A_4317 : f32 to vector<256x17xf32>
    %le3A_4319 = arith.cmpf ole, %add3A_4213, %le3A_4318 : vector<256x17xf32>
    %and3A_4320 = arith.andi %and3A_4316, %le3A_4319 : vector<256x17xi1>
    %jit3A_4321 = arith.constant 0.000000e+00 : f32
    %jit3A_4322 = arith.constant 1.500000e+01 : f32
    %max3A_4323 = vector.broadcast %jit3A_4321 : f32 to vector<256x17xf32>
    %max3A_4324 = arith.maximumf %max3A_4323, %floor3A_4206 : vector<256x17xf32>
    %min3A_4325 = vector.broadcast %jit3A_4322 : f32 to vector<256x17xf32>
    %min3A_4326 = arith.minimumf %min3A_4325, %max3A_4324 : vector<256x17xf32>
    %convert_element_type3A_4327 = arith.fptosi %min3A_4326 : vector<256x17xf32> to vector<256x17xi32>
    %jit3A_4328 = arith.constant 0.000000e+00 : f32
    %jit3A_4329 = arith.constant 1.500000e+01 : f32
    %max3A_4330 = vector.broadcast %jit3A_4328 : f32 to vector<256x17xf32>
    %max3A_4331 = arith.maximumf %max3A_4330, %add3A_4213 : vector<256x17xf32>
    %min3A_4332 = vector.broadcast %jit3A_4329 : f32 to vector<256x17xf32>
    %min3A_4333 = arith.minimumf %min3A_4332, %max3A_4331 : vector<256x17xf32>
    %convert_element_type3A_4334 = arith.fptosi %min3A_4333 : vector<256x17xf32> to vector<256x17xi32>
    %mul3A_4335 = arith.constant 16 : i32
    %mul3A_4336 = vector.broadcast %mul3A_4335 : i32 to vector<256x17xi32>
    %mul3A_4337 = arith.muli %convert_element_type3A_4334, %mul3A_4336 : vector<256x17xi32>
    %add3A_4338 = arith.constant 31744 : i32
    %add3A_4339 = vector.broadcast %add3A_4338 : i32 to vector<256x17xi32>
    %add3A_4340 = arith.addi %add3A_4339, %mul3A_4337 : vector<256x17xi32>
    %add3A_4341 = arith.addi %add3A_4340, %convert_element_type3A_4327 : vector<256x17xi32>
    %and3A_4342 = arith.andi %and3A_4320, %ge3A_4198 : vector<256x17xi1>
    %mul3A_4343 = arith.mulf %sub3A_4217, %sub3A_4218 : vector<256x17xf32>
    %mul3A_4344 = arith.mulf %slice3A_4199, %mul3A_4343 : vector<256x17xf32>
    %jit3A_4345 = arith.constant 0.000000e+00 : f32
    %broadcast_in_dim3A_4346 = vector.broadcast %jit3A_4345 : f32 to vector<256x17xf32>
    %select_n3A_4347 = arith.select %and3A_4342, %mul3A_4344, %broadcast_in_dim3A_4346 : vector<256x17xi1>, vector<256x17xf32>
    %ge3A_4348 = arith.constant 0.000000e+00 : f32
    %ge3A_4349 = vector.broadcast %ge3A_4348 : f32 to vector<256x17xf32>
    %ge3A_4350 = arith.cmpf oge, %add3A_4210, %ge3A_4349 : vector<256x17xf32>
    %le3A_4351 = arith.constant 1.500000e+01 : f32
    %le3A_4352 = vector.broadcast %le3A_4351 : f32 to vector<256x17xf32>
    %le3A_4353 = arith.cmpf ole, %add3A_4210, %le3A_4352 : vector<256x17xf32>
    %and3A_4354 = arith.andi %ge3A_4350, %le3A_4353 : vector<256x17xi1>
    %ge3A_4355 = arith.constant 0.000000e+00 : f32
    %ge3A_4356 = vector.broadcast %ge3A_4355 : f32 to vector<256x17xf32>
    %ge3A_4357 = arith.cmpf oge, %add3A_4213, %ge3A_4356 : vector<256x17xf32>
    %and3A_4358 = arith.andi %and3A_4354, %ge3A_4357 : vector<256x17xi1>
    %le3A_4359 = arith.constant 1.500000e+01 : f32
    %le3A_4360 = vector.broadcast %le3A_4359 : f32 to vector<256x17xf32>
    %le3A_4361 = arith.cmpf ole, %add3A_4213, %le3A_4360 : vector<256x17xf32>
    %and3A_4362 = arith.andi %and3A_4358, %le3A_4361 : vector<256x17xi1>
    %jit3A_4363 = arith.constant 0.000000e+00 : f32
    %jit3A_4364 = arith.constant 1.500000e+01 : f32
    %max3A_4365 = vector.broadcast %jit3A_4363 : f32 to vector<256x17xf32>
    %max3A_4366 = arith.maximumf %max3A_4365, %add3A_4210 : vector<256x17xf32>
    %min3A_4367 = vector.broadcast %jit3A_4364 : f32 to vector<256x17xf32>
    %min3A_4368 = arith.minimumf %min3A_4367, %max3A_4366 : vector<256x17xf32>
    %convert_element_type3A_4369 = arith.fptosi %min3A_4368 : vector<256x17xf32> to vector<256x17xi32>
    %jit3A_4370 = arith.constant 0.000000e+00 : f32
    %jit3A_4371 = arith.constant 1.500000e+01 : f32
    %max3A_4372 = vector.broadcast %jit3A_4370 : f32 to vector<256x17xf32>
    %max3A_4373 = arith.maximumf %max3A_4372, %add3A_4213 : vector<256x17xf32>
    %min3A_4374 = vector.broadcast %jit3A_4371 : f32 to vector<256x17xf32>
    %min3A_4375 = arith.minimumf %min3A_4374, %max3A_4373 : vector<256x17xf32>
    %convert_element_type3A_4376 = arith.fptosi %min3A_4375 : vector<256x17xf32> to vector<256x17xi32>
    %mul3A_4377 = arith.constant 16 : i32
    %mul3A_4378 = vector.broadcast %mul3A_4377 : i32 to vector<256x17xi32>
    %mul3A_4379 = arith.muli %convert_element_type3A_4376, %mul3A_4378 : vector<256x17xi32>
    %add3A_4380 = arith.constant 31744 : i32
    %add3A_4381 = vector.broadcast %add3A_4380 : i32 to vector<256x17xi32>
    %add3A_4382 = arith.addi %add3A_4381, %mul3A_4379 : vector<256x17xi32>
    %add3A_4383 = arith.addi %add3A_4382, %convert_element_type3A_4369 : vector<256x17xi32>
    %and3A_4384 = arith.andi %and3A_4362, %ge3A_4198 : vector<256x17xi1>
    %mul3A_4385 = arith.mulf %sub3A_4214, %sub3A_4218 : vector<256x17xf32>
    %mul3A_4386 = arith.mulf %slice3A_4199, %mul3A_4385 : vector<256x17xf32>
    %jit3A_4387 = arith.constant 0.000000e+00 : f32
    %broadcast_in_dim3A_4388 = vector.broadcast %jit3A_4387 : f32 to vector<256x17xf32>
    %select_n3A_4389 = arith.select %and3A_4384, %mul3A_4386, %broadcast_in_dim3A_4388 : vector<256x17xi1>, vector<256x17xf32>
    %ge3A_4390 = arith.constant 0.000000e+00 : f32
    %ge3A_4391 = vector.broadcast %ge3A_4390 : f32 to vector<256x17xf32>
    %ge3A_4392 = arith.cmpf oge, %select_n3A_1081, %ge3A_4391 : vector<256x17xf32>
    %slice3A_4393 = vector.extract_strided_slice %logistic3A_39 {offsets = [0, 289], sizes = [256, 17], strides = [1, 1]} : vector<256x306xf32> to vector<256x17xf32>
    %mul3A_4394 = arith.constant 1.500000e+01 : f32
    %mul3A_4395 = vector.broadcast %mul3A_4394 : f32 to vector<256x17xf32>
    %mul3A_4396 = arith.mulf %select_n3A_1081, %mul3A_4395 : vector<256x17xf32>
    %mul3A_4397 = arith.constant 1.500000e+01 : f32
    %mul3A_4398 = vector.broadcast %mul3A_4397 : f32 to vector<256x17xf32>
    %mul3A_4399 = arith.mulf %select_n3A_1084, %mul3A_4398 : vector<256x17xf32>
    %floor3A_4400 = math.floor %mul3A_4396 : vector<256x17xf32>
    %floor3A_4401 = math.floor %mul3A_4399 : vector<256x17xf32>
    %add3A_4402 = arith.constant 1.000000e+00 : f32
    %add3A_4403 = vector.broadcast %add3A_4402 : f32 to vector<256x17xf32>
    %add3A_4404 = arith.addf %floor3A_4400, %add3A_4403 : vector<256x17xf32>
    %add3A_4405 = arith.constant 1.000000e+00 : f32
    %add3A_4406 = vector.broadcast %add3A_4405 : f32 to vector<256x17xf32>
    %add3A_4407 = arith.addf %floor3A_4401, %add3A_4406 : vector<256x17xf32>
    %sub3A_4408 = arith.subf %mul3A_4396, %floor3A_4400 : vector<256x17xf32>
    %sub3A_4409 = arith.constant 1.000000e+00 : f32
    %sub3A_4410 = vector.broadcast %sub3A_4409 : f32 to vector<256x17xf32>
    %sub3A_4411 = arith.subf %sub3A_4410, %sub3A_4408 : vector<256x17xf32>
    %sub3A_4412 = arith.subf %mul3A_4399, %floor3A_4401 : vector<256x17xf32>
    %sub3A_4413 = arith.constant 1.000000e+00 : f32
    %sub3A_4414 = vector.broadcast %sub3A_4413 : f32 to vector<256x17xf32>
    %sub3A_4415 = arith.subf %sub3A_4414, %sub3A_4412 : vector<256x17xf32>
    %ge3A_4416 = arith.constant 0.000000e+00 : f32
    %ge3A_4417 = vector.broadcast %ge3A_4416 : f32 to vector<256x17xf32>
    %ge3A_4418 = arith.cmpf oge, %floor3A_4400, %ge3A_4417 : vector<256x17xf32>
    %le3A_4419 = arith.constant 1.500000e+01 : f32
    %le3A_4420 = vector.broadcast %le3A_4419 : f32 to vector<256x17xf32>
    %le3A_4421 = arith.cmpf ole, %floor3A_4400, %le3A_4420 : vector<256x17xf32>
    %and3A_4422 = arith.andi %ge3A_4418, %le3A_4421 : vector<256x17xi1>
    %ge3A_4423 = arith.constant 0.000000e+00 : f32
    %ge3A_4424 = vector.broadcast %ge3A_4423 : f32 to vector<256x17xf32>
    %ge3A_4425 = arith.cmpf oge, %floor3A_4401, %ge3A_4424 : vector<256x17xf32>
    %and3A_4426 = arith.andi %and3A_4422, %ge3A_4425 : vector<256x17xi1>
    %le3A_4427 = arith.constant 1.500000e+01 : f32
    %le3A_4428 = vector.broadcast %le3A_4427 : f32 to vector<256x17xf32>
    %le3A_4429 = arith.cmpf ole, %floor3A_4401, %le3A_4428 : vector<256x17xf32>
    %and3A_4430 = arith.andi %and3A_4426, %le3A_4429 : vector<256x17xi1>
    %jit3A_4431 = arith.constant 0.000000e+00 : f32
    %jit3A_4432 = arith.constant 1.500000e+01 : f32
    %max3A_4433 = vector.broadcast %jit3A_4431 : f32 to vector<256x17xf32>
    %max3A_4434 = arith.maximumf %max3A_4433, %floor3A_4400 : vector<256x17xf32>
    %min3A_4435 = vector.broadcast %jit3A_4432 : f32 to vector<256x17xf32>
    %min3A_4436 = arith.minimumf %min3A_4435, %max3A_4434 : vector<256x17xf32>
    %convert_element_type3A_4437 = arith.fptosi %min3A_4436 : vector<256x17xf32> to vector<256x17xi32>
    %jit3A_4438 = arith.constant 0.000000e+00 : f32
    %jit3A_4439 = arith.constant 1.500000e+01 : f32
    %max3A_4440 = vector.broadcast %jit3A_4438 : f32 to vector<256x17xf32>
    %max3A_4441 = arith.maximumf %max3A_4440, %floor3A_4401 : vector<256x17xf32>
    %min3A_4442 = vector.broadcast %jit3A_4439 : f32 to vector<256x17xf32>
    %min3A_4443 = arith.minimumf %min3A_4442, %max3A_4441 : vector<256x17xf32>
    %convert_element_type3A_4444 = arith.fptosi %min3A_4443 : vector<256x17xf32> to vector<256x17xi32>
    %mul3A_4445 = arith.constant 16 : i32
    %mul3A_4446 = vector.broadcast %mul3A_4445 : i32 to vector<256x17xi32>
    %mul3A_4447 = arith.muli %convert_element_type3A_4444, %mul3A_4446 : vector<256x17xi32>
    %add3A_4448 = arith.constant 32000 : i32
    %add3A_4449 = vector.broadcast %add3A_4448 : i32 to vector<256x17xi32>
    %add3A_4450 = arith.addi %add3A_4449, %mul3A_4447 : vector<256x17xi32>
    %add3A_4451 = arith.addi %add3A_4450, %convert_element_type3A_4437 : vector<256x17xi32>
    %and3A_4452 = arith.andi %and3A_4430, %ge3A_4392 : vector<256x17xi1>
    %mul3A_4453 = arith.mulf %sub3A_4411, %sub3A_4415 : vector<256x17xf32>
    %mul3A_4454 = arith.mulf %slice3A_4393, %mul3A_4453 : vector<256x17xf32>
    %jit3A_4455 = arith.constant 0.000000e+00 : f32
    %broadcast_in_dim3A_4456 = vector.broadcast %jit3A_4455 : f32 to vector<256x17xf32>
    %select_n3A_4457 = arith.select %and3A_4452, %mul3A_4454, %broadcast_in_dim3A_4456 : vector<256x17xi1>, vector<256x17xf32>
    %ge3A_4458 = arith.constant 0.000000e+00 : f32
    %ge3A_4459 = vector.broadcast %ge3A_4458 : f32 to vector<256x17xf32>
    %ge3A_4460 = arith.cmpf oge, %add3A_4404, %ge3A_4459 : vector<256x17xf32>
    %le3A_4461 = arith.constant 1.500000e+01 : f32
    %le3A_4462 = vector.broadcast %le3A_4461 : f32 to vector<256x17xf32>
    %le3A_4463 = arith.cmpf ole, %add3A_4404, %le3A_4462 : vector<256x17xf32>
    %and3A_4464 = arith.andi %ge3A_4460, %le3A_4463 : vector<256x17xi1>
    %ge3A_4465 = arith.constant 0.000000e+00 : f32
    %ge3A_4466 = vector.broadcast %ge3A_4465 : f32 to vector<256x17xf32>
    %ge3A_4467 = arith.cmpf oge, %floor3A_4401, %ge3A_4466 : vector<256x17xf32>
    %and3A_4468 = arith.andi %and3A_4464, %ge3A_4467 : vector<256x17xi1>
    %le3A_4469 = arith.constant 1.500000e+01 : f32
    %le3A_4470 = vector.broadcast %le3A_4469 : f32 to vector<256x17xf32>
    %le3A_4471 = arith.cmpf ole, %floor3A_4401, %le3A_4470 : vector<256x17xf32>
    %and3A_4472 = arith.andi %and3A_4468, %le3A_4471 : vector<256x17xi1>
    %jit3A_4473 = arith.constant 0.000000e+00 : f32
    %jit3A_4474 = arith.constant 1.500000e+01 : f32
    %max3A_4475 = vector.broadcast %jit3A_4473 : f32 to vector<256x17xf32>
    %max3A_4476 = arith.maximumf %max3A_4475, %add3A_4404 : vector<256x17xf32>
    %min3A_4477 = vector.broadcast %jit3A_4474 : f32 to vector<256x17xf32>
    %min3A_4478 = arith.minimumf %min3A_4477, %max3A_4476 : vector<256x17xf32>
    %convert_element_type3A_4479 = arith.fptosi %min3A_4478 : vector<256x17xf32> to vector<256x17xi32>
    %jit3A_4480 = arith.constant 0.000000e+00 : f32
    %jit3A_4481 = arith.constant 1.500000e+01 : f32
    %max3A_4482 = vector.broadcast %jit3A_4480 : f32 to vector<256x17xf32>
    %max3A_4483 = arith.maximumf %max3A_4482, %floor3A_4401 : vector<256x17xf32>
    %min3A_4484 = vector.broadcast %jit3A_4481 : f32 to vector<256x17xf32>
    %min3A_4485 = arith.minimumf %min3A_4484, %max3A_4483 : vector<256x17xf32>
    %convert_element_type3A_4486 = arith.fptosi %min3A_4485 : vector<256x17xf32> to vector<256x17xi32>
    %mul3A_4487 = arith.constant 16 : i32
    %mul3A_4488 = vector.broadcast %mul3A_4487 : i32 to vector<256x17xi32>
    %mul3A_4489 = arith.muli %convert_element_type3A_4486, %mul3A_4488 : vector<256x17xi32>
    %add3A_4490 = arith.constant 32000 : i32
    %add3A_4491 = vector.broadcast %add3A_4490 : i32 to vector<256x17xi32>
    %add3A_4492 = arith.addi %add3A_4491, %mul3A_4489 : vector<256x17xi32>
    %add3A_4493 = arith.addi %add3A_4492, %convert_element_type3A_4479 : vector<256x17xi32>
    %and3A_4494 = arith.andi %and3A_4472, %ge3A_4392 : vector<256x17xi1>
    %mul3A_4495 = arith.mulf %sub3A_4408, %sub3A_4415 : vector<256x17xf32>
    %mul3A_4496 = arith.mulf %slice3A_4393, %mul3A_4495 : vector<256x17xf32>
    %jit3A_4497 = arith.constant 0.000000e+00 : f32
    %broadcast_in_dim3A_4498 = vector.broadcast %jit3A_4497 : f32 to vector<256x17xf32>
    %select_n3A_4499 = arith.select %and3A_4494, %mul3A_4496, %broadcast_in_dim3A_4498 : vector<256x17xi1>, vector<256x17xf32>
    %ge3A_4500 = arith.constant 0.000000e+00 : f32
    %ge3A_4501 = vector.broadcast %ge3A_4500 : f32 to vector<256x17xf32>
    %ge3A_4502 = arith.cmpf oge, %floor3A_4400, %ge3A_4501 : vector<256x17xf32>
    %le3A_4503 = arith.constant 1.500000e+01 : f32
    %le3A_4504 = vector.broadcast %le3A_4503 : f32 to vector<256x17xf32>
    %le3A_4505 = arith.cmpf ole, %floor3A_4400, %le3A_4504 : vector<256x17xf32>
    %and3A_4506 = arith.andi %ge3A_4502, %le3A_4505 : vector<256x17xi1>
    %ge3A_4507 = arith.constant 0.000000e+00 : f32
    %ge3A_4508 = vector.broadcast %ge3A_4507 : f32 to vector<256x17xf32>
    %ge3A_4509 = arith.cmpf oge, %add3A_4407, %ge3A_4508 : vector<256x17xf32>
    %and3A_4510 = arith.andi %and3A_4506, %ge3A_4509 : vector<256x17xi1>
    %le3A_4511 = arith.constant 1.500000e+01 : f32
    %le3A_4512 = vector.broadcast %le3A_4511 : f32 to vector<256x17xf32>
    %le3A_4513 = arith.cmpf ole, %add3A_4407, %le3A_4512 : vector<256x17xf32>
    %and3A_4514 = arith.andi %and3A_4510, %le3A_4513 : vector<256x17xi1>
    %jit3A_4515 = arith.constant 0.000000e+00 : f32
    %jit3A_4516 = arith.constant 1.500000e+01 : f32
    %max3A_4517 = vector.broadcast %jit3A_4515 : f32 to vector<256x17xf32>
    %max3A_4518 = arith.maximumf %max3A_4517, %floor3A_4400 : vector<256x17xf32>
    %min3A_4519 = vector.broadcast %jit3A_4516 : f32 to vector<256x17xf32>
    %min3A_4520 = arith.minimumf %min3A_4519, %max3A_4518 : vector<256x17xf32>
    %convert_element_type3A_4521 = arith.fptosi %min3A_4520 : vector<256x17xf32> to vector<256x17xi32>
    %jit3A_4522 = arith.constant 0.000000e+00 : f32
    %jit3A_4523 = arith.constant 1.500000e+01 : f32
    %max3A_4524 = vector.broadcast %jit3A_4522 : f32 to vector<256x17xf32>
    %max3A_4525 = arith.maximumf %max3A_4524, %add3A_4407 : vector<256x17xf32>
    %min3A_4526 = vector.broadcast %jit3A_4523 : f32 to vector<256x17xf32>
    %min3A_4527 = arith.minimumf %min3A_4526, %max3A_4525 : vector<256x17xf32>
    %convert_element_type3A_4528 = arith.fptosi %min3A_4527 : vector<256x17xf32> to vector<256x17xi32>
    %mul3A_4529 = arith.constant 16 : i32
    %mul3A_4530 = vector.broadcast %mul3A_4529 : i32 to vector<256x17xi32>
    %mul3A_4531 = arith.muli %convert_element_type3A_4528, %mul3A_4530 : vector<256x17xi32>
    %add3A_4532 = arith.constant 32000 : i32
    %add3A_4533 = vector.broadcast %add3A_4532 : i32 to vector<256x17xi32>
    %add3A_4534 = arith.addi %add3A_4533, %mul3A_4531 : vector<256x17xi32>
    %add3A_4535 = arith.addi %add3A_4534, %convert_element_type3A_4521 : vector<256x17xi32>
    %and3A_4536 = arith.andi %and3A_4514, %ge3A_4392 : vector<256x17xi1>
    %mul3A_4537 = arith.mulf %sub3A_4411, %sub3A_4412 : vector<256x17xf32>
    %mul3A_4538 = arith.mulf %slice3A_4393, %mul3A_4537 : vector<256x17xf32>
    %jit3A_4539 = arith.constant 0.000000e+00 : f32
    %broadcast_in_dim3A_4540 = vector.broadcast %jit3A_4539 : f32 to vector<256x17xf32>
    %select_n3A_4541 = arith.select %and3A_4536, %mul3A_4538, %broadcast_in_dim3A_4540 : vector<256x17xi1>, vector<256x17xf32>
    %ge3A_4542 = arith.constant 0.000000e+00 : f32
    %ge3A_4543 = vector.broadcast %ge3A_4542 : f32 to vector<256x17xf32>
    %ge3A_4544 = arith.cmpf oge, %add3A_4404, %ge3A_4543 : vector<256x17xf32>
    %le3A_4545 = arith.constant 1.500000e+01 : f32
    %le3A_4546 = vector.broadcast %le3A_4545 : f32 to vector<256x17xf32>
    %le3A_4547 = arith.cmpf ole, %add3A_4404, %le3A_4546 : vector<256x17xf32>
    %and3A_4548 = arith.andi %ge3A_4544, %le3A_4547 : vector<256x17xi1>
    %ge3A_4549 = arith.constant 0.000000e+00 : f32
    %ge3A_4550 = vector.broadcast %ge3A_4549 : f32 to vector<256x17xf32>
    %ge3A_4551 = arith.cmpf oge, %add3A_4407, %ge3A_4550 : vector<256x17xf32>
    %and3A_4552 = arith.andi %and3A_4548, %ge3A_4551 : vector<256x17xi1>
    %le3A_4553 = arith.constant 1.500000e+01 : f32
    %le3A_4554 = vector.broadcast %le3A_4553 : f32 to vector<256x17xf32>
    %le3A_4555 = arith.cmpf ole, %add3A_4407, %le3A_4554 : vector<256x17xf32>
    %and3A_4556 = arith.andi %and3A_4552, %le3A_4555 : vector<256x17xi1>
    %jit3A_4557 = arith.constant 0.000000e+00 : f32
    %jit3A_4558 = arith.constant 1.500000e+01 : f32
    %max3A_4559 = vector.broadcast %jit3A_4557 : f32 to vector<256x17xf32>
    %max3A_4560 = arith.maximumf %max3A_4559, %add3A_4404 : vector<256x17xf32>
    %min3A_4561 = vector.broadcast %jit3A_4558 : f32 to vector<256x17xf32>
    %min3A_4562 = arith.minimumf %min3A_4561, %max3A_4560 : vector<256x17xf32>
    %convert_element_type3A_4563 = arith.fptosi %min3A_4562 : vector<256x17xf32> to vector<256x17xi32>
    %jit3A_4564 = arith.constant 0.000000e+00 : f32
    %jit3A_4565 = arith.constant 1.500000e+01 : f32
    %max3A_4566 = vector.broadcast %jit3A_4564 : f32 to vector<256x17xf32>
    %max3A_4567 = arith.maximumf %max3A_4566, %add3A_4407 : vector<256x17xf32>
    %min3A_4568 = vector.broadcast %jit3A_4565 : f32 to vector<256x17xf32>
    %min3A_4569 = arith.minimumf %min3A_4568, %max3A_4567 : vector<256x17xf32>
    %convert_element_type3A_4570 = arith.fptosi %min3A_4569 : vector<256x17xf32> to vector<256x17xi32>
    %mul3A_4571 = arith.constant 16 : i32
    %mul3A_4572 = vector.broadcast %mul3A_4571 : i32 to vector<256x17xi32>
    %mul3A_4573 = arith.muli %convert_element_type3A_4570, %mul3A_4572 : vector<256x17xi32>
    %add3A_4574 = arith.constant 32000 : i32
    %add3A_4575 = vector.broadcast %add3A_4574 : i32 to vector<256x17xi32>
    %add3A_4576 = arith.addi %add3A_4575, %mul3A_4573 : vector<256x17xi32>
    %add3A_4577 = arith.addi %add3A_4576, %convert_element_type3A_4563 : vector<256x17xi32>
    %and3A_4578 = arith.andi %and3A_4556, %ge3A_4392 : vector<256x17xi1>
    %mul3A_4579 = arith.mulf %sub3A_4408, %sub3A_4412 : vector<256x17xf32>
    %mul3A_4580 = arith.mulf %slice3A_4393, %mul3A_4579 : vector<256x17xf32>
    %jit3A_4581 = arith.constant 0.000000e+00 : f32
    %broadcast_in_dim3A_4582 = vector.broadcast %jit3A_4581 : f32 to vector<256x17xf32>
    %select_n3A_4583 = arith.select %and3A_4578, %mul3A_4580, %broadcast_in_dim3A_4582 : vector<256x17xi1>, vector<256x17xf32>
    %broadcast_in_dim3A_4584 = arith.constant 0 : i32
    %broadcast_in_dim3A_4585 = vector.broadcast %broadcast_in_dim3A_4584 : i32 to vector<256x56xi32>
    %broadcast_in_dim3A_4586 = arith.constant 0.000000e+00 : f32
    %broadcast_in_dim3A_4587 = vector.broadcast %broadcast_in_dim3A_4586 : f32 to vector<256x56xf32>
    %concatenate3A_4588 = tpu.concatenate %add3A_1153, %add3A_1195, %add3A_1237, %add3A_1279, %add3A_1347, %add3A_1389, %add3A_1431, %add3A_1473, %add3A_1541, %add3A_1583, %add3A_1625, %add3A_1667, %add3A_1735, %add3A_1777, %add3A_1819, %add3A_1861, %add3A_1929, %add3A_1971, %add3A_2013, %add3A_2055, %add3A_2123, %add3A_2165, %add3A_2207, %add3A_2249, %add3A_2317, %add3A_2359, %add3A_2401, %add3A_2443, %add3A_2511, %add3A_2553, %add3A_2595, %add3A_2637, %add3A_2705, %add3A_2747, %add3A_2789, %add3A_2831, %add3A_2899, %add3A_2941, %add3A_2983, %add3A_3025, %add3A_3093, %add3A_3135, %add3A_3177, %add3A_3219, %add3A_3287, %add3A_3329, %add3A_3371, %add3A_3413, %add3A_3481, %add3A_3523, %add3A_3565, %add3A_3607, %add3A_3675, %add3A_3717, %add3A_3759, %add3A_3801, %add3A_3869, %add3A_3911, %add3A_3953, %add3A_3995, %add3A_4063, %add3A_4105, %add3A_4147, %add3A_4189, %add3A_4257, %add3A_4299, %add3A_4341, %add3A_4383, %add3A_4451, %add3A_4493, %add3A_4535, %add3A_4577, %broadcast_in_dim3A_4585 in 1 : vector<256x17xi32>, vector<256x17xi32>, vector<256x17xi32>, vector<256x17xi32>, vector<256x17xi32>, vector<256x17xi32>, vector<256x17xi32>, vector<256x17xi32>, vector<256x17xi32>, vector<256x17xi32>, vector<256x17xi32>, vector<256x17xi32>, vector<256x17xi32>, vector<256x17xi32>, vector<256x17xi32>, vector<256x17xi32>, vector<256x17xi32>, vector<256x17xi32>, vector<256x17xi32>, vector<256x17xi32>, vector<256x17xi32>, vector<256x17xi32>, vector<256x17xi32>, vector<256x17xi32>, vector<256x17xi32>, vector<256x17xi32>, vector<256x17xi32>, vector<256x17xi32>, vector<256x17xi32>, vector<256x17xi32>, vector<256x17xi32>, vector<256x17xi32>, vector<256x17xi32>, vector<256x17xi32>, vector<256x17xi32>, vector<256x17xi32>, vector<256x17xi32>, vector<256x17xi32>, vector<256x17xi32>, vector<256x17xi32>, vector<256x17xi32>, vector<256x17xi32>, vector<256x17xi32>, vector<256x17xi32>, vector<256x17xi32>, vector<256x17xi32>, vector<256x17xi32>, vector<256x17xi32>, vector<256x17xi32>, vector<256x17xi32>, vector<256x17xi32>, vector<256x17xi32>, vector<256x17xi32>, vector<256x17xi32>, vector<256x17xi32>, vector<256x17xi32>, vector<256x17xi32>, vector<256x17xi32>, vector<256x17xi32>, vector<256x17xi32>, vector<256x17xi32>, vector<256x17xi32>, vector<256x17xi32>, vector<256x17xi32>, vector<256x17xi32>, vector<256x17xi32>, vector<256x17xi32>, vector<256x17xi32>, vector<256x17xi32>, vector<256x17xi32>, vector<256x17xi32>, vector<256x17xi32>, vector<256x56xi32> -> vector<256x1280xi32>
    %swap3A_4589 = arith.constant 0 : index
    %swap3A_4590 = arith.constant 0 : index
    %swap3A_4591 = vector.load %arg12[%swap3A_4589, %swap3A_4590] : memref<256x1280xi32, #tpu.memory_space<vmem>>, vector<256x1280xi32>
    tpu.vector_store %arg12[%swap3A_4589, %swap3A_4590], %concatenate3A_4588 {strides = array<i32>} : memref<256x1280xi32, #tpu.memory_space<vmem>>, vector<256x1280xi32>,
    %concatenate3A_4592 = tpu.concatenate %select_n3A_1159, %select_n3A_1201, %select_n3A_1243, %select_n3A_1285, %select_n3A_1353, %select_n3A_1395, %select_n3A_1437, %select_n3A_1479, %select_n3A_1547, %select_n3A_1589, %select_n3A_1631, %select_n3A_1673, %select_n3A_1741, %select_n3A_1783, %select_n3A_1825, %select_n3A_1867, %select_n3A_1935, %select_n3A_1977, %select_n3A_2019, %select_n3A_2061, %select_n3A_2129, %select_n3A_2171, %select_n3A_2213, %select_n3A_2255, %select_n3A_2323, %select_n3A_2365, %select_n3A_2407, %select_n3A_2449, %select_n3A_2517, %select_n3A_2559, %select_n3A_2601, %select_n3A_2643, %select_n3A_2711, %select_n3A_2753, %select_n3A_2795, %select_n3A_2837, %select_n3A_2905, %select_n3A_2947, %select_n3A_2989, %select_n3A_3031, %select_n3A_3099, %select_n3A_3141, %select_n3A_3183, %select_n3A_3225, %select_n3A_3293, %select_n3A_3335, %select_n3A_3377, %select_n3A_3419, %select_n3A_3487, %select_n3A_3529, %select_n3A_3571, %select_n3A_3613, %select_n3A_3681, %select_n3A_3723, %select_n3A_3765, %select_n3A_3807, %select_n3A_3875, %select_n3A_3917, %select_n3A_3959, %select_n3A_4001, %select_n3A_4069, %select_n3A_4111, %select_n3A_4153, %select_n3A_4195, %select_n3A_4263, %select_n3A_4305, %select_n3A_4347, %select_n3A_4389, %select_n3A_4457, %select_n3A_4499, %select_n3A_4541, %select_n3A_4583, %broadcast_in_dim3A_4587 in 1 : vector<256x17xf32>, vector<256x17xf32>, vector<256x17xf32>, vector<256x17xf32>, vector<256x17xf32>, vector<256x17xf32>, vector<256x17xf32>, vector<256x17xf32>, vector<256x17xf32>, vector<256x17xf32>, vector<256x17xf32>, vector<256x17xf32>, vector<256x17xf32>, vector<256x17xf32>, vector<256x17xf32>, vector<256x17xf32>, vector<256x17xf32>, vector<256x17xf32>, vector<256x17xf32>, vector<256x17xf32>, vector<256x17xf32>, vector<256x17xf32>, vector<256x17xf32>, vector<256x17xf32>, vector<256x17xf32>, vector<256x17xf32>, vector<256x17xf32>, vector<256x17xf32>, vector<256x17xf32>, vector<256x17xf32>, vector<256x17xf32>, vector<256x17xf32>, vector<256x17xf32>, vector<256x17xf32>, vector<256x17xf32>, vector<256x17xf32>, vector<256x17xf32>, vector<256x17xf32>, vector<256x17xf32>, vector<256x17xf32>, vector<256x17xf32>, vector<256x17xf32>, vector<256x17xf32>, vector<256x17xf32>, vector<256x17xf32>, vector<256x17xf32>, vector<256x17xf32>, vector<256x17xf32>, vector<256x17xf32>, vector<256x17xf32>, vector<256x17xf32>, vector<256x17xf32>, vector<256x17xf32>, vector<256x17xf32>, vector<256x17xf32>, vector<256x17xf32>, vector<256x17xf32>, vector<256x17xf32>, vector<256x17xf32>, vector<256x17xf32>, vector<256x17xf32>, vector<256x17xf32>, vector<256x17xf32>, vector<256x17xf32>, vector<256x17xf32>, vector<256x17xf32>, vector<256x17xf32>, vector<256x17xf32>, vector<256x17xf32>, vector<256x17xf32>, vector<256x17xf32>, vector<256x17xf32>, vector<256x56xf32> -> vector<256x1280xf32>
    %swap3A_4593 = arith.constant 0 : index
    %swap3A_4594 = arith.constant 0 : index
    %swap3A_4595 = vector.load %arg13[%swap3A_4593, %swap3A_4594] : memref<256x1280xf32, #tpu.memory_space<vmem>>, vector<256x1280xf32>
    tpu.vector_store %arg13[%swap3A_4593, %swap3A_4594], %concatenate3A_4592 {strides = array<i32>} : memref<256x1280xf32, #tpu.memory_space<vmem>>, vector<256x1280xf32>,
    %get3A_4596 = arith.constant 0 : index
    %get3A_4597 = arith.constant 3 : index
    %get3A_4598 = arith.constant 0 : index
    %get3A_4599 = memref.load %arg4[%get3A_4596, %get3A_4597, %get3A_4598] : memref<1x4x10xf32, #tpu.memory_space<smem>>
    %get3A_4600 = arith.constant 0 : index
    %get3A_4601 = arith.constant 0 : index
    %get3A_4602 = arith.constant 0 : index
    %get3A_4603 = memref.load %arg4[%get3A_4600, %get3A_4601, %get3A_4602] : memref<1x4x10xf32, #tpu.memory_space<smem>>
    %sub3A_4604 = arith.subf %get3A_4603, %get3A_4599 : f32
    %mul3A_4605 = arith.mulf %sub3A_4604, %sub3A_4604 : f32
    %neg3A = arith.constant 0.000000e+00 : f32
    %neg3A_4606 = arith.subf %neg3A, %mul3A_4605 : f32
    %div3A_4607 = arith.constant 5.000000e-01 : f32
    %div3A_4608 = arith.divf %neg3A_4606, %div3A_4607 : f32
    %mul3A_4609 = arith.constant 3.000000e+00 : f32
    %mul3A_4610 = arith.mulf %div3A_4608, %mul3A_4609 : f32
    %exp3A = math.exp %mul3A_4610 : f32
    %broadcast_in_dim3A_4611 = vector.broadcast %exp3A : f32 to vector<1x1xf32>
    %get3A_4612 = arith.constant 0 : index
    %get3A_4613 = arith.constant 1 : index
    %get3A_4614 = arith.constant 0 : index
    %get3A_4615 = memref.load %arg4[%get3A_4612, %get3A_4613, %get3A_4614] : memref<1x4x10xf32, #tpu.memory_space<smem>>
    %sub3A_4616 = arith.subf %get3A_4615, %get3A_4599 : f32
    %mul3A_4617 = arith.mulf %sub3A_4616, %sub3A_4616 : f32
    %neg3A_4618 = arith.constant 0.000000e+00 : f32
    %neg3A_4619 = arith.subf %neg3A_4618, %mul3A_4617 : f32
    %div3A_4620 = arith.constant 5.000000e-01 : f32
    %div3A_4621 = arith.divf %neg3A_4619, %div3A_4620 : f32
    %mul3A_4622 = arith.constant 3.000000e+00 : f32
    %mul3A_4623 = arith.mulf %div3A_4621, %mul3A_4622 : f32
    %exp3A_4624 = math.exp %mul3A_4623 : f32
    %broadcast_in_dim3A_4625 = vector.broadcast %exp3A_4624 : f32 to vector<1x1xf32>
    %get3A_4626 = arith.constant 0 : index
    %get3A_4627 = arith.constant 2 : index
    %get3A_4628 = arith.constant 0 : index
    %get3A_4629 = memref.load %arg4[%get3A_4626, %get3A_4627, %get3A_4628] : memref<1x4x10xf32, #tpu.memory_space<smem>>
    %sub3A_4630 = arith.subf %get3A_4629, %get3A_4599 : f32
    %mul3A_4631 = arith.mulf %sub3A_4630, %sub3A_4630 : f32
    %neg3A_4632 = arith.constant 0.000000e+00 : f32
    %neg3A_4633 = arith.subf %neg3A_4632, %mul3A_4631 : f32
    %div3A_4634 = arith.constant 5.000000e-01 : f32
    %div3A_4635 = arith.divf %neg3A_4633, %div3A_4634 : f32
    %mul3A_4636 = arith.constant 3.000000e+00 : f32
    %mul3A_4637 = arith.mulf %div3A_4635, %mul3A_4636 : f32
    %exp3A_4638 = math.exp %mul3A_4637 : f32
    %broadcast_in_dim3A_4639 = vector.broadcast %exp3A_4638 : f32 to vector<1x1xf32>
    %get3A_4640 = arith.constant 0 : index
    %get3A_4641 = arith.constant 3 : index
    %get3A_4642 = arith.constant 0 : index
    %get3A_4643 = memref.load %arg4[%get3A_4640, %get3A_4641, %get3A_4642] : memref<1x4x10xf32, #tpu.memory_space<smem>>
    %sub3A_4644 = arith.subf %get3A_4643, %get3A_4599 : f32
    %mul3A_4645 = arith.mulf %sub3A_4644, %sub3A_4644 : f32
    %neg3A_4646 = arith.constant 0.000000e+00 : f32
    %neg3A_4647 = arith.subf %neg3A_4646, %mul3A_4645 : f32
    %div3A_4648 = arith.constant 5.000000e-01 : f32
    %div3A_4649 = arith.divf %neg3A_4647, %div3A_4648 : f32
    %mul3A_4650 = arith.constant 3.000000e+00 : f32
    %mul3A_4651 = arith.mulf %div3A_4649, %mul3A_4650 : f32
    %exp3A_4652 = math.exp %mul3A_4651 : f32
    %broadcast_in_dim3A_4653 = vector.broadcast %exp3A_4652 : f32 to vector<1x1xf32>
    %concatenate3A_4654 = tpu.concatenate %broadcast_in_dim3A_4611, %broadcast_in_dim3A_4625, %broadcast_in_dim3A_4639, %broadcast_in_dim3A_4653 in 1 : vector<1x1xf32>, vector<1x1xf32>, vector<1x1xf32>, vector<1x1xf32> -> vector<1x4xf32>
    %swap3A_4655 = arith.constant 0 : index
    %swap3A_4656 = arith.constant 0 : index
    %swap3A_4657 = vector.load %arg14[%swap3A_4655, %swap3A_4656] : memref<1x4xf32, #tpu.memory_space<vmem>>, vector<1x4xf32>
    tpu.vector_store %arg14[%swap3A_4655, %swap3A_4656], %concatenate3A_4654 {strides = array<i32>} : memref<1x4xf32, #tpu.memory_space<vmem>>, vector<1x4xf32>,
    return
  }
}

module attributes {stable_mosaic.version = 14 : i64} {
  func.func @_treduce_body(%arg0: i32, %arg1: i32, %arg2: memref<1x4xf32, #tpu.memory_space<smem>>, %arg3: memref<1x4x256x16x32xf32, #tpu.memory_space<vmem>>, %arg4: memref<512x256xf32, #tpu.memory_space<vmem>>) attributes {dimension_semantics = [#tpu.dimension_semantics<arbitrary>, #tpu.dimension_semantics<arbitrary>], iteration_bounds = array<i64: 6, 2>, scalar_prefetch = 0 : i64, scratch_operands = 0 : i64, tpu.core_type = #tpu.core_type<tc>, window_params = [{transform_indices = @transform_0, window_bounds = array<i64: 1, 4>}, {transform_indices = @transform_1, window_bounds = array<i64: 1, 4, 256, 16, 32>}, {transform_indices = @transform_2, window_bounds = array<i64: 512, 256>}]} {
    %get3A = arith.constant 0 : index
    %get3A_0 = arith.constant 0 : index
    %get3A_1 = arith.constant 0 : index
    %get3A_2 = arith.constant 0 : index
    %get3A_3 = arith.constant 0 : index
    %get3A_4 = vector.load %arg3[%get3A, %get3A_0, %get3A_1, %get3A_2, %get3A_3] : memref<1x4x256x16x32xf32, #tpu.memory_space<vmem>>, vector<1x1x256x16x32xf32>
    %get3A_5 = vector.shape_cast %get3A_4 : vector<1x1x256x16x32xf32> to vector<256x16x32xf32>
    %get3A_6 = arith.constant 0 : index
    %get3A_7 = arith.constant 0 : index
    %get3A_8 = memref.load %arg2[%get3A_6, %get3A_7] : memref<1x4xf32, #tpu.memory_space<smem>>
    %mul3A = vector.broadcast %get3A_8 : f32 to vector<256x16x32xf32>
    %mul3A_9 = arith.mulf %get3A_5, %mul3A : vector<256x16x32xf32>
    %get3A_10 = arith.constant 0 : index
    %get3A_11 = arith.constant 1 : index
    %get3A_12 = arith.constant 0 : index
    %get3A_13 = arith.constant 0 : index
    %get3A_14 = arith.constant 0 : index
    %get3A_15 = vector.load %arg3[%get3A_10, %get3A_11, %get3A_12, %get3A_13, %get3A_14] : memref<1x4x256x16x32xf32, #tpu.memory_space<vmem>>, vector<1x1x256x16x32xf32>
    %get3A_16 = vector.shape_cast %get3A_15 : vector<1x1x256x16x32xf32> to vector<256x16x32xf32>
    %get3A_17 = arith.constant 0 : index
    %get3A_18 = arith.constant 1 : index
    %get3A_19 = memref.load %arg2[%get3A_17, %get3A_18] : memref<1x4xf32, #tpu.memory_space<smem>>
    %mul3A_20 = vector.broadcast %get3A_19 : f32 to vector<256x16x32xf32>
    %mul3A_21 = arith.mulf %get3A_16, %mul3A_20 : vector<256x16x32xf32>
    %add3A = arith.addf %mul3A_9, %mul3A_21 : vector<256x16x32xf32>
    %get3A_22 = arith.constant 0 : index
    %get3A_23 = arith.constant 2 : index
    %get3A_24 = arith.constant 0 : index
    %get3A_25 = arith.constant 0 : index
    %get3A_26 = arith.constant 0 : index
    %get3A_27 = vector.load %arg3[%get3A_22, %get3A_23, %get3A_24, %get3A_25, %get3A_26] : memref<1x4x256x16x32xf32, #tpu.memory_space<vmem>>, vector<1x1x256x16x32xf32>
    %get3A_28 = vector.shape_cast %get3A_27 : vector<1x1x256x16x32xf32> to vector<256x16x32xf32>
    %get3A_29 = arith.constant 0 : index
    %get3A_30 = arith.constant 2 : index
    %get3A_31 = memref.load %arg2[%get3A_29, %get3A_30] : memref<1x4xf32, #tpu.memory_space<smem>>
    %mul3A_32 = vector.broadcast %get3A_31 : f32 to vector<256x16x32xf32>
    %mul3A_33 = arith.mulf %get3A_28, %mul3A_32 : vector<256x16x32xf32>
    %add3A_34 = arith.addf %add3A, %mul3A_33 : vector<256x16x32xf32>
    %get3A_35 = arith.constant 0 : index
    %get3A_36 = arith.constant 3 : index
    %get3A_37 = arith.constant 0 : index
    %get3A_38 = arith.constant 0 : index
    %get3A_39 = arith.constant 0 : index
    %get3A_40 = vector.load %arg3[%get3A_35, %get3A_36, %get3A_37, %get3A_38, %get3A_39] : memref<1x4x256x16x32xf32, #tpu.memory_space<vmem>>, vector<1x1x256x16x32xf32>
    %get3A_41 = vector.shape_cast %get3A_40 : vector<1x1x256x16x32xf32> to vector<256x16x32xf32>
    %get3A_42 = arith.constant 0 : index
    %get3A_43 = arith.constant 3 : index
    %get3A_44 = memref.load %arg2[%get3A_42, %get3A_43] : memref<1x4xf32, #tpu.memory_space<smem>>
    %mul3A_45 = vector.broadcast %get3A_44 : f32 to vector<256x16x32xf32>
    %mul3A_46 = arith.mulf %get3A_41, %mul3A_45 : vector<256x16x32xf32>
    %add3A_47 = arith.addf %add3A_34, %mul3A_46 : vector<256x16x32xf32>
    %reshape3A = vector.shape_cast %add3A_47 : vector<256x16x32xf32> to vector<256x512xf32>
    %transpose3A = tpu.transpose %reshape3A, [1, 0] : vector<256x512xf32> -> vector<512x256xf32>
    %swap3A = arith.constant 0 : index
    %swap3A_48 = arith.constant 0 : index
    %swap3A_49 = vector.load %arg4[%swap3A, %swap3A_48] : memref<512x256xf32, #tpu.memory_space<vmem>>, vector<512x256xf32>
    tpu.vector_store %arg4[%swap3A, %swap3A_48], %transpose3A {strides = array<i32>} : memref<512x256xf32, #tpu.memory_space<vmem>>, vector<512x256xf32>,
    return
  }
  func.func @transform_0(%arg0: i32, %arg1: i32) -> (i32, i32) {
    %c0_i32 = arith.constant 0 : i32
    %c0_i32_0 = arith.constant 0 : i32
    %c0_i32_1 = arith.constant 0 : i32
    return %c0_i32, %c0_i32_0 : i32, i32
  }
  func.func @transform_1(%arg0: i32, %arg1: i32) -> (i32, i32, i32, i32, i32) {
    %c0_i32 = arith.constant 0 : i32
    %c0_i32_0 = arith.constant 0 : i32
    %c0_i32_1 = arith.constant 0 : i32
    %c0_i32_2 = arith.constant 0 : i32
    return %arg0, %c0_i32, %c0_i32_0, %arg1, %c0_i32_1 : i32, i32, i32, i32, i32
  }
  func.func @transform_2(%arg0: i32, %arg1: i32) -> (i32, i32) {
    %mul3A = arith.constant 2 : i32
    %mul3A_0 = arith.muli %arg0, %mul3A : i32
    %add3A = arith.addi %mul3A_0, %arg1 : i32
    %c0_i32 = arith.constant 0 : i32
    %c0_i32_1 = arith.constant 0 : i32
    return %add3A, %c0_i32 : i32, i32
  }
}

module attributes {stable_mosaic.version = 14 : i64} {
  func.func @_treduce_body(%arg0: i32, %arg1: i32, %arg2: memref<1x4xf32, #tpu.memory_space<smem>>, %arg3: memref<1x4x256x16x16xf32, #tpu.memory_space<vmem>>, %arg4: memref<256x256xf32, #tpu.memory_space<vmem>>) attributes {dimension_semantics = [#tpu.dimension_semantics<arbitrary>, #tpu.dimension_semantics<arbitrary>], iteration_bounds = array<i64: 6, 1>, scalar_prefetch = 0 : i64, scratch_operands = 0 : i64, tpu.core_type = #tpu.core_type<tc>, window_params = [{transform_indices = @transform_0, window_bounds = array<i64: 1, 4>}, {transform_indices = @transform_1, window_bounds = array<i64: 1, 4, 256, 16, 16>}, {transform_indices = @transform_2, window_bounds = array<i64: 256, 256>}]} {
    %get3A = arith.constant 0 : index
    %get3A_0 = arith.constant 0 : index
    %get3A_1 = arith.constant 0 : index
    %get3A_2 = arith.constant 0 : index
    %get3A_3 = arith.constant 0 : index
    %get3A_4 = vector.load %arg3[%get3A, %get3A_0, %get3A_1, %get3A_2, %get3A_3] : memref<1x4x256x16x16xf32, #tpu.memory_space<vmem>>, vector<1x1x256x16x16xf32>
    %get3A_5 = vector.shape_cast %get3A_4 : vector<1x1x256x16x16xf32> to vector<256x16x16xf32>
    %get3A_6 = arith.constant 0 : index
    %get3A_7 = arith.constant 0 : index
    %get3A_8 = memref.load %arg2[%get3A_6, %get3A_7] : memref<1x4xf32, #tpu.memory_space<smem>>
    %mul3A = vector.broadcast %get3A_8 : f32 to vector<256x16x16xf32>
    %mul3A_9 = arith.mulf %get3A_5, %mul3A : vector<256x16x16xf32>
    %get3A_10 = arith.constant 0 : index
    %get3A_11 = arith.constant 1 : index
    %get3A_12 = arith.constant 0 : index
    %get3A_13 = arith.constant 0 : index
    %get3A_14 = arith.constant 0 : index
    %get3A_15 = vector.load %arg3[%get3A_10, %get3A_11, %get3A_12, %get3A_13, %get3A_14] : memref<1x4x256x16x16xf32, #tpu.memory_space<vmem>>, vector<1x1x256x16x16xf32>
    %get3A_16 = vector.shape_cast %get3A_15 : vector<1x1x256x16x16xf32> to vector<256x16x16xf32>
    %get3A_17 = arith.constant 0 : index
    %get3A_18 = arith.constant 1 : index
    %get3A_19 = memref.load %arg2[%get3A_17, %get3A_18] : memref<1x4xf32, #tpu.memory_space<smem>>
    %mul3A_20 = vector.broadcast %get3A_19 : f32 to vector<256x16x16xf32>
    %mul3A_21 = arith.mulf %get3A_16, %mul3A_20 : vector<256x16x16xf32>
    %add3A = arith.addf %mul3A_9, %mul3A_21 : vector<256x16x16xf32>
    %get3A_22 = arith.constant 0 : index
    %get3A_23 = arith.constant 2 : index
    %get3A_24 = arith.constant 0 : index
    %get3A_25 = arith.constant 0 : index
    %get3A_26 = arith.constant 0 : index
    %get3A_27 = vector.load %arg3[%get3A_22, %get3A_23, %get3A_24, %get3A_25, %get3A_26] : memref<1x4x256x16x16xf32, #tpu.memory_space<vmem>>, vector<1x1x256x16x16xf32>
    %get3A_28 = vector.shape_cast %get3A_27 : vector<1x1x256x16x16xf32> to vector<256x16x16xf32>
    %get3A_29 = arith.constant 0 : index
    %get3A_30 = arith.constant 2 : index
    %get3A_31 = memref.load %arg2[%get3A_29, %get3A_30] : memref<1x4xf32, #tpu.memory_space<smem>>
    %mul3A_32 = vector.broadcast %get3A_31 : f32 to vector<256x16x16xf32>
    %mul3A_33 = arith.mulf %get3A_28, %mul3A_32 : vector<256x16x16xf32>
    %add3A_34 = arith.addf %add3A, %mul3A_33 : vector<256x16x16xf32>
    %get3A_35 = arith.constant 0 : index
    %get3A_36 = arith.constant 3 : index
    %get3A_37 = arith.constant 0 : index
    %get3A_38 = arith.constant 0 : index
    %get3A_39 = arith.constant 0 : index
    %get3A_40 = vector.load %arg3[%get3A_35, %get3A_36, %get3A_37, %get3A_38, %get3A_39] : memref<1x4x256x16x16xf32, #tpu.memory_space<vmem>>, vector<1x1x256x16x16xf32>
    %get3A_41 = vector.shape_cast %get3A_40 : vector<1x1x256x16x16xf32> to vector<256x16x16xf32>
    %get3A_42 = arith.constant 0 : index
    %get3A_43 = arith.constant 3 : index
    %get3A_44 = memref.load %arg2[%get3A_42, %get3A_43] : memref<1x4xf32, #tpu.memory_space<smem>>
    %mul3A_45 = vector.broadcast %get3A_44 : f32 to vector<256x16x16xf32>
    %mul3A_46 = arith.mulf %get3A_41, %mul3A_45 : vector<256x16x16xf32>
    %add3A_47 = arith.addf %add3A_34, %mul3A_46 : vector<256x16x16xf32>
    %reshape3A = vector.shape_cast %add3A_47 : vector<256x16x16xf32> to vector<256x256xf32>
    %transpose3A = tpu.transpose %reshape3A, [1, 0] : vector<256x256xf32> -> vector<256x256xf32>
    %swap3A = arith.constant 0 : index
    %swap3A_48 = arith.constant 0 : index
    %swap3A_49 = vector.load %arg4[%swap3A, %swap3A_48] : memref<256x256xf32, #tpu.memory_space<vmem>>, vector<256x256xf32>
    tpu.vector_store %arg4[%swap3A, %swap3A_48], %transpose3A {strides = array<i32>} : memref<256x256xf32, #tpu.memory_space<vmem>>, vector<256x256xf32>,
    return
  }
  func.func @transform_0(%arg0: i32, %arg1: i32) -> (i32, i32) {
    %c0_i32 = arith.constant 0 : i32
    %c0_i32_0 = arith.constant 0 : i32
    %c0_i32_1 = arith.constant 0 : i32
    return %c0_i32, %c0_i32_0 : i32, i32
  }
  func.func @transform_1(%arg0: i32, %arg1: i32) -> (i32, i32, i32, i32, i32) {
    %c0_i32 = arith.constant 0 : i32
    %c0_i32_0 = arith.constant 0 : i32
    %c0_i32_1 = arith.constant 0 : i32
    %c0_i32_2 = arith.constant 0 : i32
    return %arg0, %c0_i32, %c0_i32_0, %arg1, %c0_i32_1 : i32, i32, i32, i32, i32
  }
  func.func @transform_2(%arg0: i32, %arg1: i32) -> (i32, i32) {
    %mul3A = arith.constant 1 : i32
    %mul3A_0 = arith.muli %arg0, %mul3A : i32
    %add3A = arith.addi %mul3A_0, %arg1 : i32
    %c0_i32 = arith.constant 0 : i32
    %c0_i32_1 = arith.constant 0 : i32
    return %add3A, %c0_i32 : i32, i32
  }
}

</mosaic_0001>

<sc_bundles>
// kernel: kernel.7.cloned.1.call-start
scs
__scs_entry_jumppad:
0x0: {  	(pc) =	sbr.rel $0x88, $3  }
0x1: {  	(tag) =	ssettag $0x0;
	lr =	simm.s32 $0x1  }
0x2: {  	[smem:$0x3F94] =	sst lr;
	_ =	strace $0xD0000000  }
0x3: {  	_ = 	snop  }
0x4: {  	_ = 	snop  }
0x5: {  	_ = 	snop  }
0x6: {  	_ = 	snop  }
0x7: {  	_ = 	snop  }
__scs_overlays_trampoline_lowered:
0x8: {  	[smem:$0x3FA3] =	sst s0  }
0x9: {  	[smem:$0x3FA4] =	sst s1  }
0xa: {  	[smem:$0x3FA5] =	sst s2  }
0xb: {  	[smem:$0x3FA6] =	sst s3  }
0xc: {  	[smem:$0x3FA7] =	sst s4  }
0xd: {  	[smem:$0x3FA8] =	sst s5  }
0xe: {  	[smem:$0x3FA9] =	sst s6  }
0xf: {  	[smem:$0x3FAA] =	sst s7  }
0x10: {  	[smem:$0x3FAB] =	sst s8  }
0x11: {  	[smem:$0x3FAC] =	sst s9;
	s0 =	simm.s32 @!p0 $0x0  }
0x12: {  	s1 =	sld [smem:$0x3F92];
	s0 =	simm.s32 @p0 $0x1  }
0x13: {  	[smem:$0x3FAD] =	sst s0;
	s0 =	simm.s32 @!p1 $0x0  }
0x14: {  	s2 =	sld [smem:$0x3F91];
	s0 =	simm.s32 @p1 $0x1  }
0x15: {  	[smem:$0x3FAE] =	sst s0;
	s0 =	simm.s32 @!p2 $0x0  }
0x16: {  	s3 =	sld [smem:$0x3FDB];
	s0 =	simm.s32 @p2 $0x1  }
0x17: {  	s4 =	simm.s32 $0x1BF5;
	[smem:$0x3FB0] =	sst s0  }
0x18: {  	s0 =	sld [smem:$0x3F93];
	_ =	swait.ge [sflag:s4], $0x0  }
0x19: {  	s7 =	sld [smem:$0x3F94]  }
0x1a: {  	s8 =	sadd.s32 $0xFFFFE003, lr  }
0x1b: {  	s9 =	sadd.s32 $0xFFFFFEF7, lr;
	s5 =	simm.s32 $0xFFFFFFFF;
	p2 =	slt.u32 s8, $0xFFFFF086  }
0x1c: {  	p1 =	slt.u32 s9, $0xF7A;
	s5 =	simm.s32 @!p2 $0x0  }
0x1d: {  	s5 =	simm.s32 @p1 $0x1;
	p0 =	seq.s32 s7, s2  }
0x1e: {  	s7 =	smul.u32 @!p0 $0xF7A, s2;
	p2 =	seq.s32 @!p0 s5, $0x0  }
0x1f: {  	s9 =	smul.u32 $0xF7A, s1;
	s8 =	simm.s32 @!p0 $0x1BF5;
	p2 =	por !p2, p0  }
0x20: {  	[sflag:s8] =	ssyncset.s32 @!p0 $0xFFFFF086;
	s6 =	sadd.s32 @!p0 s3, s7;
	s7 =	simm.s32 @!p0 $0x108  }
0x21: {  	s3 =	sadd.s32 s3, s9;
	s6 =	sadd.s32 @!p0 $0x88, s6;
	s7 =	simm.s32 @p2 $0x1082  }
0x22: {  	[simem:s7], [sflag:s8] =	dma.local @!p0 [hbm:s6], $0xF7A  }
0x23: {  	s9 =	sor.u32 $0xD0000000, s2;
	s6 =	simm.s32 $0x108;
	_ =	swait.ge @!p0 [sflag:s8], $0x0  }
0x24: {  	s3 =	sadd.s32 $0x88, s3;
	s6 =	simm.s32 @!p1 $0x1082;
	[sflag:s4] =	ssyncset.s32 $0xFFFFF086  }
0x25: {  	[simem:s6], [sflag:s4] =	dma.local [hbm:s3], $0xF7A  }
0x26: {  	[smem:$0x3F94] =	sst s1;
	(tag) =	ssettag s2;
	_ =	strace s9  }
0x27: {  	s1 =	sld [smem:$0x3FA4]  }
0x28: {  	s2 =	sld [smem:$0x3FA5]  }
0x29: {  	s4 =	sld [smem:$0x3FA7]  }
0x2a: {  	p0 =	seq.s32 s5, $0x0;
	s5 =	sld [smem:$0x3FA8]  }
0x2b: {  	s6 =	sld [smem:$0x3FA9]  }
0x2c: {  	s7 =	sld [smem:$0x3FAA]  }
0x2d: {  	s3 =	simm.s32 $0x108;
	s8 =	sld [smem:$0x3FAB]  }
0x2e: {  	s3 =	simm.s32 @!p0 $0x1082;
	s9 =	sld [smem:$0x3FAC]  }
0x2f: {  	lr =	sadd.s32 s0, s3;
	s0 =	sld [smem:$0x3FA3]  }
0x30: {  	s3 =	sld [smem:$0x3FA6]  }
0x31: {  	[smem:$0x3FAF] =	sst s10  }
0x32: {  	s10 =	sld [smem:$0x3FAD];
	_ =	sdelay $0x3  }
0x33: {  	p0 =	seq.s32 s10, $0x1;
	s10 =	sld [smem:$0x3FAF];
	_ =	sdelay $0x3  }
0x34: {  	[smem:$0x3FAF] =	sst s10  }
0x35: {  	s10 =	sld [smem:$0x3FAE];
	_ =	sdelay $0x3  }
0x36: {  	p1 =	seq.s32 s10, $0x1;
	s10 =	sld [smem:$0x3FAF];
	_ =	sdelay $0x3  }
0x37: {  	[smem:$0x3FAF] =	sst s10  }
0x38: {  	s10 =	sld [smem:$0x3FB0]  }
0x39: {  	_ = 	snop;
	(pc) =	sbr.ind lr, $3  }
0x3a: {  	_ = 	snop  }
0x3b: {  	_ = 	snop  }
0x3c: {  	p2 =	seq.s32 s10, $0x1;
	s10 =	sld [smem:$0x3FAF]  }
0x3d: {  	_ =	shalt  }
0x3e: {  	_ =	shalt  }
0x3f: {  	_ =	shalt  }
0x40: {  	_ =	shalt  }
0x41: {  	_ =	shalt  }
0x42: {  	_ =	shalt  }
0x43: {  	_ =	shalt  }
0x44: {  	_ =	shalt  }
0x45: {  	_ =	shalt  }
0x46: {  	_ =	shalt  }
0x47: {  	_ =	shalt  }
0x48: {  	_ =	shalt  }
0x49: {  	_ =	shalt  }
0x4a: {  	_ =	shalt  }
0x4b: {  	_ =	shalt  }
0x4c: {  	_ =	shalt  }
0x4d: {  	_ =	shalt  }
0x4e: {  	_ =	shalt  }
0x4f: {  	_ =	shalt  }
0x50: {  	_ =	shalt  }
0x51: {  	_ =	shalt  }
0x52: {  	_ =	shalt  }
0x53: {  	_ =	shalt  }
0x54: {  	_ =	shalt  }
0x55: {  	_ =	shalt  }
0x56: {  	_ =	shalt  }
0x57: {  	_ =	shalt  }
0x58: {  	_ =	shalt  }
0x59: {  	_ =	shalt  }
0x5a: {  	_ =	shalt  }
0x5b: {  	_ =	shalt  }
0x5c: {  	_ =	shalt  }
0x5d: {  	_ =	shalt  }
0x5e: {  	_ =	shalt  }
0x5f: {  	_ =	shalt  }
0x60: {  	_ =	shalt  }
0x61: {  	_ =	shalt  }
0x62: {  	_ =	shalt  }
0x63: {  	_ =	shalt  }
0x64: {  	_ =	shalt  }
0x65: {  	_ =	shalt  }
0x66: {  	_ =	shalt  }
0x67: {  	_ =	shalt  }
0x68: {  	_ =	shalt  }
0x69: {  	_ =	shalt  }
0x6a: {  	_ =	shalt  }
0x6b: {  	_ =	shalt  }
0x6c: {  	_ =	shalt  }
0x6d: {  	_ =	shalt  }
0x6e: {  	_ =	shalt  }
0x6f: {  	_ =	shalt  }
0x70: {  	_ =	shalt  }
0x71: {  	_ =	shalt  }
0x72: {  	_ =	shalt  }
0x73: {  	_ =	shalt  }
0x74: {  	_ =	shalt  }
0x75: {  	_ =	shalt  }
0x76: {  	_ =	shalt  }
0x77: {  	_ =	shalt  }
0x78: {  	_ =	shalt  }
0x79: {  	_ =	shalt  }
0x7a: {  	_ =	shalt  }
0x7b: {  	_ =	shalt  }
0x7c: {  	_ =	shalt  }
0x7d: {  	_ =	shalt  }
0x7e: {  	_ =	shalt  }
0x7f: {  	_ =	shalt  }
0x80: {  	_ =	shalt  }
0x81: {  	_ =	shalt  }
0x82: {  	_ =	shalt  }
0x83: {  	_ =	shalt  }
0x84: {  	_ =	shalt  }
0x85: {  	_ =	shalt  }
0x86: {  	_ =	shalt  }
0x87: {  	_ =	shalt  }
.Lfunc_end0:
.L_simem_size_0:
called_computation_lowered:
.L_overlay_start_0:
0x88: {  	s2 =	sld [smem:$0x3FD9]  }
0x89: {  	s3 =	sld [smem:$0x3FFE];
	_ =	sdelay $0x1  }
0x8a: {  	s1 =	srdreg.scid  }
0x8b: {  	s0 =	sand.u32 $0x1, s1  }
0x8c: {  	s14 =	sshll.u32 s0, $0xA;
	s2 =	sadd.s32 s3, s2  }
0x8d: {  	s2 =	sadd.s32 s2, s14  }
0x8e: {  	[smem:$0x3FBB] =	sst s2  }
0x8f: {  	_ = 	snop  }
0x90: {  	s2 =	sld [smem:$0x3FD0];
	_ =	sdelay $0x2  }
0x91: {  	s4 =	simm.s32 $0xA;
	s5 =	simm.s32 $0x10;
	s15 =	sld [smem:$0x3FC8]  }
0x92: {  	[smem:s5], [sflag:s4] =	dma.local [hbm:s2], $0x1  }
0x93: {  	_ =	swait.eq [sflag:s4], $0x1  }
0x94: {  	[sflag:s4] =	ssyncset.done $0x0  }
0x95: {  	[sflag:s4] =	ssyncadd.s32 $0xFFFFFFFF  }
0x96: {  	s16 =	sld [smem:$0x11];
	(tm) =	ssettm $0x1  }
0x97: {  	s17 =	sld [smem:$0x3FFB];
	_ =	sdelay $0x3  }
0x98: {  	_ =	strace s17  }
0x99: {  	s4 =	sld [smem:$0x3FFC];
	_ =	sdelay $0x3  }
0x9a: {  	_ =	strace s4  }
0x9b: {  	s4 =	sld [smem:$0x3FFD];
	_ =	sdelay $0x3  }
0x9c: {  	_ =	strace s4  }
0x9d: {  	_ =	strace $0x8FFFFFFF  }
0x9e: {  	s18 =	sld [smem:$0x3FDB];
	_ =	sdelay $0x1  }
0x9f: {  	s19 =	simm.s32 $_scs_section_size  }
0xa0: {  	s6 =	simm.s32 $_size__tile_overlayer_lowered;
	s7 =	simm.s32 $_tile_overlayer_lowered  }
0xa1: {  	s22 =	simm.s32 $0x1BFF;
	s21 =	sshll.u32 s7, $0x1;
	s4 =	sadd.s32 s19, s18  }
0xa2: {  	s8 =	simm.s32 $0x0;
	s20 =	sshll.u32 s6, $0x1;
	s6 =	sadd.s32 s21, s4  }
0xa3: {  	[timem:s8], [sflag:s22] =	dma.local [hbm:s6], s20  }
0xa4: {  	_ =	swait.ge [sflag:s22], s20  }
0xa5: {  	s5 =	ssub.s32 $0x0, s20;
	[sflag:s22] =	ssyncset.done $0x0  }
0xa6: {  	[sflag:s22] =	ssyncadd.s32 s5;
	_ =	sdelay $0x1  }
0xa7: {  	s23 =	simm.s32 $0x1B8B  }
0xa8: {  	_ =	swait.ge [sflag:s23], $0x1  }
0xa9: {  	[sflag:s23] =	ssyncset.done $0x0  }
0xaa: {  	s25 =	simm.s32 $0x1B8E;
	s24 =	sld [smem:$0x3FFE];
	[sflag:s23] =	ssyncadd.s32 $0xFFFFFFFF  }
0xab: {  	s26 =	simm.s32 $execute0_lowered;
	[smem:$0x3FD2] =	sst s25  }
0xac: {  	s6 =	sshll.u32 s26, $0x1;
	_ =	strace $0x80000046;
	[dreg:$0x1] =	wrdreg $0xFFFFFFFF  }
0xad: {  	s28 =	simm.s32 $_size_execute0_lowered;
	s4 =	sadd.s32 s4, s6;
	[dreg:$0x0] =	wrdreg $0x0  }
0xae: {  	s6 =	sshll.u32 s28, $0x1;
	[dreg:$0x2] =	wrdreg s4  }
0xaf: {  	[dreg:$0x3] =	wrdreg s6  }
0xb0: {  	[dreg:$0x4] =	wrdreg $0xC0  }
0xb1: {  	_ =	task [dreg:s8], $0x5FFFF  }
0xb2: {  	[dreg:$0x1] =	wrdreg $0xFFFFFFFF  }
0xb3: {  	[dreg:$0x0] =	wrdreg $0x60  }
0xb4: {  	[dreg:$0x2] =	wrdreg s24  }
0xb5: {  	[dreg:$0x3] =	wrdreg s15  }
0xb6: {  	[dreg:$0x4] =	wrdreg s16  }
0xb7: {  	[dreg:$0x5] =	wrdreg $0x9  }
0xb8: {  	_ =	task.clear_ibuf [dreg:s8], $0x6FFFF;
	_ =	strace $0x90000046  }
0xb9: {  	s29 =	simm.s32 $0x9;
	_ =	strace $0x80000048  }
0xba: {  	_ =	swait.ge [sflag:s29], $0x1  }
0xbb: {  	[sflag:s29] =	ssyncadd.s32 $0xFFFFFFFF  }
0xbc: {  	_ =	strace $0x90000048  }
0xbd: {  	_ =	sfence  }
0xbe: {  	s30 =	sld [smem:$0x0];
	_ =	sdelay $0x2  }
0xbf: {  	s31 =	sshll.u32 s1, $0xD;
	s1 =	sshrl.u32 s1, $0x2  }
0xc0: {  	s3 =	sand.u32 $0x4000, s31;
	s1 =	sadd.s32 s1, s30  }
0xc1: {  	s0 =	sor.u32 s3, s0;
	s1 =	sshll.u32 s1, $0x11  }
0xc2: {  	s0 =	sor.u32 s1, s0  }
0xc3: {  	s0 =	sadd.s32 $0x8F2B, s0  }
0xc4: {  	[sflag:s0] =	ssyncadd.remote.s32 $0x1  }
0xc5: {  	_ =	sfence.sel $0xFFFF  }
0xc6: {  	[dreg:$0x0] =	wrdreg $0xFFFFFFFF;
	(pc) =	sbr.abs _section_cstart, $3  }
0xc7: {  	[dreg:$0x1] =	wrdreg $0xFFFFFFFF  }
0xc8: {  	_ =	task.clear_ibuf [dreg:s8], $0x2FFFF;
	_ =	strace $0x9FFFFFFF  }
0xc9: {  	(tm) =	ssettm $0x7FFFFFFF  }
tec
execute0_lowered:
.L_overlay_start_1:
0x0: {  	(tag) =	ssettag $0x1  }
0x1: {  	s0 =	rddreg [dreg:$0x0]  }
0x2: {  	s1 =	srdreg.scid;
	s6 =	rddreg [dreg:$0x1]  }
0x3: {  	s2 =	stileid.u32;
	s7 =	rddreg [dreg:$0x2]  }
0x4: {  	s10 =	simm.s32 $0x5000;
	s20 =	simm.s32 $0xC000;
	s21 =	simm.s32 $0xC800  }
0x5: {  	s22 =	simm.s32 $0xD000;
	s28 =	simm.s32 $0xF800;
	s29 =	simm.s32 $0x1  }
0x6: {  	s30 =	simm.s32 $0x2;
	s1 =	sand.u32 $0x1, s1;
	s2 =	sshll.u32 s2, $0x1  }
0x7: {  	s31 =	simm.s32 $0x0;
	s4 =	sor.u32 s1, s2;
	s2 =	simm.s32 $0x0  }
0x8: {  	s1 =	ssub.s32 $0x2, s1;
	s3 =	smul.u32 $0xA00, s4;
	[smem:$0x7FF] =	sst s2  }
0x9: {  	s5 =	smul.u32 $0x500, s4;
	s9 =	sshrl.u32 s1, $0x1;
	s24 =	sshll.u32 s4, $0x8  }
0xa: {  	_ =	strace $0x80000047;
	s23 =	ssub.s32 s1, s9;
	s6 =	sadd.s32 s6, s24  }
0xb: {  	s7 =	sadd.s32 s7, s24;
	s9 =	simm.s32 $0x3;
	s1 =	simm.s32 $0x7800  }
0xc: {  	s24 =	simm.s32 $0xE000;
	s8 =	sadd.s32 s3, s0;
	s5 =	sadd.s32 s5, s0  }
0xd: {  	v2 =	vlaneseq.u32;
	s3 =	sadd.s32 $0x17A00, s0;
	s25 =	sadd.s32 $0x3A00, s8;
	s26 =	sadd.s32 $0x903A00, s5  }
0xe: {  	vm0 =	vmmov $0xffff;
	v1 =	vshrl.u32 v2, $0x3;
	s8 =	smax.u32 s23, $0x1;
	s23 =	simm.s32 $0xD800;
	[dreg:$0x4] =	wrdreg s25  }
0xf: {  	v0 =	vand.u32 $0x7, v2;
	v2 =	vor.u32 $0x8, v2;
	v1 =	vmul.u32 $0x8, v1;
	[dreg:$0x5] =	wrdreg s26;
	s25 =	simm.s32 $0xE800;
	s26 =	simm.s32 $0xF000  }
.LBB2_1:
0x10: {  	s0 =	rddreg [dreg:$0x4]  }
0x11: {  	[tilespmem:s2], [sflag:$0x3] =	stream.linear.gather [hbm4b:s0+s2], $0x5000, $0x38;
	[tilespmem:$0x10000] =	vst v63  }
0x12: {  	_ =	swait.ge [sflag:s9], $0x5000  }
0x13: {  	[sflag:s9] =	ssyncset.done $0x0  }
0x14: {  	s11 =	rddreg [dreg:$0x5];
	[sflag:s9] =	ssyncadd.s32 $0xFFFFB000  }
0x15: {  	[tilespmem:s10], [sflag:$0x3] =	stream.linear.gather [hbm4b:s11+s2], $0x2800, $0x38;
	[tilespmem:$0x10000] =	vst v63  }
0x16: {  	_ =	swait.ge [sflag:s9], $0x2800  }
0x17: {  	[sflag:s9] =	ssyncset.done $0x0  }
0x18: {  	[sflag:s9] =	ssyncadd.s32 $0xFFFFD800  }
0x19: {  	[tilespmem:s1], [sflag:$0x3] =	stream.linear.gather [hbm4b:s6+s2], $0x800, $0x38;
	[tilespmem:$0x10000] =	vst v63  }
0x1a: {  	_ =	swait.ge [sflag:s9], $0x800  }
0x1b: {  	[sflag:s9] =	ssyncset.done $0x0  }
0x1c: {  	[sflag:s9] =	ssyncadd.s32 $0xFFFFF800  }
0x1d: {  	v3 =	vld [tilespmem:$0x0];
	_ =	sdelay $0x4  }
0x1e: {  	v4 =	vshll.u32 v3, $0x1  }
0x1f: {  	v3 =	vand.u32 $0x7, v3;
	v4 =	vand.u32 $0xFFFFFFF0, v4  }
0x20: {  	v3 =	vor.u32 v3, v4  }
0x21: {  	v4 =	vperm.xlane v3, v0;
	_ =	sdelay $0x1  }
0x22: {  	v3 =	vperm.xlane v3, v2;
	v4 =	vadd.s32 v1, v4;
	_ =	sdelay $0x1  }
0x23: {  	v3 =	vadd.s32 v1, v3;
	_ =	sdelay $0x1  }
0x24: {  	s12 =	simm.s32 $0x8000  }
0x25: {  	[tilespmem:s12], [sflag:$0x1] =	stream.indirect_vreg.gather [hbm4b:s3+s2], $0x80, v4, vm0, $0xb8;
	[tilespmem:$0x10000] =	vst v63  }
0x26: {  	s13 =	simm.s32 $0x8800  }
0x27: {  	[tilespmem:s13], [sflag:$0x1] =	stream.indirect_vreg.gather [hbm4b:s3+s2], $0x80, v3, vm0, $0xb8;
	[tilespmem:$0x10000] =	vst v63  }
0x28: {  	v3 =	vld [tilespmem:$0x10];
	_ =	sdelay $0x4  }
0x29: {  	v61 =	vshll.u32 v3, $0x1  }
0x2a: {  	v3 =	vand.u32 $0x7, v3;
	v4 =	vand.u32 $0xFFFFFFF0, v61  }
0x2b: {  	v3 =	vor.u32 v3, v4  }
0x2c: {  	v4 =	vperm.xlane v3, v0;
	_ =	sdelay $0x1  }
0x2d: {  	v3 =	vperm.xlane v3, v2;
	v4 =	vadd.s32 v1, v4;
	_ =	sdelay $0x1  }
0x2e: {  	v3 =	vadd.s32 v1, v3;
	_ =	sdelay $0x1  }
0x2f: {  	s14 =	simm.s32 $0x9000  }
0x30: {  	[tilespmem:s14], [sflag:$0x1] =	stream.indirect_vreg.gather [hbm4b:s3+s2], $0x80, v4, vm0, $0xb8;
	[tilespmem:$0x10000] =	vst v63  }
0x31: {  	s15 =	simm.s32 $0x9800  }
0x32: {  	[tilespmem:s15], [sflag:$0x1] =	stream.indirect_vreg.gather [hbm4b:s3+s2], $0x80, v3, vm0, $0xb8;
	[tilespmem:$0x10000] =	vst v63  }
0x33: {  	v3 =	vld [tilespmem:$0x20];
	_ =	sdelay $0x4  }
0x34: {  	v62 =	vshll.u32 v3, $0x1  }
0x35: {  	v3 =	vand.u32 $0x7, v3;
	v4 =	vand.u32 $0xFFFFFFF0, v62  }
0x36: {  	v3 =	vor.u32 v3, v4  }
0x37: {  	v4 =	vperm.xlane v3, v0;
	_ =	sdelay $0x1  }
0x38: {  	v3 =	vperm.xlane v3, v2;
	v4 =	vadd.s32 v1, v4;
	_ =	sdelay $0x1  }
0x39: {  	v3 =	vadd.s32 v1, v3;
	_ =	sdelay $0x1  }
0x3a: {  	s16 =	simm.s32 $0xA000  }
0x3b: {  	[tilespmem:s16], [sflag:$0x1] =	stream.indirect_vreg.gather [hbm4b:s3+s2], $0x80, v4, vm0, $0xb8;
	[tilespmem:$0x10000] =	vst v63  }
0x3c: {  	s17 =	simm.s32 $0xA800  }
0x3d: {  	[tilespmem:s17], [sflag:$0x1] =	stream.indirect_vreg.gather [hbm4b:s3+s2], $0x80, v3, vm0, $0xb8;
	[tilespmem:$0x10000] =	vst v63  }
0x3e: {  	v3 =	vld [tilespmem:$0x30];
	_ =	sdelay $0x4  }
0x3f: {  	v63 =	vshll.u32 v3, $0x1  }
0x40: {  	v3 =	vand.u32 $0x7, v3;
	v4 =	vand.u32 $0xFFFFFFF0, v63  }
0x41: {  	v3 =	vor.u32 v3, v4  }
0x42: {  	v4 =	vperm.xlane v3, v0;
	_ =	sdelay $0x1  }
0x43: {  	v3 =	vperm.xlane v3, v2;
	v4 =	vadd.s32 v1, v4;
	_ =	sdelay $0x1  }
0x44: {  	v3 =	vadd.s32 v1, v3;
	_ =	sdelay $0x1  }
0x45: {  	s18 =	simm.s32 $0xB000;
	s19 =	simm.s32 $0xB800  }
0x46: {  	[tilespmem:s18], [sflag:$0x1] =	stream.indirect_vreg.gather [hbm4b:s3+s2], $0x80, v4, vm0, $0xb8;
	[tilespmem:$0x10000] =	vst v63  }
0x47: {  	s0 =	simm.s32 $0x0;
	s1 =	simm.s32 $0x40;
	s12 =	simm.s32 $0x0  }
0x48: {  	[tilespmem:s19], [sflag:$0x1] =	stream.indirect_vreg.gather [hbm4b:s3+s2], $0x80, v3, vm0, $0xb8;
	[tilespmem:$0x10000] =	vst v63  }
.LBB2_2:
0x49: {  	s11 =	sshll.u32 s12, $0x8  }
0x4a: {  	s11 =	sor.u32 $0x80, s11  }
0x4b: {  	s11 =	sand.u32 $0x3FFFFF80, s11  }
0x4c: {  	v3 =	vld [tilespmem:s11+$0x0];
	_ =	sdelay $0x4  }
0x4d: {  	v4 =	vshll.u32 v3, $0x1  }
0x4e: {  	v3 =	vand.u32 $0x7, v3;
	v4 =	vand.u32 $0xFFFFFFF0, v4  }
0x4f: {  	v3 =	vor.u32 v3, v4  }
0x50: {  	v4 =	vperm.xlane v3, v0;
	_ =	sdelay $0x1  }
0x51: {  	v3 =	vperm.xlane v3, v2;
	v4 =	vadd.s32 v1, v4;
	_ =	sdelay $0x1  }
0x52: {  	v3 =	vadd.s32 v1, v3;
	_ =	sdelay $0x1  }
0x53: {  	s16 =	simm.s32 $0x0  }
0x54: {  	[tilespmem:s20], [sflag:$0x2] =	stream.indirect_vreg.gather [hbm4b:s3+s16], $0x80, v4, vm0, $0xb8;
	[tilespmem:$0x10000] =	vst v63  }
0x55: {  	_ = 	snop  }
0x56: {  	[tilespmem:s21], [sflag:$0x2] =	stream.indirect_vreg.gather [hbm4b:s3+s16], $0x80, v3, vm0, $0xb8;
	[tilespmem:$0x10000] =	vst v63  }
0x57: {  	v3 =	vld [tilespmem:s11+$0x10];
	_ =	sdelay $0x4  }
0x58: {  	v4 =	vshll.u32 v3, $0x1  }
0x59: {  	v3 =	vand.u32 $0x7, v3;
	v4 =	vand.u32 $0xFFFFFFF0, v4  }
0x5a: {  	v3 =	vor.u32 v3, v4  }
0x5b: {  	v4 =	vperm.xlane v3, v0;
	_ =	sdelay $0x1  }
0x5c: {  	v3 =	vperm.xlane v3, v2;
	v4 =	vadd.s32 v1, v4;
	_ =	sdelay $0x1  }
0x5d: {  	v3 =	vadd.s32 v1, v3;
	_ =	sdelay $0x2  }
0x5e: {  	[tilespmem:s22], [sflag:$0x2] =	stream.indirect_vreg.gather [hbm4b:s3+s16], $0x80, v4, vm0, $0xb8;
	[tilespmem:$0x10000] =	vst v63  }
0x5f: {  	_ = 	snop  }
0x60: {  	[tilespmem:s23], [sflag:$0x2] =	stream.indirect_vreg.gather [hbm4b:s3+s16], $0x80, v3, vm0, $0xb8;
	[tilespmem:$0x10000] =	vst v63  }
0x61: {  	v3 =	vld [tilespmem:s11+$0x20];
	_ =	sdelay $0x4  }
0x62: {  	v4 =	vshll.u32 v3, $0x1  }
0x63: {  	v3 =	vand.u32 $0x7, v3;
	v4 =	vand.u32 $0xFFFFFFF0, v4  }
0x64: {  	v3 =	vor.u32 v3, v4  }
0x65: {  	v4 =	vperm.xlane v3, v0;
	_ =	sdelay $0x1  }
0x66: {  	v3 =	vperm.xlane v3, v2;
	v4 =	vadd.s32 v1, v4;
	_ =	sdelay $0x1  }
0x67: {  	v3 =	vadd.s32 v1, v3;
	_ =	sdelay $0x2  }
0x68: {  	[tilespmem:s24], [sflag:$0x2] =	stream.indirect_vreg.gather [hbm4b:s3+s16], $0x80, v4, vm0, $0xb8;
	[tilespmem:$0x10000] =	vst v63  }
0x69: {  	_ = 	snop  }
0x6a: {  	[tilespmem:s25], [sflag:$0x2] =	stream.indirect_vreg.gather [hbm4b:s3+s16], $0x80, v3, vm0, $0xb8;
	[tilespmem:$0x10000] =	vst v63  }
0x6b: {  	v3 =	vld [tilespmem:s11+$0x30];
	_ =	sdelay $0x4  }
0x6c: {  	v4 =	vshll.u32 v3, $0x1  }
0x6d: {  	v3 =	vand.u32 $0x7, v3;
	v4 =	vand.u32 $0xFFFFFFF0, v4  }
0x6e: {  	v3 =	vor.u32 v3, v4  }
0x6f: {  	v4 =	vperm.xlane v3, v0;
	_ =	sdelay $0x1  }
0x70: {  	v3 =	vperm.xlane v3, v2;
	v4 =	vadd.s32 v1, v4;
	_ =	sdelay $0x1  }
0x71: {  	v3 =	vadd.s32 v1, v3;
	_ =	sdelay $0x2  }
0x72: {  	[tilespmem:s26], [sflag:$0x2] =	stream.indirect_vreg.gather [hbm4b:s3+s16], $0x80, v4, vm0, $0xb8;
	[tilespmem:$0x10000] =	vst v63  }
0x73: {  	s17 =	smul.u32 $0xCD, s12  }
0x74: {  	[tilespmem:s28], [sflag:$0x2] =	stream.indirect_vreg.gather [hbm4b:s3+s16], $0x80, v3, vm0, $0xb8;
	[tilespmem:$0x10000] =	vst v63  }
0x75: {  	s13 =	sshrl.u32 s17, $0x3;
	s14 =	sshrl.u32 s17, $0x4;
	_ =	swait.ge [sflag:s29], $0x4000  }
0x76: {  	s13 =	sand.u32 $0x800, s13;
	s14 =	sand.u32 $0x380, s14;
	[sflag:s29] =	ssyncset.done $0x0  }
0x77: {  	s14 =	sor.u32 s14, s13;
	[sflag:s29] =	ssyncadd.s32 $0xFFFFC000  }
0x78: {  	v17 =	vld [tilespmem:s14+$0x7800]  }
0x79: {  	s18 =	smulhi.u32 $0xCCCCCCCD, s12;
	v19 =	vld [tilespmem:s14+$0x7810]  }
0x7a: {  	v14 =	vld [tilespmem:s14+$0x7820]  }
0x7b: {  	s13 =	sshrl.u32 s18, $0x3;
	s11 =	sshrl.u32 s17, $0xB;
	v18 =	vld [tilespmem:s14+$0x7830]  }
0x7c: {  	s13 =	smul.u32 $0x500, s13;
	s11 =	sand.u32 $0x1F, s11;
	v20 =	vld [tilespmem:s14+$0x7840]  }
0x7d: {  	v3 =	vmov s11;
	v15 =	vld [tilespmem:s14+$0x7850]  }
0x7e: {  	s19 =	ssub.s32 s0, s13;
	v4 =	vshrl.u32 v3, $0x3;
	v12 =	vld [tilespmem:s14+$0x7860]  }
0x7f: {  	v5 =	vmov s19;
	v3 =	vshll.u32 v3, $0x7;
	v4 =	vmul.u32 $0x2800, v4;
	v13 =	vld [tilespmem:s14+$0x7870]  }
0x80: {  	v6 =	vshll.u32 v5, $0x3;
	v3 =	vand.u32 $0x380, v3;
	v16 =	vld [tilespmem:s14+$0x7C00]  }
0x81: {  	v11 =	vld [tilespmem:s14+$0x7C10];
	v3 =	vor.u32 v3, v4;
	v4 =	vand.u32 $0xFFFFFC00, v6  }
0x82: {  	v5 =	vand.u32 $0x3F, v5;
	v10 =	vld [tilespmem:s14+$0x7C20];
	v4 =	vadd.s32 v3, v4  }
0x83: {  	v8 =	vld [tilespmem:s14+$0x7C30];
	v7 =	vor.u32 v5, v4  }
0x84: {  	s15 =	sand.u32 $0x3800, s16;
	s17 =	sand.u32 $0x380, s16;
	v6 =	vld [tilespmem:s14+$0x7C40]  }
0x85: {  	s17 =	sor.u32 s17, s15;
	v29 =	vld [tilespmem:s14+$0x7C70]  }
0x86: {  	v22 =	vld [tilespmem:s17+$0x8000]  }
0x87: {  	v25 =	vld [tilespmem:s17+$0x8010]  }
0x88: {  	v9 =	vld.idx.msk [tilespmem:v7+s10+$0x0], $0xffff  }
0x89: {  	v7 =	vld [tilespmem:s17+$0x8470]  }
0x8a: {  	v24 =	vld [tilespmem:s17+$0x8020]  }
0x8b: {  	v23 =	vld [tilespmem:s17+$0x8030]  }
0x8c: {  	v21 =	vld [tilespmem:s17+$0x8040]  }
0x8d: {  	v5 =	vld [tilespmem:s14+$0x7C50]  }
0x8e: {  	v4 =	vld [tilespmem:s14+$0x7C60];
	v7 =	vmul.f32 v7, v9  }
0x8f: {  	s18 =	simm.s32 $0x100;
	s19 =	sadd.s32 $0x1, s19;
	v26 =	vmul.f32 v22, v9;
	v22 =	vld [tilespmem:s17+$0x8050]  }
0x90: {  	v28 =	vmov s19;
	s15 =	ssub.s32 s1, s13;
	s13 =	sadd.s32 $0x7800, s14;
	s11 =	simm.s32 $0x200;
	v27 =	vmul.f32 v25, v9;
	v25 =	vld [tilespmem:s17+$0x8060];
	v7 =	vadd.f32 v7, v29  }
.LBB2_3:
0x91: {  	p0 =	sne.s32 s11, $0x3F00;
	v29 =	vshll.u32 v28, $0x3;
	v17 =	vadd.f32 v26, v17;
	v24 =	vmul.f32 v24, v9;
	v26 =	vld [tilespmem:s17+$0x8070]  }
0x92: {  	v29 =	vand.u32 $0xFFFFFC00, v29;
	v19 =	vadd.f32 v27, v19;
	v23 =	vmul.f32 v23, v9;
	v27 =	vld [tilespmem:s17+$0x8400]  }
0x93: {  	v28 =	vand.u32 $0x3F, v28;
	v29 =	vadd.s32 v3, v29;
	v21 =	vmul.f32 v21, v9;
	v30 =	vld [tilespmem:s17+$0x8410]  }
0x94: {  	v14 =	vadd.f32 v24, v14;
	v28 =	vor.u32 v28, v29;
	v22 =	vmul.f32 v22, v9;
	v24 =	vld [tilespmem:s17+$0x8420]  }
0x95: {  	v18 =	vadd.f32 v23, v18;
	v20 =	vadd.f32 v21, v20;
	v21 =	vmul.f32 v25, v9;
	v23 =	vld [tilespmem:s17+$0x8430]  }
0x96: {  	v15 =	vadd.f32 v22, v15;
	v22 =	vmul.f32 v26, v9;
	v25 =	vld [tilespmem:s17+$0x8440]  }
0x97: {  	s16 =	sadd.s32 $0x80, s16;
	v12 =	vadd.f32 v21, v12;
	v21 =	vmul.f32 v27, v9;
	v26 =	vld [tilespmem:s17+$0x8450]  }
0x98: {  	s4 =	sand.u32 $0x3800, s18;
	s18 =	smov.u32 s11;
	s5 =	sand.u32 $0x380, s16;
	v13 =	vadd.f32 v22, v13;
	v22 =	vmul.f32 v30, v9;
	v27 =	vld [tilespmem:s17+$0x8460]  }
0x99: {  	s17 =	sor.u32 s5, s4;
	v28 =	vld.idx.msk [tilespmem:v28+s10+$0x0], $0xffff;
	v16 =	vadd.f32 v21, v16;
	v21 =	vmul.f32 v24, v9  }
0x9a: {  	v29 =	vld [tilespmem:s17+$0x8470];
	v11 =	vadd.f32 v22, v11;
	v22 =	vmul.f32 v23, v9  }
0x9b: {  	v30 =	vld [tilespmem:s17+$0x8000];
	v10 =	vadd.f32 v21, v10;
	v21 =	vmul.f32 v25, v9  }
0x9c: {  	v25 =	vld [tilespmem:s17+$0x8010];
	v8 =	vadd.f32 v22, v8;
	v22 =	vmul.f32 v26, v9  }
.Ltmp0:
0x9d: {  	v24 =	vld [tilespmem:s17+$0x8020];
	v6 =	vadd.f32 v21, v6;
	v26 =	vmul.f32 v27, v9;
	(pc) =	sbr.rel @p0 .LBB2_3-.Ltmp0, $4  }
0x9e: {  	v23 =	vld [tilespmem:s17+$0x8030];
	v5 =	vadd.f32 v22, v5  }
0x9f: {  	v9 =	vmov v28;
	v21 =	vld [tilespmem:s17+$0x8040];
	v29 =	vmul.f32 v29, v28;
	v4 =	vadd.f32 v26, v4  }
0xa0: {  	s19 =	sadd.s32 $0x1, s19;
	v26 =	vmul.f32 v30, v9;
	v22 =	vld [tilespmem:s17+$0x8050]  }
0xa1: {  	s11 =	sadd.s32 $0x100, s11;
	v28 =	vmov s19;
	v27 =	vmul.f32 v25, v9;
	v25 =	vld [tilespmem:s17+$0x8060];
	v7 =	vadd.f32 v29, v7  }
0xa2: {  	v30 =	vld [tilespmem:s17+$0x8070]  }
0xa3: {  	v31 =	vld [tilespmem:s17+$0x8400]  }
0xa4: {  	v32 =	vld [tilespmem:s17+$0x8410]  }
0xa5: {  	v33 =	vld [tilespmem:s17+$0x8430]  }
0xa6: {  	v29 =	vshll.u32 v28, $0x3;
	v34 =	vld [tilespmem:s17+$0x8440]  }
0xa7: {  	v35 =	vld [tilespmem:s17+$0x8450];
	s4 =	sadd.s32 $0x80, s16;
	v29 =	vand.u32 $0xFFFFFC00, v29  }
0xa8: {  	v28 =	vand.u32 $0x3F, v28;
	s5 =	sand.u32 $0x3800, s18;
	v36 =	vld [tilespmem:s17+$0x8460];
	s4 =	sand.u32 $0x380, s4;
	v29 =	vadd.s32 v3, v29  }
0xa9: {  	s4 =	sor.u32 s4, s5;
	v28 =	vor.u32 v28, v29;
	v29 =	vld [tilespmem:s17+$0x8420]  }
0xaa: {  	v37 =	vld [tilespmem:s4+$0x8470]  }
0xab: {  	v38 =	vld [tilespmem:s4+$0x8000]  }
0xac: {  	v39 =	vld [tilespmem:s4+$0x8010]  }
0xad: {  	v40 =	vld [tilespmem:s4+$0x8020]  }
0xae: {  	v41 =	vld [tilespmem:s4+$0x8030]  }
0xaf: {  	v42 =	vld [tilespmem:s4+$0x8040]  }
0xb0: {  	v43 =	vld [tilespmem:s4+$0x8050]  }
0xb1: {  	v28 =	vld.idx.msk [tilespmem:v28+s10+$0x0], $0xffff  }
0xb2: {  	v24 =	vmul.f32 v24, v9;
	v23 =	vmul.f32 v23, v9;
	v44 =	vld [tilespmem:s4+$0x8060]  }
0xb3: {  	v17 =	vadd.f32 v26, v17;
	v19 =	vadd.f32 v27, v19;
	v21 =	vmul.f32 v21, v9;
	v45 =	vld [tilespmem:s4+$0x8070]  }
0xb4: {  	v14 =	vadd.f32 v24, v14;
	v26 =	vld [tilespmem:s4+$0x8400];
	v22 =	vmul.f32 v22, v9;
	v18 =	vadd.f32 v23, v18  }
0xb5: {  	v23 =	vld [tilespmem:s4+$0x8410];
	v20 =	vadd.f32 v21, v20;
	v21 =	vmul.f32 v25, v9;
	v24 =	vmul.f32 v30, v9  }
0xb6: {  	v63 =	vld [tilespmem:s4+$0x8460];
	v15 =	vadd.f32 v22, v15;
	v22 =	vmul.f32 v31, v9;
	v27 =	vmul.f32 v38, v28  }
0xb7: {  	v25 =	vld [tilespmem:s4+$0x8420];
	v31 =	vmul.f32 v32, v9;
	v12 =	vadd.f32 v21, v12;
	v21 =	vmul.f32 v39, v28  }
0xb8: {  	v30 =	vld [tilespmem:s4+$0x8430];
	v16 =	vadd.f32 v22, v16;
	v22 =	vmul.f32 v40, v28;
	v17 =	vadd.f32 v27, v17  }
0xb9: {  	v13 =	vadd.f32 v24, v13;
	v24 =	vld [tilespmem:s4+$0x8440];
	v19 =	vadd.f32 v21, v19;
	v21 =	vmul.f32 v41, v28  }
0xba: {  	v27 =	vld [tilespmem:s4+$0x8450];
	v14 =	vadd.f32 v22, v14;
	v22 =	vmul.f32 v42, v28;
	[tilespmem:s14+$0x7800] =	vst v17;
	v17 =	vmul.f32 v29, v9  }
0xbb: {  	v11 =	vadd.f32 v31, v11;
	v18 =	vadd.f32 v21, v18;
	[tilespmem:s13+$0x10] =	vst v19;
	v19 =	vmul.f32 v43, v28  }
0xbc: {  	[tilespmem:s13+$0x20] =	vst v14;
	v14 =	vmul.f32 v44, v28;
	v10 =	vadd.f32 v17, v10;
	v17 =	vadd.f32 v22, v20  }
0xbd: {  	[tilespmem:s13+$0x30] =	vst v18;
	v18 =	vmul.f32 v33, v9;
	v20 =	vmul.f32 v26, v28;
	v15 =	vadd.f32 v19, v15  }
0xbe: {  	v19 =	vmul.f32 v45, v28;
	v12 =	vadd.f32 v14, v12;
	v14 =	vmul.f32 v34, v9;
	[tilespmem:s13+$0x40] =	vst v17  }
0xbf: {  	v8 =	vadd.f32 v18, v8;
	v17 =	vmul.f32 v23, v28;
	v16 =	vadd.f32 v20, v16;
	[tilespmem:s13+$0x50] =	vst v15  }
0xc0: {  	v18 =	vmul.f32 v25, v28;
	v13 =	vadd.f32 v19, v13;
	v15 =	vmul.f32 v35, v9;
	[tilespmem:s13+$0x60] =	vst v12  }
0xc1: {  	v6 =	vadd.f32 v14, v6;
	v12 =	vmul.f32 v30, v28;
	v11 =	vadd.f32 v17, v11;
	[tilespmem:s13+$0x400] =	vst v16  }
0xc2: {  	v9 =	vmul.f32 v36, v9;
	v10 =	vadd.f32 v18, v10;
	[tilespmem:s13+$0x70] =	vst v13;
	v13 =	vmul.f32 v24, v28  }
0xc3: {  	v5 =	vadd.f32 v15, v5;
	v8 =	vadd.f32 v12, v8;
	v12 =	vmul.f32 v27, v28;
	[tilespmem:s13+$0x410] =	vst v11  }
0xc4: {  	v4 =	vadd.f32 v9, v4;
	v9 =	vmul.f32 v63, v28;
	[tilespmem:s13+$0x420] =	vst v10;
	v6 =	vadd.f32 v13, v6  }
0xc5: {  	v10 =	vmul.f32 v37, v28;
	v5 =	vadd.f32 v12, v5;
	[tilespmem:s13+$0x430] =	vst v8  }
0xc6: {  	v4 =	vadd.f32 v9, v4;
	[tilespmem:s13+$0x440] =	vst v6  }
0xc7: {  	p0 =	seq.s32 s12, $0x4F;
	v6 =	vadd.f32 v10, v7;
	[tilespmem:s13+$0x450] =	vst v5  }
0xc8: {  	s4 =	sshll.u32 @!p0 s12, $0x8;
	[tilespmem:s13+$0x460] =	vst v4  }
0xc9: {  	s4 =	sand.u32 @!p0 $0x3FFFFF00, s4;
	[tilespmem:s13+$0x470] =	vst v6  }
0xca: {  	v4 =	vld @!p0 [tilespmem:s4+$0x100];
	_ =	sdelay $0x4  }
0xcb: {  	v5 =	vshll.u32 @!p0 v4, $0x1  }
0xcc: {  	v6 =	vlaneseq.u32 @!p0;
	v4 =	vand.u32 @!p0 $0x7, v4;
	v5 =	vand.u32 @!p0 $0xFFFFFFF0, v5  }
0xcd: {  	v7 =	vshrl.u32 @!p0 v6, $0x3;
	v4 =	vor.u32 @!p0 v4, v5;
	v5 =	vand.u32 @!p0 $0x7, v6  }
0xce: {  	v7 =	vmul.u32 @!p0 $0x8, v7;
	v8 =	vperm.xlane @!p0 v4, v5  }
0xcf: {  	v6 =	vor.u32 @!p0 $0x8, v6  }
0xd0: {  	v4 =	vperm.xlane @!p0 v4, v6;
	v8 =	vadd.s32 @!p0 v7, v8;
	_ =	sdelay $0x1  }
0xd1: {  	v4 =	vadd.s32 @!p0 v7, v4;
	_ =	sdelay $0x1  }
0xd2: {  	vm1 =	vmmov @!p0 $0xffff;
	s11 =	simm.s32 @!p0 $0x8000;
	s5 =	simm.s32 @!p0 $0x0  }
0xd3: {  	[tilespmem:s11], [sflag:$0x1] =	stream.indirect_vreg.gather @!p0 [hbm4b:s3+s5], $0x80, v8, vm1, $0xb8;
	[tilespmem:$0x10000] =	vst v63  }
0xd4: {  	s11 =	simm.s32 @!p0 $0x8800  }
0xd5: {  	[tilespmem:s11], [sflag:$0x1] =	stream.indirect_vreg.gather @!p0 [hbm4b:s3+s5], $0x80, v4, vm1, $0xb8;
	[tilespmem:$0x10000] =	vst v63  }
0xd6: {  	v4 =	vld @!p0 [tilespmem:s4+$0x110];
	_ =	sdelay $0x4  }
0xd7: {  	v8 =	vshll.u32 @!p0 v4, $0x1  }
0xd8: {  	v4 =	vand.u32 @!p0 $0x7, v4;
	v8 =	vand.u32 @!p0 $0xFFFFFFF0, v8  }
0xd9: {  	v4 =	vor.u32 @!p0 v4, v8  }
0xda: {  	v8 =	vperm.xlane @!p0 v4, v5;
	_ =	sdelay $0x1  }
0xdb: {  	v4 =	vperm.xlane @!p0 v4, v6;
	v8 =	vadd.s32 @!p0 v7, v8;
	_ =	sdelay $0x1  }
0xdc: {  	v4 =	vadd.s32 @!p0 v7, v4;
	_ =	sdelay $0x1  }
0xdd: {  	s11 =	simm.s32 @!p0 $0x9000  }
0xde: {  	[tilespmem:s11], [sflag:$0x1] =	stream.indirect_vreg.gather @!p0 [hbm4b:s3+s5], $0x80, v8, vm1, $0xb8;
	[tilespmem:$0x10000] =	vst v63  }
0xdf: {  	s11 =	simm.s32 @!p0 $0x9800  }
0xe0: {  	[tilespmem:s11], [sflag:$0x1] =	stream.indirect_vreg.gather @!p0 [hbm4b:s3+s5], $0x80, v4, vm1, $0xb8;
	[tilespmem:$0x10000] =	vst v63  }
0xe1: {  	v4 =	vld @!p0 [tilespmem:s4+$0x120];
	_ =	sdelay $0x4  }
0xe2: {  	v8 =	vshll.u32 @!p0 v4, $0x1  }
0xe3: {  	v4 =	vand.u32 @!p0 $0x7, v4;
	v8 =	vand.u32 @!p0 $0xFFFFFFF0, v8  }
0xe4: {  	v4 =	vor.u32 @!p0 v4, v8  }
0xe5: {  	v8 =	vperm.xlane @!p0 v4, v5;
	_ =	sdelay $0x1  }
0xe6: {  	v4 =	vperm.xlane @!p0 v4, v6;
	v8 =	vadd.s32 @!p0 v7, v8;
	_ =	sdelay $0x1  }
0xe7: {  	v4 =	vadd.s32 @!p0 v7, v4;
	_ =	sdelay $0x1  }
0xe8: {  	s11 =	simm.s32 @!p0 $0xA000  }
0xe9: {  	[tilespmem:s11], [sflag:$0x1] =	stream.indirect_vreg.gather @!p0 [hbm4b:s3+s5], $0x80, v8, vm1, $0xb8;
	[tilespmem:$0x10000] =	vst v63  }
0xea: {  	s11 =	simm.s32 @!p0 $0xA800  }
0xeb: {  	[tilespmem:s11], [sflag:$0x1] =	stream.indirect_vreg.gather @!p0 [hbm4b:s3+s5], $0x80, v4, vm1, $0xb8;
	[tilespmem:$0x10000] =	vst v63  }
0xec: {  	v4 =	vld @!p0 [tilespmem:s4+$0x130];
	_ =	sdelay $0x4  }
0xed: {  	v8 =	vshll.u32 @!p0 v4, $0x1  }
0xee: {  	v4 =	vand.u32 @!p0 $0x7, v4;
	v8 =	vand.u32 @!p0 $0xFFFFFFF0, v8  }
0xef: {  	v4 =	vor.u32 @!p0 v4, v8  }
0xf0: {  	v5 =	vperm.xlane @!p0 v4, v5;
	_ =	sdelay $0x1  }
0xf1: {  	v4 =	vperm.xlane @!p0 v4, v6;
	v5 =	vadd.s32 @!p0 v7, v5;
	_ =	sdelay $0x1  }
0xf2: {  	v4 =	vadd.s32 @!p0 v7, v4;
	_ =	sdelay $0x1  }
0xf3: {  	s4 =	simm.s32 @!p0 $0xB000  }
0xf4: {  	[tilespmem:s4], [sflag:$0x1] =	stream.indirect_vreg.gather @!p0 [hbm4b:s3+s5], $0x80, v5, vm1, $0xb8;
	[tilespmem:$0x10000] =	vst v63  }
0xf5: {  	s4 =	simm.s32 @!p0 $0xB800  }
0xf6: {  	[tilespmem:s4], [sflag:$0x1] =	stream.indirect_vreg.gather @!p0 [hbm4b:s3+s5], $0x80, v4, vm1, $0xb8;
	[tilespmem:$0x10000] =	vst v63  }
0xf7: {  	_ =	swait.ge [sflag:s30], $0x4000  }
0xf8: {  	[sflag:s30] =	ssyncset.done $0x0  }
0xf9: {  	[sflag:s30] =	ssyncadd.s32 $0xFFFFC000  }
0xfa: {  	v19 =	vld [tilespmem:s14+$0x7800]  }
0xfb: {  	v20 =	vld [tilespmem:s13+$0x10]  }
0xfc: {  	v18 =	vld [tilespmem:s13+$0x20]  }
0xfd: {  	v17 =	vld [tilespmem:s13+$0x30]  }
0xfe: {  	v16 =	vld [tilespmem:s13+$0x40]  }
0xff: {  	v15 =	vld [tilespmem:s13+$0x50]  }
0x100: {  	v13 =	vld [tilespmem:s13+$0x60]  }
0x101: {  	v4 =	vmov s15;
	v14 =	vld [tilespmem:s13+$0x70]  }
0x102: {  	v5 =	vshll.u32 v4, $0x3;
	v12 =	vld [tilespmem:s13+$0x400]  }
0x103: {  	v5 =	vand.u32 $0xFFFFFC00, v5;
	v11 =	vld [tilespmem:s13+$0x410]  }
0x104: {  	v4 =	vand.u32 $0x7F, v4;
	v5 =	vadd.s32 v3, v5;
	v10 =	vld [tilespmem:s13+$0x420]  }
0x105: {  	v8 =	vld [tilespmem:s13+$0x430];
	v7 =	vor.u32 v4, v5  }
0x106: {  	v6 =	vld [tilespmem:s13+$0x440]  }
0x107: {  	v5 =	vld [tilespmem:s13+$0x450]  }
0x108: {  	s16 =	simm.s32 $0x0;
	v4 =	vld [tilespmem:s13+$0x460]  }
0x109: {  	s18 =	sand.u32 $0x3800, s16;
	s19 =	sand.u32 $0x380, s16;
	v29 =	vld [tilespmem:s13+$0x470]  }
0x10a: {  	s17 =	sor.u32 s19, s18;
	v9 =	vld.idx.msk [tilespmem:v7+s10+$0x0], $0xffff  }
0x10b: {  	v7 =	vld [tilespmem:s17+$0xC470]  }
0x10c: {  	v22 =	vld [tilespmem:s17+$0xC000]  }
0x10d: {  	v23 =	vld [tilespmem:s17+$0xC010]  }
0x10e: {  	v25 =	vld [tilespmem:s17+$0xC020]  }
0x10f: {  	v24 =	vld [tilespmem:s17+$0xC030]  }
0x110: {  	v21 =	vld [tilespmem:s17+$0xC040];
	v7 =	vmul.f32 v7, v9  }
0x111: {  	s18 =	sadd.s32 $0x1, s15;
	v26 =	vmul.f32 v22, v9;
	v22 =	vld [tilespmem:s17+$0xC050]  }
0x112: {  	v28 =	vmov s18;
	s11 =	simm.s32 $0x200;
	s15 =	simm.s32 $0x100;
	v27 =	vmul.f32 v23, v9;
	v23 =	vld [tilespmem:s17+$0xC060];
	v7 =	vadd.f32 v7, v29  }
.LBB2_5:
0x113: {  	p0 =	sne.s32 s11, $0x3F00;
	v29 =	vshll.u32 v28, $0x3;
	v19 =	vadd.f32 v26, v19;
	v25 =	vmul.f32 v25, v9;
	v26 =	vld [tilespmem:s17+$0xC070]  }
0x114: {  	v29 =	vand.u32 $0xFFFFFC00, v29;
	v20 =	vadd.f32 v27, v20;
	v24 =	vmul.f32 v24, v9;
	v27 =	vld [tilespmem:s17+$0xC400]  }
0x115: {  	v28 =	vand.u32 $0x7F, v28;
	v29 =	vadd.s32 v3, v29;
	v21 =	vmul.f32 v21, v9;
	v30 =	vld [tilespmem:s17+$0xC410]  }
0x116: {  	v18 =	vadd.f32 v25, v18;
	v28 =	vor.u32 v28, v29;
	v22 =	vmul.f32 v22, v9;
	v25 =	vld [tilespmem:s17+$0xC420]  }
0x117: {  	v17 =	vadd.f32 v24, v17;
	v16 =	vadd.f32 v21, v16;
	v21 =	vmul.f32 v23, v9;
	v23 =	vld [tilespmem:s17+$0xC430]  }
0x118: {  	v15 =	vadd.f32 v22, v15;
	v22 =	vmul.f32 v26, v9;
	v24 =	vld [tilespmem:s17+$0xC440]  }
0x119: {  	s16 =	sadd.s32 $0x80, s16;
	v13 =	vadd.f32 v21, v13;
	v21 =	vmul.f32 v27, v9;
	v26 =	vld [tilespmem:s17+$0xC450]  }
0x11a: {  	s4 =	sand.u32 $0x3800, s15;
	s15 =	smov.u32 s11;
	s5 =	sand.u32 $0x380, s16;
	v14 =	vadd.f32 v22, v14;
	v22 =	vmul.f32 v30, v9;
	v27 =	vld [tilespmem:s17+$0xC460]  }
0x11b: {  	s17 =	sor.u32 s5, s4;
	v28 =	vld.idx.msk [tilespmem:v28+s10+$0x0], $0xffff;
	v12 =	vadd.f32 v21, v12;
	v21 =	vmul.f32 v25, v9  }
0x11c: {  	v29 =	vld [tilespmem:s17+$0xC470];
	v11 =	vadd.f32 v22, v11;
	v22 =	vmul.f32 v23, v9  }
0x11d: {  	v23 =	vld [tilespmem:s17+$0xC000];
	v10 =	vadd.f32 v21, v10;
	v21 =	vmul.f32 v24, v9  }
0x11e: {  	v30 =	vld [tilespmem:s17+$0xC010];
	v8 =	vadd.f32 v22, v8;
	v22 =	vmul.f32 v26, v9  }
.Ltmp1:
0x11f: {  	v25 =	vld [tilespmem:s17+$0xC020];
	v6 =	vadd.f32 v21, v6;
	v26 =	vmul.f32 v27, v9;
	(pc) =	sbr.rel @p0 .LBB2_5-.Ltmp1, $4  }
0x120: {  	v24 =	vld [tilespmem:s17+$0xC030];
	v5 =	vadd.f32 v22, v5  }
0x121: {  	v9 =	vmov v28;
	v21 =	vld [tilespmem:s17+$0xC040];
	v29 =	vmul.f32 v29, v28;
	v4 =	vadd.f32 v26, v4  }
0x122: {  	s18 =	sadd.s32 $0x1, s18;
	v26 =	vmul.f32 v23, v9;
	v22 =	vld [tilespmem:s17+$0xC050]  }
0x123: {  	s11 =	sadd.s32 $0x100, s11;
	v28 =	vmov s18;
	v27 =	vmul.f32 v30, v9;
	v23 =	vld [tilespmem:s17+$0xC060];
	v7 =	vadd.f32 v29, v7  }
0x124: {  	v30 =	vld [tilespmem:s17+$0xC070]  }
0x125: {  	v31 =	vld [tilespmem:s17+$0xC400]  }
0x126: {  	v54 =	vld [tilespmem:s17+$0xC410]  }
0x127: {  	v55 =	vld [tilespmem:s17+$0xC420]  }
0x128: {  	v32 =	vld [tilespmem:s17+$0xC430]  }
0x129: {  	v33 =	vld [tilespmem:s17+$0xC440];
	s4 =	sadd.s32 $0x80, s16  }
0x12a: {  	v34 =	vld [tilespmem:s17+$0xC450];
	s5 =	sand.u32 $0x3800, s15;
	s4 =	sand.u32 $0x380, s4  }
0x12b: {  	v29 =	vshll.u32 v28, $0x3;
	v35 =	vld [tilespmem:s17+$0xC460];
	s4 =	sor.u32 s4, s5  }
0x12c: {  	v29 =	vand.u32 $0xFFFFFC00, v29;
	v36 =	vld [tilespmem:s4+$0xC470]  }
0x12d: {  	v53 =	vand.u32 $0x7F, v28;
	v3 =	vadd.s32 v3, v29;
	v37 =	vld [tilespmem:s4+$0xC000]  }
0x12e: {  	v3 =	vor.u32 v53, v3;
	v38 =	vld [tilespmem:s4+$0xC010]  }
0x12f: {  	v39 =	vld [tilespmem:s4+$0xC020]  }
0x130: {  	v40 =	vld [tilespmem:s4+$0xC030]  }
0x131: {  	v41 =	vld [tilespmem:s4+$0xC040]  }
0x132: {  	v42 =	vld [tilespmem:s4+$0xC050]  }
0x133: {  	v3 =	vld.idx.msk [tilespmem:v3+s10+$0x0], $0xffff  }
0x134: {  	v25 =	vmul.f32 v25, v9;
	v24 =	vmul.f32 v24, v9;
	v43 =	vld [tilespmem:s4+$0xC060]  }
0x135: {  	v19 =	vadd.f32 v26, v19;
	v21 =	vmul.f32 v21, v9;
	v44 =	vld [tilespmem:s4+$0xC070];
	v22 =	vmul.f32 v22, v9  }
0x136: {  	v20 =	vadd.f32 v27, v20;
	v56 =	vld [tilespmem:s4+$0xC400];
	v58 =	vmul.f32 v23, v9;
	v59 =	vmul.f32 v30, v9  }
0x137: {  	v18 =	vadd.f32 v25, v18;
	v57 =	vld [tilespmem:s4+$0xC410];
	v61 =	vmul.f32 v31, v9;
	v29 =	vmul.f32 v54, v9  }
0x138: {  	v60 =	vld [tilespmem:s4+$0xC420];
	v16 =	vadd.f32 v21, v16;
	v48 =	vmul.f32 v55, v9;
	v62 =	vmul.f32 v37, v3  }
0x139: {  	v63 =	vld [tilespmem:s4+$0xC430];
	v15 =	vadd.f32 v22, v15;
	v52 =	vmul.f32 v32, v9;
	v49 =	vmul.f32 v41, v3  }
0x13a: {  	v45 =	vld [tilespmem:s4+$0xC450];
	v13 =	vadd.f32 v58, v13;
	v50 =	vmul.f32 v42, v3;
	v19 =	vadd.f32 v62, v19  }
0x13b: {  	v47 =	vld [tilespmem:s4+$0xC460];
	v14 =	vadd.f32 v59, v14;
	v51 =	vmul.f32 v43, v3;
	v16 =	vadd.f32 v49, v16  }
0x13c: {  	v37 =	vmul.f32 v38, v3;
	v38 =	vld [tilespmem:s4+$0xC440];
	v53 =	vmul.f32 v44, v3;
	v15 =	vadd.f32 v50, v15;
	[tilespmem:s14+$0x7800] =	vst v19  }
0x13d: {  	v12 =	vadd.f32 v61, v12;
	v55 =	vmul.f32 v56, v3;
	v13 =	vadd.f32 v51, v13;
	[tilespmem:s13+$0x40] =	vst v16  }
0x13e: {  	v11 =	vadd.f32 v29, v11;
	v56 =	vmul.f32 v57, v3;
	v14 =	vadd.f32 v53, v14;
	[tilespmem:s13+$0x50] =	vst v15  }
0x13f: {  	v10 =	vadd.f32 v48, v10;
	v58 =	vmul.f32 v60, v3;
	v12 =	vadd.f32 v55, v12;
	[tilespmem:s13+$0x60] =	vst v13  }
0x140: {  	v8 =	vadd.f32 v52, v8;
	v59 =	vmul.f32 v63, v3;
	v11 =	vadd.f32 v56, v11;
	[tilespmem:s13+$0x70] =	vst v14  }
0x141: {  	v17 =	vadd.f32 v24, v17;
	v54 =	vmul.f32 v33, v9;
	v10 =	vadd.f32 v58, v10;
	[tilespmem:s13+$0x400] =	vst v12  }
0x142: {  	v39 =	vmul.f32 v39, v3;
	v57 =	vmul.f32 v34, v9;
	v8 =	vadd.f32 v59, v8;
	[tilespmem:s13+$0x410] =	vst v11  }
0x143: {  	v46 =	vmul.f32 v40, v3;
	v60 =	vmul.f32 v35, v9;
	v20 =	vadd.f32 v37, v20;
	[tilespmem:s13+$0x420] =	vst v10  }
0x144: {  	v18 =	vadd.f32 v39, v18;
	v5 =	vadd.f32 v57, v5;
	v62 =	vmul.f32 v45, v3;
	[tilespmem:s13+$0x430] =	vst v8  }
0x145: {  	s12 =	sadd.s32 $0x1, s12;
	v63 =	vmul.f32 v47, v3;
	v17 =	vadd.f32 v46, v17;
	v4 =	vadd.f32 v60, v4;
	[tilespmem:s13+$0x10] =	vst v20  }
0x146: {  	p0 =	sne.s32 s12, $0x50;
	v6 =	vadd.f32 v54, v6;
	v5 =	vadd.f32 v62, v5;
	[tilespmem:s13+$0x20] =	vst v18;
	v61 =	vmul.f32 v38, v3  }
.Ltmp2:
0x147: {  	v4 =	vadd.f32 v63, v4;
	[tilespmem:s13+$0x30] =	vst v17;
	v3 =	vmul.f32 v36, v3;
	(pc) =	sbr.rel @p0 .LBB2_2-.Ltmp2, $4  }
0x148: {  	[tilespmem:s13+$0x450] =	vst v5;
	v6 =	vadd.f32 v61, v6  }
0x149: {  	[tilespmem:s13+$0x460] =	vst v4;
	v3 =	vadd.f32 v3, v7  }
0x14a: {  	[tilespmem:s13+$0x440] =	vst v6  }
0x14b: {  	s0 =	sadd.s32 $0x80, s0;
	s1 =	sadd.s32 $0x80, s1;
	[tilespmem:s13+$0x470] =	vst v3  }
0x14c: {  	s31 =	sadd.s32 $0x1, s31  }
0x14d: {  	p0 =	sne.s32 s31, s8  }
.Ltmp3:
0x14e: {  	s1 =	simm.s32 $0x7800;
	(pc) =	sbr.rel @p0 .LBB2_1-.Ltmp3, $4  }
0x14f: {  	[hbm4b:s7+s2] =	stream.linear.scatter [tilespmem:s1], [sflag:$0x3], $0x800, $0x38;
	[tilespmem:$0x10000] =	vst v63  }
0x150: {  	_ =	swait.ge [sflag:s9], $0x800  }
0x151: {  	[sflag:s9] =	ssyncset.done $0x0  }
0x152: {  	[sflag:s9] =	ssyncadd.s32 $0xFFFFF800  }
0x153: {  	_ =	sfence.sel $0x180000  }
0x154: {  	[bflag:$0x0] =	sbarrier.arrive $0xFFFF  }
0x155: {  	_ =	strace $0x90000047  }
0x156: {  	s0 =	stileid.u32;
	[bflag:$0x2] =	sbarrier.arrive $0xFFFF  }
0x157: {  	p0 =	sne.s32 s0, $0x0;
	s0 =	rddreg [dreg:$0x3]  }
0x158: {  	s0 =	sadd.s32 @!p0 $0x100000, s0  }
0x159: {  	[sflag:s0] =	ssyncadd.tile.s32 @!p0 $0x1;
	_ =	shalt  }
.Lfunc_end2:
_tile_overlayer_lowered:
.L_overlay_start_2:
0x15a: {  	(tag) =	ssettag $0x2  }
0x15b: {  	s0 =	rddreg [dreg:$0x0];
	s2 =	stileid.u32  }
0x15c: {  	s1 =	rddreg [dreg:$0x1];
	p0 =	sne.s32 s2, $0x0  }
0x15d: {  	s3 =	rddreg [dreg:$0x2];
	[bflag:$0x3] =	sbarrier.arrive $0xFFFF;
	s2 =	simm.s32 @!p0 $0x1C03  }
0x15e: {  	[timem:s3], [sflag:s2] =	dma.local @!p0 [hbm:s0], s1  }
0x15f: {  	s0 =	simm.s32 @!p0 $0x3  }
0x160: {  	_ =	swait.ge @!p0 [sflag:s0], s1  }
0x161: {  	s1 =	ssub.s32 @!p0 $0x0, s1;
	[sflag:s0] =	ssyncset.done @!p0 $0x0  }
0x162: {  	[sflag:s0] =	ssyncadd.s32 @!p0 s1  }
0x163: {  	[bflag:$0x3] =	sbarrier.arrive $0xFFFF  }
0x164: {  	_ =	shalt  }

</sc_bundles>
